<compile_context>
chip_gen: v7x
topology: tpu7x:2x2x1
jax: 0.10.2.dev20260603
libtpu: 0.0.44.dev20260713+nightly
codegen_flags: <defaults>
</compile_context>

<pallas_src>
import functools

import jax
import jax.numpy as jnp
from jax import lax
from jax.experimental import pallas as pl
from jax.experimental.pallas import tpu as pltpu
from jax.experimental.pallas import tpu_sc as plsc

NUM_OBS = 100000
DIM = 128
L = 16
NC, NS = 2, 16
NW = NC * NS
CHUNK = 80
NCHUNKS = NUM_OBS // CHUNK
MAX_ITERS = (NCHUNKS + NW - 1) // NW
NBUF = 3
GROUP = 4


def _splat(val):
    return jnp.full((L,), val, dtype=jnp.float32)


_GDN = lax.GatherDimensionNumbers(
    offset_dims=(), collapsed_slice_dims=(0,), start_index_map=(0,))


def _lane_perm(v, idx):
    return lax.gather(v, idx[:, None], dimension_numbers=_GDN,
                      slice_sizes=(1,),
                      mode=lax.GatherScatterMode.PROMISE_IN_BOUNDS)


def _scale_from_sumsq(s):
    i = lax.bitcast_convert_type(s, jnp.int32)
    i = jnp.full((L,), 0x5F3759DF, dtype=jnp.int32) - lax.shift_right_logical(
        i, jnp.full((L,), 1, dtype=jnp.int32))
    y = lax.bitcast_convert_type(i, jnp.float32)
    for _ in range(2):
        y = y * (_splat(1.5) - _splat(0.5) * s * y * y)
    nrm = s * y
    e = jnp.exp(_splat(2.0) * nrm)
    t = _splat(1.0) - _splat(2.0) / (e + _splat(1.0))
    sc = t * y
    small = _splat(1.0) - s * _splat(1.0 / 3.0) + s * s * _splat(2.0 / 15.0)
    sc = jnp.where(s < _splat(1e-4), small, sc)
    sc = jnp.where(s == _splat(jnp.inf), _splat(0.0), sc)
    return sc


def _make_sc_kernel():
    mesh = plsc.VectorSubcoreMesh(core_axis_name="c", subcore_axis_name="s")

    @functools.partial(
        pl.kernel,
        mesh=mesh,
        out_type=jax.ShapeDtypeStruct((NUM_OBS, DIM), jnp.float32),
        scratch_types=[
            pltpu.VMEM((NBUF, CHUNK, DIM), jnp.float32),
            pltpu.VMEM((NBUF, CHUNK, DIM), jnp.float32),
        ] + [pltpu.SemaphoreType.DMA] * (2 * NBUF),
    )
    def sc_expmap0(x_hbm, out_hbm, inbuf, outbuf, *sems):
        wid = lax.axis_index("s") * NC + lax.axis_index("c")
        isems = sems[:NBUF]
        osems = sems[NBUF:]

        def start_in(g, b):
            pltpu.make_async_copy(
                x_hbm.at[pl.ds(g * CHUNK, CHUNK)], inbuf.at[b], isems[b]
            ).start()

        def wait_in(b):
            pltpu.make_async_copy(
                x_hbm.at[pl.ds(0, CHUNK)], inbuf.at[b], isems[b]
            ).wait()

        def start_out(g, b):
            pltpu.make_async_copy(
                outbuf.at[b], out_hbm.at[pl.ds(g * CHUNK, CHUNK)], osems[b]
            ).start()

        def wait_out(b):
            pltpu.make_async_copy(
                outbuf.at[b], out_hbm.at[pl.ds(0, CHUNK)], osems[b]
            ).wait()

        def compute_chunk(b):
            lane = lax.iota(jnp.int32, L)

            def _xor(sh):
                return lax.bitwise_xor(lane, jnp.full((L,), sh, jnp.int32))

            def combine(u, v, sh):
                pu = _lane_perm(u, _xor(sh))
                pv = _lane_perm(v, _xor(sh))
                shv = jnp.full((L,), sh, jnp.int32)
                zero = jnp.full((L,), 0, jnp.int32)
                return jnp.where(lax.bitwise_and(lane, shv) == zero,
                                 u + pu, v + pv)

            def do_group(tg, c2):
                r0 = tg * GROUP
                acc = []
                for k in range(GROUP):
                    row = r0 + k
                    dk = [inbuf[b, row, pl.ds(16 * j, 16)] for j in range(8)]
                    sq = [dk[j] * dk[j] for j in range(8)]
                    s1 = [sq[0] + sq[1], sq[2] + sq[3],
                          sq[4] + sq[5], sq[6] + sq[7]]
                    acc.append((s1[0] + s1[1]) + (s1[2] + s1[3]))
                c0 = combine(acc[0], acc[1], 1)
                c1 = combine(acc[2], acc[3], 1)
                c = combine(c0, c1, 2)
                z = c + _lane_perm(c, _xor(4))
                z = z + _lane_perm(z, _xor(8))
                scale = _scale_from_sumsq(z)
                for k in range(GROUP):
                    row = r0 + k
                    bsc = _lane_perm(scale, jnp.full((L,), k, jnp.int32))
                    for j in range(8):
                        outbuf[b, row, pl.ds(16 * j, 16)] = (
                            inbuf[b, row, pl.ds(16 * j, 16)] * bsc)
                return c2

            lax.fori_loop(0, CHUNK // GROUP, do_group, 0)

        start_in(wid, 0)
        start_in(wid + NW, 1)

        n_outer = (MAX_ITERS + NBUF - 1) // NBUF

        def do_trip(i0, carry):
            for bb in range(NBUF):
                i = i0 * NBUF + bb
                g = wid + i * NW

                @pl.when(g < NCHUNKS)
                def _(i=i, g=g, bb=bb):
                    @pl.when(g + 2 * NW < NCHUNKS)
                    def _():
                        start_in(g + 2 * NW, (bb + 2) % NBUF)

                    wait_in(bb)

                    @pl.when(i >= NBUF)
                    def _():
                        wait_out(bb)

                    compute_chunk(bb)
                    start_out(g, bb)

            return carry

        lax.fori_loop(0, n_outer, do_trip, 0)
        for b in range(NBUF):
            wait_out(b)

    return sc_expmap0


_sc_kernel = _make_sc_kernel()


def kernel(x):
    return _sc_kernel(x)

# --- scband reference (transcript-rebuilt; emitter-appended) ---
"""Pipeline reference for scband-enc-wrapped-naive-51762945851425 (READ-ONLY COPY).

The authoritative reference and input builder live on the scoring server;
editing this copy changes nothing except your own understanding.
"""

import jax, jax.numpy as jnp
import numpy as np

NUM_OBS = 100000
DIM = 128

def _expmap0(u, c=1.0):
    # Poincare-ball exponential map at the origin: tanh(sqrt(c)*||u||) * u / (sqrt(c)*||u||)
    sqrt_c = jnp.sqrt(c)
    norm = jnp.linalg.norm(u, axis=-1, keepdims=True)
    norm = jnp.maximum(norm, 1e-15)
    return jnp.tanh(sqrt_c * norm) * u / (sqrt_c * norm)

def setup_inputs(seed: int = 0) -> dict:
    key = jax.random.key(seed)
    x = jax.random.normal(key, (NUM_OBS, DIM), dtype=jnp.float32)
    return {"x": x}

def reference(x):
    # On first call the torch module copies x into an nn.Embedding table and
    # gathers every row with index_tensor = arange(num_obs); bn is Identity (no_bn=True).
    num_obs = x.shape[0]
    index_tensor = jnp.arange(num_obs, dtype=jnp.int32)
    mu = jnp.take(x, index_tensor, axis=0)  # embedding lookup
    mu = _expmap0(mu)                       # manifold.expmap0
    return mu

if __name__ == "__main__":
    import jax
    _d = setup_inputs()
    print(jax.jit(kernel)(*tuple(_d.values())))

</pallas_src>

<mosaic_0001>
#map = affine_map<(d0, d1) -> (0, 0)>
module attributes {stable_mosaic.version = 14 : i64} {
  func.func @sc_expmap0(%arg0: i32, %arg1: i32, %arg2: memref<100000x128xf32, #tpu.memory_space<hbm>>, %arg3: memref<100000x128xf32, #tpu.memory_space<hbm>>, %arg4: memref<3x80x128xf32, #tpu.memory_space<vmem>>, %arg5: memref<3x80x128xf32, #tpu.memory_space<vmem>>, %arg6: memref<!tpu.dma_semaphore, #tpu.memory_space<semaphore_mem>>, %arg7: memref<!tpu.dma_semaphore, #tpu.memory_space<semaphore_mem>>, %arg8: memref<!tpu.dma_semaphore, #tpu.memory_space<semaphore_mem>>, %arg9: memref<!tpu.dma_semaphore, #tpu.memory_space<semaphore_mem>>, %arg10: memref<!tpu.dma_semaphore, #tpu.memory_space<semaphore_mem>>, %arg11: memref<!tpu.dma_semaphore, #tpu.memory_space<semaphore_mem>>) attributes {dimension_semantics = [#tpu.dimension_semantics<core_parallel>, #tpu.dimension_semantics<subcore_parallel>], iteration_bounds = array<i64: 2, 16>, scalar_prefetch = 0 : i64, scratch_operands = 8 : i64, tpu.core_type = #tpu.core_type<sc_vector_subcore>, window_params = [{transform_indices = #map}, {transform_indices = #map}]} {
    %mul3A = arith.constant 2 : i32
    %mul3A_0 = arith.muli %arg1, %mul3A : i32
    %add3A = arith.addi %mul3A_0, %arg0 : i32
    %mul3A_1 = arith.constant 80 : i32
    %mul3A_2 = arith.muli %add3A, %mul3A_1 : i32
    %dma_start3A = arith.constant 0 : i32
    %dma_start3A_3 = arith.constant 0 : i32
    %dma_start3A_4 = arith.constant 0 : i32
    %dma_start3A_5 = tpu.memref_slice %arg4[%dma_start3A, %dma_start3A_3, %dma_start3A_4] : memref<3x80x128xf32, #tpu.memory_space<vmem>> -> memref<1x80x128xf32, #tpu.memory_space<vmem>>
    %dma_start3A_6 = tpu.memref_squeeze %dma_start3A_5 : memref<1x80x128xf32, #tpu.memory_space<vmem>> -> memref<80x128xf32, #tpu.memory_space<vmem>>
    %dma_start3A_7 = arith.constant 0 : i32
    %dma_start3A_8 = tpu.memref_slice %arg2[%mul3A_2, %dma_start3A_7] : memref<100000x128xf32, #tpu.memory_space<hbm>> -> memref<80x128xf32, #tpu.memory_space<hbm>>
    %dma_start3A_9 = arith.constant 0 : i32
    %dma_start3A_10 = arith.constant 0 : i32
    %dma_start3A_11 = tpu.memref_slice %arg4[%dma_start3A, %dma_start3A_9, %dma_start3A_10] : memref<3x80x128xf32, #tpu.memory_space<vmem>> -> memref<1x80x128xf32, #tpu.memory_space<vmem>>
    %dma_start3A_12 = tpu.memref_squeeze %dma_start3A_11 : memref<1x80x128xf32, #tpu.memory_space<vmem>> -> memref<80x128xf32, #tpu.memory_space<vmem>>
    %dma_start3A_13 = arith.constant 0 : i32
    %dma_start3A_14 = tpu.memref_slice %arg2[%mul3A_2, %dma_start3A_13] : memref<100000x128xf32, #tpu.memory_space<hbm>> -> memref<80x128xf32, #tpu.memory_space<hbm>>
    tpu.enqueue_dma source(%dma_start3A_14 : memref<80x128xf32, #tpu.memory_space<hbm>>) target(%dma_start3A_12 : memref<80x128xf32, #tpu.memory_space<vmem>>) target_semaphore(%arg6 : memref<!tpu.dma_semaphore, #tpu.memory_space<semaphore_mem>>)
    %add3A_15 = arith.constant 32 : i32
    %add3A_16 = arith.addi %add3A, %add3A_15 : i32
    %mul3A_17 = arith.constant 80 : i32
    %mul3A_18 = arith.muli %add3A_16, %mul3A_17 : i32
    %dma_start3A_19 = arith.constant 1 : i32
    %dma_start3A_20 = arith.constant 0 : i32
    %dma_start3A_21 = arith.constant 0 : i32
    %dma_start3A_22 = tpu.memref_slice %arg4[%dma_start3A_19, %dma_start3A_20, %dma_start3A_21] : memref<3x80x128xf32, #tpu.memory_space<vmem>> -> memref<1x80x128xf32, #tpu.memory_space<vmem>>
    %dma_start3A_23 = tpu.memref_squeeze %dma_start3A_22 : memref<1x80x128xf32, #tpu.memory_space<vmem>> -> memref<80x128xf32, #tpu.memory_space<vmem>>
    %dma_start3A_24 = arith.constant 0 : i32
    %dma_start3A_25 = tpu.memref_slice %arg2[%mul3A_18, %dma_start3A_24] : memref<100000x128xf32, #tpu.memory_space<hbm>> -> memref<80x128xf32, #tpu.memory_space<hbm>>
    %dma_start3A_26 = arith.constant 0 : i32
    %dma_start3A_27 = arith.constant 0 : i32
    %dma_start3A_28 = tpu.memref_slice %arg4[%dma_start3A_19, %dma_start3A_26, %dma_start3A_27] : memref<3x80x128xf32, #tpu.memory_space<vmem>> -> memref<1x80x128xf32, #tpu.memory_space<vmem>>
    %dma_start3A_29 = tpu.memref_squeeze %dma_start3A_28 : memref<1x80x128xf32, #tpu.memory_space<vmem>> -> memref<80x128xf32, #tpu.memory_space<vmem>>
    %dma_start3A_30 = arith.constant 0 : i32
    %dma_start3A_31 = tpu.memref_slice %arg2[%mul3A_18, %dma_start3A_30] : memref<100000x128xf32, #tpu.memory_space<hbm>> -> memref<80x128xf32, #tpu.memory_space<hbm>>
    tpu.enqueue_dma source(%dma_start3A_31 : memref<80x128xf32, #tpu.memory_space<hbm>>) target(%dma_start3A_29 : memref<80x128xf32, #tpu.memory_space<vmem>>) target_semaphore(%arg7 : memref<!tpu.dma_semaphore, #tpu.memory_space<semaphore_mem>>)
    %scan3A = arith.constant 0 : i32
    %scan3A_32 = arith.constant 0 : i32
    %scan3A_33 = arith.constant 14 : i32
    %scan3A_34 = arith.addi %scan3A_32, %scan3A_33 : i32
    %scan3A_35 = arith.constant 1 : i32
    scf.for %scan3A_81 = %scan3A_32 to %scan3A_34 step %scan3A_35  : i32 {
      %mul3A_82 = arith.constant 3 : i32
      %mul3A_83 = arith.muli %scan3A_81, %mul3A_82 : i32
      %add3A_84 = arith.constant 0 : i32
      %add3A_85 = arith.addi %mul3A_83, %add3A_84 : i32
      %mul3A_86 = arith.constant 32 : i32
      %mul3A_87 = arith.muli %add3A_85, %mul3A_86 : i32
      %add3A_88 = arith.addi %add3A, %mul3A_87 : i32
      %lt3A = arith.constant 1250 : i32
      %lt3A_89 = arith.cmpi slt, %add3A_88, %lt3A : i32
      %convert_element_type3A = arith.extui %lt3A_89 : i1 to i32
      %cond3A = arith.constant 0 : i32
      %cond3A_90 = arith.cmpi ne, %convert_element_type3A, %cond3A : i32
      scf.if %cond3A_90 {
        %add3A_115 = arith.constant 64 : i32
        %add3A_116 = arith.addi %add3A_88, %add3A_115 : i32
        %lt3A_117 = arith.constant 1250 : i32
        %lt3A_118 = arith.cmpi slt, %add3A_116, %lt3A_117 : i32
        %convert_element_type3A_119 = arith.extui %lt3A_118 : i1 to i32
        %cond3A_120 = arith.constant 0 : i32
        %cond3A_121 = arith.cmpi ne, %convert_element_type3A_119, %cond3A_120 : i32
        scf.if %cond3A_121 {
          %add3A_162 = arith.constant 64 : i32
          %add3A_163 = arith.addi %add3A_88, %add3A_162 : i32
          %mul3A_164 = arith.constant 80 : i32
          %mul3A_165 = arith.muli %add3A_163, %mul3A_164 : i32
          %dma_start3A_166 = arith.constant 2 : i32
          %dma_start3A_167 = arith.constant 0 : i32
          %dma_start3A_168 = arith.constant 0 : i32
          %dma_start3A_169 = tpu.memref_slice %arg4[%dma_start3A_166, %dma_start3A_167, %dma_start3A_168] : memref<3x80x128xf32, #tpu.memory_space<vmem>> -> memref<1x80x128xf32, #tpu.memory_space<vmem>>
          %dma_start3A_170 = tpu.memref_squeeze %dma_start3A_169 : memref<1x80x128xf32, #tpu.memory_space<vmem>> -> memref<80x128xf32, #tpu.memory_space<vmem>>
          %dma_start3A_171 = arith.constant 0 : i32
          %dma_start3A_172 = tpu.memref_slice %arg2[%mul3A_165, %dma_start3A_171] : memref<100000x128xf32, #tpu.memory_space<hbm>> -> memref<80x128xf32, #tpu.memory_space<hbm>>
          %dma_start3A_173 = arith.constant 0 : i32
          %dma_start3A_174 = arith.constant 0 : i32
          %dma_start3A_175 = tpu.memref_slice %arg4[%dma_start3A_166, %dma_start3A_173, %dma_start3A_174] : memref<3x80x128xf32, #tpu.memory_space<vmem>> -> memref<1x80x128xf32, #tpu.memory_space<vmem>>
          %dma_start3A_176 = tpu.memref_squeeze %dma_start3A_175 : memref<1x80x128xf32, #tpu.memory_space<vmem>> -> memref<80x128xf32, #tpu.memory_space<vmem>>
          %dma_start3A_177 = arith.constant 0 : i32
          %dma_start3A_178 = tpu.memref_slice %arg2[%mul3A_165, %dma_start3A_177] : memref<100000x128xf32, #tpu.memory_space<hbm>> -> memref<80x128xf32, #tpu.memory_space<hbm>>
          tpu.enqueue_dma source(%dma_start3A_178 : memref<80x128xf32, #tpu.memory_space<hbm>>) target(%dma_start3A_176 : memref<80x128xf32, #tpu.memory_space<vmem>>) target_semaphore(%arg8 : memref<!tpu.dma_semaphore, #tpu.memory_space<semaphore_mem>>)
        } else {
        }
        %dma_wait3A_122 = arith.constant 0 : i32
        %dma_wait3A_123 = arith.constant 0 : i32
        %dma_wait3A_124 = arith.constant 0 : i32
        %dma_wait3A_125 = tpu.memref_slice %arg4[%dma_wait3A_122, %dma_wait3A_123, %dma_wait3A_124] : memref<3x80x128xf32, #tpu.memory_space<vmem>> -> memref<1x80x128xf32, #tpu.memory_space<vmem>>
        %dma_wait3A_126 = tpu.memref_squeeze %dma_wait3A_125 : memref<1x80x128xf32, #tpu.memory_space<vmem>> -> memref<80x128xf32, #tpu.memory_space<vmem>>
        %dma_wait3A_127 = arith.constant 0 : i32
        %dma_wait3A_128 = arith.constant 0 : i32
        %dma_wait3A_129 = tpu.memref_slice %arg2[%dma_wait3A_127, %dma_wait3A_128] : memref<100000x128xf32, #tpu.memory_space<hbm>> -> memref<80x128xf32, #tpu.memory_space<hbm>>
        %dma_wait3A_130 = arith.constant 0 : i32
        %dma_wait3A_131 = arith.constant 0 : i32
        %dma_wait3A_132 = tpu.memref_slice %arg4[%dma_wait3A_122, %dma_wait3A_130, %dma_wait3A_131] : memref<3x80x128xf32, #tpu.memory_space<vmem>> -> memref<1x80x128xf32, #tpu.memory_space<vmem>>
        %dma_wait3A_133 = tpu.memref_squeeze %dma_wait3A_132 : memref<1x80x128xf32, #tpu.memory_space<vmem>> -> memref<80x128xf32, #tpu.memory_space<vmem>>
        %dma_wait3A_134 = arith.constant 0 : i32
        %dma_wait3A_135 = arith.constant 0 : i32
        %dma_wait3A_136 = tpu.memref_slice %arg2[%dma_wait3A_134, %dma_wait3A_135] : memref<100000x128xf32, #tpu.memory_space<hbm>> -> memref<80x128xf32, #tpu.memory_space<hbm>>
        tpu.wait_dma2 semaphore(%arg6 : memref<!tpu.dma_semaphore, #tpu.memory_space<semaphore_mem>>) src(%dma_wait3A_136 : memref<80x128xf32, #tpu.memory_space<hbm>>) dst(%dma_wait3A_133 : memref<80x128xf32, #tpu.memory_space<vmem>>)
        %ge3A = arith.constant 3 : i32
        %ge3A_137 = arith.cmpi sge, %add3A_85, %ge3A : i32
        %convert_element_type3A_138 = arith.extui %ge3A_137 : i1 to i32
        %cond3A_139 = arith.constant 0 : i32
        %cond3A_140 = arith.cmpi ne, %convert_element_type3A_138, %cond3A_139 : i32
        scf.if %cond3A_140 {
          %dma_wait3A_162 = arith.constant 0 : i32
          %dma_wait3A_163 = arith.constant 0 : i32
          %dma_wait3A_164 = arith.constant 0 : i32
          %dma_wait3A_165 = tpu.memref_slice %arg5[%dma_wait3A_162, %dma_wait3A_163, %dma_wait3A_164] : memref<3x80x128xf32, #tpu.memory_space<vmem>> -> memref<1x80x128xf32, #tpu.memory_space<vmem>>
          %dma_wait3A_166 = tpu.memref_squeeze %dma_wait3A_165 : memref<1x80x128xf32, #tpu.memory_space<vmem>> -> memref<80x128xf32, #tpu.memory_space<vmem>>
          %dma_wait3A_167 = arith.constant 0 : i32
          %dma_wait3A_168 = arith.constant 0 : i32
          %dma_wait3A_169 = tpu.memref_slice %arg3[%dma_wait3A_167, %dma_wait3A_168] : memref<100000x128xf32, #tpu.memory_space<hbm>> -> memref<80x128xf32, #tpu.memory_space<hbm>>
          %dma_wait3A_170 = arith.constant 0 : i32
          %dma_wait3A_171 = arith.constant 0 : i32
          %dma_wait3A_172 = tpu.memref_slice %arg3[%dma_wait3A_170, %dma_wait3A_171] : memref<100000x128xf32, #tpu.memory_space<hbm>> -> memref<80x128xf32, #tpu.memory_space<hbm>>
          %dma_wait3A_173 = arith.constant 0 : i32
          %dma_wait3A_174 = arith.constant 0 : i32
          %dma_wait3A_175 = tpu.memref_slice %arg5[%dma_wait3A_162, %dma_wait3A_173, %dma_wait3A_174] : memref<3x80x128xf32, #tpu.memory_space<vmem>> -> memref<1x80x128xf32, #tpu.memory_space<vmem>>
          %dma_wait3A_176 = tpu.memref_squeeze %dma_wait3A_175 : memref<1x80x128xf32, #tpu.memory_space<vmem>> -> memref<80x128xf32, #tpu.memory_space<vmem>>
          tpu.wait_dma2 semaphore(%arg9 : memref<!tpu.dma_semaphore, #tpu.memory_space<semaphore_mem>>) src(%dma_wait3A_176 : memref<80x128xf32, #tpu.memory_space<vmem>>) dst(%dma_wait3A_172 : memref<80x128xf32, #tpu.memory_space<hbm>>)
        } else {
        }
        %iota3A = tpu.iota {dimensions = array<i32: 0>} : vector<16xi32>
        %scan3A_141 = arith.constant 0 : i32
        %scan3A_142 = arith.constant 0 : i32
        %scan3A_143 = arith.constant 20 : i32
        %scan3A_144 = arith.addi %scan3A_142, %scan3A_143 : i32
        %scan3A_145 = arith.constant 1 : i32
        scf.for %scan3A_162 = %scan3A_142 to %scan3A_144 step %scan3A_145  : i32 {
          %mul3A_163 = arith.constant 4 : i32
          %mul3A_164 = arith.muli %scan3A_162, %mul3A_163 : i32
          %add3A_165 = arith.constant 0 : i32
          %add3A_166 = arith.addi %mul3A_164, %add3A_165 : i32
          %get3A = arith.constant 0 : i32
          %get3A_167 = arith.index_cast %get3A : i32 to index
          %get3A_168 = arith.index_cast %add3A_166 : i32 to index
          %get3A_169 = arith.constant 0 : index
          %get3A_170 = tpu.vector_load %arg4[%get3A_167, %get3A_168, %get3A_169] {strides = array<i32>} : memref<3x80x128xf32, #tpu.memory_space<vmem>>, vector<1x1x16xf32>,
          %get3A_171 = vector.shape_cast %get3A_170 : vector<1x1x16xf32> to vector<16xf32>
          %get3A_172 = arith.constant 0 : i32
          %get3A_173 = arith.index_cast %get3A_172 : i32 to index
          %get3A_174 = arith.index_cast %add3A_166 : i32 to index
          %get3A_175 = arith.constant 16 : index
          %get3A_176 = tpu.vector_load %arg4[%get3A_173, %get3A_174, %get3A_175] {strides = array<i32>} : memref<3x80x128xf32, #tpu.memory_space<vmem>>, vector<1x1x16xf32>,
          %get3A_177 = vector.shape_cast %get3A_176 : vector<1x1x16xf32> to vector<16xf32>
          %get3A_178 = arith.constant 0 : i32
          %get3A_179 = arith.index_cast %get3A_178 : i32 to index
          %get3A_180 = arith.index_cast %add3A_166 : i32 to index
          %get3A_181 = arith.constant 32 : index
          %get3A_182 = tpu.vector_load %arg4[%get3A_179, %get3A_180, %get3A_181] {strides = array<i32>} : memref<3x80x128xf32, #tpu.memory_space<vmem>>, vector<1x1x16xf32>,
          %get3A_183 = vector.shape_cast %get3A_182 : vector<1x1x16xf32> to vector<16xf32>
          %get3A_184 = arith.constant 0 : i32
          %get3A_185 = arith.index_cast %get3A_184 : i32 to index
          %get3A_186 = arith.index_cast %add3A_166 : i32 to index
          %get3A_187 = arith.constant 48 : index
          %get3A_188 = tpu.vector_load %arg4[%get3A_185, %get3A_186, %get3A_187] {strides = array<i32>} : memref<3x80x128xf32, #tpu.memory_space<vmem>>, vector<1x1x16xf32>,
          %get3A_189 = vector.shape_cast %get3A_188 : vector<1x1x16xf32> to vector<16xf32>
          %get3A_190 = arith.constant 0 : i32
          %get3A_191 = arith.index_cast %get3A_190 : i32 to index
          %get3A_192 = arith.index_cast %add3A_166 : i32 to index
          %get3A_193 = arith.constant 64 : index
          %get3A_194 = tpu.vector_load %arg4[%get3A_191, %get3A_192, %get3A_193] {strides = array<i32>} : memref<3x80x128xf32, #tpu.memory_space<vmem>>, vector<1x1x16xf32>,
          %get3A_195 = vector.shape_cast %get3A_194 : vector<1x1x16xf32> to vector<16xf32>
          %get3A_196 = arith.constant 0 : i32
          %get3A_197 = arith.index_cast %get3A_196 : i32 to index
          %get3A_198 = arith.index_cast %add3A_166 : i32 to index
          %get3A_199 = arith.constant 80 : index
          %get3A_200 = tpu.vector_load %arg4[%get3A_197, %get3A_198, %get3A_199] {strides = array<i32>} : memref<3x80x128xf32, #tpu.memory_space<vmem>>, vector<1x1x16xf32>,
          %get3A_201 = vector.shape_cast %get3A_200 : vector<1x1x16xf32> to vector<16xf32>
          %get3A_202 = arith.constant 0 : i32
          %get3A_203 = arith.index_cast %get3A_202 : i32 to index
          %get3A_204 = arith.index_cast %add3A_166 : i32 to index
          %get3A_205 = arith.constant 96 : index
          %get3A_206 = tpu.vector_load %arg4[%get3A_203, %get3A_204, %get3A_205] {strides = array<i32>} : memref<3x80x128xf32, #tpu.memory_space<vmem>>, vector<1x1x16xf32>,
          %get3A_207 = vector.shape_cast %get3A_206 : vector<1x1x16xf32> to vector<16xf32>
          %get3A_208 = arith.constant 0 : i32
          %get3A_209 = arith.index_cast %get3A_208 : i32 to index
          %get3A_210 = arith.index_cast %add3A_166 : i32 to index
          %get3A_211 = arith.constant 112 : index
          %get3A_212 = tpu.vector_load %arg4[%get3A_209, %get3A_210, %get3A_211] {strides = array<i32>} : memref<3x80x128xf32, #tpu.memory_space<vmem>>, vector<1x1x16xf32>,
          %get3A_213 = vector.shape_cast %get3A_212 : vector<1x1x16xf32> to vector<16xf32>
          %mul3A_214 = arith.mulf %get3A_171, %get3A_171 : vector<16xf32>
          %mul3A_215 = arith.mulf %get3A_177, %get3A_177 : vector<16xf32>
          %mul3A_216 = arith.mulf %get3A_183, %get3A_183 : vector<16xf32>
          %mul3A_217 = arith.mulf %get3A_189, %get3A_189 : vector<16xf32>
          %mul3A_218 = arith.mulf %get3A_195, %get3A_195 : vector<16xf32>
          %mul3A_219 = arith.mulf %get3A_201, %get3A_201 : vector<16xf32>
          %mul3A_220 = arith.mulf %get3A_207, %get3A_207 : vector<16xf32>
          %mul3A_221 = arith.mulf %get3A_213, %get3A_213 : vector<16xf32>
          %add3A_222 = arith.addf %mul3A_214, %mul3A_215 : vector<16xf32>
          %add3A_223 = arith.addf %mul3A_216, %mul3A_217 : vector<16xf32>
          %add3A_224 = arith.addf %mul3A_218, %mul3A_219 : vector<16xf32>
          %add3A_225 = arith.addf %mul3A_220, %mul3A_221 : vector<16xf32>
          %add3A_226 = arith.addf %add3A_222, %add3A_223 : vector<16xf32>
          %add3A_227 = arith.addf %add3A_224, %add3A_225 : vector<16xf32>
          %add3A_228 = arith.addf %add3A_226, %add3A_227 : vector<16xf32>
          %add3A_229 = arith.constant 1 : i32
          %add3A_230 = arith.addi %mul3A_164, %add3A_229 : i32
          %get3A_231 = arith.constant 0 : i32
          %get3A_232 = arith.index_cast %get3A_231 : i32 to index
          %get3A_233 = arith.index_cast %add3A_230 : i32 to index
          %get3A_234 = arith.constant 0 : index
          %get3A_235 = tpu.vector_load %arg4[%get3A_232, %get3A_233, %get3A_234] {strides = array<i32>} : memref<3x80x128xf32, #tpu.memory_space<vmem>>, vector<1x1x16xf32>,
          %get3A_236 = vector.shape_cast %get3A_235 : vector<1x1x16xf32> to vector<16xf32>
          %get3A_237 = arith.constant 0 : i32
          %get3A_238 = arith.index_cast %get3A_237 : i32 to index
          %get3A_239 = arith.index_cast %add3A_230 : i32 to index
          %get3A_240 = arith.constant 16 : index
          %get3A_241 = tpu.vector_load %arg4[%get3A_238, %get3A_239, %get3A_240] {strides = array<i32>} : memref<3x80x128xf32, #tpu.memory_space<vmem>>, vector<1x1x16xf32>,
          %get3A_242 = vector.shape_cast %get3A_241 : vector<1x1x16xf32> to vector<16xf32>
          %get3A_243 = arith.constant 0 : i32
          %get3A_244 = arith.index_cast %get3A_243 : i32 to index
          %get3A_245 = arith.index_cast %add3A_230 : i32 to index
          %get3A_246 = arith.constant 32 : index
          %get3A_247 = tpu.vector_load %arg4[%get3A_244, %get3A_245, %get3A_246] {strides = array<i32>} : memref<3x80x128xf32, #tpu.memory_space<vmem>>, vector<1x1x16xf32>,
          %get3A_248 = vector.shape_cast %get3A_247 : vector<1x1x16xf32> to vector<16xf32>
          %get3A_249 = arith.constant 0 : i32
          %get3A_250 = arith.index_cast %get3A_249 : i32 to index
          %get3A_251 = arith.index_cast %add3A_230 : i32 to index
          %get3A_252 = arith.constant 48 : index
          %get3A_253 = tpu.vector_load %arg4[%get3A_250, %get3A_251, %get3A_252] {strides = array<i32>} : memref<3x80x128xf32, #tpu.memory_space<vmem>>, vector<1x1x16xf32>,
          %get3A_254 = vector.shape_cast %get3A_253 : vector<1x1x16xf32> to vector<16xf32>
          %get3A_255 = arith.constant 0 : i32
          %get3A_256 = arith.index_cast %get3A_255 : i32 to index
          %get3A_257 = arith.index_cast %add3A_230 : i32 to index
          %get3A_258 = arith.constant 64 : index
          %get3A_259 = tpu.vector_load %arg4[%get3A_256, %get3A_257, %get3A_258] {strides = array<i32>} : memref<3x80x128xf32, #tpu.memory_space<vmem>>, vector<1x1x16xf32>,
          %get3A_260 = vector.shape_cast %get3A_259 : vector<1x1x16xf32> to vector<16xf32>
          %get3A_261 = arith.constant 0 : i32
          %get3A_262 = arith.index_cast %get3A_261 : i32 to index
          %get3A_263 = arith.index_cast %add3A_230 : i32 to index
          %get3A_264 = arith.constant 80 : index
          %get3A_265 = tpu.vector_load %arg4[%get3A_262, %get3A_263, %get3A_264] {strides = array<i32>} : memref<3x80x128xf32, #tpu.memory_space<vmem>>, vector<1x1x16xf32>,
          %get3A_266 = vector.shape_cast %get3A_265 : vector<1x1x16xf32> to vector<16xf32>
          %get3A_267 = arith.constant 0 : i32
          %get3A_268 = arith.index_cast %get3A_267 : i32 to index
          %get3A_269 = arith.index_cast %add3A_230 : i32 to index
          %get3A_270 = arith.constant 96 : index
          %get3A_271 = tpu.vector_load %arg4[%get3A_268, %get3A_269, %get3A_270] {strides = array<i32>} : memref<3x80x128xf32, #tpu.memory_space<vmem>>, vector<1x1x16xf32>,
          %get3A_272 = vector.shape_cast %get3A_271 : vector<1x1x16xf32> to vector<16xf32>
          %get3A_273 = arith.constant 0 : i32
          %get3A_274 = arith.index_cast %get3A_273 : i32 to index
          %get3A_275 = arith.index_cast %add3A_230 : i32 to index
          %get3A_276 = arith.constant 112 : index
          %get3A_277 = tpu.vector_load %arg4[%get3A_274, %get3A_275, %get3A_276] {strides = array<i32>} : memref<3x80x128xf32, #tpu.memory_space<vmem>>, vector<1x1x16xf32>,
          %get3A_278 = vector.shape_cast %get3A_277 : vector<1x1x16xf32> to vector<16xf32>
          %mul3A_279 = arith.mulf %get3A_236, %get3A_236 : vector<16xf32>
          %mul3A_280 = arith.mulf %get3A_242, %get3A_242 : vector<16xf32>
          %mul3A_281 = arith.mulf %get3A_248, %get3A_248 : vector<16xf32>
          %mul3A_282 = arith.mulf %get3A_254, %get3A_254 : vector<16xf32>
          %mul3A_283 = arith.mulf %get3A_260, %get3A_260 : vector<16xf32>
          %mul3A_284 = arith.mulf %get3A_266, %get3A_266 : vector<16xf32>
          %mul3A_285 = arith.mulf %get3A_272, %get3A_272 : vector<16xf32>
          %mul3A_286 = arith.mulf %get3A_278, %get3A_278 : vector<16xf32>
          %add3A_287 = arith.addf %mul3A_279, %mul3A_280 : vector<16xf32>
          %add3A_288 = arith.addf %mul3A_281, %mul3A_282 : vector<16xf32>
          %add3A_289 = arith.addf %mul3A_283, %mul3A_284 : vector<16xf32>
          %add3A_290 = arith.addf %mul3A_285, %mul3A_286 : vector<16xf32>
          %add3A_291 = arith.addf %add3A_287, %add3A_288 : vector<16xf32>
          %add3A_292 = arith.addf %add3A_289, %add3A_290 : vector<16xf32>
          %add3A_293 = arith.addf %add3A_291, %add3A_292 : vector<16xf32>
          %add3A_294 = arith.constant 2 : i32
          %add3A_295 = arith.addi %mul3A_164, %add3A_294 : i32
          %get3A_296 = arith.constant 0 : i32
          %get3A_297 = arith.index_cast %get3A_296 : i32 to index
          %get3A_298 = arith.index_cast %add3A_295 : i32 to index
          %get3A_299 = arith.constant 0 : index
          %get3A_300 = tpu.vector_load %arg4[%get3A_297, %get3A_298, %get3A_299] {strides = array<i32>} : memref<3x80x128xf32, #tpu.memory_space<vmem>>, vector<1x1x16xf32>,
          %get3A_301 = vector.shape_cast %get3A_300 : vector<1x1x16xf32> to vector<16xf32>
          %get3A_302 = arith.constant 0 : i32
          %get3A_303 = arith.index_cast %get3A_302 : i32 to index
          %get3A_304 = arith.index_cast %add3A_295 : i32 to index
          %get3A_305 = arith.constant 16 : index
          %get3A_306 = tpu.vector_load %arg4[%get3A_303, %get3A_304, %get3A_305] {strides = array<i32>} : memref<3x80x128xf32, #tpu.memory_space<vmem>>, vector<1x1x16xf32>,
          %get3A_307 = vector.shape_cast %get3A_306 : vector<1x1x16xf32> to vector<16xf32>
          %get3A_308 = arith.constant 0 : i32
          %get3A_309 = arith.index_cast %get3A_308 : i32 to index
          %get3A_310 = arith.index_cast %add3A_295 : i32 to index
          %get3A_311 = arith.constant 32 : index
          %get3A_312 = tpu.vector_load %arg4[%get3A_309, %get3A_310, %get3A_311] {strides = array<i32>} : memref<3x80x128xf32, #tpu.memory_space<vmem>>, vector<1x1x16xf32>,
          %get3A_313 = vector.shape_cast %get3A_312 : vector<1x1x16xf32> to vector<16xf32>
          %get3A_314 = arith.constant 0 : i32
          %get3A_315 = arith.index_cast %get3A_314 : i32 to index
          %get3A_316 = arith.index_cast %add3A_295 : i32 to index
          %get3A_317 = arith.constant 48 : index
          %get3A_318 = tpu.vector_load %arg4[%get3A_315, %get3A_316, %get3A_317] {strides = array<i32>} : memref<3x80x128xf32, #tpu.memory_space<vmem>>, vector<1x1x16xf32>,
          %get3A_319 = vector.shape_cast %get3A_318 : vector<1x1x16xf32> to vector<16xf32>
          %get3A_320 = arith.constant 0 : i32
          %get3A_321 = arith.index_cast %get3A_320 : i32 to index
          %get3A_322 = arith.index_cast %add3A_295 : i32 to index
          %get3A_323 = arith.constant 64 : index
          %get3A_324 = tpu.vector_load %arg4[%get3A_321, %get3A_322, %get3A_323] {strides = array<i32>} : memref<3x80x128xf32, #tpu.memory_space<vmem>>, vector<1x1x16xf32>,
          %get3A_325 = vector.shape_cast %get3A_324 : vector<1x1x16xf32> to vector<16xf32>
          %get3A_326 = arith.constant 0 : i32
          %get3A_327 = arith.index_cast %get3A_326 : i32 to index
          %get3A_328 = arith.index_cast %add3A_295 : i32 to index
          %get3A_329 = arith.constant 80 : index
          %get3A_330 = tpu.vector_load %arg4[%get3A_327, %get3A_328, %get3A_329] {strides = array<i32>} : memref<3x80x128xf32, #tpu.memory_space<vmem>>, vector<1x1x16xf32>,
          %get3A_331 = vector.shape_cast %get3A_330 : vector<1x1x16xf32> to vector<16xf32>
          %get3A_332 = arith.constant 0 : i32
          %get3A_333 = arith.index_cast %get3A_332 : i32 to index
          %get3A_334 = arith.index_cast %add3A_295 : i32 to index
          %get3A_335 = arith.constant 96 : index
          %get3A_336 = tpu.vector_load %arg4[%get3A_333, %get3A_334, %get3A_335] {strides = array<i32>} : memref<3x80x128xf32, #tpu.memory_space<vmem>>, vector<1x1x16xf32>,
          %get3A_337 = vector.shape_cast %get3A_336 : vector<1x1x16xf32> to vector<16xf32>
          %get3A_338 = arith.constant 0 : i32
          %get3A_339 = arith.index_cast %get3A_338 : i32 to index
          %get3A_340 = arith.index_cast %add3A_295 : i32 to index
          %get3A_341 = arith.constant 112 : index
          %get3A_342 = tpu.vector_load %arg4[%get3A_339, %get3A_340, %get3A_341] {strides = array<i32>} : memref<3x80x128xf32, #tpu.memory_space<vmem>>, vector<1x1x16xf32>,
          %get3A_343 = vector.shape_cast %get3A_342 : vector<1x1x16xf32> to vector<16xf32>
          %mul3A_344 = arith.mulf %get3A_301, %get3A_301 : vector<16xf32>
          %mul3A_345 = arith.mulf %get3A_307, %get3A_307 : vector<16xf32>
          %mul3A_346 = arith.mulf %get3A_313, %get3A_313 : vector<16xf32>
          %mul3A_347 = arith.mulf %get3A_319, %get3A_319 : vector<16xf32>
          %mul3A_348 = arith.mulf %get3A_325, %get3A_325 : vector<16xf32>
          %mul3A_349 = arith.mulf %get3A_331, %get3A_331 : vector<16xf32>
          %mul3A_350 = arith.mulf %get3A_337, %get3A_337 : vector<16xf32>
          %mul3A_351 = arith.mulf %get3A_343, %get3A_343 : vector<16xf32>
          %add3A_352 = arith.addf %mul3A_344, %mul3A_345 : vector<16xf32>
          %add3A_353 = arith.addf %mul3A_346, %mul3A_347 : vector<16xf32>
          %add3A_354 = arith.addf %mul3A_348, %mul3A_349 : vector<16xf32>
          %add3A_355 = arith.addf %mul3A_350, %mul3A_351 : vector<16xf32>
          %add3A_356 = arith.addf %add3A_352, %add3A_353 : vector<16xf32>
          %add3A_357 = arith.addf %add3A_354, %add3A_355 : vector<16xf32>
          %add3A_358 = arith.addf %add3A_356, %add3A_357 : vector<16xf32>
          %add3A_359 = arith.constant 3 : i32
          %add3A_360 = arith.addi %mul3A_164, %add3A_359 : i32
          %get3A_361 = arith.constant 0 : i32
          %get3A_362 = arith.index_cast %get3A_361 : i32 to index
          %get3A_363 = arith.index_cast %add3A_360 : i32 to index
          %get3A_364 = arith.constant 0 : index
          %get3A_365 = tpu.vector_load %arg4[%get3A_362, %get3A_363, %get3A_364] {strides = array<i32>} : memref<3x80x128xf32, #tpu.memory_space<vmem>>, vector<1x1x16xf32>,
          %get3A_366 = vector.shape_cast %get3A_365 : vector<1x1x16xf32> to vector<16xf32>
          %get3A_367 = arith.constant 0 : i32
          %get3A_368 = arith.index_cast %get3A_367 : i32 to index
          %get3A_369 = arith.index_cast %add3A_360 : i32 to index
          %get3A_370 = arith.constant 16 : index
          %get3A_371 = tpu.vector_load %arg4[%get3A_368, %get3A_369, %get3A_370] {strides = array<i32>} : memref<3x80x128xf32, #tpu.memory_space<vmem>>, vector<1x1x16xf32>,
          %get3A_372 = vector.shape_cast %get3A_371 : vector<1x1x16xf32> to vector<16xf32>
          %get3A_373 = arith.constant 0 : i32
          %get3A_374 = arith.index_cast %get3A_373 : i32 to index
          %get3A_375 = arith.index_cast %add3A_360 : i32 to index
          %get3A_376 = arith.constant 32 : index
          %get3A_377 = tpu.vector_load %arg4[%get3A_374, %get3A_375, %get3A_376] {strides = array<i32>} : memref<3x80x128xf32, #tpu.memory_space<vmem>>, vector<1x1x16xf32>,
          %get3A_378 = vector.shape_cast %get3A_377 : vector<1x1x16xf32> to vector<16xf32>
          %get3A_379 = arith.constant 0 : i32
          %get3A_380 = arith.index_cast %get3A_379 : i32 to index
          %get3A_381 = arith.index_cast %add3A_360 : i32 to index
          %get3A_382 = arith.constant 48 : index
          %get3A_383 = tpu.vector_load %arg4[%get3A_380, %get3A_381, %get3A_382] {strides = array<i32>} : memref<3x80x128xf32, #tpu.memory_space<vmem>>, vector<1x1x16xf32>,
          %get3A_384 = vector.shape_cast %get3A_383 : vector<1x1x16xf32> to vector<16xf32>
          %get3A_385 = arith.constant 0 : i32
          %get3A_386 = arith.index_cast %get3A_385 : i32 to index
          %get3A_387 = arith.index_cast %add3A_360 : i32 to index
          %get3A_388 = arith.constant 64 : index
          %get3A_389 = tpu.vector_load %arg4[%get3A_386, %get3A_387, %get3A_388] {strides = array<i32>} : memref<3x80x128xf32, #tpu.memory_space<vmem>>, vector<1x1x16xf32>,
          %get3A_390 = vector.shape_cast %get3A_389 : vector<1x1x16xf32> to vector<16xf32>
          %get3A_391 = arith.constant 0 : i32
          %get3A_392 = arith.index_cast %get3A_391 : i32 to index
          %get3A_393 = arith.index_cast %add3A_360 : i32 to index
          %get3A_394 = arith.constant 80 : index
          %get3A_395 = tpu.vector_load %arg4[%get3A_392, %get3A_393, %get3A_394] {strides = array<i32>} : memref<3x80x128xf32, #tpu.memory_space<vmem>>, vector<1x1x16xf32>,
          %get3A_396 = vector.shape_cast %get3A_395 : vector<1x1x16xf32> to vector<16xf32>
          %get3A_397 = arith.constant 0 : i32
          %get3A_398 = arith.index_cast %get3A_397 : i32 to index
          %get3A_399 = arith.index_cast %add3A_360 : i32 to index
          %get3A_400 = arith.constant 96 : index
          %get3A_401 = tpu.vector_load %arg4[%get3A_398, %get3A_399, %get3A_400] {strides = array<i32>} : memref<3x80x128xf32, #tpu.memory_space<vmem>>, vector<1x1x16xf32>,
          %get3A_402 = vector.shape_cast %get3A_401 : vector<1x1x16xf32> to vector<16xf32>
          %get3A_403 = arith.constant 0 : i32
          %get3A_404 = arith.index_cast %get3A_403 : i32 to index
          %get3A_405 = arith.index_cast %add3A_360 : i32 to index
          %get3A_406 = arith.constant 112 : index
          %get3A_407 = tpu.vector_load %arg4[%get3A_404, %get3A_405, %get3A_406] {strides = array<i32>} : memref<3x80x128xf32, #tpu.memory_space<vmem>>, vector<1x1x16xf32>,
          %get3A_408 = vector.shape_cast %get3A_407 : vector<1x1x16xf32> to vector<16xf32>
          %mul3A_409 = arith.mulf %get3A_366, %get3A_366 : vector<16xf32>
          %mul3A_410 = arith.mulf %get3A_372, %get3A_372 : vector<16xf32>
          %mul3A_411 = arith.mulf %get3A_378, %get3A_378 : vector<16xf32>
          %mul3A_412 = arith.mulf %get3A_384, %get3A_384 : vector<16xf32>
          %mul3A_413 = arith.mulf %get3A_390, %get3A_390 : vector<16xf32>
          %mul3A_414 = arith.mulf %get3A_396, %get3A_396 : vector<16xf32>
          %mul3A_415 = arith.mulf %get3A_402, %get3A_402 : vector<16xf32>
          %mul3A_416 = arith.mulf %get3A_408, %get3A_408 : vector<16xf32>
          %add3A_417 = arith.addf %mul3A_409, %mul3A_410 : vector<16xf32>
          %add3A_418 = arith.addf %mul3A_411, %mul3A_412 : vector<16xf32>
          %add3A_419 = arith.addf %mul3A_413, %mul3A_414 : vector<16xf32>
          %add3A_420 = arith.addf %mul3A_415, %mul3A_416 : vector<16xf32>
          %add3A_421 = arith.addf %add3A_417, %add3A_418 : vector<16xf32>
          %add3A_422 = arith.addf %add3A_419, %add3A_420 : vector<16xf32>
          %add3A_423 = arith.addf %add3A_421, %add3A_422 : vector<16xf32>
          %broadcast_in_dim3A = arith.constant 1 : i32
          %broadcast_in_dim3A_424 = vector.broadcast %broadcast_in_dim3A : i32 to vector<16xi32>
          %xor3A = arith.xori %iota3A, %broadcast_in_dim3A_424 : vector<16xi32>
          %broadcast_in_dim3A_425 = vector.shape_cast %xor3A : vector<16xi32> to vector<16x1xi32>
          %gather3A = vector.shape_cast %broadcast_in_dim3A_425 : vector<16x1xi32> to vector<16xi32>
          %gather3A_426 = tpu.dynamic_gather %add3A_228[%gather3A] in [0] : vector<16xf32>, vector<16xi32> -> vector<16xf32>
          %broadcast_in_dim3A_427 = arith.constant 1 : i32
          %broadcast_in_dim3A_428 = vector.broadcast %broadcast_in_dim3A_427 : i32 to vector<16xi32>
          %xor3A_429 = arith.xori %iota3A, %broadcast_in_dim3A_428 : vector<16xi32>
          %broadcast_in_dim3A_430 = vector.shape_cast %xor3A_429 : vector<16xi32> to vector<16x1xi32>
          %gather3A_431 = vector.shape_cast %broadcast_in_dim3A_430 : vector<16x1xi32> to vector<16xi32>
          %gather3A_432 = tpu.dynamic_gather %add3A_293[%gather3A_431] in [0] : vector<16xf32>, vector<16xi32> -> vector<16xf32>
          %broadcast_in_dim3A_433 = arith.constant 1 : i32
          %broadcast_in_dim3A_434 = vector.broadcast %broadcast_in_dim3A_433 : i32 to vector<16xi32>
          %broadcast_in_dim3A_435 = arith.constant 0 : i32
          %broadcast_in_dim3A_436 = vector.broadcast %broadcast_in_dim3A_435 : i32 to vector<16xi32>
          %and3A = arith.andi %iota3A, %broadcast_in_dim3A_434 : vector<16xi32>
          %eq3A = arith.cmpi eq, %and3A, %broadcast_in_dim3A_436 : vector<16xi32>
          %add3A_437 = arith.addf %add3A_228, %gather3A_426 : vector<16xf32>
          %add3A_438 = arith.addf %add3A_293, %gather3A_432 : vector<16xf32>
          %select_n3A = arith.select %eq3A, %add3A_437, %add3A_438 : vector<16xi1>, vector<16xf32>
          %broadcast_in_dim3A_439 = arith.constant 1 : i32
          %broadcast_in_dim3A_440 = vector.broadcast %broadcast_in_dim3A_439 : i32 to vector<16xi32>
          %xor3A_441 = arith.xori %iota3A, %broadcast_in_dim3A_440 : vector<16xi32>
          %broadcast_in_dim3A_442 = vector.shape_cast %xor3A_441 : vector<16xi32> to vector<16x1xi32>
          %gather3A_443 = vector.shape_cast %broadcast_in_dim3A_442 : vector<16x1xi32> to vector<16xi32>
          %gather3A_444 = tpu.dynamic_gather %add3A_358[%gather3A_443] in [0] : vector<16xf32>, vector<16xi32> -> vector<16xf32>
          %broadcast_in_dim3A_445 = arith.constant 1 : i32
          %broadcast_in_dim3A_446 = vector.broadcast %broadcast_in_dim3A_445 : i32 to vector<16xi32>
          %xor3A_447 = arith.xori %iota3A, %broadcast_in_dim3A_446 : vector<16xi32>
          %broadcast_in_dim3A_448 = vector.shape_cast %xor3A_447 : vector<16xi32> to vector<16x1xi32>
          %gather3A_449 = vector.shape_cast %broadcast_in_dim3A_448 : vector<16x1xi32> to vector<16xi32>
          %gather3A_450 = tpu.dynamic_gather %add3A_423[%gather3A_449] in [0] : vector<16xf32>, vector<16xi32> -> vector<16xf32>
          %broadcast_in_dim3A_451 = arith.constant 1 : i32
          %broadcast_in_dim3A_452 = vector.broadcast %broadcast_in_dim3A_451 : i32 to vector<16xi32>
          %broadcast_in_dim3A_453 = arith.constant 0 : i32
          %broadcast_in_dim3A_454 = vector.broadcast %broadcast_in_dim3A_453 : i32 to vector<16xi32>
          %and3A_455 = arith.andi %iota3A, %broadcast_in_dim3A_452 : vector<16xi32>
          %eq3A_456 = arith.cmpi eq, %and3A_455, %broadcast_in_dim3A_454 : vector<16xi32>
          %add3A_457 = arith.addf %add3A_358, %gather3A_444 : vector<16xf32>
          %add3A_458 = arith.addf %add3A_423, %gather3A_450 : vector<16xf32>
          %select_n3A_459 = arith.select %eq3A_456, %add3A_457, %add3A_458 : vector<16xi1>, vector<16xf32>
          %broadcast_in_dim3A_460 = arith.constant 2 : i32
          %broadcast_in_dim3A_461 = vector.broadcast %broadcast_in_dim3A_460 : i32 to vector<16xi32>
          %xor3A_462 = arith.xori %iota3A, %broadcast_in_dim3A_461 : vector<16xi32>
          %broadcast_in_dim3A_463 = vector.shape_cast %xor3A_462 : vector<16xi32> to vector<16x1xi32>
          %gather3A_464 = vector.shape_cast %broadcast_in_dim3A_463 : vector<16x1xi32> to vector<16xi32>
          %gather3A_465 = tpu.dynamic_gather %select_n3A[%gather3A_464] in [0] : vector<16xf32>, vector<16xi32> -> vector<16xf32>
          %broadcast_in_dim3A_466 = arith.constant 2 : i32
          %broadcast_in_dim3A_467 = vector.broadcast %broadcast_in_dim3A_466 : i32 to vector<16xi32>
          %xor3A_468 = arith.xori %iota3A, %broadcast_in_dim3A_467 : vector<16xi32>
          %broadcast_in_dim3A_469 = vector.shape_cast %xor3A_468 : vector<16xi32> to vector<16x1xi32>
          %gather3A_470 = vector.shape_cast %broadcast_in_dim3A_469 : vector<16x1xi32> to vector<16xi32>
          %gather3A_471 = tpu.dynamic_gather %select_n3A_459[%gather3A_470] in [0] : vector<16xf32>, vector<16xi32> -> vector<16xf32>
          %broadcast_in_dim3A_472 = arith.constant 2 : i32
          %broadcast_in_dim3A_473 = vector.broadcast %broadcast_in_dim3A_472 : i32 to vector<16xi32>
          %broadcast_in_dim3A_474 = arith.constant 0 : i32
          %broadcast_in_dim3A_475 = vector.broadcast %broadcast_in_dim3A_474 : i32 to vector<16xi32>
          %and3A_476 = arith.andi %iota3A, %broadcast_in_dim3A_473 : vector<16xi32>
          %eq3A_477 = arith.cmpi eq, %and3A_476, %broadcast_in_dim3A_475 : vector<16xi32>
          %add3A_478 = arith.addf %select_n3A, %gather3A_465 : vector<16xf32>
          %add3A_479 = arith.addf %select_n3A_459, %gather3A_471 : vector<16xf32>
          %select_n3A_480 = arith.select %eq3A_477, %add3A_478, %add3A_479 : vector<16xi1>, vector<16xf32>
          %broadcast_in_dim3A_481 = arith.constant 4 : i32
          %broadcast_in_dim3A_482 = vector.broadcast %broadcast_in_dim3A_481 : i32 to vector<16xi32>
          %xor3A_483 = arith.xori %iota3A, %broadcast_in_dim3A_482 : vector<16xi32>
          %broadcast_in_dim3A_484 = vector.shape_cast %xor3A_483 : vector<16xi32> to vector<16x1xi32>
          %gather3A_485 = vector.shape_cast %broadcast_in_dim3A_484 : vector<16x1xi32> to vector<16xi32>
          %gather3A_486 = tpu.dynamic_gather %select_n3A_480[%gather3A_485] in [0] : vector<16xf32>, vector<16xi32> -> vector<16xf32>
          %add3A_487 = arith.addf %select_n3A_480, %gather3A_486 : vector<16xf32>
          %broadcast_in_dim3A_488 = arith.constant 8 : i32
          %broadcast_in_dim3A_489 = vector.broadcast %broadcast_in_dim3A_488 : i32 to vector<16xi32>
          %xor3A_490 = arith.xori %iota3A, %broadcast_in_dim3A_489 : vector<16xi32>
          %broadcast_in_dim3A_491 = vector.shape_cast %xor3A_490 : vector<16xi32> to vector<16x1xi32>
          %gather3A_492 = vector.shape_cast %broadcast_in_dim3A_491 : vector<16x1xi32> to vector<16xi32>
          %gather3A_493 = tpu.dynamic_gather %add3A_487[%gather3A_492] in [0] : vector<16xf32>, vector<16xi32> -> vector<16xf32>
          %add3A_494 = arith.addf %add3A_487, %gather3A_493 : vector<16xf32>
          %bitcast_convert_type3A = tpu.bitcast %add3A_494 : vector<16xf32> -> vector<16xi32>
          %broadcast_in_dim3A_495 = arith.constant 1597463007 : i32
          %broadcast_in_dim3A_496 = vector.broadcast %broadcast_in_dim3A_495 : i32 to vector<16xi32>
          %broadcast_in_dim3A_497 = arith.constant 1 : i32
          %broadcast_in_dim3A_498 = vector.broadcast %broadcast_in_dim3A_497 : i32 to vector<16xi32>
          %shift_right_logical3A = arith.shrui %bitcast_convert_type3A, %broadcast_in_dim3A_498 : vector<16xi32>
          %sub3A = arith.subi %broadcast_in_dim3A_496, %shift_right_logical3A : vector<16xi32>
          %bitcast_convert_type3A_499 = tpu.bitcast %sub3A : vector<16xi32> -> vector<16xf32>
          %broadcast_in_dim3A_500 = arith.constant 1.500000e+00 : f32
          %broadcast_in_dim3A_501 = vector.broadcast %broadcast_in_dim3A_500 : f32 to vector<16xf32>
          %broadcast_in_dim3A_502 = arith.constant 5.000000e-01 : f32
          %broadcast_in_dim3A_503 = vector.broadcast %broadcast_in_dim3A_502 : f32 to vector<16xf32>
          %mul3A_504 = arith.mulf %broadcast_in_dim3A_503, %add3A_494 : vector<16xf32>
          %mul3A_505 = arith.mulf %mul3A_504, %bitcast_convert_type3A_499 : vector<16xf32>
          %mul3A_506 = arith.mulf %mul3A_505, %bitcast_convert_type3A_499 : vector<16xf32>
          %sub3A_507 = arith.subf %broadcast_in_dim3A_501, %mul3A_506 : vector<16xf32>
          %mul3A_508 = arith.mulf %bitcast_convert_type3A_499, %sub3A_507 : vector<16xf32>
          %broadcast_in_dim3A_509 = arith.constant 1.500000e+00 : f32
          %broadcast_in_dim3A_510 = vector.broadcast %broadcast_in_dim3A_509 : f32 to vector<16xf32>
          %broadcast_in_dim3A_511 = arith.constant 5.000000e-01 : f32
          %broadcast_in_dim3A_512 = vector.broadcast %broadcast_in_dim3A_511 : f32 to vector<16xf32>
          %mul3A_513 = arith.mulf %broadcast_in_dim3A_512, %add3A_494 : vector<16xf32>
          %mul3A_514 = arith.mulf %mul3A_513, %mul3A_508 : vector<16xf32>
          %mul3A_515 = arith.mulf %mul3A_514, %mul3A_508 : vector<16xf32>
          %sub3A_516 = arith.subf %broadcast_in_dim3A_510, %mul3A_515 : vector<16xf32>
          %mul3A_517 = arith.mulf %mul3A_508, %sub3A_516 : vector<16xf32>
          %mul3A_518 = arith.mulf %add3A_494, %mul3A_517 : vector<16xf32>
          %broadcast_in_dim3A_519 = arith.constant 2.000000e+00 : f32
          %broadcast_in_dim3A_520 = vector.broadcast %broadcast_in_dim3A_519 : f32 to vector<16xf32>
          %mul3A_521 = arith.mulf %broadcast_in_dim3A_520, %mul3A_518 : vector<16xf32>
          %exp3A = math.exp %mul3A_521 : vector<16xf32>
          %broadcast_in_dim3A_522 = arith.constant 1.000000e+00 : f32
          %broadcast_in_dim3A_523 = vector.broadcast %broadcast_in_dim3A_522 : f32 to vector<16xf32>
          %broadcast_in_dim3A_524 = arith.constant 2.000000e+00 : f32
          %broadcast_in_dim3A_525 = vector.broadcast %broadcast_in_dim3A_524 : f32 to vector<16xf32>
          %broadcast_in_dim3A_526 = arith.constant 1.000000e+00 : f32
          %broadcast_in_dim3A_527 = vector.broadcast %broadcast_in_dim3A_526 : f32 to vector<16xf32>
          %add3A_528 = arith.addf %exp3A, %broadcast_in_dim3A_527 : vector<16xf32>
          %div3A = arith.divf %broadcast_in_dim3A_525, %add3A_528 : vector<16xf32>
          %sub3A_529 = arith.subf %broadcast_in_dim3A_523, %div3A : vector<16xf32>
          %mul3A_530 = arith.mulf %sub3A_529, %mul3A_517 : vector<16xf32>
          %broadcast_in_dim3A_531 = arith.constant 1.000000e+00 : f32
          %broadcast_in_dim3A_532 = vector.broadcast %broadcast_in_dim3A_531 : f32 to vector<16xf32>
          %broadcast_in_dim3A_533 = arith.constant 0.333333343 : f32
          %broadcast_in_dim3A_534 = vector.broadcast %broadcast_in_dim3A_533 : f32 to vector<16xf32>
          %mul3A_535 = arith.mulf %add3A_494, %broadcast_in_dim3A_534 : vector<16xf32>
          %sub3A_536 = arith.subf %broadcast_in_dim3A_532, %mul3A_535 : vector<16xf32>
          %mul3A_537 = arith.mulf %add3A_494, %add3A_494 : vector<16xf32>
          %broadcast_in_dim3A_538 = arith.constant 0.13333334 : f32
          %broadcast_in_dim3A_539 = vector.broadcast %broadcast_in_dim3A_538 : f32 to vector<16xf32>
          %mul3A_540 = arith.mulf %mul3A_537, %broadcast_in_dim3A_539 : vector<16xf32>
          %add3A_541 = arith.addf %sub3A_536, %mul3A_540 : vector<16xf32>
          %broadcast_in_dim3A_542 = arith.constant 9.99999974E-5 : f32
          %broadcast_in_dim3A_543 = vector.broadcast %broadcast_in_dim3A_542 : f32 to vector<16xf32>
          %lt3A_544 = arith.cmpf olt, %add3A_494, %broadcast_in_dim3A_543 : vector<16xf32>
          %select_n3A_545 = arith.select %lt3A_544, %add3A_541, %mul3A_530 : vector<16xi1>, vector<16xf32>
          %broadcast_in_dim3A_546 = arith.constant 0x7F800000 : f32
          %broadcast_in_dim3A_547 = vector.broadcast %broadcast_in_dim3A_546 : f32 to vector<16xf32>
          %eq3A_548 = arith.cmpf oeq, %add3A_494, %broadcast_in_dim3A_547 : vector<16xf32>
          %broadcast_in_dim3A_549 = arith.constant 0.000000e+00 : f32
          %broadcast_in_dim3A_550 = vector.broadcast %broadcast_in_dim3A_549 : f32 to vector<16xf32>
          %select_n3A_551 = arith.select %eq3A_548, %broadcast_in_dim3A_550, %select_n3A_545 : vector<16xi1>, vector<16xf32>
          %add3A_552 = arith.constant 0 : i32
          %add3A_553 = arith.addi %mul3A_164, %add3A_552 : i32
          %broadcast_in_dim3A_554 = arith.constant 0 : i32
          %broadcast_in_dim3A_555 = vector.broadcast %broadcast_in_dim3A_554 : i32 to vector<16xi32>
          %broadcast_in_dim3A_556 = vector.shape_cast %broadcast_in_dim3A_555 : vector<16xi32> to vector<16x1xi32>
          %gather3A_557 = vector.shape_cast %broadcast_in_dim3A_556 : vector<16x1xi32> to vector<16xi32>
          %gather3A_558 = tpu.dynamic_gather %select_n3A_551[%gather3A_557] in [0] : vector<16xf32>, vector<16xi32> -> vector<16xf32>
          %get3A_559 = arith.constant 0 : i32
          %get3A_560 = arith.index_cast %get3A_559 : i32 to index
          %get3A_561 = arith.index_cast %add3A_553 : i32 to index
          %get3A_562 = arith.constant 0 : index
          %get3A_563 = tpu.vector_load %arg4[%get3A_560, %get3A_561, %get3A_562] {strides = array<i32>} : memref<3x80x128xf32, #tpu.memory_space<vmem>>, vector<1x1x16xf32>,
          %get3A_564 = vector.shape_cast %get3A_563 : vector<1x1x16xf32> to vector<16xf32>
          %mul3A_565 = arith.mulf %get3A_564, %gather3A_558 : vector<16xf32>
          %swap3A = arith.constant 0 : i32
          %swap3A_566 = arith.index_cast %swap3A : i32 to index
          %swap3A_567 = arith.index_cast %add3A_553 : i32 to index
          %swap3A_568 = arith.constant 0 : index
          %swap3A_569 = tpu.vector_load %arg5[%swap3A_566, %swap3A_567, %swap3A_568] {strides = array<i32>} : memref<3x80x128xf32, #tpu.memory_space<vmem>>, vector<1x1x16xf32>,
          %swap3A_570 = vector.shape_cast %swap3A_569 : vector<1x1x16xf32> to vector<16xf32>
          %swap3A_571 = vector.shape_cast %mul3A_565 : vector<16xf32> to vector<1x1x16xf32>
          tpu.vector_store %arg5[%swap3A_566, %swap3A_567, %swap3A_568], %swap3A_571 {strides = array<i32>} : memref<3x80x128xf32, #tpu.memory_space<vmem>>, vector<1x1x16xf32>,
          %get3A_572 = arith.constant 0 : i32
          %get3A_573 = arith.index_cast %get3A_572 : i32 to index
          %get3A_574 = arith.index_cast %add3A_553 : i32 to index
          %get3A_575 = arith.constant 16 : index
          %get3A_576 = tpu.vector_load %arg4[%get3A_573, %get3A_574, %get3A_575] {strides = array<i32>} : memref<3x80x128xf32, #tpu.memory_space<vmem>>, vector<1x1x16xf32>,
          %get3A_577 = vector.shape_cast %get3A_576 : vector<1x1x16xf32> to vector<16xf32>
          %mul3A_578 = arith.mulf %get3A_577, %gather3A_558 : vector<16xf32>
          %swap3A_579 = arith.constant 0 : i32
          %swap3A_580 = arith.index_cast %swap3A_579 : i32 to index
          %swap3A_581 = arith.index_cast %add3A_553 : i32 to index
          %swap3A_582 = arith.constant 16 : index
          %swap3A_583 = tpu.vector_load %arg5[%swap3A_580, %swap3A_581, %swap3A_582] {strides = array<i32>} : memref<3x80x128xf32, #tpu.memory_space<vmem>>, vector<1x1x16xf32>,
          %swap3A_584 = vector.shape_cast %swap3A_583 : vector<1x1x16xf32> to vector<16xf32>
          %swap3A_585 = vector.shape_cast %mul3A_578 : vector<16xf32> to vector<1x1x16xf32>
          tpu.vector_store %arg5[%swap3A_580, %swap3A_581, %swap3A_582], %swap3A_585 {strides = array<i32>} : memref<3x80x128xf32, #tpu.memory_space<vmem>>, vector<1x1x16xf32>,
          %get3A_586 = arith.constant 0 : i32
          %get3A_587 = arith.index_cast %get3A_586 : i32 to index
          %get3A_588 = arith.index_cast %add3A_553 : i32 to index
          %get3A_589 = arith.constant 32 : index
          %get3A_590 = tpu.vector_load %arg4[%get3A_587, %get3A_588, %get3A_589] {strides = array<i32>} : memref<3x80x128xf32, #tpu.memory_space<vmem>>, vector<1x1x16xf32>,
          %get3A_591 = vector.shape_cast %get3A_590 : vector<1x1x16xf32> to vector<16xf32>
          %mul3A_592 = arith.mulf %get3A_591, %gather3A_558 : vector<16xf32>
          %swap3A_593 = arith.constant 0 : i32
          %swap3A_594 = arith.index_cast %swap3A_593 : i32 to index
          %swap3A_595 = arith.index_cast %add3A_553 : i32 to index
          %swap3A_596 = arith.constant 32 : index
          %swap3A_597 = tpu.vector_load %arg5[%swap3A_594, %swap3A_595, %swap3A_596] {strides = array<i32>} : memref<3x80x128xf32, #tpu.memory_space<vmem>>, vector<1x1x16xf32>,
          %swap3A_598 = vector.shape_cast %swap3A_597 : vector<1x1x16xf32> to vector<16xf32>
          %swap3A_599 = vector.shape_cast %mul3A_592 : vector<16xf32> to vector<1x1x16xf32>
          tpu.vector_store %arg5[%swap3A_594, %swap3A_595, %swap3A_596], %swap3A_599 {strides = array<i32>} : memref<3x80x128xf32, #tpu.memory_space<vmem>>, vector<1x1x16xf32>,
          %get3A_600 = arith.constant 0 : i32
          %get3A_601 = arith.index_cast %get3A_600 : i32 to index
          %get3A_602 = arith.index_cast %add3A_553 : i32 to index
          %get3A_603 = arith.constant 48 : index
          %get3A_604 = tpu.vector_load %arg4[%get3A_601, %get3A_602, %get3A_603] {strides = array<i32>} : memref<3x80x128xf32, #tpu.memory_space<vmem>>, vector<1x1x16xf32>,
          %get3A_605 = vector.shape_cast %get3A_604 : vector<1x1x16xf32> to vector<16xf32>
          %mul3A_606 = arith.mulf %get3A_605, %gather3A_558 : vector<16xf32>
          %swap3A_607 = arith.constant 0 : i32
          %swap3A_608 = arith.index_cast %swap3A_607 : i32 to index
          %swap3A_609 = arith.index_cast %add3A_553 : i32 to index
          %swap3A_610 = arith.constant 48 : index
          %swap3A_611 = tpu.vector_load %arg5[%swap3A_608, %swap3A_609, %swap3A_610] {strides = array<i32>} : memref<3x80x128xf32, #tpu.memory_space<vmem>>, vector<1x1x16xf32>,
          %swap3A_612 = vector.shape_cast %swap3A_611 : vector<1x1x16xf32> to vector<16xf32>
          %swap3A_613 = vector.shape_cast %mul3A_606 : vector<16xf32> to vector<1x1x16xf32>
          tpu.vector_store %arg5[%swap3A_608, %swap3A_609, %swap3A_610], %swap3A_613 {strides = array<i32>} : memref<3x80x128xf32, #tpu.memory_space<vmem>>, vector<1x1x16xf32>,
          %get3A_614 = arith.constant 0 : i32
          %get3A_615 = arith.index_cast %get3A_614 : i32 to index
          %get3A_616 = arith.index_cast %add3A_553 : i32 to index
          %get3A_617 = arith.constant 64 : index
          %get3A_618 = tpu.vector_load %arg4[%get3A_615, %get3A_616, %get3A_617] {strides = array<i32>} : memref<3x80x128xf32, #tpu.memory_space<vmem>>, vector<1x1x16xf32>,
          %get3A_619 = vector.shape_cast %get3A_618 : vector<1x1x16xf32> to vector<16xf32>
          %mul3A_620 = arith.mulf %get3A_619, %gather3A_558 : vector<16xf32>
          %swap3A_621 = arith.constant 0 : i32
          %swap3A_622 = arith.index_cast %swap3A_621 : i32 to index
          %swap3A_623 = arith.index_cast %add3A_553 : i32 to index
          %swap3A_624 = arith.constant 64 : index
          %swap3A_625 = tpu.vector_load %arg5[%swap3A_622, %swap3A_623, %swap3A_624] {strides = array<i32>} : memref<3x80x128xf32, #tpu.memory_space<vmem>>, vector<1x1x16xf32>,
          %swap3A_626 = vector.shape_cast %swap3A_625 : vector<1x1x16xf32> to vector<16xf32>
          %swap3A_627 = vector.shape_cast %mul3A_620 : vector<16xf32> to vector<1x1x16xf32>
          tpu.vector_store %arg5[%swap3A_622, %swap3A_623, %swap3A_624], %swap3A_627 {strides = array<i32>} : memref<3x80x128xf32, #tpu.memory_space<vmem>>, vector<1x1x16xf32>,
          %get3A_628 = arith.constant 0 : i32
          %get3A_629 = arith.index_cast %get3A_628 : i32 to index
          %get3A_630 = arith.index_cast %add3A_553 : i32 to index
          %get3A_631 = arith.constant 80 : index
          %get3A_632 = tpu.vector_load %arg4[%get3A_629, %get3A_630, %get3A_631] {strides = array<i32>} : memref<3x80x128xf32, #tpu.memory_space<vmem>>, vector<1x1x16xf32>,
          %get3A_633 = vector.shape_cast %get3A_632 : vector<1x1x16xf32> to vector<16xf32>
          %mul3A_634 = arith.mulf %get3A_633, %gather3A_558 : vector<16xf32>
          %swap3A_635 = arith.constant 0 : i32
          %swap3A_636 = arith.index_cast %swap3A_635 : i32 to index
          %swap3A_637 = arith.index_cast %add3A_553 : i32 to index
          %swap3A_638 = arith.constant 80 : index
          %swap3A_639 = tpu.vector_load %arg5[%swap3A_636, %swap3A_637, %swap3A_638] {strides = array<i32>} : memref<3x80x128xf32, #tpu.memory_space<vmem>>, vector<1x1x16xf32>,
          %swap3A_640 = vector.shape_cast %swap3A_639 : vector<1x1x16xf32> to vector<16xf32>
          %swap3A_641 = vector.shape_cast %mul3A_634 : vector<16xf32> to vector<1x1x16xf32>
          tpu.vector_store %arg5[%swap3A_636, %swap3A_637, %swap3A_638], %swap3A_641 {strides = array<i32>} : memref<3x80x128xf32, #tpu.memory_space<vmem>>, vector<1x1x16xf32>,
          %get3A_642 = arith.constant 0 : i32
          %get3A_643 = arith.index_cast %get3A_642 : i32 to index
          %get3A_644 = arith.index_cast %add3A_553 : i32 to index
          %get3A_645 = arith.constant 96 : index
          %get3A_646 = tpu.vector_load %arg4[%get3A_643, %get3A_644, %get3A_645] {strides = array<i32>} : memref<3x80x128xf32, #tpu.memory_space<vmem>>, vector<1x1x16xf32>,
          %get3A_647 = vector.shape_cast %get3A_646 : vector<1x1x16xf32> to vector<16xf32>
          %mul3A_648 = arith.mulf %get3A_647, %gather3A_558 : vector<16xf32>
          %swap3A_649 = arith.constant 0 : i32
          %swap3A_650 = arith.index_cast %swap3A_649 : i32 to index
          %swap3A_651 = arith.index_cast %add3A_553 : i32 to index
          %swap3A_652 = arith.constant 96 : index
          %swap3A_653 = tpu.vector_load %arg5[%swap3A_650, %swap3A_651, %swap3A_652] {strides = array<i32>} : memref<3x80x128xf32, #tpu.memory_space<vmem>>, vector<1x1x16xf32>,
          %swap3A_654 = vector.shape_cast %swap3A_653 : vector<1x1x16xf32> to vector<16xf32>
          %swap3A_655 = vector.shape_cast %mul3A_648 : vector<16xf32> to vector<1x1x16xf32>
          tpu.vector_store %arg5[%swap3A_650, %swap3A_651, %swap3A_652], %swap3A_655 {strides = array<i32>} : memref<3x80x128xf32, #tpu.memory_space<vmem>>, vector<1x1x16xf32>,
          %get3A_656 = arith.constant 0 : i32
          %get3A_657 = arith.index_cast %get3A_656 : i32 to index
          %get3A_658 = arith.index_cast %add3A_553 : i32 to index
          %get3A_659 = arith.constant 112 : index
          %get3A_660 = tpu.vector_load %arg4[%get3A_657, %get3A_658, %get3A_659] {strides = array<i32>} : memref<3x80x128xf32, #tpu.memory_space<vmem>>, vector<1x1x16xf32>,
          %get3A_661 = vector.shape_cast %get3A_660 : vector<1x1x16xf32> to vector<16xf32>
          %mul3A_662 = arith.mulf %get3A_661, %gather3A_558 : vector<16xf32>
          %swap3A_663 = arith.constant 0 : i32
          %swap3A_664 = arith.index_cast %swap3A_663 : i32 to index
          %swap3A_665 = arith.index_cast %add3A_553 : i32 to index
          %swap3A_666 = arith.constant 112 : index
          %swap3A_667 = tpu.vector_load %arg5[%swap3A_664, %swap3A_665, %swap3A_666] {strides = array<i32>} : memref<3x80x128xf32, #tpu.memory_space<vmem>>, vector<1x1x16xf32>,
          %swap3A_668 = vector.shape_cast %swap3A_667 : vector<1x1x16xf32> to vector<16xf32>
          %swap3A_669 = vector.shape_cast %mul3A_662 : vector<16xf32> to vector<1x1x16xf32>
          tpu.vector_store %arg5[%swap3A_664, %swap3A_665, %swap3A_666], %swap3A_669 {strides = array<i32>} : memref<3x80x128xf32, #tpu.memory_space<vmem>>, vector<1x1x16xf32>,
          %add3A_670 = arith.constant 1 : i32
          %add3A_671 = arith.addi %mul3A_164, %add3A_670 : i32
          %broadcast_in_dim3A_672 = arith.constant 1 : i32
          %broadcast_in_dim3A_673 = vector.broadcast %broadcast_in_dim3A_672 : i32 to vector<16xi32>
          %broadcast_in_dim3A_674 = vector.shape_cast %broadcast_in_dim3A_673 : vector<16xi32> to vector<16x1xi32>
          %gather3A_675 = vector.shape_cast %broadcast_in_dim3A_674 : vector<16x1xi32> to vector<16xi32>
          %gather3A_676 = tpu.dynamic_gather %select_n3A_551[%gather3A_675] in [0] : vector<16xf32>, vector<16xi32> -> vector<16xf32>
          %get3A_677 = arith.constant 0 : i32
          %get3A_678 = arith.index_cast %get3A_677 : i32 to index
          %get3A_679 = arith.index_cast %add3A_671 : i32 to index
          %get3A_680 = arith.constant 0 : index
          %get3A_681 = tpu.vector_load %arg4[%get3A_678, %get3A_679, %get3A_680] {strides = array<i32>} : memref<3x80x128xf32, #tpu.memory_space<vmem>>, vector<1x1x16xf32>,
          %get3A_682 = vector.shape_cast %get3A_681 : vector<1x1x16xf32> to vector<16xf32>
          %mul3A_683 = arith.mulf %get3A_682, %gather3A_676 : vector<16xf32>
          %swap3A_684 = arith.constant 0 : i32
          %swap3A_685 = arith.index_cast %swap3A_684 : i32 to index
          %swap3A_686 = arith.index_cast %add3A_671 : i32 to index
          %swap3A_687 = arith.constant 0 : index
          %swap3A_688 = tpu.vector_load %arg5[%swap3A_685, %swap3A_686, %swap3A_687] {strides = array<i32>} : memref<3x80x128xf32, #tpu.memory_space<vmem>>, vector<1x1x16xf32>,
          %swap3A_689 = vector.shape_cast %swap3A_688 : vector<1x1x16xf32> to vector<16xf32>
          %swap3A_690 = vector.shape_cast %mul3A_683 : vector<16xf32> to vector<1x1x16xf32>
          tpu.vector_store %arg5[%swap3A_685, %swap3A_686, %swap3A_687], %swap3A_690 {strides = array<i32>} : memref<3x80x128xf32, #tpu.memory_space<vmem>>, vector<1x1x16xf32>,
          %get3A_691 = arith.constant 0 : i32
          %get3A_692 = arith.index_cast %get3A_691 : i32 to index
          %get3A_693 = arith.index_cast %add3A_671 : i32 to index
          %get3A_694 = arith.constant 16 : index
          %get3A_695 = tpu.vector_load %arg4[%get3A_692, %get3A_693, %get3A_694] {strides = array<i32>} : memref<3x80x128xf32, #tpu.memory_space<vmem>>, vector<1x1x16xf32>,
          %get3A_696 = vector.shape_cast %get3A_695 : vector<1x1x16xf32> to vector<16xf32>
          %mul3A_697 = arith.mulf %get3A_696, %gather3A_676 : vector<16xf32>
          %swap3A_698 = arith.constant 0 : i32
          %swap3A_699 = arith.index_cast %swap3A_698 : i32 to index
          %swap3A_700 = arith.index_cast %add3A_671 : i32 to index
          %swap3A_701 = arith.constant 16 : index
          %swap3A_702 = tpu.vector_load %arg5[%swap3A_699, %swap3A_700, %swap3A_701] {strides = array<i32>} : memref<3x80x128xf32, #tpu.memory_space<vmem>>, vector<1x1x16xf32>,
          %swap3A_703 = vector.shape_cast %swap3A_702 : vector<1x1x16xf32> to vector<16xf32>
          %swap3A_704 = vector.shape_cast %mul3A_697 : vector<16xf32> to vector<1x1x16xf32>
          tpu.vector_store %arg5[%swap3A_699, %swap3A_700, %swap3A_701], %swap3A_704 {strides = array<i32>} : memref<3x80x128xf32, #tpu.memory_space<vmem>>, vector<1x1x16xf32>,
          %get3A_705 = arith.constant 0 : i32
          %get3A_706 = arith.index_cast %get3A_705 : i32 to index
          %get3A_707 = arith.index_cast %add3A_671 : i32 to index
          %get3A_708 = arith.constant 32 : index
          %get3A_709 = tpu.vector_load %arg4[%get3A_706, %get3A_707, %get3A_708] {strides = array<i32>} : memref<3x80x128xf32, #tpu.memory_space<vmem>>, vector<1x1x16xf32>,
          %get3A_710 = vector.shape_cast %get3A_709 : vector<1x1x16xf32> to vector<16xf32>
          %mul3A_711 = arith.mulf %get3A_710, %gather3A_676 : vector<16xf32>
          %swap3A_712 = arith.constant 0 : i32
          %swap3A_713 = arith.index_cast %swap3A_712 : i32 to index
          %swap3A_714 = arith.index_cast %add3A_671 : i32 to index
          %swap3A_715 = arith.constant 32 : index
          %swap3A_716 = tpu.vector_load %arg5[%swap3A_713, %swap3A_714, %swap3A_715] {strides = array<i32>} : memref<3x80x128xf32, #tpu.memory_space<vmem>>, vector<1x1x16xf32>,
          %swap3A_717 = vector.shape_cast %swap3A_716 : vector<1x1x16xf32> to vector<16xf32>
          %swap3A_718 = vector.shape_cast %mul3A_711 : vector<16xf32> to vector<1x1x16xf32>
          tpu.vector_store %arg5[%swap3A_713, %swap3A_714, %swap3A_715], %swap3A_718 {strides = array<i32>} : memref<3x80x128xf32, #tpu.memory_space<vmem>>, vector<1x1x16xf32>,
          %get3A_719 = arith.constant 0 : i32
          %get3A_720 = arith.index_cast %get3A_719 : i32 to index
          %get3A_721 = arith.index_cast %add3A_671 : i32 to index
          %get3A_722 = arith.constant 48 : index
          %get3A_723 = tpu.vector_load %arg4[%get3A_720, %get3A_721, %get3A_722] {strides = array<i32>} : memref<3x80x128xf32, #tpu.memory_space<vmem>>, vector<1x1x16xf32>,
          %get3A_724 = vector.shape_cast %get3A_723 : vector<1x1x16xf32> to vector<16xf32>
          %mul3A_725 = arith.mulf %get3A_724, %gather3A_676 : vector<16xf32>
          %swap3A_726 = arith.constant 0 : i32
          %swap3A_727 = arith.index_cast %swap3A_726 : i32 to index
          %swap3A_728 = arith.index_cast %add3A_671 : i32 to index
          %swap3A_729 = arith.constant 48 : index
          %swap3A_730 = tpu.vector_load %arg5[%swap3A_727, %swap3A_728, %swap3A_729] {strides = array<i32>} : memref<3x80x128xf32, #tpu.memory_space<vmem>>, vector<1x1x16xf32>,
          %swap3A_731 = vector.shape_cast %swap3A_730 : vector<1x1x16xf32> to vector<16xf32>
          %swap3A_732 = vector.shape_cast %mul3A_725 : vector<16xf32> to vector<1x1x16xf32>
          tpu.vector_store %arg5[%swap3A_727, %swap3A_728, %swap3A_729], %swap3A_732 {strides = array<i32>} : memref<3x80x128xf32, #tpu.memory_space<vmem>>, vector<1x1x16xf32>,
          %get3A_733 = arith.constant 0 : i32
          %get3A_734 = arith.index_cast %get3A_733 : i32 to index
          %get3A_735 = arith.index_cast %add3A_671 : i32 to index
          %get3A_736 = arith.constant 64 : index
          %get3A_737 = tpu.vector_load %arg4[%get3A_734, %get3A_735, %get3A_736] {strides = array<i32>} : memref<3x80x128xf32, #tpu.memory_space<vmem>>, vector<1x1x16xf32>,
          %get3A_738 = vector.shape_cast %get3A_737 : vector<1x1x16xf32> to vector<16xf32>
          %mul3A_739 = arith.mulf %get3A_738, %gather3A_676 : vector<16xf32>
          %swap3A_740 = arith.constant 0 : i32
          %swap3A_741 = arith.index_cast %swap3A_740 : i32 to index
          %swap3A_742 = arith.index_cast %add3A_671 : i32 to index
          %swap3A_743 = arith.constant 64 : index
          %swap3A_744 = tpu.vector_load %arg5[%swap3A_741, %swap3A_742, %swap3A_743] {strides = array<i32>} : memref<3x80x128xf32, #tpu.memory_space<vmem>>, vector<1x1x16xf32>,
          %swap3A_745 = vector.shape_cast %swap3A_744 : vector<1x1x16xf32> to vector<16xf32>
          %swap3A_746 = vector.shape_cast %mul3A_739 : vector<16xf32> to vector<1x1x16xf32>
          tpu.vector_store %arg5[%swap3A_741, %swap3A_742, %swap3A_743], %swap3A_746 {strides = array<i32>} : memref<3x80x128xf32, #tpu.memory_space<vmem>>, vector<1x1x16xf32>,
          %get3A_747 = arith.constant 0 : i32
          %get3A_748 = arith.index_cast %get3A_747 : i32 to index
          %get3A_749 = arith.index_cast %add3A_671 : i32 to index
          %get3A_750 = arith.constant 80 : index
          %get3A_751 = tpu.vector_load %arg4[%get3A_748, %get3A_749, %get3A_750] {strides = array<i32>} : memref<3x80x128xf32, #tpu.memory_space<vmem>>, vector<1x1x16xf32>,
          %get3A_752 = vector.shape_cast %get3A_751 : vector<1x1x16xf32> to vector<16xf32>
          %mul3A_753 = arith.mulf %get3A_752, %gather3A_676 : vector<16xf32>
          %swap3A_754 = arith.constant 0 : i32
          %swap3A_755 = arith.index_cast %swap3A_754 : i32 to index
          %swap3A_756 = arith.index_cast %add3A_671 : i32 to index
          %swap3A_757 = arith.constant 80 : index
          %swap3A_758 = tpu.vector_load %arg5[%swap3A_755, %swap3A_756, %swap3A_757] {strides = array<i32>} : memref<3x80x128xf32, #tpu.memory_space<vmem>>, vector<1x1x16xf32>,
          %swap3A_759 = vector.shape_cast %swap3A_758 : vector<1x1x16xf32> to vector<16xf32>
          %swap3A_760 = vector.shape_cast %mul3A_753 : vector<16xf32> to vector<1x1x16xf32>
          tpu.vector_store %arg5[%swap3A_755, %swap3A_756, %swap3A_757], %swap3A_760 {strides = array<i32>} : memref<3x80x128xf32, #tpu.memory_space<vmem>>, vector<1x1x16xf32>,
          %get3A_761 = arith.constant 0 : i32
          %get3A_762 = arith.index_cast %get3A_761 : i32 to index
          %get3A_763 = arith.index_cast %add3A_671 : i32 to index
          %get3A_764 = arith.constant 96 : index
          %get3A_765 = tpu.vector_load %arg4[%get3A_762, %get3A_763, %get3A_764] {strides = array<i32>} : memref<3x80x128xf32, #tpu.memory_space<vmem>>, vector<1x1x16xf32>,
          %get3A_766 = vector.shape_cast %get3A_765 : vector<1x1x16xf32> to vector<16xf32>
          %mul3A_767 = arith.mulf %get3A_766, %gather3A_676 : vector<16xf32>
          %swap3A_768 = arith.constant 0 : i32
          %swap3A_769 = arith.index_cast %swap3A_768 : i32 to index
          %swap3A_770 = arith.index_cast %add3A_671 : i32 to index
          %swap3A_771 = arith.constant 96 : index
          %swap3A_772 = tpu.vector_load %arg5[%swap3A_769, %swap3A_770, %swap3A_771] {strides = array<i32>} : memref<3x80x128xf32, #tpu.memory_space<vmem>>, vector<1x1x16xf32>,
          %swap3A_773 = vector.shape_cast %swap3A_772 : vector<1x1x16xf32> to vector<16xf32>
          %swap3A_774 = vector.shape_cast %mul3A_767 : vector<16xf32> to vector<1x1x16xf32>
          tpu.vector_store %arg5[%swap3A_769, %swap3A_770, %swap3A_771], %swap3A_774 {strides = array<i32>} : memref<3x80x128xf32, #tpu.memory_space<vmem>>, vector<1x1x16xf32>,
          %get3A_775 = arith.constant 0 : i32
          %get3A_776 = arith.index_cast %get3A_775 : i32 to index
          %get3A_777 = arith.index_cast %add3A_671 : i32 to index
          %get3A_778 = arith.constant 112 : index
          %get3A_779 = tpu.vector_load %arg4[%get3A_776, %get3A_777, %get3A_778] {strides = array<i32>} : memref<3x80x128xf32, #tpu.memory_space<vmem>>, vector<1x1x16xf32>,
          %get3A_780 = vector.shape_cast %get3A_779 : vector<1x1x16xf32> to vector<16xf32>
          %mul3A_781 = arith.mulf %get3A_780, %gather3A_676 : vector<16xf32>
          %swap3A_782 = arith.constant 0 : i32
          %swap3A_783 = arith.index_cast %swap3A_782 : i32 to index
          %swap3A_784 = arith.index_cast %add3A_671 : i32 to index
          %swap3A_785 = arith.constant 112 : index
          %swap3A_786 = tpu.vector_load %arg5[%swap3A_783, %swap3A_784, %swap3A_785] {strides = array<i32>} : memref<3x80x128xf32, #tpu.memory_space<vmem>>, vector<1x1x16xf32>,
          %swap3A_787 = vector.shape_cast %swap3A_786 : vector<1x1x16xf32> to vector<16xf32>
          %swap3A_788 = vector.shape_cast %mul3A_781 : vector<16xf32> to vector<1x1x16xf32>
          tpu.vector_store %arg5[%swap3A_783, %swap3A_784, %swap3A_785], %swap3A_788 {strides = array<i32>} : memref<3x80x128xf32, #tpu.memory_space<vmem>>, vector<1x1x16xf32>,
          %add3A_789 = arith.constant 2 : i32
          %add3A_790 = arith.addi %mul3A_164, %add3A_789 : i32
          %broadcast_in_dim3A_791 = arith.constant 2 : i32
          %broadcast_in_dim3A_792 = vector.broadcast %broadcast_in_dim3A_791 : i32 to vector<16xi32>
          %broadcast_in_dim3A_793 = vector.shape_cast %broadcast_in_dim3A_792 : vector<16xi32> to vector<16x1xi32>
          %gather3A_794 = vector.shape_cast %broadcast_in_dim3A_793 : vector<16x1xi32> to vector<16xi32>
          %gather3A_795 = tpu.dynamic_gather %select_n3A_551[%gather3A_794] in [0] : vector<16xf32>, vector<16xi32> -> vector<16xf32>
          %get3A_796 = arith.constant 0 : i32
          %get3A_797 = arith.index_cast %get3A_796 : i32 to index
          %get3A_798 = arith.index_cast %add3A_790 : i32 to index
          %get3A_799 = arith.constant 0 : index
          %get3A_800 = tpu.vector_load %arg4[%get3A_797, %get3A_798, %get3A_799] {strides = array<i32>} : memref<3x80x128xf32, #tpu.memory_space<vmem>>, vector<1x1x16xf32>,
          %get3A_801 = vector.shape_cast %get3A_800 : vector<1x1x16xf32> to vector<16xf32>
          %mul3A_802 = arith.mulf %get3A_801, %gather3A_795 : vector<16xf32>
          %swap3A_803 = arith.constant 0 : i32
          %swap3A_804 = arith.index_cast %swap3A_803 : i32 to index
          %swap3A_805 = arith.index_cast %add3A_790 : i32 to index
          %swap3A_806 = arith.constant 0 : index
          %swap3A_807 = tpu.vector_load %arg5[%swap3A_804, %swap3A_805, %swap3A_806] {strides = array<i32>} : memref<3x80x128xf32, #tpu.memory_space<vmem>>, vector<1x1x16xf32>,
          %swap3A_808 = vector.shape_cast %swap3A_807 : vector<1x1x16xf32> to vector<16xf32>
          %swap3A_809 = vector.shape_cast %mul3A_802 : vector<16xf32> to vector<1x1x16xf32>
          tpu.vector_store %arg5[%swap3A_804, %swap3A_805, %swap3A_806], %swap3A_809 {strides = array<i32>} : memref<3x80x128xf32, #tpu.memory_space<vmem>>, vector<1x1x16xf32>,
          %get3A_810 = arith.constant 0 : i32
          %get3A_811 = arith.index_cast %get3A_810 : i32 to index
          %get3A_812 = arith.index_cast %add3A_790 : i32 to index
          %get3A_813 = arith.constant 16 : index
          %get3A_814 = tpu.vector_load %arg4[%get3A_811, %get3A_812, %get3A_813] {strides = array<i32>} : memref<3x80x128xf32, #tpu.memory_space<vmem>>, vector<1x1x16xf32>,
          %get3A_815 = vector.shape_cast %get3A_814 : vector<1x1x16xf32> to vector<16xf32>
          %mul3A_816 = arith.mulf %get3A_815, %gather3A_795 : vector<16xf32>
          %swap3A_817 = arith.constant 0 : i32
          %swap3A_818 = arith.index_cast %swap3A_817 : i32 to index
          %swap3A_819 = arith.index_cast %add3A_790 : i32 to index
          %swap3A_820 = arith.constant 16 : index
          %swap3A_821 = tpu.vector_load %arg5[%swap3A_818, %swap3A_819, %swap3A_820] {strides = array<i32>} : memref<3x80x128xf32, #tpu.memory_space<vmem>>, vector<1x1x16xf32>,
          %swap3A_822 = vector.shape_cast %swap3A_821 : vector<1x1x16xf32> to vector<16xf32>
          %swap3A_823 = vector.shape_cast %mul3A_816 : vector<16xf32> to vector<1x1x16xf32>
          tpu.vector_store %arg5[%swap3A_818, %swap3A_819, %swap3A_820], %swap3A_823 {strides = array<i32>} : memref<3x80x128xf32, #tpu.memory_space<vmem>>, vector<1x1x16xf32>,
          %get3A_824 = arith.constant 0 : i32
          %get3A_825 = arith.index_cast %get3A_824 : i32 to index
          %get3A_826 = arith.index_cast %add3A_790 : i32 to index
          %get3A_827 = arith.constant 32 : index
          %get3A_828 = tpu.vector_load %arg4[%get3A_825, %get3A_826, %get3A_827] {strides = array<i32>} : memref<3x80x128xf32, #tpu.memory_space<vmem>>, vector<1x1x16xf32>,
          %get3A_829 = vector.shape_cast %get3A_828 : vector<1x1x16xf32> to vector<16xf32>
          %mul3A_830 = arith.mulf %get3A_829, %gather3A_795 : vector<16xf32>
          %swap3A_831 = arith.constant 0 : i32
          %swap3A_832 = arith.index_cast %swap3A_831 : i32 to index
          %swap3A_833 = arith.index_cast %add3A_790 : i32 to index
          %swap3A_834 = arith.constant 32 : index
          %swap3A_835 = tpu.vector_load %arg5[%swap3A_832, %swap3A_833, %swap3A_834] {strides = array<i32>} : memref<3x80x128xf32, #tpu.memory_space<vmem>>, vector<1x1x16xf32>,
          %swap3A_836 = vector.shape_cast %swap3A_835 : vector<1x1x16xf32> to vector<16xf32>
          %swap3A_837 = vector.shape_cast %mul3A_830 : vector<16xf32> to vector<1x1x16xf32>
          tpu.vector_store %arg5[%swap3A_832, %swap3A_833, %swap3A_834], %swap3A_837 {strides = array<i32>} : memref<3x80x128xf32, #tpu.memory_space<vmem>>, vector<1x1x16xf32>,
          %get3A_838 = arith.constant 0 : i32
          %get3A_839 = arith.index_cast %get3A_838 : i32 to index
          %get3A_840 = arith.index_cast %add3A_790 : i32 to index
          %get3A_841 = arith.constant 48 : index
          %get3A_842 = tpu.vector_load %arg4[%get3A_839, %get3A_840, %get3A_841] {strides = array<i32>} : memref<3x80x128xf32, #tpu.memory_space<vmem>>, vector<1x1x16xf32>,
          %get3A_843 = vector.shape_cast %get3A_842 : vector<1x1x16xf32> to vector<16xf32>
          %mul3A_844 = arith.mulf %get3A_843, %gather3A_795 : vector<16xf32>
          %swap3A_845 = arith.constant 0 : i32
          %swap3A_846 = arith.index_cast %swap3A_845 : i32 to index
          %swap3A_847 = arith.index_cast %add3A_790 : i32 to index
          %swap3A_848 = arith.constant 48 : index
          %swap3A_849 = tpu.vector_load %arg5[%swap3A_846, %swap3A_847, %swap3A_848] {strides = array<i32>} : memref<3x80x128xf32, #tpu.memory_space<vmem>>, vector<1x1x16xf32>,
          %swap3A_850 = vector.shape_cast %swap3A_849 : vector<1x1x16xf32> to vector<16xf32>
          %swap3A_851 = vector.shape_cast %mul3A_844 : vector<16xf32> to vector<1x1x16xf32>
          tpu.vector_store %arg5[%swap3A_846, %swap3A_847, %swap3A_848], %swap3A_851 {strides = array<i32>} : memref<3x80x128xf32, #tpu.memory_space<vmem>>, vector<1x1x16xf32>,
          %get3A_852 = arith.constant 0 : i32
          %get3A_853 = arith.index_cast %get3A_852 : i32 to index
          %get3A_854 = arith.index_cast %add3A_790 : i32 to index
          %get3A_855 = arith.constant 64 : index
          %get3A_856 = tpu.vector_load %arg4[%get3A_853, %get3A_854, %get3A_855] {strides = array<i32>} : memref<3x80x128xf32, #tpu.memory_space<vmem>>, vector<1x1x16xf32>,
          %get3A_857 = vector.shape_cast %get3A_856 : vector<1x1x16xf32> to vector<16xf32>
          %mul3A_858 = arith.mulf %get3A_857, %gather3A_795 : vector<16xf32>
          %swap3A_859 = arith.constant 0 : i32
          %swap3A_860 = arith.index_cast %swap3A_859 : i32 to index
          %swap3A_861 = arith.index_cast %add3A_790 : i32 to index
          %swap3A_862 = arith.constant 64 : index
          %swap3A_863 = tpu.vector_load %arg5[%swap3A_860, %swap3A_861, %swap3A_862] {strides = array<i32>} : memref<3x80x128xf32, #tpu.memory_space<vmem>>, vector<1x1x16xf32>,
          %swap3A_864 = vector.shape_cast %swap3A_863 : vector<1x1x16xf32> to vector<16xf32>
          %swap3A_865 = vector.shape_cast %mul3A_858 : vector<16xf32> to vector<1x1x16xf32>
          tpu.vector_store %arg5[%swap3A_860, %swap3A_861, %swap3A_862], %swap3A_865 {strides = array<i32>} : memref<3x80x128xf32, #tpu.memory_space<vmem>>, vector<1x1x16xf32>,
          %get3A_866 = arith.constant 0 : i32
          %get3A_867 = arith.index_cast %get3A_866 : i32 to index
          %get3A_868 = arith.index_cast %add3A_790 : i32 to index
          %get3A_869 = arith.constant 80 : index
          %get3A_870 = tpu.vector_load %arg4[%get3A_867, %get3A_868, %get3A_869] {strides = array<i32>} : memref<3x80x128xf32, #tpu.memory_space<vmem>>, vector<1x1x16xf32>,
          %get3A_871 = vector.shape_cast %get3A_870 : vector<1x1x16xf32> to vector<16xf32>
          %mul3A_872 = arith.mulf %get3A_871, %gather3A_795 : vector<16xf32>
          %swap3A_873 = arith.constant 0 : i32
          %swap3A_874 = arith.index_cast %swap3A_873 : i32 to index
          %swap3A_875 = arith.index_cast %add3A_790 : i32 to index
          %swap3A_876 = arith.constant 80 : index
          %swap3A_877 = tpu.vector_load %arg5[%swap3A_874, %swap3A_875, %swap3A_876] {strides = array<i32>} : memref<3x80x128xf32, #tpu.memory_space<vmem>>, vector<1x1x16xf32>,
          %swap3A_878 = vector.shape_cast %swap3A_877 : vector<1x1x16xf32> to vector<16xf32>
          %swap3A_879 = vector.shape_cast %mul3A_872 : vector<16xf32> to vector<1x1x16xf32>
          tpu.vector_store %arg5[%swap3A_874, %swap3A_875, %swap3A_876], %swap3A_879 {strides = array<i32>} : memref<3x80x128xf32, #tpu.memory_space<vmem>>, vector<1x1x16xf32>,
          %get3A_880 = arith.constant 0 : i32
          %get3A_881 = arith.index_cast %get3A_880 : i32 to index
          %get3A_882 = arith.index_cast %add3A_790 : i32 to index
          %get3A_883 = arith.constant 96 : index
          %get3A_884 = tpu.vector_load %arg4[%get3A_881, %get3A_882, %get3A_883] {strides = array<i32>} : memref<3x80x128xf32, #tpu.memory_space<vmem>>, vector<1x1x16xf32>,
          %get3A_885 = vector.shape_cast %get3A_884 : vector<1x1x16xf32> to vector<16xf32>
          %mul3A_886 = arith.mulf %get3A_885, %gather3A_795 : vector<16xf32>
          %swap3A_887 = arith.constant 0 : i32
          %swap3A_888 = arith.index_cast %swap3A_887 : i32 to index
          %swap3A_889 = arith.index_cast %add3A_790 : i32 to index
          %swap3A_890 = arith.constant 96 : index
          %swap3A_891 = tpu.vector_load %arg5[%swap3A_888, %swap3A_889, %swap3A_890] {strides = array<i32>} : memref<3x80x128xf32, #tpu.memory_space<vmem>>, vector<1x1x16xf32>,
          %swap3A_892 = vector.shape_cast %swap3A_891 : vector<1x1x16xf32> to vector<16xf32>
          %swap3A_893 = vector.shape_cast %mul3A_886 : vector<16xf32> to vector<1x1x16xf32>
          tpu.vector_store %arg5[%swap3A_888, %swap3A_889, %swap3A_890], %swap3A_893 {strides = array<i32>} : memref<3x80x128xf32, #tpu.memory_space<vmem>>, vector<1x1x16xf32>,
          %get3A_894 = arith.constant 0 : i32
          %get3A_895 = arith.index_cast %get3A_894 : i32 to index
          %get3A_896 = arith.index_cast %add3A_790 : i32 to index
          %get3A_897 = arith.constant 112 : index
          %get3A_898 = tpu.vector_load %arg4[%get3A_895, %get3A_896, %get3A_897] {strides = array<i32>} : memref<3x80x128xf32, #tpu.memory_space<vmem>>, vector<1x1x16xf32>,
          %get3A_899 = vector.shape_cast %get3A_898 : vector<1x1x16xf32> to vector<16xf32>
          %mul3A_900 = arith.mulf %get3A_899, %gather3A_795 : vector<16xf32>
          %swap3A_901 = arith.constant 0 : i32
          %swap3A_902 = arith.index_cast %swap3A_901 : i32 to index
          %swap3A_903 = arith.index_cast %add3A_790 : i32 to index
          %swap3A_904 = arith.constant 112 : index
          %swap3A_905 = tpu.vector_load %arg5[%swap3A_902, %swap3A_903, %swap3A_904] {strides = array<i32>} : memref<3x80x128xf32, #tpu.memory_space<vmem>>, vector<1x1x16xf32>,
          %swap3A_906 = vector.shape_cast %swap3A_905 : vector<1x1x16xf32> to vector<16xf32>
          %swap3A_907 = vector.shape_cast %mul3A_900 : vector<16xf32> to vector<1x1x16xf32>
          tpu.vector_store %arg5[%swap3A_902, %swap3A_903, %swap3A_904], %swap3A_907 {strides = array<i32>} : memref<3x80x128xf32, #tpu.memory_space<vmem>>, vector<1x1x16xf32>,
          %add3A_908 = arith.constant 3 : i32
          %add3A_909 = arith.addi %mul3A_164, %add3A_908 : i32
          %broadcast_in_dim3A_910 = arith.constant 3 : i32
          %broadcast_in_dim3A_911 = vector.broadcast %broadcast_in_dim3A_910 : i32 to vector<16xi32>
          %broadcast_in_dim3A_912 = vector.shape_cast %broadcast_in_dim3A_911 : vector<16xi32> to vector<16x1xi32>
          %gather3A_913 = vector.shape_cast %broadcast_in_dim3A_912 : vector<16x1xi32> to vector<16xi32>
          %gather3A_914 = tpu.dynamic_gather %select_n3A_551[%gather3A_913] in [0] : vector<16xf32>, vector<16xi32> -> vector<16xf32>
          %get3A_915 = arith.constant 0 : i32
          %get3A_916 = arith.index_cast %get3A_915 : i32 to index
          %get3A_917 = arith.index_cast %add3A_909 : i32 to index
          %get3A_918 = arith.constant 0 : index
          %get3A_919 = tpu.vector_load %arg4[%get3A_916, %get3A_917, %get3A_918] {strides = array<i32>} : memref<3x80x128xf32, #tpu.memory_space<vmem>>, vector<1x1x16xf32>,
          %get3A_920 = vector.shape_cast %get3A_919 : vector<1x1x16xf32> to vector<16xf32>
          %mul3A_921 = arith.mulf %get3A_920, %gather3A_914 : vector<16xf32>
          %swap3A_922 = arith.constant 0 : i32
          %swap3A_923 = arith.index_cast %swap3A_922 : i32 to index
          %swap3A_924 = arith.index_cast %add3A_909 : i32 to index
          %swap3A_925 = arith.constant 0 : index
          %swap3A_926 = tpu.vector_load %arg5[%swap3A_923, %swap3A_924, %swap3A_925] {strides = array<i32>} : memref<3x80x128xf32, #tpu.memory_space<vmem>>, vector<1x1x16xf32>,
          %swap3A_927 = vector.shape_cast %swap3A_926 : vector<1x1x16xf32> to vector<16xf32>
          %swap3A_928 = vector.shape_cast %mul3A_921 : vector<16xf32> to vector<1x1x16xf32>
          tpu.vector_store %arg5[%swap3A_923, %swap3A_924, %swap3A_925], %swap3A_928 {strides = array<i32>} : memref<3x80x128xf32, #tpu.memory_space<vmem>>, vector<1x1x16xf32>,
          %get3A_929 = arith.constant 0 : i32
          %get3A_930 = arith.index_cast %get3A_929 : i32 to index
          %get3A_931 = arith.index_cast %add3A_909 : i32 to index
          %get3A_932 = arith.constant 16 : index
          %get3A_933 = tpu.vector_load %arg4[%get3A_930, %get3A_931, %get3A_932] {strides = array<i32>} : memref<3x80x128xf32, #tpu.memory_space<vmem>>, vector<1x1x16xf32>,
          %get3A_934 = vector.shape_cast %get3A_933 : vector<1x1x16xf32> to vector<16xf32>
          %mul3A_935 = arith.mulf %get3A_934, %gather3A_914 : vector<16xf32>
          %swap3A_936 = arith.constant 0 : i32
          %swap3A_937 = arith.index_cast %swap3A_936 : i32 to index
          %swap3A_938 = arith.index_cast %add3A_909 : i32 to index
          %swap3A_939 = arith.constant 16 : index
          %swap3A_940 = tpu.vector_load %arg5[%swap3A_937, %swap3A_938, %swap3A_939] {strides = array<i32>} : memref<3x80x128xf32, #tpu.memory_space<vmem>>, vector<1x1x16xf32>,
          %swap3A_941 = vector.shape_cast %swap3A_940 : vector<1x1x16xf32> to vector<16xf32>
          %swap3A_942 = vector.shape_cast %mul3A_935 : vector<16xf32> to vector<1x1x16xf32>
          tpu.vector_store %arg5[%swap3A_937, %swap3A_938, %swap3A_939], %swap3A_942 {strides = array<i32>} : memref<3x80x128xf32, #tpu.memory_space<vmem>>, vector<1x1x16xf32>,
          %get3A_943 = arith.constant 0 : i32
          %get3A_944 = arith.index_cast %get3A_943 : i32 to index
          %get3A_945 = arith.index_cast %add3A_909 : i32 to index
          %get3A_946 = arith.constant 32 : index
          %get3A_947 = tpu.vector_load %arg4[%get3A_944, %get3A_945, %get3A_946] {strides = array<i32>} : memref<3x80x128xf32, #tpu.memory_space<vmem>>, vector<1x1x16xf32>,
          %get3A_948 = vector.shape_cast %get3A_947 : vector<1x1x16xf32> to vector<16xf32>
          %mul3A_949 = arith.mulf %get3A_948, %gather3A_914 : vector<16xf32>
          %swap3A_950 = arith.constant 0 : i32
          %swap3A_951 = arith.index_cast %swap3A_950 : i32 to index
          %swap3A_952 = arith.index_cast %add3A_909 : i32 to index
          %swap3A_953 = arith.constant 32 : index
          %swap3A_954 = tpu.vector_load %arg5[%swap3A_951, %swap3A_952, %swap3A_953] {strides = array<i32>} : memref<3x80x128xf32, #tpu.memory_space<vmem>>, vector<1x1x16xf32>,
          %swap3A_955 = vector.shape_cast %swap3A_954 : vector<1x1x16xf32> to vector<16xf32>
          %swap3A_956 = vector.shape_cast %mul3A_949 : vector<16xf32> to vector<1x1x16xf32>
          tpu.vector_store %arg5[%swap3A_951, %swap3A_952, %swap3A_953], %swap3A_956 {strides = array<i32>} : memref<3x80x128xf32, #tpu.memory_space<vmem>>, vector<1x1x16xf32>,
          %get3A_957 = arith.constant 0 : i32
          %get3A_958 = arith.index_cast %get3A_957 : i32 to index
          %get3A_959 = arith.index_cast %add3A_909 : i32 to index
          %get3A_960 = arith.constant 48 : index
          %get3A_961 = tpu.vector_load %arg4[%get3A_958, %get3A_959, %get3A_960] {strides = array<i32>} : memref<3x80x128xf32, #tpu.memory_space<vmem>>, vector<1x1x16xf32>,
          %get3A_962 = vector.shape_cast %get3A_961 : vector<1x1x16xf32> to vector<16xf32>
          %mul3A_963 = arith.mulf %get3A_962, %gather3A_914 : vector<16xf32>
          %swap3A_964 = arith.constant 0 : i32
          %swap3A_965 = arith.index_cast %swap3A_964 : i32 to index
          %swap3A_966 = arith.index_cast %add3A_909 : i32 to index
          %swap3A_967 = arith.constant 48 : index
          %swap3A_968 = tpu.vector_load %arg5[%swap3A_965, %swap3A_966, %swap3A_967] {strides = array<i32>} : memref<3x80x128xf32, #tpu.memory_space<vmem>>, vector<1x1x16xf32>,
          %swap3A_969 = vector.shape_cast %swap3A_968 : vector<1x1x16xf32> to vector<16xf32>
          %swap3A_970 = vector.shape_cast %mul3A_963 : vector<16xf32> to vector<1x1x16xf32>
          tpu.vector_store %arg5[%swap3A_965, %swap3A_966, %swap3A_967], %swap3A_970 {strides = array<i32>} : memref<3x80x128xf32, #tpu.memory_space<vmem>>, vector<1x1x16xf32>,
          %get3A_971 = arith.constant 0 : i32
          %get3A_972 = arith.index_cast %get3A_971 : i32 to index
          %get3A_973 = arith.index_cast %add3A_909 : i32 to index
          %get3A_974 = arith.constant 64 : index
          %get3A_975 = tpu.vector_load %arg4[%get3A_972, %get3A_973, %get3A_974] {strides = array<i32>} : memref<3x80x128xf32, #tpu.memory_space<vmem>>, vector<1x1x16xf32>,
          %get3A_976 = vector.shape_cast %get3A_975 : vector<1x1x16xf32> to vector<16xf32>
          %mul3A_977 = arith.mulf %get3A_976, %gather3A_914 : vector<16xf32>
          %swap3A_978 = arith.constant 0 : i32
          %swap3A_979 = arith.index_cast %swap3A_978 : i32 to index
          %swap3A_980 = arith.index_cast %add3A_909 : i32 to index
          %swap3A_981 = arith.constant 64 : index
          %swap3A_982 = tpu.vector_load %arg5[%swap3A_979, %swap3A_980, %swap3A_981] {strides = array<i32>} : memref<3x80x128xf32, #tpu.memory_space<vmem>>, vector<1x1x16xf32>,
          %swap3A_983 = vector.shape_cast %swap3A_982 : vector<1x1x16xf32> to vector<16xf32>
          %swap3A_984 = vector.shape_cast %mul3A_977 : vector<16xf32> to vector<1x1x16xf32>
          tpu.vector_store %arg5[%swap3A_979, %swap3A_980, %swap3A_981], %swap3A_984 {strides = array<i32>} : memref<3x80x128xf32, #tpu.memory_space<vmem>>, vector<1x1x16xf32>,
          %get3A_985 = arith.constant 0 : i32
          %get3A_986 = arith.index_cast %get3A_985 : i32 to index
          %get3A_987 = arith.index_cast %add3A_909 : i32 to index
          %get3A_988 = arith.constant 80 : index
          %get3A_989 = tpu.vector_load %arg4[%get3A_986, %get3A_987, %get3A_988] {strides = array<i32>} : memref<3x80x128xf32, #tpu.memory_space<vmem>>, vector<1x1x16xf32>,
          %get3A_990 = vector.shape_cast %get3A_989 : vector<1x1x16xf32> to vector<16xf32>
          %mul3A_991 = arith.mulf %get3A_990, %gather3A_914 : vector<16xf32>
          %swap3A_992 = arith.constant 0 : i32
          %swap3A_993 = arith.index_cast %swap3A_992 : i32 to index
          %swap3A_994 = arith.index_cast %add3A_909 : i32 to index
          %swap3A_995 = arith.constant 80 : index
          %swap3A_996 = tpu.vector_load %arg5[%swap3A_993, %swap3A_994, %swap3A_995] {strides = array<i32>} : memref<3x80x128xf32, #tpu.memory_space<vmem>>, vector<1x1x16xf32>,
          %swap3A_997 = vector.shape_cast %swap3A_996 : vector<1x1x16xf32> to vector<16xf32>
          %swap3A_998 = vector.shape_cast %mul3A_991 : vector<16xf32> to vector<1x1x16xf32>
          tpu.vector_store %arg5[%swap3A_993, %swap3A_994, %swap3A_995], %swap3A_998 {strides = array<i32>} : memref<3x80x128xf32, #tpu.memory_space<vmem>>, vector<1x1x16xf32>,
          %get3A_999 = arith.constant 0 : i32
          %get3A_1000 = arith.index_cast %get3A_999 : i32 to index
          %get3A_1001 = arith.index_cast %add3A_909 : i32 to index
          %get3A_1002 = arith.constant 96 : index
          %get3A_1003 = tpu.vector_load %arg4[%get3A_1000, %get3A_1001, %get3A_1002] {strides = array<i32>} : memref<3x80x128xf32, #tpu.memory_space<vmem>>, vector<1x1x16xf32>,
          %get3A_1004 = vector.shape_cast %get3A_1003 : vector<1x1x16xf32> to vector<16xf32>
          %mul3A_1005 = arith.mulf %get3A_1004, %gather3A_914 : vector<16xf32>
          %swap3A_1006 = arith.constant 0 : i32
          %swap3A_1007 = arith.index_cast %swap3A_1006 : i32 to index
          %swap3A_1008 = arith.index_cast %add3A_909 : i32 to index
          %swap3A_1009 = arith.constant 96 : index
          %swap3A_1010 = tpu.vector_load %arg5[%swap3A_1007, %swap3A_1008, %swap3A_1009] {strides = array<i32>} : memref<3x80x128xf32, #tpu.memory_space<vmem>>, vector<1x1x16xf32>,
          %swap3A_1011 = vector.shape_cast %swap3A_1010 : vector<1x1x16xf32> to vector<16xf32>
          %swap3A_1012 = vector.shape_cast %mul3A_1005 : vector<16xf32> to vector<1x1x16xf32>
          tpu.vector_store %arg5[%swap3A_1007, %swap3A_1008, %swap3A_1009], %swap3A_1012 {strides = array<i32>} : memref<3x80x128xf32, #tpu.memory_space<vmem>>, vector<1x1x16xf32>,
          %get3A_1013 = arith.constant 0 : i32
          %get3A_1014 = arith.index_cast %get3A_1013 : i32 to index
          %get3A_1015 = arith.index_cast %add3A_909 : i32 to index
          %get3A_1016 = arith.constant 112 : index
          %get3A_1017 = tpu.vector_load %arg4[%get3A_1014, %get3A_1015, %get3A_1016] {strides = array<i32>} : memref<3x80x128xf32, #tpu.memory_space<vmem>>, vector<1x1x16xf32>,
          %get3A_1018 = vector.shape_cast %get3A_1017 : vector<1x1x16xf32> to vector<16xf32>
          %mul3A_1019 = arith.mulf %get3A_1018, %gather3A_914 : vector<16xf32>
          %swap3A_1020 = arith.constant 0 : i32
          %swap3A_1021 = arith.index_cast %swap3A_1020 : i32 to index
          %swap3A_1022 = arith.index_cast %add3A_909 : i32 to index
          %swap3A_1023 = arith.constant 112 : index
          %swap3A_1024 = tpu.vector_load %arg5[%swap3A_1021, %swap3A_1022, %swap3A_1023] {strides = array<i32>} : memref<3x80x128xf32, #tpu.memory_space<vmem>>, vector<1x1x16xf32>,
          %swap3A_1025 = vector.shape_cast %swap3A_1024 : vector<1x1x16xf32> to vector<16xf32>
          %swap3A_1026 = vector.shape_cast %mul3A_1019 : vector<16xf32> to vector<1x1x16xf32>
          tpu.vector_store %arg5[%swap3A_1021, %swap3A_1022, %swap3A_1023], %swap3A_1026 {strides = array<i32>} : memref<3x80x128xf32, #tpu.memory_space<vmem>>, vector<1x1x16xf32>,
        }
        %scan3A_146 = arith.constant 20 : i32
        %mul3A_147 = arith.constant 80 : i32
        %mul3A_148 = arith.muli %add3A_88, %mul3A_147 : i32
        %dma_start3A_149 = arith.constant 0 : i32
        %dma_start3A_150 = arith.constant 0 : i32
        %dma_start3A_151 = arith.constant 0 : i32
        %dma_start3A_152 = tpu.memref_slice %arg5[%dma_start3A_149, %dma_start3A_150, %dma_start3A_151] : memref<3x80x128xf32, #tpu.memory_space<vmem>> -> memref<1x80x128xf32, #tpu.memory_space<vmem>>
        %dma_start3A_153 = tpu.memref_squeeze %dma_start3A_152 : memref<1x80x128xf32, #tpu.memory_space<vmem>> -> memref<80x128xf32, #tpu.memory_space<vmem>>
        %dma_start3A_154 = arith.constant 0 : i32
        %dma_start3A_155 = tpu.memref_slice %arg3[%mul3A_148, %dma_start3A_154] : memref<100000x128xf32, #tpu.memory_space<hbm>> -> memref<80x128xf32, #tpu.memory_space<hbm>>
        %dma_start3A_156 = arith.constant 0 : i32
        %dma_start3A_157 = tpu.memref_slice %arg3[%mul3A_148, %dma_start3A_156] : memref<100000x128xf32, #tpu.memory_space<hbm>> -> memref<80x128xf32, #tpu.memory_space<hbm>>
        %dma_start3A_158 = arith.constant 0 : i32
        %dma_start3A_159 = arith.constant 0 : i32
        %dma_start3A_160 = tpu.memref_slice %arg5[%dma_start3A_149, %dma_start3A_158, %dma_start3A_159] : memref<3x80x128xf32, #tpu.memory_space<vmem>> -> memref<1x80x128xf32, #tpu.memory_space<vmem>>
        %dma_start3A_161 = tpu.memref_squeeze %dma_start3A_160 : memref<1x80x128xf32, #tpu.memory_space<vmem>> -> memref<80x128xf32, #tpu.memory_space<vmem>>
        tpu.enqueue_dma source(%dma_start3A_161 : memref<80x128xf32, #tpu.memory_space<vmem>>) target(%dma_start3A_157 : memref<80x128xf32, #tpu.memory_space<hbm>>) target_semaphore(%arg9 : memref<!tpu.dma_semaphore, #tpu.memory_space<semaphore_mem>>)
      } else {
      }
      %mul3A_91 = arith.constant 3 : i32
      %mul3A_92 = arith.muli %scan3A_81, %mul3A_91 : i32
      %add3A_93 = arith.constant 1 : i32
      %add3A_94 = arith.addi %mul3A_92, %add3A_93 : i32
      %mul3A_95 = arith.constant 32 : i32
      %mul3A_96 = arith.muli %add3A_94, %mul3A_95 : i32
      %add3A_97 = arith.addi %add3A, %mul3A_96 : i32
      %lt3A_98 = arith.constant 1250 : i32
      %lt3A_99 = arith.cmpi slt, %add3A_97, %lt3A_98 : i32
      %convert_element_type3A_100 = arith.extui %lt3A_99 : i1 to i32
      %cond3A_101 = arith.constant 0 : i32
      %cond3A_102 = arith.cmpi ne, %convert_element_type3A_100, %cond3A_101 : i32
      scf.if %cond3A_102 {
        %add3A_115 = arith.constant 64 : i32
        %add3A_116 = arith.addi %add3A_97, %add3A_115 : i32
        %lt3A_117 = arith.constant 1250 : i32
        %lt3A_118 = arith.cmpi slt, %add3A_116, %lt3A_117 : i32
        %convert_element_type3A_119 = arith.extui %lt3A_118 : i1 to i32
        %cond3A_120 = arith.constant 0 : i32
        %cond3A_121 = arith.cmpi ne, %convert_element_type3A_119, %cond3A_120 : i32
        scf.if %cond3A_121 {
          %add3A_162 = arith.constant 64 : i32
          %add3A_163 = arith.addi %add3A_97, %add3A_162 : i32
          %mul3A_164 = arith.constant 80 : i32
          %mul3A_165 = arith.muli %add3A_163, %mul3A_164 : i32
          %dma_start3A_166 = arith.constant 0 : i32
          %dma_start3A_167 = arith.constant 0 : i32
          %dma_start3A_168 = arith.constant 0 : i32
          %dma_start3A_169 = tpu.memref_slice %arg4[%dma_start3A_166, %dma_start3A_167, %dma_start3A_168] : memref<3x80x128xf32, #tpu.memory_space<vmem>> -> memref<1x80x128xf32, #tpu.memory_space<vmem>>
          %dma_start3A_170 = tpu.memref_squeeze %dma_start3A_169 : memref<1x80x128xf32, #tpu.memory_space<vmem>> -> memref<80x128xf32, #tpu.memory_space<vmem>>
          %dma_start3A_171 = arith.constant 0 : i32
          %dma_start3A_172 = tpu.memref_slice %arg2[%mul3A_165, %dma_start3A_171] : memref<100000x128xf32, #tpu.memory_space<hbm>> -> memref<80x128xf32, #tpu.memory_space<hbm>>
          %dma_start3A_173 = arith.constant 0 : i32
          %dma_start3A_174 = arith.constant 0 : i32
          %dma_start3A_175 = tpu.memref_slice %arg4[%dma_start3A_166, %dma_start3A_173, %dma_start3A_174] : memref<3x80x128xf32, #tpu.memory_space<vmem>> -> memref<1x80x128xf32, #tpu.memory_space<vmem>>
          %dma_start3A_176 = tpu.memref_squeeze %dma_start3A_175 : memref<1x80x128xf32, #tpu.memory_space<vmem>> -> memref<80x128xf32, #tpu.memory_space<vmem>>
          %dma_start3A_177 = arith.constant 0 : i32
          %dma_start3A_178 = tpu.memref_slice %arg2[%mul3A_165, %dma_start3A_177] : memref<100000x128xf32, #tpu.memory_space<hbm>> -> memref<80x128xf32, #tpu.memory_space<hbm>>
          tpu.enqueue_dma source(%dma_start3A_178 : memref<80x128xf32, #tpu.memory_space<hbm>>) target(%dma_start3A_176 : memref<80x128xf32, #tpu.memory_space<vmem>>) target_semaphore(%arg6 : memref<!tpu.dma_semaphore, #tpu.memory_space<semaphore_mem>>)
        } else {
        }
        %dma_wait3A_122 = arith.constant 1 : i32
        %dma_wait3A_123 = arith.constant 0 : i32
        %dma_wait3A_124 = arith.constant 0 : i32
        %dma_wait3A_125 = tpu.memref_slice %arg4[%dma_wait3A_122, %dma_wait3A_123, %dma_wait3A_124] : memref<3x80x128xf32, #tpu.memory_space<vmem>> -> memref<1x80x128xf32, #tpu.memory_space<vmem>>
        %dma_wait3A_126 = tpu.memref_squeeze %dma_wait3A_125 : memref<1x80x128xf32, #tpu.memory_space<vmem>> -> memref<80x128xf32, #tpu.memory_space<vmem>>
        %dma_wait3A_127 = arith.constant 0 : i32
        %dma_wait3A_128 = arith.constant 0 : i32
        %dma_wait3A_129 = tpu.memref_slice %arg2[%dma_wait3A_127, %dma_wait3A_128] : memref<100000x128xf32, #tpu.memory_space<hbm>> -> memref<80x128xf32, #tpu.memory_space<hbm>>
        %dma_wait3A_130 = arith.constant 0 : i32
        %dma_wait3A_131 = arith.constant 0 : i32
        %dma_wait3A_132 = tpu.memref_slice %arg4[%dma_wait3A_122, %dma_wait3A_130, %dma_wait3A_131] : memref<3x80x128xf32, #tpu.memory_space<vmem>> -> memref<1x80x128xf32, #tpu.memory_space<vmem>>
        %dma_wait3A_133 = tpu.memref_squeeze %dma_wait3A_132 : memref<1x80x128xf32, #tpu.memory_space<vmem>> -> memref<80x128xf32, #tpu.memory_space<vmem>>
        %dma_wait3A_134 = arith.constant 0 : i32
        %dma_wait3A_135 = arith.constant 0 : i32
        %dma_wait3A_136 = tpu.memref_slice %arg2[%dma_wait3A_134, %dma_wait3A_135] : memref<100000x128xf32, #tpu.memory_space<hbm>> -> memref<80x128xf32, #tpu.memory_space<hbm>>
        tpu.wait_dma2 semaphore(%arg7 : memref<!tpu.dma_semaphore, #tpu.memory_space<semaphore_mem>>) src(%dma_wait3A_136 : memref<80x128xf32, #tpu.memory_space<hbm>>) dst(%dma_wait3A_133 : memref<80x128xf32, #tpu.memory_space<vmem>>)
        %ge3A = arith.constant 3 : i32
        %ge3A_137 = arith.cmpi sge, %add3A_94, %ge3A : i32
        %convert_element_type3A_138 = arith.extui %ge3A_137 : i1 to i32
        %cond3A_139 = arith.constant 0 : i32
        %cond3A_140 = arith.cmpi ne, %convert_element_type3A_138, %cond3A_139 : i32
        scf.if %cond3A_140 {
          %dma_wait3A_162 = arith.constant 1 : i32
          %dma_wait3A_163 = arith.constant 0 : i32
          %dma_wait3A_164 = arith.constant 0 : i32
          %dma_wait3A_165 = tpu.memref_slice %arg5[%dma_wait3A_162, %dma_wait3A_163, %dma_wait3A_164] : memref<3x80x128xf32, #tpu.memory_space<vmem>> -> memref<1x80x128xf32, #tpu.memory_space<vmem>>
          %dma_wait3A_166 = tpu.memref_squeeze %dma_wait3A_165 : memref<1x80x128xf32, #tpu.memory_space<vmem>> -> memref<80x128xf32, #tpu.memory_space<vmem>>
          %dma_wait3A_167 = arith.constant 0 : i32
          %dma_wait3A_168 = arith.constant 0 : i32
          %dma_wait3A_169 = tpu.memref_slice %arg3[%dma_wait3A_167, %dma_wait3A_168] : memref<100000x128xf32, #tpu.memory_space<hbm>> -> memref<80x128xf32, #tpu.memory_space<hbm>>
          %dma_wait3A_170 = arith.constant 0 : i32
          %dma_wait3A_171 = arith.constant 0 : i32
          %dma_wait3A_172 = tpu.memref_slice %arg3[%dma_wait3A_170, %dma_wait3A_171] : memref<100000x128xf32, #tpu.memory_space<hbm>> -> memref<80x128xf32, #tpu.memory_space<hbm>>
          %dma_wait3A_173 = arith.constant 0 : i32
          %dma_wait3A_174 = arith.constant 0 : i32
          %dma_wait3A_175 = tpu.memref_slice %arg5[%dma_wait3A_162, %dma_wait3A_173, %dma_wait3A_174] : memref<3x80x128xf32, #tpu.memory_space<vmem>> -> memref<1x80x128xf32, #tpu.memory_space<vmem>>
          %dma_wait3A_176 = tpu.memref_squeeze %dma_wait3A_175 : memref<1x80x128xf32, #tpu.memory_space<vmem>> -> memref<80x128xf32, #tpu.memory_space<vmem>>
          tpu.wait_dma2 semaphore(%arg10 : memref<!tpu.dma_semaphore, #tpu.memory_space<semaphore_mem>>) src(%dma_wait3A_176 : memref<80x128xf32, #tpu.memory_space<vmem>>) dst(%dma_wait3A_172 : memref<80x128xf32, #tpu.memory_space<hbm>>)
        } else {
        }
        %iota3A = tpu.iota {dimensions = array<i32: 0>} : vector<16xi32>
        %scan3A_141 = arith.constant 0 : i32
        %scan3A_142 = arith.constant 0 : i32
        %scan3A_143 = arith.constant 20 : i32
        %scan3A_144 = arith.addi %scan3A_142, %scan3A_143 : i32
        %scan3A_145 = arith.constant 1 : i32
        scf.for %scan3A_162 = %scan3A_142 to %scan3A_144 step %scan3A_145  : i32 {
          %mul3A_163 = arith.constant 4 : i32
          %mul3A_164 = arith.muli %scan3A_162, %mul3A_163 : i32
          %add3A_165 = arith.constant 0 : i32
          %add3A_166 = arith.addi %mul3A_164, %add3A_165 : i32
          %get3A = arith.constant 1 : i32
          %get3A_167 = arith.index_cast %get3A : i32 to index
          %get3A_168 = arith.index_cast %add3A_166 : i32 to index
          %get3A_169 = arith.constant 0 : index
          %get3A_170 = tpu.vector_load %arg4[%get3A_167, %get3A_168, %get3A_169] {strides = array<i32>} : memref<3x80x128xf32, #tpu.memory_space<vmem>>, vector<1x1x16xf32>,
          %get3A_171 = vector.shape_cast %get3A_170 : vector<1x1x16xf32> to vector<16xf32>
          %get3A_172 = arith.constant 1 : i32
          %get3A_173 = arith.index_cast %get3A_172 : i32 to index
          %get3A_174 = arith.index_cast %add3A_166 : i32 to index
          %get3A_175 = arith.constant 16 : index
          %get3A_176 = tpu.vector_load %arg4[%get3A_173, %get3A_174, %get3A_175] {strides = array<i32>} : memref<3x80x128xf32, #tpu.memory_space<vmem>>, vector<1x1x16xf32>,
          %get3A_177 = vector.shape_cast %get3A_176 : vector<1x1x16xf32> to vector<16xf32>
          %get3A_178 = arith.constant 1 : i32
          %get3A_179 = arith.index_cast %get3A_178 : i32 to index
          %get3A_180 = arith.index_cast %add3A_166 : i32 to index
          %get3A_181 = arith.constant 32 : index
          %get3A_182 = tpu.vector_load %arg4[%get3A_179, %get3A_180, %get3A_181] {strides = array<i32>} : memref<3x80x128xf32, #tpu.memory_space<vmem>>, vector<1x1x16xf32>,
          %get3A_183 = vector.shape_cast %get3A_182 : vector<1x1x16xf32> to vector<16xf32>
          %get3A_184 = arith.constant 1 : i32
          %get3A_185 = arith.index_cast %get3A_184 : i32 to index
          %get3A_186 = arith.index_cast %add3A_166 : i32 to index
          %get3A_187 = arith.constant 48 : index
          %get3A_188 = tpu.vector_load %arg4[%get3A_185, %get3A_186, %get3A_187] {strides = array<i32>} : memref<3x80x128xf32, #tpu.memory_space<vmem>>, vector<1x1x16xf32>,
          %get3A_189 = vector.shape_cast %get3A_188 : vector<1x1x16xf32> to vector<16xf32>
          %get3A_190 = arith.constant 1 : i32
          %get3A_191 = arith.index_cast %get3A_190 : i32 to index
          %get3A_192 = arith.index_cast %add3A_166 : i32 to index
          %get3A_193 = arith.constant 64 : index
          %get3A_194 = tpu.vector_load %arg4[%get3A_191, %get3A_192, %get3A_193] {strides = array<i32>} : memref<3x80x128xf32, #tpu.memory_space<vmem>>, vector<1x1x16xf32>,
          %get3A_195 = vector.shape_cast %get3A_194 : vector<1x1x16xf32> to vector<16xf32>
          %get3A_196 = arith.constant 1 : i32
          %get3A_197 = arith.index_cast %get3A_196 : i32 to index
          %get3A_198 = arith.index_cast %add3A_166 : i32 to index
          %get3A_199 = arith.constant 80 : index
          %get3A_200 = tpu.vector_load %arg4[%get3A_197, %get3A_198, %get3A_199] {strides = array<i32>} : memref<3x80x128xf32, #tpu.memory_space<vmem>>, vector<1x1x16xf32>,
          %get3A_201 = vector.shape_cast %get3A_200 : vector<1x1x16xf32> to vector<16xf32>
          %get3A_202 = arith.constant 1 : i32
          %get3A_203 = arith.index_cast %get3A_202 : i32 to index
          %get3A_204 = arith.index_cast %add3A_166 : i32 to index
          %get3A_205 = arith.constant 96 : index
          %get3A_206 = tpu.vector_load %arg4[%get3A_203, %get3A_204, %get3A_205] {strides = array<i32>} : memref<3x80x128xf32, #tpu.memory_space<vmem>>, vector<1x1x16xf32>,
          %get3A_207 = vector.shape_cast %get3A_206 : vector<1x1x16xf32> to vector<16xf32>
          %get3A_208 = arith.constant 1 : i32
          %get3A_209 = arith.index_cast %get3A_208 : i32 to index
          %get3A_210 = arith.index_cast %add3A_166 : i32 to index
          %get3A_211 = arith.constant 112 : index
          %get3A_212 = tpu.vector_load %arg4[%get3A_209, %get3A_210, %get3A_211] {strides = array<i32>} : memref<3x80x128xf32, #tpu.memory_space<vmem>>, vector<1x1x16xf32>,
          %get3A_213 = vector.shape_cast %get3A_212 : vector<1x1x16xf32> to vector<16xf32>
          %mul3A_214 = arith.mulf %get3A_171, %get3A_171 : vector<16xf32>
          %mul3A_215 = arith.mulf %get3A_177, %get3A_177 : vector<16xf32>
          %mul3A_216 = arith.mulf %get3A_183, %get3A_183 : vector<16xf32>
          %mul3A_217 = arith.mulf %get3A_189, %get3A_189 : vector<16xf32>
          %mul3A_218 = arith.mulf %get3A_195, %get3A_195 : vector<16xf32>
          %mul3A_219 = arith.mulf %get3A_201, %get3A_201 : vector<16xf32>
          %mul3A_220 = arith.mulf %get3A_207, %get3A_207 : vector<16xf32>
          %mul3A_221 = arith.mulf %get3A_213, %get3A_213 : vector<16xf32>
          %add3A_222 = arith.addf %mul3A_214, %mul3A_215 : vector<16xf32>
          %add3A_223 = arith.addf %mul3A_216, %mul3A_217 : vector<16xf32>
          %add3A_224 = arith.addf %mul3A_218, %mul3A_219 : vector<16xf32>
          %add3A_225 = arith.addf %mul3A_220, %mul3A_221 : vector<16xf32>
          %add3A_226 = arith.addf %add3A_222, %add3A_223 : vector<16xf32>
          %add3A_227 = arith.addf %add3A_224, %add3A_225 : vector<16xf32>
          %add3A_228 = arith.addf %add3A_226, %add3A_227 : vector<16xf32>
          %add3A_229 = arith.constant 1 : i32
          %add3A_230 = arith.addi %mul3A_164, %add3A_229 : i32
          %get3A_231 = arith.constant 1 : i32
          %get3A_232 = arith.index_cast %get3A_231 : i32 to index
          %get3A_233 = arith.index_cast %add3A_230 : i32 to index
          %get3A_234 = arith.constant 0 : index
          %get3A_235 = tpu.vector_load %arg4[%get3A_232, %get3A_233, %get3A_234] {strides = array<i32>} : memref<3x80x128xf32, #tpu.memory_space<vmem>>, vector<1x1x16xf32>,
          %get3A_236 = vector.shape_cast %get3A_235 : vector<1x1x16xf32> to vector<16xf32>
          %get3A_237 = arith.constant 1 : i32
          %get3A_238 = arith.index_cast %get3A_237 : i32 to index
          %get3A_239 = arith.index_cast %add3A_230 : i32 to index
          %get3A_240 = arith.constant 16 : index
          %get3A_241 = tpu.vector_load %arg4[%get3A_238, %get3A_239, %get3A_240] {strides = array<i32>} : memref<3x80x128xf32, #tpu.memory_space<vmem>>, vector<1x1x16xf32>,
          %get3A_242 = vector.shape_cast %get3A_241 : vector<1x1x16xf32> to vector<16xf32>
          %get3A_243 = arith.constant 1 : i32
          %get3A_244 = arith.index_cast %get3A_243 : i32 to index
          %get3A_245 = arith.index_cast %add3A_230 : i32 to index
          %get3A_246 = arith.constant 32 : index
          %get3A_247 = tpu.vector_load %arg4[%get3A_244, %get3A_245, %get3A_246] {strides = array<i32>} : memref<3x80x128xf32, #tpu.memory_space<vmem>>, vector<1x1x16xf32>,
          %get3A_248 = vector.shape_cast %get3A_247 : vector<1x1x16xf32> to vector<16xf32>
          %get3A_249 = arith.constant 1 : i32
          %get3A_250 = arith.index_cast %get3A_249 : i32 to index
          %get3A_251 = arith.index_cast %add3A_230 : i32 to index
          %get3A_252 = arith.constant 48 : index
          %get3A_253 = tpu.vector_load %arg4[%get3A_250, %get3A_251, %get3A_252] {strides = array<i32>} : memref<3x80x128xf32, #tpu.memory_space<vmem>>, vector<1x1x16xf32>,
          %get3A_254 = vector.shape_cast %get3A_253 : vector<1x1x16xf32> to vector<16xf32>
          %get3A_255 = arith.constant 1 : i32
          %get3A_256 = arith.index_cast %get3A_255 : i32 to index
          %get3A_257 = arith.index_cast %add3A_230 : i32 to index
          %get3A_258 = arith.constant 64 : index
          %get3A_259 = tpu.vector_load %arg4[%get3A_256, %get3A_257, %get3A_258] {strides = array<i32>} : memref<3x80x128xf32, #tpu.memory_space<vmem>>, vector<1x1x16xf32>,
          %get3A_260 = vector.shape_cast %get3A_259 : vector<1x1x16xf32> to vector<16xf32>
          %get3A_261 = arith.constant 1 : i32
          %get3A_262 = arith.index_cast %get3A_261 : i32 to index
          %get3A_263 = arith.index_cast %add3A_230 : i32 to index
          %get3A_264 = arith.constant 80 : index
          %get3A_265 = tpu.vector_load %arg4[%get3A_262, %get3A_263, %get3A_264] {strides = array<i32>} : memref<3x80x128xf32, #tpu.memory_space<vmem>>, vector<1x1x16xf32>,
          %get3A_266 = vector.shape_cast %get3A_265 : vector<1x1x16xf32> to vector<16xf32>
          %get3A_267 = arith.constant 1 : i32
          %get3A_268 = arith.index_cast %get3A_267 : i32 to index
          %get3A_269 = arith.index_cast %add3A_230 : i32 to index
          %get3A_270 = arith.constant 96 : index
          %get3A_271 = tpu.vector_load %arg4[%get3A_268, %get3A_269, %get3A_270] {strides = array<i32>} : memref<3x80x128xf32, #tpu.memory_space<vmem>>, vector<1x1x16xf32>,
          %get3A_272 = vector.shape_cast %get3A_271 : vector<1x1x16xf32> to vector<16xf32>
          %get3A_273 = arith.constant 1 : i32
          %get3A_274 = arith.index_cast %get3A_273 : i32 to index
          %get3A_275 = arith.index_cast %add3A_230 : i32 to index
          %get3A_276 = arith.constant 112 : index
          %get3A_277 = tpu.vector_load %arg4[%get3A_274, %get3A_275, %get3A_276] {strides = array<i32>} : memref<3x80x128xf32, #tpu.memory_space<vmem>>, vector<1x1x16xf32>,
          %get3A_278 = vector.shape_cast %get3A_277 : vector<1x1x16xf32> to vector<16xf32>
          %mul3A_279 = arith.mulf %get3A_236, %get3A_236 : vector<16xf32>
          %mul3A_280 = arith.mulf %get3A_242, %get3A_242 : vector<16xf32>
          %mul3A_281 = arith.mulf %get3A_248, %get3A_248 : vector<16xf32>
          %mul3A_282 = arith.mulf %get3A_254, %get3A_254 : vector<16xf32>
          %mul3A_283 = arith.mulf %get3A_260, %get3A_260 : vector<16xf32>
          %mul3A_284 = arith.mulf %get3A_266, %get3A_266 : vector<16xf32>
          %mul3A_285 = arith.mulf %get3A_272, %get3A_272 : vector<16xf32>
          %mul3A_286 = arith.mulf %get3A_278, %get3A_278 : vector<16xf32>
          %add3A_287 = arith.addf %mul3A_279, %mul3A_280 : vector<16xf32>
          %add3A_288 = arith.addf %mul3A_281, %mul3A_282 : vector<16xf32>
          %add3A_289 = arith.addf %mul3A_283, %mul3A_284 : vector<16xf32>
          %add3A_290 = arith.addf %mul3A_285, %mul3A_286 : vector<16xf32>
          %add3A_291 = arith.addf %add3A_287, %add3A_288 : vector<16xf32>
          %add3A_292 = arith.addf %add3A_289, %add3A_290 : vector<16xf32>
          %add3A_293 = arith.addf %add3A_291, %add3A_292 : vector<16xf32>
          %add3A_294 = arith.constant 2 : i32
          %add3A_295 = arith.addi %mul3A_164, %add3A_294 : i32
          %get3A_296 = arith.constant 1 : i32
          %get3A_297 = arith.index_cast %get3A_296 : i32 to index
          %get3A_298 = arith.index_cast %add3A_295 : i32 to index
          %get3A_299 = arith.constant 0 : index
          %get3A_300 = tpu.vector_load %arg4[%get3A_297, %get3A_298, %get3A_299] {strides = array<i32>} : memref<3x80x128xf32, #tpu.memory_space<vmem>>, vector<1x1x16xf32>,
          %get3A_301 = vector.shape_cast %get3A_300 : vector<1x1x16xf32> to vector<16xf32>
          %get3A_302 = arith.constant 1 : i32
          %get3A_303 = arith.index_cast %get3A_302 : i32 to index
          %get3A_304 = arith.index_cast %add3A_295 : i32 to index
          %get3A_305 = arith.constant 16 : index
          %get3A_306 = tpu.vector_load %arg4[%get3A_303, %get3A_304, %get3A_305] {strides = array<i32>} : memref<3x80x128xf32, #tpu.memory_space<vmem>>, vector<1x1x16xf32>,
          %get3A_307 = vector.shape_cast %get3A_306 : vector<1x1x16xf32> to vector<16xf32>
          %get3A_308 = arith.constant 1 : i32
          %get3A_309 = arith.index_cast %get3A_308 : i32 to index
          %get3A_310 = arith.index_cast %add3A_295 : i32 to index
          %get3A_311 = arith.constant 32 : index
          %get3A_312 = tpu.vector_load %arg4[%get3A_309, %get3A_310, %get3A_311] {strides = array<i32>} : memref<3x80x128xf32, #tpu.memory_space<vmem>>, vector<1x1x16xf32>,
          %get3A_313 = vector.shape_cast %get3A_312 : vector<1x1x16xf32> to vector<16xf32>
          %get3A_314 = arith.constant 1 : i32
          %get3A_315 = arith.index_cast %get3A_314 : i32 to index
          %get3A_316 = arith.index_cast %add3A_295 : i32 to index
          %get3A_317 = arith.constant 48 : index
          %get3A_318 = tpu.vector_load %arg4[%get3A_315, %get3A_316, %get3A_317] {strides = array<i32>} : memref<3x80x128xf32, #tpu.memory_space<vmem>>, vector<1x1x16xf32>,
          %get3A_319 = vector.shape_cast %get3A_318 : vector<1x1x16xf32> to vector<16xf32>
          %get3A_320 = arith.constant 1 : i32
          %get3A_321 = arith.index_cast %get3A_320 : i32 to index
          %get3A_322 = arith.index_cast %add3A_295 : i32 to index
          %get3A_323 = arith.constant 64 : index
          %get3A_324 = tpu.vector_load %arg4[%get3A_321, %get3A_322, %get3A_323] {strides = array<i32>} : memref<3x80x128xf32, #tpu.memory_space<vmem>>, vector<1x1x16xf32>,
          %get3A_325 = vector.shape_cast %get3A_324 : vector<1x1x16xf32> to vector<16xf32>
          %get3A_326 = arith.constant 1 : i32
          %get3A_327 = arith.index_cast %get3A_326 : i32 to index
          %get3A_328 = arith.index_cast %add3A_295 : i32 to index
          %get3A_329 = arith.constant 80 : index
          %get3A_330 = tpu.vector_load %arg4[%get3A_327, %get3A_328, %get3A_329] {strides = array<i32>} : memref<3x80x128xf32, #tpu.memory_space<vmem>>, vector<1x1x16xf32>,
          %get3A_331 = vector.shape_cast %get3A_330 : vector<1x1x16xf32> to vector<16xf32>
          %get3A_332 = arith.constant 1 : i32
          %get3A_333 = arith.index_cast %get3A_332 : i32 to index
          %get3A_334 = arith.index_cast %add3A_295 : i32 to index
          %get3A_335 = arith.constant 96 : index
          %get3A_336 = tpu.vector_load %arg4[%get3A_333, %get3A_334, %get3A_335] {strides = array<i32>} : memref<3x80x128xf32, #tpu.memory_space<vmem>>, vector<1x1x16xf32>,
          %get3A_337 = vector.shape_cast %get3A_336 : vector<1x1x16xf32> to vector<16xf32>
          %get3A_338 = arith.constant 1 : i32
          %get3A_339 = arith.index_cast %get3A_338 : i32 to index
          %get3A_340 = arith.index_cast %add3A_295 : i32 to index
          %get3A_341 = arith.constant 112 : index
          %get3A_342 = tpu.vector_load %arg4[%get3A_339, %get3A_340, %get3A_341] {strides = array<i32>} : memref<3x80x128xf32, #tpu.memory_space<vmem>>, vector<1x1x16xf32>,
          %get3A_343 = vector.shape_cast %get3A_342 : vector<1x1x16xf32> to vector<16xf32>
          %mul3A_344 = arith.mulf %get3A_301, %get3A_301 : vector<16xf32>
          %mul3A_345 = arith.mulf %get3A_307, %get3A_307 : vector<16xf32>
          %mul3A_346 = arith.mulf %get3A_313, %get3A_313 : vector<16xf32>
          %mul3A_347 = arith.mulf %get3A_319, %get3A_319 : vector<16xf32>
          %mul3A_348 = arith.mulf %get3A_325, %get3A_325 : vector<16xf32>
          %mul3A_349 = arith.mulf %get3A_331, %get3A_331 : vector<16xf32>
          %mul3A_350 = arith.mulf %get3A_337, %get3A_337 : vector<16xf32>
          %mul3A_351 = arith.mulf %get3A_343, %get3A_343 : vector<16xf32>
          %add3A_352 = arith.addf %mul3A_344, %mul3A_345 : vector<16xf32>
          %add3A_353 = arith.addf %mul3A_346, %mul3A_347 : vector<16xf32>
          %add3A_354 = arith.addf %mul3A_348, %mul3A_349 : vector<16xf32>
          %add3A_355 = arith.addf %mul3A_350, %mul3A_351 : vector<16xf32>
          %add3A_356 = arith.addf %add3A_352, %add3A_353 : vector<16xf32>
          %add3A_357 = arith.addf %add3A_354, %add3A_355 : vector<16xf32>
          %add3A_358 = arith.addf %add3A_356, %add3A_357 : vector<16xf32>
          %add3A_359 = arith.constant 3 : i32
          %add3A_360 = arith.addi %mul3A_164, %add3A_359 : i32
          %get3A_361 = arith.constant 1 : i32
          %get3A_362 = arith.index_cast %get3A_361 : i32 to index
          %get3A_363 = arith.index_cast %add3A_360 : i32 to index
          %get3A_364 = arith.constant 0 : index
          %get3A_365 = tpu.vector_load %arg4[%get3A_362, %get3A_363, %get3A_364] {strides = array<i32>} : memref<3x80x128xf32, #tpu.memory_space<vmem>>, vector<1x1x16xf32>,
          %get3A_366 = vector.shape_cast %get3A_365 : vector<1x1x16xf32> to vector<16xf32>
          %get3A_367 = arith.constant 1 : i32
          %get3A_368 = arith.index_cast %get3A_367 : i32 to index
          %get3A_369 = arith.index_cast %add3A_360 : i32 to index
          %get3A_370 = arith.constant 16 : index
          %get3A_371 = tpu.vector_load %arg4[%get3A_368, %get3A_369, %get3A_370] {strides = array<i32>} : memref<3x80x128xf32, #tpu.memory_space<vmem>>, vector<1x1x16xf32>,
          %get3A_372 = vector.shape_cast %get3A_371 : vector<1x1x16xf32> to vector<16xf32>
          %get3A_373 = arith.constant 1 : i32
          %get3A_374 = arith.index_cast %get3A_373 : i32 to index
          %get3A_375 = arith.index_cast %add3A_360 : i32 to index
          %get3A_376 = arith.constant 32 : index
          %get3A_377 = tpu.vector_load %arg4[%get3A_374, %get3A_375, %get3A_376] {strides = array<i32>} : memref<3x80x128xf32, #tpu.memory_space<vmem>>, vector<1x1x16xf32>,
          %get3A_378 = vector.shape_cast %get3A_377 : vector<1x1x16xf32> to vector<16xf32>
          %get3A_379 = arith.constant 1 : i32
          %get3A_380 = arith.index_cast %get3A_379 : i32 to index
          %get3A_381 = arith.index_cast %add3A_360 : i32 to index
          %get3A_382 = arith.constant 48 : index
          %get3A_383 = tpu.vector_load %arg4[%get3A_380, %get3A_381, %get3A_382] {strides = array<i32>} : memref<3x80x128xf32, #tpu.memory_space<vmem>>, vector<1x1x16xf32>,
          %get3A_384 = vector.shape_cast %get3A_383 : vector<1x1x16xf32> to vector<16xf32>
          %get3A_385 = arith.constant 1 : i32
          %get3A_386 = arith.index_cast %get3A_385 : i32 to index
          %get3A_387 = arith.index_cast %add3A_360 : i32 to index
          %get3A_388 = arith.constant 64 : index
          %get3A_389 = tpu.vector_load %arg4[%get3A_386, %get3A_387, %get3A_388] {strides = array<i32>} : memref<3x80x128xf32, #tpu.memory_space<vmem>>, vector<1x1x16xf32>,
          %get3A_390 = vector.shape_cast %get3A_389 : vector<1x1x16xf32> to vector<16xf32>
          %get3A_391 = arith.constant 1 : i32
          %get3A_392 = arith.index_cast %get3A_391 : i32 to index
          %get3A_393 = arith.index_cast %add3A_360 : i32 to index
          %get3A_394 = arith.constant 80 : index
          %get3A_395 = tpu.vector_load %arg4[%get3A_392, %get3A_393, %get3A_394] {strides = array<i32>} : memref<3x80x128xf32, #tpu.memory_space<vmem>>, vector<1x1x16xf32>,
          %get3A_396 = vector.shape_cast %get3A_395 : vector<1x1x16xf32> to vector<16xf32>
          %get3A_397 = arith.constant 1 : i32
          %get3A_398 = arith.index_cast %get3A_397 : i32 to index
          %get3A_399 = arith.index_cast %add3A_360 : i32 to index
          %get3A_400 = arith.constant 96 : index
          %get3A_401 = tpu.vector_load %arg4[%get3A_398, %get3A_399, %get3A_400] {strides = array<i32>} : memref<3x80x128xf32, #tpu.memory_space<vmem>>, vector<1x1x16xf32>,
          %get3A_402 = vector.shape_cast %get3A_401 : vector<1x1x16xf32> to vector<16xf32>
          %get3A_403 = arith.constant 1 : i32
          %get3A_404 = arith.index_cast %get3A_403 : i32 to index
          %get3A_405 = arith.index_cast %add3A_360 : i32 to index
          %get3A_406 = arith.constant 112 : index
          %get3A_407 = tpu.vector_load %arg4[%get3A_404, %get3A_405, %get3A_406] {strides = array<i32>} : memref<3x80x128xf32, #tpu.memory_space<vmem>>, vector<1x1x16xf32>,
          %get3A_408 = vector.shape_cast %get3A_407 : vector<1x1x16xf32> to vector<16xf32>
          %mul3A_409 = arith.mulf %get3A_366, %get3A_366 : vector<16xf32>
          %mul3A_410 = arith.mulf %get3A_372, %get3A_372 : vector<16xf32>
          %mul3A_411 = arith.mulf %get3A_378, %get3A_378 : vector<16xf32>
          %mul3A_412 = arith.mulf %get3A_384, %get3A_384 : vector<16xf32>
          %mul3A_413 = arith.mulf %get3A_390, %get3A_390 : vector<16xf32>
          %mul3A_414 = arith.mulf %get3A_396, %get3A_396 : vector<16xf32>
          %mul3A_415 = arith.mulf %get3A_402, %get3A_402 : vector<16xf32>
          %mul3A_416 = arith.mulf %get3A_408, %get3A_408 : vector<16xf32>
          %add3A_417 = arith.addf %mul3A_409, %mul3A_410 : vector<16xf32>
          %add3A_418 = arith.addf %mul3A_411, %mul3A_412 : vector<16xf32>
          %add3A_419 = arith.addf %mul3A_413, %mul3A_414 : vector<16xf32>
          %add3A_420 = arith.addf %mul3A_415, %mul3A_416 : vector<16xf32>
          %add3A_421 = arith.addf %add3A_417, %add3A_418 : vector<16xf32>
          %add3A_422 = arith.addf %add3A_419, %add3A_420 : vector<16xf32>
          %add3A_423 = arith.addf %add3A_421, %add3A_422 : vector<16xf32>
          %broadcast_in_dim3A = arith.constant 1 : i32
          %broadcast_in_dim3A_424 = vector.broadcast %broadcast_in_dim3A : i32 to vector<16xi32>
          %xor3A = arith.xori %iota3A, %broadcast_in_dim3A_424 : vector<16xi32>
          %broadcast_in_dim3A_425 = vector.shape_cast %xor3A : vector<16xi32> to vector<16x1xi32>
          %gather3A = vector.shape_cast %broadcast_in_dim3A_425 : vector<16x1xi32> to vector<16xi32>
          %gather3A_426 = tpu.dynamic_gather %add3A_228[%gather3A] in [0] : vector<16xf32>, vector<16xi32> -> vector<16xf32>
          %broadcast_in_dim3A_427 = arith.constant 1 : i32
          %broadcast_in_dim3A_428 = vector.broadcast %broadcast_in_dim3A_427 : i32 to vector<16xi32>
          %xor3A_429 = arith.xori %iota3A, %broadcast_in_dim3A_428 : vector<16xi32>
          %broadcast_in_dim3A_430 = vector.shape_cast %xor3A_429 : vector<16xi32> to vector<16x1xi32>
          %gather3A_431 = vector.shape_cast %broadcast_in_dim3A_430 : vector<16x1xi32> to vector<16xi32>
          %gather3A_432 = tpu.dynamic_gather %add3A_293[%gather3A_431] in [0] : vector<16xf32>, vector<16xi32> -> vector<16xf32>
          %broadcast_in_dim3A_433 = arith.constant 1 : i32
          %broadcast_in_dim3A_434 = vector.broadcast %broadcast_in_dim3A_433 : i32 to vector<16xi32>
          %broadcast_in_dim3A_435 = arith.constant 0 : i32
          %broadcast_in_dim3A_436 = vector.broadcast %broadcast_in_dim3A_435 : i32 to vector<16xi32>
          %and3A = arith.andi %iota3A, %broadcast_in_dim3A_434 : vector<16xi32>
          %eq3A = arith.cmpi eq, %and3A, %broadcast_in_dim3A_436 : vector<16xi32>
          %add3A_437 = arith.addf %add3A_228, %gather3A_426 : vector<16xf32>
          %add3A_438 = arith.addf %add3A_293, %gather3A_432 : vector<16xf32>
          %select_n3A = arith.select %eq3A, %add3A_437, %add3A_438 : vector<16xi1>, vector<16xf32>
          %broadcast_in_dim3A_439 = arith.constant 1 : i32
          %broadcast_in_dim3A_440 = vector.broadcast %broadcast_in_dim3A_439 : i32 to vector<16xi32>
          %xor3A_441 = arith.xori %iota3A, %broadcast_in_dim3A_440 : vector<16xi32>
          %broadcast_in_dim3A_442 = vector.shape_cast %xor3A_441 : vector<16xi32> to vector<16x1xi32>
          %gather3A_443 = vector.shape_cast %broadcast_in_dim3A_442 : vector<16x1xi32> to vector<16xi32>
          %gather3A_444 = tpu.dynamic_gather %add3A_358[%gather3A_443] in [0] : vector<16xf32>, vector<16xi32> -> vector<16xf32>
          %broadcast_in_dim3A_445 = arith.constant 1 : i32
          %broadcast_in_dim3A_446 = vector.broadcast %broadcast_in_dim3A_445 : i32 to vector<16xi32>
          %xor3A_447 = arith.xori %iota3A, %broadcast_in_dim3A_446 : vector<16xi32>
          %broadcast_in_dim3A_448 = vector.shape_cast %xor3A_447 : vector<16xi32> to vector<16x1xi32>
          %gather3A_449 = vector.shape_cast %broadcast_in_dim3A_448 : vector<16x1xi32> to vector<16xi32>
          %gather3A_450 = tpu.dynamic_gather %add3A_423[%gather3A_449] in [0] : vector<16xf32>, vector<16xi32> -> vector<16xf32>
          %broadcast_in_dim3A_451 = arith.constant 1 : i32
          %broadcast_in_dim3A_452 = vector.broadcast %broadcast_in_dim3A_451 : i32 to vector<16xi32>
          %broadcast_in_dim3A_453 = arith.constant 0 : i32
          %broadcast_in_dim3A_454 = vector.broadcast %broadcast_in_dim3A_453 : i32 to vector<16xi32>
          %and3A_455 = arith.andi %iota3A, %broadcast_in_dim3A_452 : vector<16xi32>
          %eq3A_456 = arith.cmpi eq, %and3A_455, %broadcast_in_dim3A_454 : vector<16xi32>
          %add3A_457 = arith.addf %add3A_358, %gather3A_444 : vector<16xf32>
          %add3A_458 = arith.addf %add3A_423, %gather3A_450 : vector<16xf32>
          %select_n3A_459 = arith.select %eq3A_456, %add3A_457, %add3A_458 : vector<16xi1>, vector<16xf32>
          %broadcast_in_dim3A_460 = arith.constant 2 : i32
          %broadcast_in_dim3A_461 = vector.broadcast %broadcast_in_dim3A_460 : i32 to vector<16xi32>
          %xor3A_462 = arith.xori %iota3A, %broadcast_in_dim3A_461 : vector<16xi32>
          %broadcast_in_dim3A_463 = vector.shape_cast %xor3A_462 : vector<16xi32> to vector<16x1xi32>
          %gather3A_464 = vector.shape_cast %broadcast_in_dim3A_463 : vector<16x1xi32> to vector<16xi32>
          %gather3A_465 = tpu.dynamic_gather %select_n3A[%gather3A_464] in [0] : vector<16xf32>, vector<16xi32> -> vector<16xf32>
          %broadcast_in_dim3A_466 = arith.constant 2 : i32
          %broadcast_in_dim3A_467 = vector.broadcast %broadcast_in_dim3A_466 : i32 to vector<16xi32>
          %xor3A_468 = arith.xori %iota3A, %broadcast_in_dim3A_467 : vector<16xi32>
          %broadcast_in_dim3A_469 = vector.shape_cast %xor3A_468 : vector<16xi32> to vector<16x1xi32>
          %gather3A_470 = vector.shape_cast %broadcast_in_dim3A_469 : vector<16x1xi32> to vector<16xi32>
          %gather3A_471 = tpu.dynamic_gather %select_n3A_459[%gather3A_470] in [0] : vector<16xf32>, vector<16xi32> -> vector<16xf32>
          %broadcast_in_dim3A_472 = arith.constant 2 : i32
          %broadcast_in_dim3A_473 = vector.broadcast %broadcast_in_dim3A_472 : i32 to vector<16xi32>
          %broadcast_in_dim3A_474 = arith.constant 0 : i32
          %broadcast_in_dim3A_475 = vector.broadcast %broadcast_in_dim3A_474 : i32 to vector<16xi32>
          %and3A_476 = arith.andi %iota3A, %broadcast_in_dim3A_473 : vector<16xi32>
          %eq3A_477 = arith.cmpi eq, %and3A_476, %broadcast_in_dim3A_475 : vector<16xi32>
          %add3A_478 = arith.addf %select_n3A, %gather3A_465 : vector<16xf32>
          %add3A_479 = arith.addf %select_n3A_459, %gather3A_471 : vector<16xf32>
          %select_n3A_480 = arith.select %eq3A_477, %add3A_478, %add3A_479 : vector<16xi1>, vector<16xf32>
          %broadcast_in_dim3A_481 = arith.constant 4 : i32
          %broadcast_in_dim3A_482 = vector.broadcast %broadcast_in_dim3A_481 : i32 to vector<16xi32>
          %xor3A_483 = arith.xori %iota3A, %broadcast_in_dim3A_482 : vector<16xi32>
          %broadcast_in_dim3A_484 = vector.shape_cast %xor3A_483 : vector<16xi32> to vector<16x1xi32>
          %gather3A_485 = vector.shape_cast %broadcast_in_dim3A_484 : vector<16x1xi32> to vector<16xi32>
          %gather3A_486 = tpu.dynamic_gather %select_n3A_480[%gather3A_485] in [0] : vector<16xf32>, vector<16xi32> -> vector<16xf32>
          %add3A_487 = arith.addf %select_n3A_480, %gather3A_486 : vector<16xf32>
          %broadcast_in_dim3A_488 = arith.constant 8 : i32
          %broadcast_in_dim3A_489 = vector.broadcast %broadcast_in_dim3A_488 : i32 to vector<16xi32>
          %xor3A_490 = arith.xori %iota3A, %broadcast_in_dim3A_489 : vector<16xi32>
          %broadcast_in_dim3A_491 = vector.shape_cast %xor3A_490 : vector<16xi32> to vector<16x1xi32>
          %gather3A_492 = vector.shape_cast %broadcast_in_dim3A_491 : vector<16x1xi32> to vector<16xi32>
          %gather3A_493 = tpu.dynamic_gather %add3A_487[%gather3A_492] in [0] : vector<16xf32>, vector<16xi32> -> vector<16xf32>
          %add3A_494 = arith.addf %add3A_487, %gather3A_493 : vector<16xf32>
          %bitcast_convert_type3A = tpu.bitcast %add3A_494 : vector<16xf32> -> vector<16xi32>
          %broadcast_in_dim3A_495 = arith.constant 1597463007 : i32
          %broadcast_in_dim3A_496 = vector.broadcast %broadcast_in_dim3A_495 : i32 to vector<16xi32>
          %broadcast_in_dim3A_497 = arith.constant 1 : i32
          %broadcast_in_dim3A_498 = vector.broadcast %broadcast_in_dim3A_497 : i32 to vector<16xi32>
          %shift_right_logical3A = arith.shrui %bitcast_convert_type3A, %broadcast_in_dim3A_498 : vector<16xi32>
          %sub3A = arith.subi %broadcast_in_dim3A_496, %shift_right_logical3A : vector<16xi32>
          %bitcast_convert_type3A_499 = tpu.bitcast %sub3A : vector<16xi32> -> vector<16xf32>
          %broadcast_in_dim3A_500 = arith.constant 1.500000e+00 : f32
          %broadcast_in_dim3A_501 = vector.broadcast %broadcast_in_dim3A_500 : f32 to vector<16xf32>
          %broadcast_in_dim3A_502 = arith.constant 5.000000e-01 : f32
          %broadcast_in_dim3A_503 = vector.broadcast %broadcast_in_dim3A_502 : f32 to vector<16xf32>
          %mul3A_504 = arith.mulf %broadcast_in_dim3A_503, %add3A_494 : vector<16xf32>
          %mul3A_505 = arith.mulf %mul3A_504, %bitcast_convert_type3A_499 : vector<16xf32>
          %mul3A_506 = arith.mulf %mul3A_505, %bitcast_convert_type3A_499 : vector<16xf32>
          %sub3A_507 = arith.subf %broadcast_in_dim3A_501, %mul3A_506 : vector<16xf32>
          %mul3A_508 = arith.mulf %bitcast_convert_type3A_499, %sub3A_507 : vector<16xf32>
          %broadcast_in_dim3A_509 = arith.constant 1.500000e+00 : f32
          %broadcast_in_dim3A_510 = vector.broadcast %broadcast_in_dim3A_509 : f32 to vector<16xf32>
          %broadcast_in_dim3A_511 = arith.constant 5.000000e-01 : f32
          %broadcast_in_dim3A_512 = vector.broadcast %broadcast_in_dim3A_511 : f32 to vector<16xf32>
          %mul3A_513 = arith.mulf %broadcast_in_dim3A_512, %add3A_494 : vector<16xf32>
          %mul3A_514 = arith.mulf %mul3A_513, %mul3A_508 : vector<16xf32>
          %mul3A_515 = arith.mulf %mul3A_514, %mul3A_508 : vector<16xf32>
          %sub3A_516 = arith.subf %broadcast_in_dim3A_510, %mul3A_515 : vector<16xf32>
          %mul3A_517 = arith.mulf %mul3A_508, %sub3A_516 : vector<16xf32>
          %mul3A_518 = arith.mulf %add3A_494, %mul3A_517 : vector<16xf32>
          %broadcast_in_dim3A_519 = arith.constant 2.000000e+00 : f32
          %broadcast_in_dim3A_520 = vector.broadcast %broadcast_in_dim3A_519 : f32 to vector<16xf32>
          %mul3A_521 = arith.mulf %broadcast_in_dim3A_520, %mul3A_518 : vector<16xf32>
          %exp3A = math.exp %mul3A_521 : vector<16xf32>
          %broadcast_in_dim3A_522 = arith.constant 1.000000e+00 : f32
          %broadcast_in_dim3A_523 = vector.broadcast %broadcast_in_dim3A_522 : f32 to vector<16xf32>
          %broadcast_in_dim3A_524 = arith.constant 2.000000e+00 : f32
          %broadcast_in_dim3A_525 = vector.broadcast %broadcast_in_dim3A_524 : f32 to vector<16xf32>
          %broadcast_in_dim3A_526 = arith.constant 1.000000e+00 : f32
          %broadcast_in_dim3A_527 = vector.broadcast %broadcast_in_dim3A_526 : f32 to vector<16xf32>
          %add3A_528 = arith.addf %exp3A, %broadcast_in_dim3A_527 : vector<16xf32>
          %div3A = arith.divf %broadcast_in_dim3A_525, %add3A_528 : vector<16xf32>
          %sub3A_529 = arith.subf %broadcast_in_dim3A_523, %div3A : vector<16xf32>
          %mul3A_530 = arith.mulf %sub3A_529, %mul3A_517 : vector<16xf32>
          %broadcast_in_dim3A_531 = arith.constant 1.000000e+00 : f32
          %broadcast_in_dim3A_532 = vector.broadcast %broadcast_in_dim3A_531 : f32 to vector<16xf32>
          %broadcast_in_dim3A_533 = arith.constant 0.333333343 : f32
          %broadcast_in_dim3A_534 = vector.broadcast %broadcast_in_dim3A_533 : f32 to vector<16xf32>
          %mul3A_535 = arith.mulf %add3A_494, %broadcast_in_dim3A_534 : vector<16xf32>
          %sub3A_536 = arith.subf %broadcast_in_dim3A_532, %mul3A_535 : vector<16xf32>
          %mul3A_537 = arith.mulf %add3A_494, %add3A_494 : vector<16xf32>
          %broadcast_in_dim3A_538 = arith.constant 0.13333334 : f32
          %broadcast_in_dim3A_539 = vector.broadcast %broadcast_in_dim3A_538 : f32 to vector<16xf32>
          %mul3A_540 = arith.mulf %mul3A_537, %broadcast_in_dim3A_539 : vector<16xf32>
          %add3A_541 = arith.addf %sub3A_536, %mul3A_540 : vector<16xf32>
          %broadcast_in_dim3A_542 = arith.constant 9.99999974E-5 : f32
          %broadcast_in_dim3A_543 = vector.broadcast %broadcast_in_dim3A_542 : f32 to vector<16xf32>
          %lt3A_544 = arith.cmpf olt, %add3A_494, %broadcast_in_dim3A_543 : vector<16xf32>
          %select_n3A_545 = arith.select %lt3A_544, %add3A_541, %mul3A_530 : vector<16xi1>, vector<16xf32>
          %broadcast_in_dim3A_546 = arith.constant 0x7F800000 : f32
          %broadcast_in_dim3A_547 = vector.broadcast %broadcast_in_dim3A_546 : f32 to vector<16xf32>
          %eq3A_548 = arith.cmpf oeq, %add3A_494, %broadcast_in_dim3A_547 : vector<16xf32>
          %broadcast_in_dim3A_549 = arith.constant 0.000000e+00 : f32
          %broadcast_in_dim3A_550 = vector.broadcast %broadcast_in_dim3A_549 : f32 to vector<16xf32>
          %select_n3A_551 = arith.select %eq3A_548, %broadcast_in_dim3A_550, %select_n3A_545 : vector<16xi1>, vector<16xf32>
          %add3A_552 = arith.constant 0 : i32
          %add3A_553 = arith.addi %mul3A_164, %add3A_552 : i32
          %broadcast_in_dim3A_554 = arith.constant 0 : i32
          %broadcast_in_dim3A_555 = vector.broadcast %broadcast_in_dim3A_554 : i32 to vector<16xi32>
          %broadcast_in_dim3A_556 = vector.shape_cast %broadcast_in_dim3A_555 : vector<16xi32> to vector<16x1xi32>
          %gather3A_557 = vector.shape_cast %broadcast_in_dim3A_556 : vector<16x1xi32> to vector<16xi32>
          %gather3A_558 = tpu.dynamic_gather %select_n3A_551[%gather3A_557] in [0] : vector<16xf32>, vector<16xi32> -> vector<16xf32>
          %get3A_559 = arith.constant 1 : i32
          %get3A_560 = arith.index_cast %get3A_559 : i32 to index
          %get3A_561 = arith.index_cast %add3A_553 : i32 to index
          %get3A_562 = arith.constant 0 : index
          %get3A_563 = tpu.vector_load %arg4[%get3A_560, %get3A_561, %get3A_562] {strides = array<i32>} : memref<3x80x128xf32, #tpu.memory_space<vmem>>, vector<1x1x16xf32>,
          %get3A_564 = vector.shape_cast %get3A_563 : vector<1x1x16xf32> to vector<16xf32>
          %mul3A_565 = arith.mulf %get3A_564, %gather3A_558 : vector<16xf32>
          %swap3A = arith.constant 1 : i32
          %swap3A_566 = arith.index_cast %swap3A : i32 to index
          %swap3A_567 = arith.index_cast %add3A_553 : i32 to index
          %swap3A_568 = arith.constant 0 : index
          %swap3A_569 = tpu.vector_load %arg5[%swap3A_566, %swap3A_567, %swap3A_568] {strides = array<i32>} : memref<3x80x128xf32, #tpu.memory_space<vmem>>, vector<1x1x16xf32>,
          %swap3A_570 = vector.shape_cast %swap3A_569 : vector<1x1x16xf32> to vector<16xf32>
          %swap3A_571 = vector.shape_cast %mul3A_565 : vector<16xf32> to vector<1x1x16xf32>
          tpu.vector_store %arg5[%swap3A_566, %swap3A_567, %swap3A_568], %swap3A_571 {strides = array<i32>} : memref<3x80x128xf32, #tpu.memory_space<vmem>>, vector<1x1x16xf32>,
          %get3A_572 = arith.constant 1 : i32
          %get3A_573 = arith.index_cast %get3A_572 : i32 to index
          %get3A_574 = arith.index_cast %add3A_553 : i32 to index
          %get3A_575 = arith.constant 16 : index
          %get3A_576 = tpu.vector_load %arg4[%get3A_573, %get3A_574, %get3A_575] {strides = array<i32>} : memref<3x80x128xf32, #tpu.memory_space<vmem>>, vector<1x1x16xf32>,
          %get3A_577 = vector.shape_cast %get3A_576 : vector<1x1x16xf32> to vector<16xf32>
          %mul3A_578 = arith.mulf %get3A_577, %gather3A_558 : vector<16xf32>
          %swap3A_579 = arith.constant 1 : i32
          %swap3A_580 = arith.index_cast %swap3A_579 : i32 to index
          %swap3A_581 = arith.index_cast %add3A_553 : i32 to index
          %swap3A_582 = arith.constant 16 : index
          %swap3A_583 = tpu.vector_load %arg5[%swap3A_580, %swap3A_581, %swap3A_582] {strides = array<i32>} : memref<3x80x128xf32, #tpu.memory_space<vmem>>, vector<1x1x16xf32>,
          %swap3A_584 = vector.shape_cast %swap3A_583 : vector<1x1x16xf32> to vector<16xf32>
          %swap3A_585 = vector.shape_cast %mul3A_578 : vector<16xf32> to vector<1x1x16xf32>
          tpu.vector_store %arg5[%swap3A_580, %swap3A_581, %swap3A_582], %swap3A_585 {strides = array<i32>} : memref<3x80x128xf32, #tpu.memory_space<vmem>>, vector<1x1x16xf32>,
          %get3A_586 = arith.constant 1 : i32
          %get3A_587 = arith.index_cast %get3A_586 : i32 to index
          %get3A_588 = arith.index_cast %add3A_553 : i32 to index
          %get3A_589 = arith.constant 32 : index
          %get3A_590 = tpu.vector_load %arg4[%get3A_587, %get3A_588, %get3A_589] {strides = array<i32>} : memref<3x80x128xf32, #tpu.memory_space<vmem>>, vector<1x1x16xf32>,
          %get3A_591 = vector.shape_cast %get3A_590 : vector<1x1x16xf32> to vector<16xf32>
          %mul3A_592 = arith.mulf %get3A_591, %gather3A_558 : vector<16xf32>
          %swap3A_593 = arith.constant 1 : i32
          %swap3A_594 = arith.index_cast %swap3A_593 : i32 to index
          %swap3A_595 = arith.index_cast %add3A_553 : i32 to index
          %swap3A_596 = arith.constant 32 : index
          %swap3A_597 = tpu.vector_load %arg5[%swap3A_594, %swap3A_595, %swap3A_596] {strides = array<i32>} : memref<3x80x128xf32, #tpu.memory_space<vmem>>, vector<1x1x16xf32>,
          %swap3A_598 = vector.shape_cast %swap3A_597 : vector<1x1x16xf32> to vector<16xf32>
          %swap3A_599 = vector.shape_cast %mul3A_592 : vector<16xf32> to vector<1x1x16xf32>
          tpu.vector_store %arg5[%swap3A_594, %swap3A_595, %swap3A_596], %swap3A_599 {strides = array<i32>} : memref<3x80x128xf32, #tpu.memory_space<vmem>>, vector<1x1x16xf32>,
          %get3A_600 = arith.constant 1 : i32
          %get3A_601 = arith.index_cast %get3A_600 : i32 to index
          %get3A_602 = arith.index_cast %add3A_553 : i32 to index
          %get3A_603 = arith.constant 48 : index
          %get3A_604 = tpu.vector_load %arg4[%get3A_601, %get3A_602, %get3A_603] {strides = array<i32>} : memref<3x80x128xf32, #tpu.memory_space<vmem>>, vector<1x1x16xf32>,
          %get3A_605 = vector.shape_cast %get3A_604 : vector<1x1x16xf32> to vector<16xf32>
          %mul3A_606 = arith.mulf %get3A_605, %gather3A_558 : vector<16xf32>
          %swap3A_607 = arith.constant 1 : i32
          %swap3A_608 = arith.index_cast %swap3A_607 : i32 to index
          %swap3A_609 = arith.index_cast %add3A_553 : i32 to index
          %swap3A_610 = arith.constant 48 : index
          %swap3A_611 = tpu.vector_load %arg5[%swap3A_608, %swap3A_609, %swap3A_610] {strides = array<i32>} : memref<3x80x128xf32, #tpu.memory_space<vmem>>, vector<1x1x16xf32>,
          %swap3A_612 = vector.shape_cast %swap3A_611 : vector<1x1x16xf32> to vector<16xf32>
          %swap3A_613 = vector.shape_cast %mul3A_606 : vector<16xf32> to vector<1x1x16xf32>
          tpu.vector_store %arg5[%swap3A_608, %swap3A_609, %swap3A_610], %swap3A_613 {strides = array<i32>} : memref<3x80x128xf32, #tpu.memory_space<vmem>>, vector<1x1x16xf32>,
          %get3A_614 = arith.constant 1 : i32
          %get3A_615 = arith.index_cast %get3A_614 : i32 to index
          %get3A_616 = arith.index_cast %add3A_553 : i32 to index
          %get3A_617 = arith.constant 64 : index
          %get3A_618 = tpu.vector_load %arg4[%get3A_615, %get3A_616, %get3A_617] {strides = array<i32>} : memref<3x80x128xf32, #tpu.memory_space<vmem>>, vector<1x1x16xf32>,
          %get3A_619 = vector.shape_cast %get3A_618 : vector<1x1x16xf32> to vector<16xf32>
          %mul3A_620 = arith.mulf %get3A_619, %gather3A_558 : vector<16xf32>
          %swap3A_621 = arith.constant 1 : i32
          %swap3A_622 = arith.index_cast %swap3A_621 : i32 to index
          %swap3A_623 = arith.index_cast %add3A_553 : i32 to index
          %swap3A_624 = arith.constant 64 : index
          %swap3A_625 = tpu.vector_load %arg5[%swap3A_622, %swap3A_623, %swap3A_624] {strides = array<i32>} : memref<3x80x128xf32, #tpu.memory_space<vmem>>, vector<1x1x16xf32>,
          %swap3A_626 = vector.shape_cast %swap3A_625 : vector<1x1x16xf32> to vector<16xf32>
          %swap3A_627 = vector.shape_cast %mul3A_620 : vector<16xf32> to vector<1x1x16xf32>
          tpu.vector_store %arg5[%swap3A_622, %swap3A_623, %swap3A_624], %swap3A_627 {strides = array<i32>} : memref<3x80x128xf32, #tpu.memory_space<vmem>>, vector<1x1x16xf32>,
          %get3A_628 = arith.constant 1 : i32
          %get3A_629 = arith.index_cast %get3A_628 : i32 to index
          %get3A_630 = arith.index_cast %add3A_553 : i32 to index
          %get3A_631 = arith.constant 80 : index
          %get3A_632 = tpu.vector_load %arg4[%get3A_629, %get3A_630, %get3A_631] {strides = array<i32>} : memref<3x80x128xf32, #tpu.memory_space<vmem>>, vector<1x1x16xf32>,
          %get3A_633 = vector.shape_cast %get3A_632 : vector<1x1x16xf32> to vector<16xf32>
          %mul3A_634 = arith.mulf %get3A_633, %gather3A_558 : vector<16xf32>
          %swap3A_635 = arith.constant 1 : i32
          %swap3A_636 = arith.index_cast %swap3A_635 : i32 to index
          %swap3A_637 = arith.index_cast %add3A_553 : i32 to index
          %swap3A_638 = arith.constant 80 : index
          %swap3A_639 = tpu.vector_load %arg5[%swap3A_636, %swap3A_637, %swap3A_638] {strides = array<i32>} : memref<3x80x128xf32, #tpu.memory_space<vmem>>, vector<1x1x16xf32>,
          %swap3A_640 = vector.shape_cast %swap3A_639 : vector<1x1x16xf32> to vector<16xf32>
          %swap3A_641 = vector.shape_cast %mul3A_634 : vector<16xf32> to vector<1x1x16xf32>
          tpu.vector_store %arg5[%swap3A_636, %swap3A_637, %swap3A_638], %swap3A_641 {strides = array<i32>} : memref<3x80x128xf32, #tpu.memory_space<vmem>>, vector<1x1x16xf32>,
          %get3A_642 = arith.constant 1 : i32
          %get3A_643 = arith.index_cast %get3A_642 : i32 to index
          %get3A_644 = arith.index_cast %add3A_553 : i32 to index
          %get3A_645 = arith.constant 96 : index
          %get3A_646 = tpu.vector_load %arg4[%get3A_643, %get3A_644, %get3A_645] {strides = array<i32>} : memref<3x80x128xf32, #tpu.memory_space<vmem>>, vector<1x1x16xf32>,
          %get3A_647 = vector.shape_cast %get3A_646 : vector<1x1x16xf32> to vector<16xf32>
          %mul3A_648 = arith.mulf %get3A_647, %gather3A_558 : vector<16xf32>
          %swap3A_649 = arith.constant 1 : i32
          %swap3A_650 = arith.index_cast %swap3A_649 : i32 to index
          %swap3A_651 = arith.index_cast %add3A_553 : i32 to index
          %swap3A_652 = arith.constant 96 : index
          %swap3A_653 = tpu.vector_load %arg5[%swap3A_650, %swap3A_651, %swap3A_652] {strides = array<i32>} : memref<3x80x128xf32, #tpu.memory_space<vmem>>, vector<1x1x16xf32>,
          %swap3A_654 = vector.shape_cast %swap3A_653 : vector<1x1x16xf32> to vector<16xf32>
          %swap3A_655 = vector.shape_cast %mul3A_648 : vector<16xf32> to vector<1x1x16xf32>
          tpu.vector_store %arg5[%swap3A_650, %swap3A_651, %swap3A_652], %swap3A_655 {strides = array<i32>} : memref<3x80x128xf32, #tpu.memory_space<vmem>>, vector<1x1x16xf32>,
          %get3A_656 = arith.constant 1 : i32
          %get3A_657 = arith.index_cast %get3A_656 : i32 to index
          %get3A_658 = arith.index_cast %add3A_553 : i32 to index
          %get3A_659 = arith.constant 112 : index
          %get3A_660 = tpu.vector_load %arg4[%get3A_657, %get3A_658, %get3A_659] {strides = array<i32>} : memref<3x80x128xf32, #tpu.memory_space<vmem>>, vector<1x1x16xf32>,
          %get3A_661 = vector.shape_cast %get3A_660 : vector<1x1x16xf32> to vector<16xf32>
          %mul3A_662 = arith.mulf %get3A_661, %gather3A_558 : vector<16xf32>
          %swap3A_663 = arith.constant 1 : i32
          %swap3A_664 = arith.index_cast %swap3A_663 : i32 to index
          %swap3A_665 = arith.index_cast %add3A_553 : i32 to index
          %swap3A_666 = arith.constant 112 : index
          %swap3A_667 = tpu.vector_load %arg5[%swap3A_664, %swap3A_665, %swap3A_666] {strides = array<i32>} : memref<3x80x128xf32, #tpu.memory_space<vmem>>, vector<1x1x16xf32>,
          %swap3A_668 = vector.shape_cast %swap3A_667 : vector<1x1x16xf32> to vector<16xf32>
          %swap3A_669 = vector.shape_cast %mul3A_662 : vector<16xf32> to vector<1x1x16xf32>
          tpu.vector_store %arg5[%swap3A_664, %swap3A_665, %swap3A_666], %swap3A_669 {strides = array<i32>} : memref<3x80x128xf32, #tpu.memory_space<vmem>>, vector<1x1x16xf32>,
          %add3A_670 = arith.constant 1 : i32
          %add3A_671 = arith.addi %mul3A_164, %add3A_670 : i32
          %broadcast_in_dim3A_672 = arith.constant 1 : i32
          %broadcast_in_dim3A_673 = vector.broadcast %broadcast_in_dim3A_672 : i32 to vector<16xi32>
          %broadcast_in_dim3A_674 = vector.shape_cast %broadcast_in_dim3A_673 : vector<16xi32> to vector<16x1xi32>
          %gather3A_675 = vector.shape_cast %broadcast_in_dim3A_674 : vector<16x1xi32> to vector<16xi32>
          %gather3A_676 = tpu.dynamic_gather %select_n3A_551[%gather3A_675] in [0] : vector<16xf32>, vector<16xi32> -> vector<16xf32>
          %get3A_677 = arith.constant 1 : i32
          %get3A_678 = arith.index_cast %get3A_677 : i32 to index
          %get3A_679 = arith.index_cast %add3A_671 : i32 to index
          %get3A_680 = arith.constant 0 : index
          %get3A_681 = tpu.vector_load %arg4[%get3A_678, %get3A_679, %get3A_680] {strides = array<i32>} : memref<3x80x128xf32, #tpu.memory_space<vmem>>, vector<1x1x16xf32>,
          %get3A_682 = vector.shape_cast %get3A_681 : vector<1x1x16xf32> to vector<16xf32>
          %mul3A_683 = arith.mulf %get3A_682, %gather3A_676 : vector<16xf32>
          %swap3A_684 = arith.constant 1 : i32
          %swap3A_685 = arith.index_cast %swap3A_684 : i32 to index
          %swap3A_686 = arith.index_cast %add3A_671 : i32 to index
          %swap3A_687 = arith.constant 0 : index
          %swap3A_688 = tpu.vector_load %arg5[%swap3A_685, %swap3A_686, %swap3A_687] {strides = array<i32>} : memref<3x80x128xf32, #tpu.memory_space<vmem>>, vector<1x1x16xf32>,
          %swap3A_689 = vector.shape_cast %swap3A_688 : vector<1x1x16xf32> to vector<16xf32>
          %swap3A_690 = vector.shape_cast %mul3A_683 : vector<16xf32> to vector<1x1x16xf32>
          tpu.vector_store %arg5[%swap3A_685, %swap3A_686, %swap3A_687], %swap3A_690 {strides = array<i32>} : memref<3x80x128xf32, #tpu.memory_space<vmem>>, vector<1x1x16xf32>,
          %get3A_691 = arith.constant 1 : i32
          %get3A_692 = arith.index_cast %get3A_691 : i32 to index
          %get3A_693 = arith.index_cast %add3A_671 : i32 to index
          %get3A_694 = arith.constant 16 : index
          %get3A_695 = tpu.vector_load %arg4[%get3A_692, %get3A_693, %get3A_694] {strides = array<i32>} : memref<3x80x128xf32, #tpu.memory_space<vmem>>, vector<1x1x16xf32>,
          %get3A_696 = vector.shape_cast %get3A_695 : vector<1x1x16xf32> to vector<16xf32>
          %mul3A_697 = arith.mulf %get3A_696, %gather3A_676 : vector<16xf32>
          %swap3A_698 = arith.constant 1 : i32
          %swap3A_699 = arith.index_cast %swap3A_698 : i32 to index
          %swap3A_700 = arith.index_cast %add3A_671 : i32 to index
          %swap3A_701 = arith.constant 16 : index
          %swap3A_702 = tpu.vector_load %arg5[%swap3A_699, %swap3A_700, %swap3A_701] {strides = array<i32>} : memref<3x80x128xf32, #tpu.memory_space<vmem>>, vector<1x1x16xf32>,
          %swap3A_703 = vector.shape_cast %swap3A_702 : vector<1x1x16xf32> to vector<16xf32>
          %swap3A_704 = vector.shape_cast %mul3A_697 : vector<16xf32> to vector<1x1x16xf32>
          tpu.vector_store %arg5[%swap3A_699, %swap3A_700, %swap3A_701], %swap3A_704 {strides = array<i32>} : memref<3x80x128xf32, #tpu.memory_space<vmem>>, vector<1x1x16xf32>,
          %get3A_705 = arith.constant 1 : i32
          %get3A_706 = arith.index_cast %get3A_705 : i32 to index
          %get3A_707 = arith.index_cast %add3A_671 : i32 to index
          %get3A_708 = arith.constant 32 : index
          %get3A_709 = tpu.vector_load %arg4[%get3A_706, %get3A_707, %get3A_708] {strides = array<i32>} : memref<3x80x128xf32, #tpu.memory_space<vmem>>, vector<1x1x16xf32>,
          %get3A_710 = vector.shape_cast %get3A_709 : vector<1x1x16xf32> to vector<16xf32>
          %mul3A_711 = arith.mulf %get3A_710, %gather3A_676 : vector<16xf32>
          %swap3A_712 = arith.constant 1 : i32
          %swap3A_713 = arith.index_cast %swap3A_712 : i32 to index
          %swap3A_714 = arith.index_cast %add3A_671 : i32 to index
          %swap3A_715 = arith.constant 32 : index
          %swap3A_716 = tpu.vector_load %arg5[%swap3A_713, %swap3A_714, %swap3A_715] {strides = array<i32>} : memref<3x80x128xf32, #tpu.memory_space<vmem>>, vector<1x1x16xf32>,
          %swap3A_717 = vector.shape_cast %swap3A_716 : vector<1x1x16xf32> to vector<16xf32>
          %swap3A_718 = vector.shape_cast %mul3A_711 : vector<16xf32> to vector<1x1x16xf32>
          tpu.vector_store %arg5[%swap3A_713, %swap3A_714, %swap3A_715], %swap3A_718 {strides = array<i32>} : memref<3x80x128xf32, #tpu.memory_space<vmem>>, vector<1x1x16xf32>,
          %get3A_719 = arith.constant 1 : i32
          %get3A_720 = arith.index_cast %get3A_719 : i32 to index
          %get3A_721 = arith.index_cast %add3A_671 : i32 to index
          %get3A_722 = arith.constant 48 : index
          %get3A_723 = tpu.vector_load %arg4[%get3A_720, %get3A_721, %get3A_722] {strides = array<i32>} : memref<3x80x128xf32, #tpu.memory_space<vmem>>, vector<1x1x16xf32>,
          %get3A_724 = vector.shape_cast %get3A_723 : vector<1x1x16xf32> to vector<16xf32>
          %mul3A_725 = arith.mulf %get3A_724, %gather3A_676 : vector<16xf32>
          %swap3A_726 = arith.constant 1 : i32
          %swap3A_727 = arith.index_cast %swap3A_726 : i32 to index
          %swap3A_728 = arith.index_cast %add3A_671 : i32 to index
          %swap3A_729 = arith.constant 48 : index
          %swap3A_730 = tpu.vector_load %arg5[%swap3A_727, %swap3A_728, %swap3A_729] {strides = array<i32>} : memref<3x80x128xf32, #tpu.memory_space<vmem>>, vector<1x1x16xf32>,
          %swap3A_731 = vector.shape_cast %swap3A_730 : vector<1x1x16xf32> to vector<16xf32>
          %swap3A_732 = vector.shape_cast %mul3A_725 : vector<16xf32> to vector<1x1x16xf32>
          tpu.vector_store %arg5[%swap3A_727, %swap3A_728, %swap3A_729], %swap3A_732 {strides = array<i32>} : memref<3x80x128xf32, #tpu.memory_space<vmem>>, vector<1x1x16xf32>,
          %get3A_733 = arith.constant 1 : i32
          %get3A_734 = arith.index_cast %get3A_733 : i32 to index
          %get3A_735 = arith.index_cast %add3A_671 : i32 to index
          %get3A_736 = arith.constant 64 : index
          %get3A_737 = tpu.vector_load %arg4[%get3A_734, %get3A_735, %get3A_736] {strides = array<i32>} : memref<3x80x128xf32, #tpu.memory_space<vmem>>, vector<1x1x16xf32>,
          %get3A_738 = vector.shape_cast %get3A_737 : vector<1x1x16xf32> to vector<16xf32>
          %mul3A_739 = arith.mulf %get3A_738, %gather3A_676 : vector<16xf32>
          %swap3A_740 = arith.constant 1 : i32
          %swap3A_741 = arith.index_cast %swap3A_740 : i32 to index
          %swap3A_742 = arith.index_cast %add3A_671 : i32 to index
          %swap3A_743 = arith.constant 64 : index
          %swap3A_744 = tpu.vector_load %arg5[%swap3A_741, %swap3A_742, %swap3A_743] {strides = array<i32>} : memref<3x80x128xf32, #tpu.memory_space<vmem>>, vector<1x1x16xf32>,
          %swap3A_745 = vector.shape_cast %swap3A_744 : vector<1x1x16xf32> to vector<16xf32>
          %swap3A_746 = vector.shape_cast %mul3A_739 : vector<16xf32> to vector<1x1x16xf32>
          tpu.vector_store %arg5[%swap3A_741, %swap3A_742, %swap3A_743], %swap3A_746 {strides = array<i32>} : memref<3x80x128xf32, #tpu.memory_space<vmem>>, vector<1x1x16xf32>,
          %get3A_747 = arith.constant 1 : i32
          %get3A_748 = arith.index_cast %get3A_747 : i32 to index
          %get3A_749 = arith.index_cast %add3A_671 : i32 to index
          %get3A_750 = arith.constant 80 : index
          %get3A_751 = tpu.vector_load %arg4[%get3A_748, %get3A_749, %get3A_750] {strides = array<i32>} : memref<3x80x128xf32, #tpu.memory_space<vmem>>, vector<1x1x16xf32>,
          %get3A_752 = vector.shape_cast %get3A_751 : vector<1x1x16xf32> to vector<16xf32>
          %mul3A_753 = arith.mulf %get3A_752, %gather3A_676 : vector<16xf32>
          %swap3A_754 = arith.constant 1 : i32
          %swap3A_755 = arith.index_cast %swap3A_754 : i32 to index
          %swap3A_756 = arith.index_cast %add3A_671 : i32 to index
          %swap3A_757 = arith.constant 80 : index
          %swap3A_758 = tpu.vector_load %arg5[%swap3A_755, %swap3A_756, %swap3A_757] {strides = array<i32>} : memref<3x80x128xf32, #tpu.memory_space<vmem>>, vector<1x1x16xf32>,
          %swap3A_759 = vector.shape_cast %swap3A_758 : vector<1x1x16xf32> to vector<16xf32>
          %swap3A_760 = vector.shape_cast %mul3A_753 : vector<16xf32> to vector<1x1x16xf32>
          tpu.vector_store %arg5[%swap3A_755, %swap3A_756, %swap3A_757], %swap3A_760 {strides = array<i32>} : memref<3x80x128xf32, #tpu.memory_space<vmem>>, vector<1x1x16xf32>,
          %get3A_761 = arith.constant 1 : i32
          %get3A_762 = arith.index_cast %get3A_761 : i32 to index
          %get3A_763 = arith.index_cast %add3A_671 : i32 to index
          %get3A_764 = arith.constant 96 : index
          %get3A_765 = tpu.vector_load %arg4[%get3A_762, %get3A_763, %get3A_764] {strides = array<i32>} : memref<3x80x128xf32, #tpu.memory_space<vmem>>, vector<1x1x16xf32>,
          %get3A_766 = vector.shape_cast %get3A_765 : vector<1x1x16xf32> to vector<16xf32>
          %mul3A_767 = arith.mulf %get3A_766, %gather3A_676 : vector<16xf32>
          %swap3A_768 = arith.constant 1 : i32
          %swap3A_769 = arith.index_cast %swap3A_768 : i32 to index
          %swap3A_770 = arith.index_cast %add3A_671 : i32 to index
          %swap3A_771 = arith.constant 96 : index
          %swap3A_772 = tpu.vector_load %arg5[%swap3A_769, %swap3A_770, %swap3A_771] {strides = array<i32>} : memref<3x80x128xf32, #tpu.memory_space<vmem>>, vector<1x1x16xf32>,
          %swap3A_773 = vector.shape_cast %swap3A_772 : vector<1x1x16xf32> to vector<16xf32>
          %swap3A_774 = vector.shape_cast %mul3A_767 : vector<16xf32> to vector<1x1x16xf32>
          tpu.vector_store %arg5[%swap3A_769, %swap3A_770, %swap3A_771], %swap3A_774 {strides = array<i32>} : memref<3x80x128xf32, #tpu.memory_space<vmem>>, vector<1x1x16xf32>,
          %get3A_775 = arith.constant 1 : i32
          %get3A_776 = arith.index_cast %get3A_775 : i32 to index
          %get3A_777 = arith.index_cast %add3A_671 : i32 to index
          %get3A_778 = arith.constant 112 : index
          %get3A_779 = tpu.vector_load %arg4[%get3A_776, %get3A_777, %get3A_778] {strides = array<i32>} : memref<3x80x128xf32, #tpu.memory_space<vmem>>, vector<1x1x16xf32>,
          %get3A_780 = vector.shape_cast %get3A_779 : vector<1x1x16xf32> to vector<16xf32>
          %mul3A_781 = arith.mulf %get3A_780, %gather3A_676 : vector<16xf32>
          %swap3A_782 = arith.constant 1 : i32
          %swap3A_783 = arith.index_cast %swap3A_782 : i32 to index
          %swap3A_784 = arith.index_cast %add3A_671 : i32 to index
          %swap3A_785 = arith.constant 112 : index
          %swap3A_786 = tpu.vector_load %arg5[%swap3A_783, %swap3A_784, %swap3A_785] {strides = array<i32>} : memref<3x80x128xf32, #tpu.memory_space<vmem>>, vector<1x1x16xf32>,
          %swap3A_787 = vector.shape_cast %swap3A_786 : vector<1x1x16xf32> to vector<16xf32>
          %swap3A_788 = vector.shape_cast %mul3A_781 : vector<16xf32> to vector<1x1x16xf32>
          tpu.vector_store %arg5[%swap3A_783, %swap3A_784, %swap3A_785], %swap3A_788 {strides = array<i32>} : memref<3x80x128xf32, #tpu.memory_space<vmem>>, vector<1x1x16xf32>,
          %add3A_789 = arith.constant 2 : i32
          %add3A_790 = arith.addi %mul3A_164, %add3A_789 : i32
          %broadcast_in_dim3A_791 = arith.constant 2 : i32
          %broadcast_in_dim3A_792 = vector.broadcast %broadcast_in_dim3A_791 : i32 to vector<16xi32>
          %broadcast_in_dim3A_793 = vector.shape_cast %broadcast_in_dim3A_792 : vector<16xi32> to vector<16x1xi32>
          %gather3A_794 = vector.shape_cast %broadcast_in_dim3A_793 : vector<16x1xi32> to vector<16xi32>
          %gather3A_795 = tpu.dynamic_gather %select_n3A_551[%gather3A_794] in [0] : vector<16xf32>, vector<16xi32> -> vector<16xf32>
          %get3A_796 = arith.constant 1 : i32
          %get3A_797 = arith.index_cast %get3A_796 : i32 to index
          %get3A_798 = arith.index_cast %add3A_790 : i32 to index
          %get3A_799 = arith.constant 0 : index
          %get3A_800 = tpu.vector_load %arg4[%get3A_797, %get3A_798, %get3A_799] {strides = array<i32>} : memref<3x80x128xf32, #tpu.memory_space<vmem>>, vector<1x1x16xf32>,
          %get3A_801 = vector.shape_cast %get3A_800 : vector<1x1x16xf32> to vector<16xf32>
          %mul3A_802 = arith.mulf %get3A_801, %gather3A_795 : vector<16xf32>
          %swap3A_803 = arith.constant 1 : i32
          %swap3A_804 = arith.index_cast %swap3A_803 : i32 to index
          %swap3A_805 = arith.index_cast %add3A_790 : i32 to index
          %swap3A_806 = arith.constant 0 : index
          %swap3A_807 = tpu.vector_load %arg5[%swap3A_804, %swap3A_805, %swap3A_806] {strides = array<i32>} : memref<3x80x128xf32, #tpu.memory_space<vmem>>, vector<1x1x16xf32>,
          %swap3A_808 = vector.shape_cast %swap3A_807 : vector<1x1x16xf32> to vector<16xf32>
          %swap3A_809 = vector.shape_cast %mul3A_802 : vector<16xf32> to vector<1x1x16xf32>
          tpu.vector_store %arg5[%swap3A_804, %swap3A_805, %swap3A_806], %swap3A_809 {strides = array<i32>} : memref<3x80x128xf32, #tpu.memory_space<vmem>>, vector<1x1x16xf32>,
          %get3A_810 = arith.constant 1 : i32
          %get3A_811 = arith.index_cast %get3A_810 : i32 to index
          %get3A_812 = arith.index_cast %add3A_790 : i32 to index
          %get3A_813 = arith.constant 16 : index
          %get3A_814 = tpu.vector_load %arg4[%get3A_811, %get3A_812, %get3A_813] {strides = array<i32>} : memref<3x80x128xf32, #tpu.memory_space<vmem>>, vector<1x1x16xf32>,
          %get3A_815 = vector.shape_cast %get3A_814 : vector<1x1x16xf32> to vector<16xf32>
          %mul3A_816 = arith.mulf %get3A_815, %gather3A_795 : vector<16xf32>
          %swap3A_817 = arith.constant 1 : i32
          %swap3A_818 = arith.index_cast %swap3A_817 : i32 to index
          %swap3A_819 = arith.index_cast %add3A_790 : i32 to index
          %swap3A_820 = arith.constant 16 : index
          %swap3A_821 = tpu.vector_load %arg5[%swap3A_818, %swap3A_819, %swap3A_820] {strides = array<i32>} : memref<3x80x128xf32, #tpu.memory_space<vmem>>, vector<1x1x16xf32>,
          %swap3A_822 = vector.shape_cast %swap3A_821 : vector<1x1x16xf32> to vector<16xf32>
          %swap3A_823 = vector.shape_cast %mul3A_816 : vector<16xf32> to vector<1x1x16xf32>
          tpu.vector_store %arg5[%swap3A_818, %swap3A_819, %swap3A_820], %swap3A_823 {strides = array<i32>} : memref<3x80x128xf32, #tpu.memory_space<vmem>>, vector<1x1x16xf32>,
          %get3A_824 = arith.constant 1 : i32
          %get3A_825 = arith.index_cast %get3A_824 : i32 to index
          %get3A_826 = arith.index_cast %add3A_790 : i32 to index
          %get3A_827 = arith.constant 32 : index
          %get3A_828 = tpu.vector_load %arg4[%get3A_825, %get3A_826, %get3A_827] {strides = array<i32>} : memref<3x80x128xf32, #tpu.memory_space<vmem>>, vector<1x1x16xf32>,
          %get3A_829 = vector.shape_cast %get3A_828 : vector<1x1x16xf32> to vector<16xf32>
          %mul3A_830 = arith.mulf %get3A_829, %gather3A_795 : vector<16xf32>
          %swap3A_831 = arith.constant 1 : i32
          %swap3A_832 = arith.index_cast %swap3A_831 : i32 to index
          %swap3A_833 = arith.index_cast %add3A_790 : i32 to index
          %swap3A_834 = arith.constant 32 : index
          %swap3A_835 = tpu.vector_load %arg5[%swap3A_832, %swap3A_833, %swap3A_834] {strides = array<i32>} : memref<3x80x128xf32, #tpu.memory_space<vmem>>, vector<1x1x16xf32>,
          %swap3A_836 = vector.shape_cast %swap3A_835 : vector<1x1x16xf32> to vector<16xf32>
          %swap3A_837 = vector.shape_cast %mul3A_830 : vector<16xf32> to vector<1x1x16xf32>
          tpu.vector_store %arg5[%swap3A_832, %swap3A_833, %swap3A_834], %swap3A_837 {strides = array<i32>} : memref<3x80x128xf32, #tpu.memory_space<vmem>>, vector<1x1x16xf32>,
          %get3A_838 = arith.constant 1 : i32
          %get3A_839 = arith.index_cast %get3A_838 : i32 to index
          %get3A_840 = arith.index_cast %add3A_790 : i32 to index
          %get3A_841 = arith.constant 48 : index
          %get3A_842 = tpu.vector_load %arg4[%get3A_839, %get3A_840, %get3A_841] {strides = array<i32>} : memref<3x80x128xf32, #tpu.memory_space<vmem>>, vector<1x1x16xf32>,
          %get3A_843 = vector.shape_cast %get3A_842 : vector<1x1x16xf32> to vector<16xf32>
          %mul3A_844 = arith.mulf %get3A_843, %gather3A_795 : vector<16xf32>
          %swap3A_845 = arith.constant 1 : i32
          %swap3A_846 = arith.index_cast %swap3A_845 : i32 to index
          %swap3A_847 = arith.index_cast %add3A_790 : i32 to index
          %swap3A_848 = arith.constant 48 : index
          %swap3A_849 = tpu.vector_load %arg5[%swap3A_846, %swap3A_847, %swap3A_848] {strides = array<i32>} : memref<3x80x128xf32, #tpu.memory_space<vmem>>, vector<1x1x16xf32>,
          %swap3A_850 = vector.shape_cast %swap3A_849 : vector<1x1x16xf32> to vector<16xf32>
          %swap3A_851 = vector.shape_cast %mul3A_844 : vector<16xf32> to vector<1x1x16xf32>
          tpu.vector_store %arg5[%swap3A_846, %swap3A_847, %swap3A_848], %swap3A_851 {strides = array<i32>} : memref<3x80x128xf32, #tpu.memory_space<vmem>>, vector<1x1x16xf32>,
          %get3A_852 = arith.constant 1 : i32
          %get3A_853 = arith.index_cast %get3A_852 : i32 to index
          %get3A_854 = arith.index_cast %add3A_790 : i32 to index
          %get3A_855 = arith.constant 64 : index
          %get3A_856 = tpu.vector_load %arg4[%get3A_853, %get3A_854, %get3A_855] {strides = array<i32>} : memref<3x80x128xf32, #tpu.memory_space<vmem>>, vector<1x1x16xf32>,
          %get3A_857 = vector.shape_cast %get3A_856 : vector<1x1x16xf32> to vector<16xf32>
          %mul3A_858 = arith.mulf %get3A_857, %gather3A_795 : vector<16xf32>
          %swap3A_859 = arith.constant 1 : i32
          %swap3A_860 = arith.index_cast %swap3A_859 : i32 to index
          %swap3A_861 = arith.index_cast %add3A_790 : i32 to index
          %swap3A_862 = arith.constant 64 : index
          %swap3A_863 = tpu.vector_load %arg5[%swap3A_860, %swap3A_861, %swap3A_862] {strides = array<i32>} : memref<3x80x128xf32, #tpu.memory_space<vmem>>, vector<1x1x16xf32>,
          %swap3A_864 = vector.shape_cast %swap3A_863 : vector<1x1x16xf32> to vector<16xf32>
          %swap3A_865 = vector.shape_cast %mul3A_858 : vector<16xf32> to vector<1x1x16xf32>
          tpu.vector_store %arg5[%swap3A_860, %swap3A_861, %swap3A_862], %swap3A_865 {strides = array<i32>} : memref<3x80x128xf32, #tpu.memory_space<vmem>>, vector<1x1x16xf32>,
          %get3A_866 = arith.constant 1 : i32
          %get3A_867 = arith.index_cast %get3A_866 : i32 to index
          %get3A_868 = arith.index_cast %add3A_790 : i32 to index
          %get3A_869 = arith.constant 80 : index
          %get3A_870 = tpu.vector_load %arg4[%get3A_867, %get3A_868, %get3A_869] {strides = array<i32>} : memref<3x80x128xf32, #tpu.memory_space<vmem>>, vector<1x1x16xf32>,
          %get3A_871 = vector.shape_cast %get3A_870 : vector<1x1x16xf32> to vector<16xf32>
          %mul3A_872 = arith.mulf %get3A_871, %gather3A_795 : vector<16xf32>
          %swap3A_873 = arith.constant 1 : i32
          %swap3A_874 = arith.index_cast %swap3A_873 : i32 to index
          %swap3A_875 = arith.index_cast %add3A_790 : i32 to index
          %swap3A_876 = arith.constant 80 : index
          %swap3A_877 = tpu.vector_load %arg5[%swap3A_874, %swap3A_875, %swap3A_876] {strides = array<i32>} : memref<3x80x128xf32, #tpu.memory_space<vmem>>, vector<1x1x16xf32>,
          %swap3A_878 = vector.shape_cast %swap3A_877 : vector<1x1x16xf32> to vector<16xf32>
          %swap3A_879 = vector.shape_cast %mul3A_872 : vector<16xf32> to vector<1x1x16xf32>
          tpu.vector_store %arg5[%swap3A_874, %swap3A_875, %swap3A_876], %swap3A_879 {strides = array<i32>} : memref<3x80x128xf32, #tpu.memory_space<vmem>>, vector<1x1x16xf32>,
          %get3A_880 = arith.constant 1 : i32
          %get3A_881 = arith.index_cast %get3A_880 : i32 to index
          %get3A_882 = arith.index_cast %add3A_790 : i32 to index
          %get3A_883 = arith.constant 96 : index
          %get3A_884 = tpu.vector_load %arg4[%get3A_881, %get3A_882, %get3A_883] {strides = array<i32>} : memref<3x80x128xf32, #tpu.memory_space<vmem>>, vector<1x1x16xf32>,
          %get3A_885 = vector.shape_cast %get3A_884 : vector<1x1x16xf32> to vector<16xf32>
          %mul3A_886 = arith.mulf %get3A_885, %gather3A_795 : vector<16xf32>
          %swap3A_887 = arith.constant 1 : i32
          %swap3A_888 = arith.index_cast %swap3A_887 : i32 to index
          %swap3A_889 = arith.index_cast %add3A_790 : i32 to index
          %swap3A_890 = arith.constant 96 : index
          %swap3A_891 = tpu.vector_load %arg5[%swap3A_888, %swap3A_889, %swap3A_890] {strides = array<i32>} : memref<3x80x128xf32, #tpu.memory_space<vmem>>, vector<1x1x16xf32>,
          %swap3A_892 = vector.shape_cast %swap3A_891 : vector<1x1x16xf32> to vector<16xf32>
          %swap3A_893 = vector.shape_cast %mul3A_886 : vector<16xf32> to vector<1x1x16xf32>
          tpu.vector_store %arg5[%swap3A_888, %swap3A_889, %swap3A_890], %swap3A_893 {strides = array<i32>} : memref<3x80x128xf32, #tpu.memory_space<vmem>>, vector<1x1x16xf32>,
          %get3A_894 = arith.constant 1 : i32
          %get3A_895 = arith.index_cast %get3A_894 : i32 to index
          %get3A_896 = arith.index_cast %add3A_790 : i32 to index
          %get3A_897 = arith.constant 112 : index
          %get3A_898 = tpu.vector_load %arg4[%get3A_895, %get3A_896, %get3A_897] {strides = array<i32>} : memref<3x80x128xf32, #tpu.memory_space<vmem>>, vector<1x1x16xf32>,
          %get3A_899 = vector.shape_cast %get3A_898 : vector<1x1x16xf32> to vector<16xf32>
          %mul3A_900 = arith.mulf %get3A_899, %gather3A_795 : vector<16xf32>
          %swap3A_901 = arith.constant 1 : i32
          %swap3A_902 = arith.index_cast %swap3A_901 : i32 to index
          %swap3A_903 = arith.index_cast %add3A_790 : i32 to index
          %swap3A_904 = arith.constant 112 : index
          %swap3A_905 = tpu.vector_load %arg5[%swap3A_902, %swap3A_903, %swap3A_904] {strides = array<i32>} : memref<3x80x128xf32, #tpu.memory_space<vmem>>, vector<1x1x16xf32>,
          %swap3A_906 = vector.shape_cast %swap3A_905 : vector<1x1x16xf32> to vector<16xf32>
          %swap3A_907 = vector.shape_cast %mul3A_900 : vector<16xf32> to vector<1x1x16xf32>
          tpu.vector_store %arg5[%swap3A_902, %swap3A_903, %swap3A_904], %swap3A_907 {strides = array<i32>} : memref<3x80x128xf32, #tpu.memory_space<vmem>>, vector<1x1x16xf32>,
          %add3A_908 = arith.constant 3 : i32
          %add3A_909 = arith.addi %mul3A_164, %add3A_908 : i32
          %broadcast_in_dim3A_910 = arith.constant 3 : i32
          %broadcast_in_dim3A_911 = vector.broadcast %broadcast_in_dim3A_910 : i32 to vector<16xi32>
          %broadcast_in_dim3A_912 = vector.shape_cast %broadcast_in_dim3A_911 : vector<16xi32> to vector<16x1xi32>
          %gather3A_913 = vector.shape_cast %broadcast_in_dim3A_912 : vector<16x1xi32> to vector<16xi32>
          %gather3A_914 = tpu.dynamic_gather %select_n3A_551[%gather3A_913] in [0] : vector<16xf32>, vector<16xi32> -> vector<16xf32>
          %get3A_915 = arith.constant 1 : i32
          %get3A_916 = arith.index_cast %get3A_915 : i32 to index
          %get3A_917 = arith.index_cast %add3A_909 : i32 to index
          %get3A_918 = arith.constant 0 : index
          %get3A_919 = tpu.vector_load %arg4[%get3A_916, %get3A_917, %get3A_918] {strides = array<i32>} : memref<3x80x128xf32, #tpu.memory_space<vmem>>, vector<1x1x16xf32>,
          %get3A_920 = vector.shape_cast %get3A_919 : vector<1x1x16xf32> to vector<16xf32>
          %mul3A_921 = arith.mulf %get3A_920, %gather3A_914 : vector<16xf32>
          %swap3A_922 = arith.constant 1 : i32
          %swap3A_923 = arith.index_cast %swap3A_922 : i32 to index
          %swap3A_924 = arith.index_cast %add3A_909 : i32 to index
          %swap3A_925 = arith.constant 0 : index
          %swap3A_926 = tpu.vector_load %arg5[%swap3A_923, %swap3A_924, %swap3A_925] {strides = array<i32>} : memref<3x80x128xf32, #tpu.memory_space<vmem>>, vector<1x1x16xf32>,
          %swap3A_927 = vector.shape_cast %swap3A_926 : vector<1x1x16xf32> to vector<16xf32>
          %swap3A_928 = vector.shape_cast %mul3A_921 : vector<16xf32> to vector<1x1x16xf32>
          tpu.vector_store %arg5[%swap3A_923, %swap3A_924, %swap3A_925], %swap3A_928 {strides = array<i32>} : memref<3x80x128xf32, #tpu.memory_space<vmem>>, vector<1x1x16xf32>,
          %get3A_929 = arith.constant 1 : i32
          %get3A_930 = arith.index_cast %get3A_929 : i32 to index
          %get3A_931 = arith.index_cast %add3A_909 : i32 to index
          %get3A_932 = arith.constant 16 : index
          %get3A_933 = tpu.vector_load %arg4[%get3A_930, %get3A_931, %get3A_932] {strides = array<i32>} : memref<3x80x128xf32, #tpu.memory_space<vmem>>, vector<1x1x16xf32>,
          %get3A_934 = vector.shape_cast %get3A_933 : vector<1x1x16xf32> to vector<16xf32>
          %mul3A_935 = arith.mulf %get3A_934, %gather3A_914 : vector<16xf32>
          %swap3A_936 = arith.constant 1 : i32
          %swap3A_937 = arith.index_cast %swap3A_936 : i32 to index
          %swap3A_938 = arith.index_cast %add3A_909 : i32 to index
          %swap3A_939 = arith.constant 16 : index
          %swap3A_940 = tpu.vector_load %arg5[%swap3A_937, %swap3A_938, %swap3A_939] {strides = array<i32>} : memref<3x80x128xf32, #tpu.memory_space<vmem>>, vector<1x1x16xf32>,
          %swap3A_941 = vector.shape_cast %swap3A_940 : vector<1x1x16xf32> to vector<16xf32>
          %swap3A_942 = vector.shape_cast %mul3A_935 : vector<16xf32> to vector<1x1x16xf32>
          tpu.vector_store %arg5[%swap3A_937, %swap3A_938, %swap3A_939], %swap3A_942 {strides = array<i32>} : memref<3x80x128xf32, #tpu.memory_space<vmem>>, vector<1x1x16xf32>,
          %get3A_943 = arith.constant 1 : i32
          %get3A_944 = arith.index_cast %get3A_943 : i32 to index
          %get3A_945 = arith.index_cast %add3A_909 : i32 to index
          %get3A_946 = arith.constant 32 : index
          %get3A_947 = tpu.vector_load %arg4[%get3A_944, %get3A_945, %get3A_946] {strides = array<i32>} : memref<3x80x128xf32, #tpu.memory_space<vmem>>, vector<1x1x16xf32>,
          %get3A_948 = vector.shape_cast %get3A_947 : vector<1x1x16xf32> to vector<16xf32>
          %mul3A_949 = arith.mulf %get3A_948, %gather3A_914 : vector<16xf32>
          %swap3A_950 = arith.constant 1 : i32
          %swap3A_951 = arith.index_cast %swap3A_950 : i32 to index
          %swap3A_952 = arith.index_cast %add3A_909 : i32 to index
          %swap3A_953 = arith.constant 32 : index
          %swap3A_954 = tpu.vector_load %arg5[%swap3A_951, %swap3A_952, %swap3A_953] {strides = array<i32>} : memref<3x80x128xf32, #tpu.memory_space<vmem>>, vector<1x1x16xf32>,
          %swap3A_955 = vector.shape_cast %swap3A_954 : vector<1x1x16xf32> to vector<16xf32>
          %swap3A_956 = vector.shape_cast %mul3A_949 : vector<16xf32> to vector<1x1x16xf32>
          tpu.vector_store %arg5[%swap3A_951, %swap3A_952, %swap3A_953], %swap3A_956 {strides = array<i32>} : memref<3x80x128xf32, #tpu.memory_space<vmem>>, vector<1x1x16xf32>,
          %get3A_957 = arith.constant 1 : i32
          %get3A_958 = arith.index_cast %get3A_957 : i32 to index
          %get3A_959 = arith.index_cast %add3A_909 : i32 to index
          %get3A_960 = arith.constant 48 : index
          %get3A_961 = tpu.vector_load %arg4[%get3A_958, %get3A_959, %get3A_960] {strides = array<i32>} : memref<3x80x128xf32, #tpu.memory_space<vmem>>, vector<1x1x16xf32>,
          %get3A_962 = vector.shape_cast %get3A_961 : vector<1x1x16xf32> to vector<16xf32>
          %mul3A_963 = arith.mulf %get3A_962, %gather3A_914 : vector<16xf32>
          %swap3A_964 = arith.constant 1 : i32
          %swap3A_965 = arith.index_cast %swap3A_964 : i32 to index
          %swap3A_966 = arith.index_cast %add3A_909 : i32 to index
          %swap3A_967 = arith.constant 48 : index
          %swap3A_968 = tpu.vector_load %arg5[%swap3A_965, %swap3A_966, %swap3A_967] {strides = array<i32>} : memref<3x80x128xf32, #tpu.memory_space<vmem>>, vector<1x1x16xf32>,
          %swap3A_969 = vector.shape_cast %swap3A_968 : vector<1x1x16xf32> to vector<16xf32>
          %swap3A_970 = vector.shape_cast %mul3A_963 : vector<16xf32> to vector<1x1x16xf32>
          tpu.vector_store %arg5[%swap3A_965, %swap3A_966, %swap3A_967], %swap3A_970 {strides = array<i32>} : memref<3x80x128xf32, #tpu.memory_space<vmem>>, vector<1x1x16xf32>,
          %get3A_971 = arith.constant 1 : i32
          %get3A_972 = arith.index_cast %get3A_971 : i32 to index
          %get3A_973 = arith.index_cast %add3A_909 : i32 to index
          %get3A_974 = arith.constant 64 : index
          %get3A_975 = tpu.vector_load %arg4[%get3A_972, %get3A_973, %get3A_974] {strides = array<i32>} : memref<3x80x128xf32, #tpu.memory_space<vmem>>, vector<1x1x16xf32>,
          %get3A_976 = vector.shape_cast %get3A_975 : vector<1x1x16xf32> to vector<16xf32>
          %mul3A_977 = arith.mulf %get3A_976, %gather3A_914 : vector<16xf32>
          %swap3A_978 = arith.constant 1 : i32
          %swap3A_979 = arith.index_cast %swap3A_978 : i32 to index
          %swap3A_980 = arith.index_cast %add3A_909 : i32 to index
          %swap3A_981 = arith.constant 64 : index
          %swap3A_982 = tpu.vector_load %arg5[%swap3A_979, %swap3A_980, %swap3A_981] {strides = array<i32>} : memref<3x80x128xf32, #tpu.memory_space<vmem>>, vector<1x1x16xf32>,
          %swap3A_983 = vector.shape_cast %swap3A_982 : vector<1x1x16xf32> to vector<16xf32>
          %swap3A_984 = vector.shape_cast %mul3A_977 : vector<16xf32> to vector<1x1x16xf32>
          tpu.vector_store %arg5[%swap3A_979, %swap3A_980, %swap3A_981], %swap3A_984 {strides = array<i32>} : memref<3x80x128xf32, #tpu.memory_space<vmem>>, vector<1x1x16xf32>,
          %get3A_985 = arith.constant 1 : i32
          %get3A_986 = arith.index_cast %get3A_985 : i32 to index
          %get3A_987 = arith.index_cast %add3A_909 : i32 to index
          %get3A_988 = arith.constant 80 : index
          %get3A_989 = tpu.vector_load %arg4[%get3A_986, %get3A_987, %get3A_988] {strides = array<i32>} : memref<3x80x128xf32, #tpu.memory_space<vmem>>, vector<1x1x16xf32>,
          %get3A_990 = vector.shape_cast %get3A_989 : vector<1x1x16xf32> to vector<16xf32>
          %mul3A_991 = arith.mulf %get3A_990, %gather3A_914 : vector<16xf32>
          %swap3A_992 = arith.constant 1 : i32
          %swap3A_993 = arith.index_cast %swap3A_992 : i32 to index
          %swap3A_994 = arith.index_cast %add3A_909 : i32 to index
          %swap3A_995 = arith.constant 80 : index
          %swap3A_996 = tpu.vector_load %arg5[%swap3A_993, %swap3A_994, %swap3A_995] {strides = array<i32>} : memref<3x80x128xf32, #tpu.memory_space<vmem>>, vector<1x1x16xf32>,
          %swap3A_997 = vector.shape_cast %swap3A_996 : vector<1x1x16xf32> to vector<16xf32>
          %swap3A_998 = vector.shape_cast %mul3A_991 : vector<16xf32> to vector<1x1x16xf32>
          tpu.vector_store %arg5[%swap3A_993, %swap3A_994, %swap3A_995], %swap3A_998 {strides = array<i32>} : memref<3x80x128xf32, #tpu.memory_space<vmem>>, vector<1x1x16xf32>,
          %get3A_999 = arith.constant 1 : i32
          %get3A_1000 = arith.index_cast %get3A_999 : i32 to index
          %get3A_1001 = arith.index_cast %add3A_909 : i32 to index
          %get3A_1002 = arith.constant 96 : index
          %get3A_1003 = tpu.vector_load %arg4[%get3A_1000, %get3A_1001, %get3A_1002] {strides = array<i32>} : memref<3x80x128xf32, #tpu.memory_space<vmem>>, vector<1x1x16xf32>,
          %get3A_1004 = vector.shape_cast %get3A_1003 : vector<1x1x16xf32> to vector<16xf32>
          %mul3A_1005 = arith.mulf %get3A_1004, %gather3A_914 : vector<16xf32>
          %swap3A_1006 = arith.constant 1 : i32
          %swap3A_1007 = arith.index_cast %swap3A_1006 : i32 to index
          %swap3A_1008 = arith.index_cast %add3A_909 : i32 to index
          %swap3A_1009 = arith.constant 96 : index
          %swap3A_1010 = tpu.vector_load %arg5[%swap3A_1007, %swap3A_1008, %swap3A_1009] {strides = array<i32>} : memref<3x80x128xf32, #tpu.memory_space<vmem>>, vector<1x1x16xf32>,
          %swap3A_1011 = vector.shape_cast %swap3A_1010 : vector<1x1x16xf32> to vector<16xf32>
          %swap3A_1012 = vector.shape_cast %mul3A_1005 : vector<16xf32> to vector<1x1x16xf32>
          tpu.vector_store %arg5[%swap3A_1007, %swap3A_1008, %swap3A_1009], %swap3A_1012 {strides = array<i32>} : memref<3x80x128xf32, #tpu.memory_space<vmem>>, vector<1x1x16xf32>,
          %get3A_1013 = arith.constant 1 : i32
          %get3A_1014 = arith.index_cast %get3A_1013 : i32 to index
          %get3A_1015 = arith.index_cast %add3A_909 : i32 to index
          %get3A_1016 = arith.constant 112 : index
          %get3A_1017 = tpu.vector_load %arg4[%get3A_1014, %get3A_1015, %get3A_1016] {strides = array<i32>} : memref<3x80x128xf32, #tpu.memory_space<vmem>>, vector<1x1x16xf32>,
          %get3A_1018 = vector.shape_cast %get3A_1017 : vector<1x1x16xf32> to vector<16xf32>
          %mul3A_1019 = arith.mulf %get3A_1018, %gather3A_914 : vector<16xf32>
          %swap3A_1020 = arith.constant 1 : i32
          %swap3A_1021 = arith.index_cast %swap3A_1020 : i32 to index
          %swap3A_1022 = arith.index_cast %add3A_909 : i32 to index
          %swap3A_1023 = arith.constant 112 : index
          %swap3A_1024 = tpu.vector_load %arg5[%swap3A_1021, %swap3A_1022, %swap3A_1023] {strides = array<i32>} : memref<3x80x128xf32, #tpu.memory_space<vmem>>, vector<1x1x16xf32>,
          %swap3A_1025 = vector.shape_cast %swap3A_1024 : vector<1x1x16xf32> to vector<16xf32>
          %swap3A_1026 = vector.shape_cast %mul3A_1019 : vector<16xf32> to vector<1x1x16xf32>
          tpu.vector_store %arg5[%swap3A_1021, %swap3A_1022, %swap3A_1023], %swap3A_1026 {strides = array<i32>} : memref<3x80x128xf32, #tpu.memory_space<vmem>>, vector<1x1x16xf32>,
        }
        %scan3A_146 = arith.constant 20 : i32
        %mul3A_147 = arith.constant 80 : i32
        %mul3A_148 = arith.muli %add3A_97, %mul3A_147 : i32
        %dma_start3A_149 = arith.constant 1 : i32
        %dma_start3A_150 = arith.constant 0 : i32
        %dma_start3A_151 = arith.constant 0 : i32
        %dma_start3A_152 = tpu.memref_slice %arg5[%dma_start3A_149, %dma_start3A_150, %dma_start3A_151] : memref<3x80x128xf32, #tpu.memory_space<vmem>> -> memref<1x80x128xf32, #tpu.memory_space<vmem>>
        %dma_start3A_153 = tpu.memref_squeeze %dma_start3A_152 : memref<1x80x128xf32, #tpu.memory_space<vmem>> -> memref<80x128xf32, #tpu.memory_space<vmem>>
        %dma_start3A_154 = arith.constant 0 : i32
        %dma_start3A_155 = tpu.memref_slice %arg3[%mul3A_148, %dma_start3A_154] : memref<100000x128xf32, #tpu.memory_space<hbm>> -> memref<80x128xf32, #tpu.memory_space<hbm>>
        %dma_start3A_156 = arith.constant 0 : i32
        %dma_start3A_157 = tpu.memref_slice %arg3[%mul3A_148, %dma_start3A_156] : memref<100000x128xf32, #tpu.memory_space<hbm>> -> memref<80x128xf32, #tpu.memory_space<hbm>>
        %dma_start3A_158 = arith.constant 0 : i32
        %dma_start3A_159 = arith.constant 0 : i32
        %dma_start3A_160 = tpu.memref_slice %arg5[%dma_start3A_149, %dma_start3A_158, %dma_start3A_159] : memref<3x80x128xf32, #tpu.memory_space<vmem>> -> memref<1x80x128xf32, #tpu.memory_space<vmem>>
        %dma_start3A_161 = tpu.memref_squeeze %dma_start3A_160 : memref<1x80x128xf32, #tpu.memory_space<vmem>> -> memref<80x128xf32, #tpu.memory_space<vmem>>
        tpu.enqueue_dma source(%dma_start3A_161 : memref<80x128xf32, #tpu.memory_space<vmem>>) target(%dma_start3A_157 : memref<80x128xf32, #tpu.memory_space<hbm>>) target_semaphore(%arg10 : memref<!tpu.dma_semaphore, #tpu.memory_space<semaphore_mem>>)
      } else {
      }
      %mul3A_103 = arith.constant 3 : i32
      %mul3A_104 = arith.muli %scan3A_81, %mul3A_103 : i32
      %add3A_105 = arith.constant 2 : i32
      %add3A_106 = arith.addi %mul3A_104, %add3A_105 : i32
      %mul3A_107 = arith.constant 32 : i32
      %mul3A_108 = arith.muli %add3A_106, %mul3A_107 : i32
      %add3A_109 = arith.addi %add3A, %mul3A_108 : i32
      %lt3A_110 = arith.constant 1250 : i32
      %lt3A_111 = arith.cmpi slt, %add3A_109, %lt3A_110 : i32
      %convert_element_type3A_112 = arith.extui %lt3A_111 : i1 to i32
      %cond3A_113 = arith.constant 0 : i32
      %cond3A_114 = arith.cmpi ne, %convert_element_type3A_112, %cond3A_113 : i32
      scf.if %cond3A_114 {
        %add3A_115 = arith.constant 64 : i32
        %add3A_116 = arith.addi %add3A_109, %add3A_115 : i32
        %lt3A_117 = arith.constant 1250 : i32
        %lt3A_118 = arith.cmpi slt, %add3A_116, %lt3A_117 : i32
        %convert_element_type3A_119 = arith.extui %lt3A_118 : i1 to i32
        %cond3A_120 = arith.constant 0 : i32
        %cond3A_121 = arith.cmpi ne, %convert_element_type3A_119, %cond3A_120 : i32
        scf.if %cond3A_121 {
          %add3A_162 = arith.constant 64 : i32
          %add3A_163 = arith.addi %add3A_109, %add3A_162 : i32
          %mul3A_164 = arith.constant 80 : i32
          %mul3A_165 = arith.muli %add3A_163, %mul3A_164 : i32
          %dma_start3A_166 = arith.constant 1 : i32
          %dma_start3A_167 = arith.constant 0 : i32
          %dma_start3A_168 = arith.constant 0 : i32
          %dma_start3A_169 = tpu.memref_slice %arg4[%dma_start3A_166, %dma_start3A_167, %dma_start3A_168] : memref<3x80x128xf32, #tpu.memory_space<vmem>> -> memref<1x80x128xf32, #tpu.memory_space<vmem>>
          %dma_start3A_170 = tpu.memref_squeeze %dma_start3A_169 : memref<1x80x128xf32, #tpu.memory_space<vmem>> -> memref<80x128xf32, #tpu.memory_space<vmem>>
          %dma_start3A_171 = arith.constant 0 : i32
          %dma_start3A_172 = tpu.memref_slice %arg2[%mul3A_165, %dma_start3A_171] : memref<100000x128xf32, #tpu.memory_space<hbm>> -> memref<80x128xf32, #tpu.memory_space<hbm>>
          %dma_start3A_173 = arith.constant 0 : i32
          %dma_start3A_174 = arith.constant 0 : i32
          %dma_start3A_175 = tpu.memref_slice %arg4[%dma_start3A_166, %dma_start3A_173, %dma_start3A_174] : memref<3x80x128xf32, #tpu.memory_space<vmem>> -> memref<1x80x128xf32, #tpu.memory_space<vmem>>
          %dma_start3A_176 = tpu.memref_squeeze %dma_start3A_175 : memref<1x80x128xf32, #tpu.memory_space<vmem>> -> memref<80x128xf32, #tpu.memory_space<vmem>>
          %dma_start3A_177 = arith.constant 0 : i32
          %dma_start3A_178 = tpu.memref_slice %arg2[%mul3A_165, %dma_start3A_177] : memref<100000x128xf32, #tpu.memory_space<hbm>> -> memref<80x128xf32, #tpu.memory_space<hbm>>
          tpu.enqueue_dma source(%dma_start3A_178 : memref<80x128xf32, #tpu.memory_space<hbm>>) target(%dma_start3A_176 : memref<80x128xf32, #tpu.memory_space<vmem>>) target_semaphore(%arg7 : memref<!tpu.dma_semaphore, #tpu.memory_space<semaphore_mem>>)
        } else {
        }
        %dma_wait3A_122 = arith.constant 2 : i32
        %dma_wait3A_123 = arith.constant 0 : i32
        %dma_wait3A_124 = arith.constant 0 : i32
        %dma_wait3A_125 = tpu.memref_slice %arg4[%dma_wait3A_122, %dma_wait3A_123, %dma_wait3A_124] : memref<3x80x128xf32, #tpu.memory_space<vmem>> -> memref<1x80x128xf32, #tpu.memory_space<vmem>>
        %dma_wait3A_126 = tpu.memref_squeeze %dma_wait3A_125 : memref<1x80x128xf32, #tpu.memory_space<vmem>> -> memref<80x128xf32, #tpu.memory_space<vmem>>
        %dma_wait3A_127 = arith.constant 0 : i32
        %dma_wait3A_128 = arith.constant 0 : i32
        %dma_wait3A_129 = tpu.memref_slice %arg2[%dma_wait3A_127, %dma_wait3A_128] : memref<100000x128xf32, #tpu.memory_space<hbm>> -> memref<80x128xf32, #tpu.memory_space<hbm>>
        %dma_wait3A_130 = arith.constant 0 : i32
        %dma_wait3A_131 = arith.constant 0 : i32
        %dma_wait3A_132 = tpu.memref_slice %arg4[%dma_wait3A_122, %dma_wait3A_130, %dma_wait3A_131] : memref<3x80x128xf32, #tpu.memory_space<vmem>> -> memref<1x80x128xf32, #tpu.memory_space<vmem>>
        %dma_wait3A_133 = tpu.memref_squeeze %dma_wait3A_132 : memref<1x80x128xf32, #tpu.memory_space<vmem>> -> memref<80x128xf32, #tpu.memory_space<vmem>>
        %dma_wait3A_134 = arith.constant 0 : i32
        %dma_wait3A_135 = arith.constant 0 : i32
        %dma_wait3A_136 = tpu.memref_slice %arg2[%dma_wait3A_134, %dma_wait3A_135] : memref<100000x128xf32, #tpu.memory_space<hbm>> -> memref<80x128xf32, #tpu.memory_space<hbm>>
        tpu.wait_dma2 semaphore(%arg8 : memref<!tpu.dma_semaphore, #tpu.memory_space<semaphore_mem>>) src(%dma_wait3A_136 : memref<80x128xf32, #tpu.memory_space<hbm>>) dst(%dma_wait3A_133 : memref<80x128xf32, #tpu.memory_space<vmem>>)
        %ge3A = arith.constant 3 : i32
        %ge3A_137 = arith.cmpi sge, %add3A_106, %ge3A : i32
        %convert_element_type3A_138 = arith.extui %ge3A_137 : i1 to i32
        %cond3A_139 = arith.constant 0 : i32
        %cond3A_140 = arith.cmpi ne, %convert_element_type3A_138, %cond3A_139 : i32
        scf.if %cond3A_140 {
          %dma_wait3A_162 = arith.constant 2 : i32
          %dma_wait3A_163 = arith.constant 0 : i32
          %dma_wait3A_164 = arith.constant 0 : i32
          %dma_wait3A_165 = tpu.memref_slice %arg5[%dma_wait3A_162, %dma_wait3A_163, %dma_wait3A_164] : memref<3x80x128xf32, #tpu.memory_space<vmem>> -> memref<1x80x128xf32, #tpu.memory_space<vmem>>
          %dma_wait3A_166 = tpu.memref_squeeze %dma_wait3A_165 : memref<1x80x128xf32, #tpu.memory_space<vmem>> -> memref<80x128xf32, #tpu.memory_space<vmem>>
          %dma_wait3A_167 = arith.constant 0 : i32
          %dma_wait3A_168 = arith.constant 0 : i32
          %dma_wait3A_169 = tpu.memref_slice %arg3[%dma_wait3A_167, %dma_wait3A_168] : memref<100000x128xf32, #tpu.memory_space<hbm>> -> memref<80x128xf32, #tpu.memory_space<hbm>>
          %dma_wait3A_170 = arith.constant 0 : i32
          %dma_wait3A_171 = arith.constant 0 : i32
          %dma_wait3A_172 = tpu.memref_slice %arg3[%dma_wait3A_170, %dma_wait3A_171] : memref<100000x128xf32, #tpu.memory_space<hbm>> -> memref<80x128xf32, #tpu.memory_space<hbm>>
          %dma_wait3A_173 = arith.constant 0 : i32
          %dma_wait3A_174 = arith.constant 0 : i32
          %dma_wait3A_175 = tpu.memref_slice %arg5[%dma_wait3A_162, %dma_wait3A_173, %dma_wait3A_174] : memref<3x80x128xf32, #tpu.memory_space<vmem>> -> memref<1x80x128xf32, #tpu.memory_space<vmem>>
          %dma_wait3A_176 = tpu.memref_squeeze %dma_wait3A_175 : memref<1x80x128xf32, #tpu.memory_space<vmem>> -> memref<80x128xf32, #tpu.memory_space<vmem>>
          tpu.wait_dma2 semaphore(%arg11 : memref<!tpu.dma_semaphore, #tpu.memory_space<semaphore_mem>>) src(%dma_wait3A_176 : memref<80x128xf32, #tpu.memory_space<vmem>>) dst(%dma_wait3A_172 : memref<80x128xf32, #tpu.memory_space<hbm>>)
        } else {
        }
        %iota3A = tpu.iota {dimensions = array<i32: 0>} : vector<16xi32>
        %scan3A_141 = arith.constant 0 : i32
        %scan3A_142 = arith.constant 0 : i32
        %scan3A_143 = arith.constant 20 : i32
        %scan3A_144 = arith.addi %scan3A_142, %scan3A_143 : i32
        %scan3A_145 = arith.constant 1 : i32
        scf.for %scan3A_162 = %scan3A_142 to %scan3A_144 step %scan3A_145  : i32 {
          %mul3A_163 = arith.constant 4 : i32
          %mul3A_164 = arith.muli %scan3A_162, %mul3A_163 : i32
          %add3A_165 = arith.constant 0 : i32
          %add3A_166 = arith.addi %mul3A_164, %add3A_165 : i32
          %get3A = arith.constant 2 : i32
          %get3A_167 = arith.index_cast %get3A : i32 to index
          %get3A_168 = arith.index_cast %add3A_166 : i32 to index
          %get3A_169 = arith.constant 0 : index
          %get3A_170 = tpu.vector_load %arg4[%get3A_167, %get3A_168, %get3A_169] {strides = array<i32>} : memref<3x80x128xf32, #tpu.memory_space<vmem>>, vector<1x1x16xf32>,
          %get3A_171 = vector.shape_cast %get3A_170 : vector<1x1x16xf32> to vector<16xf32>
          %get3A_172 = arith.constant 2 : i32
          %get3A_173 = arith.index_cast %get3A_172 : i32 to index
          %get3A_174 = arith.index_cast %add3A_166 : i32 to index
          %get3A_175 = arith.constant 16 : index
          %get3A_176 = tpu.vector_load %arg4[%get3A_173, %get3A_174, %get3A_175] {strides = array<i32>} : memref<3x80x128xf32, #tpu.memory_space<vmem>>, vector<1x1x16xf32>,
          %get3A_177 = vector.shape_cast %get3A_176 : vector<1x1x16xf32> to vector<16xf32>
          %get3A_178 = arith.constant 2 : i32
          %get3A_179 = arith.index_cast %get3A_178 : i32 to index
          %get3A_180 = arith.index_cast %add3A_166 : i32 to index
          %get3A_181 = arith.constant 32 : index
          %get3A_182 = tpu.vector_load %arg4[%get3A_179, %get3A_180, %get3A_181] {strides = array<i32>} : memref<3x80x128xf32, #tpu.memory_space<vmem>>, vector<1x1x16xf32>,
          %get3A_183 = vector.shape_cast %get3A_182 : vector<1x1x16xf32> to vector<16xf32>
          %get3A_184 = arith.constant 2 : i32
          %get3A_185 = arith.index_cast %get3A_184 : i32 to index
          %get3A_186 = arith.index_cast %add3A_166 : i32 to index
          %get3A_187 = arith.constant 48 : index
          %get3A_188 = tpu.vector_load %arg4[%get3A_185, %get3A_186, %get3A_187] {strides = array<i32>} : memref<3x80x128xf32, #tpu.memory_space<vmem>>, vector<1x1x16xf32>,
          %get3A_189 = vector.shape_cast %get3A_188 : vector<1x1x16xf32> to vector<16xf32>
          %get3A_190 = arith.constant 2 : i32
          %get3A_191 = arith.index_cast %get3A_190 : i32 to index
          %get3A_192 = arith.index_cast %add3A_166 : i32 to index
          %get3A_193 = arith.constant 64 : index
          %get3A_194 = tpu.vector_load %arg4[%get3A_191, %get3A_192, %get3A_193] {strides = array<i32>} : memref<3x80x128xf32, #tpu.memory_space<vmem>>, vector<1x1x16xf32>,
          %get3A_195 = vector.shape_cast %get3A_194 : vector<1x1x16xf32> to vector<16xf32>
          %get3A_196 = arith.constant 2 : i32
          %get3A_197 = arith.index_cast %get3A_196 : i32 to index
          %get3A_198 = arith.index_cast %add3A_166 : i32 to index
          %get3A_199 = arith.constant 80 : index
          %get3A_200 = tpu.vector_load %arg4[%get3A_197, %get3A_198, %get3A_199] {strides = array<i32>} : memref<3x80x128xf32, #tpu.memory_space<vmem>>, vector<1x1x16xf32>,
          %get3A_201 = vector.shape_cast %get3A_200 : vector<1x1x16xf32> to vector<16xf32>
          %get3A_202 = arith.constant 2 : i32
          %get3A_203 = arith.index_cast %get3A_202 : i32 to index
          %get3A_204 = arith.index_cast %add3A_166 : i32 to index
          %get3A_205 = arith.constant 96 : index
          %get3A_206 = tpu.vector_load %arg4[%get3A_203, %get3A_204, %get3A_205] {strides = array<i32>} : memref<3x80x128xf32, #tpu.memory_space<vmem>>, vector<1x1x16xf32>,
          %get3A_207 = vector.shape_cast %get3A_206 : vector<1x1x16xf32> to vector<16xf32>
          %get3A_208 = arith.constant 2 : i32
          %get3A_209 = arith.index_cast %get3A_208 : i32 to index
          %get3A_210 = arith.index_cast %add3A_166 : i32 to index
          %get3A_211 = arith.constant 112 : index
          %get3A_212 = tpu.vector_load %arg4[%get3A_209, %get3A_210, %get3A_211] {strides = array<i32>} : memref<3x80x128xf32, #tpu.memory_space<vmem>>, vector<1x1x16xf32>,
          %get3A_213 = vector.shape_cast %get3A_212 : vector<1x1x16xf32> to vector<16xf32>
          %mul3A_214 = arith.mulf %get3A_171, %get3A_171 : vector<16xf32>
          %mul3A_215 = arith.mulf %get3A_177, %get3A_177 : vector<16xf32>
          %mul3A_216 = arith.mulf %get3A_183, %get3A_183 : vector<16xf32>
          %mul3A_217 = arith.mulf %get3A_189, %get3A_189 : vector<16xf32>
          %mul3A_218 = arith.mulf %get3A_195, %get3A_195 : vector<16xf32>
          %mul3A_219 = arith.mulf %get3A_201, %get3A_201 : vector<16xf32>
          %mul3A_220 = arith.mulf %get3A_207, %get3A_207 : vector<16xf32>
          %mul3A_221 = arith.mulf %get3A_213, %get3A_213 : vector<16xf32>
          %add3A_222 = arith.addf %mul3A_214, %mul3A_215 : vector<16xf32>
          %add3A_223 = arith.addf %mul3A_216, %mul3A_217 : vector<16xf32>
          %add3A_224 = arith.addf %mul3A_218, %mul3A_219 : vector<16xf32>
          %add3A_225 = arith.addf %mul3A_220, %mul3A_221 : vector<16xf32>
          %add3A_226 = arith.addf %add3A_222, %add3A_223 : vector<16xf32>
          %add3A_227 = arith.addf %add3A_224, %add3A_225 : vector<16xf32>
          %add3A_228 = arith.addf %add3A_226, %add3A_227 : vector<16xf32>
          %add3A_229 = arith.constant 1 : i32
          %add3A_230 = arith.addi %mul3A_164, %add3A_229 : i32
          %get3A_231 = arith.constant 2 : i32
          %get3A_232 = arith.index_cast %get3A_231 : i32 to index
          %get3A_233 = arith.index_cast %add3A_230 : i32 to index
          %get3A_234 = arith.constant 0 : index
          %get3A_235 = tpu.vector_load %arg4[%get3A_232, %get3A_233, %get3A_234] {strides = array<i32>} : memref<3x80x128xf32, #tpu.memory_space<vmem>>, vector<1x1x16xf32>,
          %get3A_236 = vector.shape_cast %get3A_235 : vector<1x1x16xf32> to vector<16xf32>
          %get3A_237 = arith.constant 2 : i32
          %get3A_238 = arith.index_cast %get3A_237 : i32 to index
          %get3A_239 = arith.index_cast %add3A_230 : i32 to index
          %get3A_240 = arith.constant 16 : index
          %get3A_241 = tpu.vector_load %arg4[%get3A_238, %get3A_239, %get3A_240] {strides = array<i32>} : memref<3x80x128xf32, #tpu.memory_space<vmem>>, vector<1x1x16xf32>,
          %get3A_242 = vector.shape_cast %get3A_241 : vector<1x1x16xf32> to vector<16xf32>
          %get3A_243 = arith.constant 2 : i32
          %get3A_244 = arith.index_cast %get3A_243 : i32 to index
          %get3A_245 = arith.index_cast %add3A_230 : i32 to index
          %get3A_246 = arith.constant 32 : index
          %get3A_247 = tpu.vector_load %arg4[%get3A_244, %get3A_245, %get3A_246] {strides = array<i32>} : memref<3x80x128xf32, #tpu.memory_space<vmem>>, vector<1x1x16xf32>,
          %get3A_248 = vector.shape_cast %get3A_247 : vector<1x1x16xf32> to vector<16xf32>
          %get3A_249 = arith.constant 2 : i32
          %get3A_250 = arith.index_cast %get3A_249 : i32 to index
          %get3A_251 = arith.index_cast %add3A_230 : i32 to index
          %get3A_252 = arith.constant 48 : index
          %get3A_253 = tpu.vector_load %arg4[%get3A_250, %get3A_251, %get3A_252] {strides = array<i32>} : memref<3x80x128xf32, #tpu.memory_space<vmem>>, vector<1x1x16xf32>,
          %get3A_254 = vector.shape_cast %get3A_253 : vector<1x1x16xf32> to vector<16xf32>
          %get3A_255 = arith.constant 2 : i32
          %get3A_256 = arith.index_cast %get3A_255 : i32 to index
          %get3A_257 = arith.index_cast %add3A_230 : i32 to index
          %get3A_258 = arith.constant 64 : index
          %get3A_259 = tpu.vector_load %arg4[%get3A_256, %get3A_257, %get3A_258] {strides = array<i32>} : memref<3x80x128xf32, #tpu.memory_space<vmem>>, vector<1x1x16xf32>,
          %get3A_260 = vector.shape_cast %get3A_259 : vector<1x1x16xf32> to vector<16xf32>
          %get3A_261 = arith.constant 2 : i32
          %get3A_262 = arith.index_cast %get3A_261 : i32 to index
          %get3A_263 = arith.index_cast %add3A_230 : i32 to index
          %get3A_264 = arith.constant 80 : index
          %get3A_265 = tpu.vector_load %arg4[%get3A_262, %get3A_263, %get3A_264] {strides = array<i32>} : memref<3x80x128xf32, #tpu.memory_space<vmem>>, vector<1x1x16xf32>,
          %get3A_266 = vector.shape_cast %get3A_265 : vector<1x1x16xf32> to vector<16xf32>
          %get3A_267 = arith.constant 2 : i32
          %get3A_268 = arith.index_cast %get3A_267 : i32 to index
          %get3A_269 = arith.index_cast %add3A_230 : i32 to index
          %get3A_270 = arith.constant 96 : index
          %get3A_271 = tpu.vector_load %arg4[%get3A_268, %get3A_269, %get3A_270] {strides = array<i32>} : memref<3x80x128xf32, #tpu.memory_space<vmem>>, vector<1x1x16xf32>,
          %get3A_272 = vector.shape_cast %get3A_271 : vector<1x1x16xf32> to vector<16xf32>
          %get3A_273 = arith.constant 2 : i32
          %get3A_274 = arith.index_cast %get3A_273 : i32 to index
          %get3A_275 = arith.index_cast %add3A_230 : i32 to index
          %get3A_276 = arith.constant 112 : index
          %get3A_277 = tpu.vector_load %arg4[%get3A_274, %get3A_275, %get3A_276] {strides = array<i32>} : memref<3x80x128xf32, #tpu.memory_space<vmem>>, vector<1x1x16xf32>,
          %get3A_278 = vector.shape_cast %get3A_277 : vector<1x1x16xf32> to vector<16xf32>
          %mul3A_279 = arith.mulf %get3A_236, %get3A_236 : vector<16xf32>
          %mul3A_280 = arith.mulf %get3A_242, %get3A_242 : vector<16xf32>
          %mul3A_281 = arith.mulf %get3A_248, %get3A_248 : vector<16xf32>
          %mul3A_282 = arith.mulf %get3A_254, %get3A_254 : vector<16xf32>
          %mul3A_283 = arith.mulf %get3A_260, %get3A_260 : vector<16xf32>
          %mul3A_284 = arith.mulf %get3A_266, %get3A_266 : vector<16xf32>
          %mul3A_285 = arith.mulf %get3A_272, %get3A_272 : vector<16xf32>
          %mul3A_286 = arith.mulf %get3A_278, %get3A_278 : vector<16xf32>
          %add3A_287 = arith.addf %mul3A_279, %mul3A_280 : vector<16xf32>
          %add3A_288 = arith.addf %mul3A_281, %mul3A_282 : vector<16xf32>
          %add3A_289 = arith.addf %mul3A_283, %mul3A_284 : vector<16xf32>
          %add3A_290 = arith.addf %mul3A_285, %mul3A_286 : vector<16xf32>
          %add3A_291 = arith.addf %add3A_287, %add3A_288 : vector<16xf32>
          %add3A_292 = arith.addf %add3A_289, %add3A_290 : vector<16xf32>
          %add3A_293 = arith.addf %add3A_291, %add3A_292 : vector<16xf32>
          %add3A_294 = arith.constant 2 : i32
          %add3A_295 = arith.addi %mul3A_164, %add3A_294 : i32
          %get3A_296 = arith.constant 2 : i32
          %get3A_297 = arith.index_cast %get3A_296 : i32 to index
          %get3A_298 = arith.index_cast %add3A_295 : i32 to index
          %get3A_299 = arith.constant 0 : index
          %get3A_300 = tpu.vector_load %arg4[%get3A_297, %get3A_298, %get3A_299] {strides = array<i32>} : memref<3x80x128xf32, #tpu.memory_space<vmem>>, vector<1x1x16xf32>,
          %get3A_301 = vector.shape_cast %get3A_300 : vector<1x1x16xf32> to vector<16xf32>
          %get3A_302 = arith.constant 2 : i32
          %get3A_303 = arith.index_cast %get3A_302 : i32 to index
          %get3A_304 = arith.index_cast %add3A_295 : i32 to index
          %get3A_305 = arith.constant 16 : index
          %get3A_306 = tpu.vector_load %arg4[%get3A_303, %get3A_304, %get3A_305] {strides = array<i32>} : memref<3x80x128xf32, #tpu.memory_space<vmem>>, vector<1x1x16xf32>,
          %get3A_307 = vector.shape_cast %get3A_306 : vector<1x1x16xf32> to vector<16xf32>
          %get3A_308 = arith.constant 2 : i32
          %get3A_309 = arith.index_cast %get3A_308 : i32 to index
          %get3A_310 = arith.index_cast %add3A_295 : i32 to index
          %get3A_311 = arith.constant 32 : index
          %get3A_312 = tpu.vector_load %arg4[%get3A_309, %get3A_310, %get3A_311] {strides = array<i32>} : memref<3x80x128xf32, #tpu.memory_space<vmem>>, vector<1x1x16xf32>,
          %get3A_313 = vector.shape_cast %get3A_312 : vector<1x1x16xf32> to vector<16xf32>
          %get3A_314 = arith.constant 2 : i32
          %get3A_315 = arith.index_cast %get3A_314 : i32 to index
          %get3A_316 = arith.index_cast %add3A_295 : i32 to index
          %get3A_317 = arith.constant 48 : index
          %get3A_318 = tpu.vector_load %arg4[%get3A_315, %get3A_316, %get3A_317] {strides = array<i32>} : memref<3x80x128xf32, #tpu.memory_space<vmem>>, vector<1x1x16xf32>,
          %get3A_319 = vector.shape_cast %get3A_318 : vector<1x1x16xf32> to vector<16xf32>
          %get3A_320 = arith.constant 2 : i32
          %get3A_321 = arith.index_cast %get3A_320 : i32 to index
          %get3A_322 = arith.index_cast %add3A_295 : i32 to index
          %get3A_323 = arith.constant 64 : index
          %get3A_324 = tpu.vector_load %arg4[%get3A_321, %get3A_322, %get3A_323] {strides = array<i32>} : memref<3x80x128xf32, #tpu.memory_space<vmem>>, vector<1x1x16xf32>,
          %get3A_325 = vector.shape_cast %get3A_324 : vector<1x1x16xf32> to vector<16xf32>
          %get3A_326 = arith.constant 2 : i32
          %get3A_327 = arith.index_cast %get3A_326 : i32 to index
          %get3A_328 = arith.index_cast %add3A_295 : i32 to index
          %get3A_329 = arith.constant 80 : index
          %get3A_330 = tpu.vector_load %arg4[%get3A_327, %get3A_328, %get3A_329] {strides = array<i32>} : memref<3x80x128xf32, #tpu.memory_space<vmem>>, vector<1x1x16xf32>,
          %get3A_331 = vector.shape_cast %get3A_330 : vector<1x1x16xf32> to vector<16xf32>
          %get3A_332 = arith.constant 2 : i32
          %get3A_333 = arith.index_cast %get3A_332 : i32 to index
          %get3A_334 = arith.index_cast %add3A_295 : i32 to index
          %get3A_335 = arith.constant 96 : index
          %get3A_336 = tpu.vector_load %arg4[%get3A_333, %get3A_334, %get3A_335] {strides = array<i32>} : memref<3x80x128xf32, #tpu.memory_space<vmem>>, vector<1x1x16xf32>,
          %get3A_337 = vector.shape_cast %get3A_336 : vector<1x1x16xf32> to vector<16xf32>
          %get3A_338 = arith.constant 2 : i32
          %get3A_339 = arith.index_cast %get3A_338 : i32 to index
          %get3A_340 = arith.index_cast %add3A_295 : i32 to index
          %get3A_341 = arith.constant 112 : index
          %get3A_342 = tpu.vector_load %arg4[%get3A_339, %get3A_340, %get3A_341] {strides = array<i32>} : memref<3x80x128xf32, #tpu.memory_space<vmem>>, vector<1x1x16xf32>,
          %get3A_343 = vector.shape_cast %get3A_342 : vector<1x1x16xf32> to vector<16xf32>
          %mul3A_344 = arith.mulf %get3A_301, %get3A_301 : vector<16xf32>
          %mul3A_345 = arith.mulf %get3A_307, %get3A_307 : vector<16xf32>
          %mul3A_346 = arith.mulf %get3A_313, %get3A_313 : vector<16xf32>
          %mul3A_347 = arith.mulf %get3A_319, %get3A_319 : vector<16xf32>
          %mul3A_348 = arith.mulf %get3A_325, %get3A_325 : vector<16xf32>
          %mul3A_349 = arith.mulf %get3A_331, %get3A_331 : vector<16xf32>
          %mul3A_350 = arith.mulf %get3A_337, %get3A_337 : vector<16xf32>
          %mul3A_351 = arith.mulf %get3A_343, %get3A_343 : vector<16xf32>
          %add3A_352 = arith.addf %mul3A_344, %mul3A_345 : vector<16xf32>
          %add3A_353 = arith.addf %mul3A_346, %mul3A_347 : vector<16xf32>
          %add3A_354 = arith.addf %mul3A_348, %mul3A_349 : vector<16xf32>
          %add3A_355 = arith.addf %mul3A_350, %mul3A_351 : vector<16xf32>
          %add3A_356 = arith.addf %add3A_352, %add3A_353 : vector<16xf32>
          %add3A_357 = arith.addf %add3A_354, %add3A_355 : vector<16xf32>
          %add3A_358 = arith.addf %add3A_356, %add3A_357 : vector<16xf32>
          %add3A_359 = arith.constant 3 : i32
          %add3A_360 = arith.addi %mul3A_164, %add3A_359 : i32
          %get3A_361 = arith.constant 2 : i32
          %get3A_362 = arith.index_cast %get3A_361 : i32 to index
          %get3A_363 = arith.index_cast %add3A_360 : i32 to index
          %get3A_364 = arith.constant 0 : index
          %get3A_365 = tpu.vector_load %arg4[%get3A_362, %get3A_363, %get3A_364] {strides = array<i32>} : memref<3x80x128xf32, #tpu.memory_space<vmem>>, vector<1x1x16xf32>,
          %get3A_366 = vector.shape_cast %get3A_365 : vector<1x1x16xf32> to vector<16xf32>
          %get3A_367 = arith.constant 2 : i32
          %get3A_368 = arith.index_cast %get3A_367 : i32 to index
          %get3A_369 = arith.index_cast %add3A_360 : i32 to index
          %get3A_370 = arith.constant 16 : index
          %get3A_371 = tpu.vector_load %arg4[%get3A_368, %get3A_369, %get3A_370] {strides = array<i32>} : memref<3x80x128xf32, #tpu.memory_space<vmem>>, vector<1x1x16xf32>,
          %get3A_372 = vector.shape_cast %get3A_371 : vector<1x1x16xf32> to vector<16xf32>
          %get3A_373 = arith.constant 2 : i32
          %get3A_374 = arith.index_cast %get3A_373 : i32 to index
          %get3A_375 = arith.index_cast %add3A_360 : i32 to index
          %get3A_376 = arith.constant 32 : index
          %get3A_377 = tpu.vector_load %arg4[%get3A_374, %get3A_375, %get3A_376] {strides = array<i32>} : memref<3x80x128xf32, #tpu.memory_space<vmem>>, vector<1x1x16xf32>,
          %get3A_378 = vector.shape_cast %get3A_377 : vector<1x1x16xf32> to vector<16xf32>
          %get3A_379 = arith.constant 2 : i32
          %get3A_380 = arith.index_cast %get3A_379 : i32 to index
          %get3A_381 = arith.index_cast %add3A_360 : i32 to index
          %get3A_382 = arith.constant 48 : index
          %get3A_383 = tpu.vector_load %arg4[%get3A_380, %get3A_381, %get3A_382] {strides = array<i32>} : memref<3x80x128xf32, #tpu.memory_space<vmem>>, vector<1x1x16xf32>,
          %get3A_384 = vector.shape_cast %get3A_383 : vector<1x1x16xf32> to vector<16xf32>
          %get3A_385 = arith.constant 2 : i32
          %get3A_386 = arith.index_cast %get3A_385 : i32 to index
          %get3A_387 = arith.index_cast %add3A_360 : i32 to index
          %get3A_388 = arith.constant 64 : index
          %get3A_389 = tpu.vector_load %arg4[%get3A_386, %get3A_387, %get3A_388] {strides = array<i32>} : memref<3x80x128xf32, #tpu.memory_space<vmem>>, vector<1x1x16xf32>,
          %get3A_390 = vector.shape_cast %get3A_389 : vector<1x1x16xf32> to vector<16xf32>
          %get3A_391 = arith.constant 2 : i32
          %get3A_392 = arith.index_cast %get3A_391 : i32 to index
          %get3A_393 = arith.index_cast %add3A_360 : i32 to index
          %get3A_394 = arith.constant 80 : index
          %get3A_395 = tpu.vector_load %arg4[%get3A_392, %get3A_393, %get3A_394] {strides = array<i32>} : memref<3x80x128xf32, #tpu.memory_space<vmem>>, vector<1x1x16xf32>,
          %get3A_396 = vector.shape_cast %get3A_395 : vector<1x1x16xf32> to vector<16xf32>
          %get3A_397 = arith.constant 2 : i32
          %get3A_398 = arith.index_cast %get3A_397 : i32 to index
          %get3A_399 = arith.index_cast %add3A_360 : i32 to index
          %get3A_400 = arith.constant 96 : index
          %get3A_401 = tpu.vector_load %arg4[%get3A_398, %get3A_399, %get3A_400] {strides = array<i32>} : memref<3x80x128xf32, #tpu.memory_space<vmem>>, vector<1x1x16xf32>,
          %get3A_402 = vector.shape_cast %get3A_401 : vector<1x1x16xf32> to vector<16xf32>
          %get3A_403 = arith.constant 2 : i32
          %get3A_404 = arith.index_cast %get3A_403 : i32 to index
          %get3A_405 = arith.index_cast %add3A_360 : i32 to index
          %get3A_406 = arith.constant 112 : index
          %get3A_407 = tpu.vector_load %arg4[%get3A_404, %get3A_405, %get3A_406] {strides = array<i32>} : memref<3x80x128xf32, #tpu.memory_space<vmem>>, vector<1x1x16xf32>,
          %get3A_408 = vector.shape_cast %get3A_407 : vector<1x1x16xf32> to vector<16xf32>
          %mul3A_409 = arith.mulf %get3A_366, %get3A_366 : vector<16xf32>
          %mul3A_410 = arith.mulf %get3A_372, %get3A_372 : vector<16xf32>
          %mul3A_411 = arith.mulf %get3A_378, %get3A_378 : vector<16xf32>
          %mul3A_412 = arith.mulf %get3A_384, %get3A_384 : vector<16xf32>
          %mul3A_413 = arith.mulf %get3A_390, %get3A_390 : vector<16xf32>
          %mul3A_414 = arith.mulf %get3A_396, %get3A_396 : vector<16xf32>
          %mul3A_415 = arith.mulf %get3A_402, %get3A_402 : vector<16xf32>
          %mul3A_416 = arith.mulf %get3A_408, %get3A_408 : vector<16xf32>
          %add3A_417 = arith.addf %mul3A_409, %mul3A_410 : vector<16xf32>
          %add3A_418 = arith.addf %mul3A_411, %mul3A_412 : vector<16xf32>
          %add3A_419 = arith.addf %mul3A_413, %mul3A_414 : vector<16xf32>
          %add3A_420 = arith.addf %mul3A_415, %mul3A_416 : vector<16xf32>
          %add3A_421 = arith.addf %add3A_417, %add3A_418 : vector<16xf32>
          %add3A_422 = arith.addf %add3A_419, %add3A_420 : vector<16xf32>
          %add3A_423 = arith.addf %add3A_421, %add3A_422 : vector<16xf32>
          %broadcast_in_dim3A = arith.constant 1 : i32
          %broadcast_in_dim3A_424 = vector.broadcast %broadcast_in_dim3A : i32 to vector<16xi32>
          %xor3A = arith.xori %iota3A, %broadcast_in_dim3A_424 : vector<16xi32>
          %broadcast_in_dim3A_425 = vector.shape_cast %xor3A : vector<16xi32> to vector<16x1xi32>
          %gather3A = vector.shape_cast %broadcast_in_dim3A_425 : vector<16x1xi32> to vector<16xi32>
          %gather3A_426 = tpu.dynamic_gather %add3A_228[%gather3A] in [0] : vector<16xf32>, vector<16xi32> -> vector<16xf32>
          %broadcast_in_dim3A_427 = arith.constant 1 : i32
          %broadcast_in_dim3A_428 = vector.broadcast %broadcast_in_dim3A_427 : i32 to vector<16xi32>
          %xor3A_429 = arith.xori %iota3A, %broadcast_in_dim3A_428 : vector<16xi32>
          %broadcast_in_dim3A_430 = vector.shape_cast %xor3A_429 : vector<16xi32> to vector<16x1xi32>
          %gather3A_431 = vector.shape_cast %broadcast_in_dim3A_430 : vector<16x1xi32> to vector<16xi32>
          %gather3A_432 = tpu.dynamic_gather %add3A_293[%gather3A_431] in [0] : vector<16xf32>, vector<16xi32> -> vector<16xf32>
          %broadcast_in_dim3A_433 = arith.constant 1 : i32
          %broadcast_in_dim3A_434 = vector.broadcast %broadcast_in_dim3A_433 : i32 to vector<16xi32>
          %broadcast_in_dim3A_435 = arith.constant 0 : i32
          %broadcast_in_dim3A_436 = vector.broadcast %broadcast_in_dim3A_435 : i32 to vector<16xi32>
          %and3A = arith.andi %iota3A, %broadcast_in_dim3A_434 : vector<16xi32>
          %eq3A = arith.cmpi eq, %and3A, %broadcast_in_dim3A_436 : vector<16xi32>
          %add3A_437 = arith.addf %add3A_228, %gather3A_426 : vector<16xf32>
          %add3A_438 = arith.addf %add3A_293, %gather3A_432 : vector<16xf32>
          %select_n3A = arith.select %eq3A, %add3A_437, %add3A_438 : vector<16xi1>, vector<16xf32>
          %broadcast_in_dim3A_439 = arith.constant 1 : i32
          %broadcast_in_dim3A_440 = vector.broadcast %broadcast_in_dim3A_439 : i32 to vector<16xi32>
          %xor3A_441 = arith.xori %iota3A, %broadcast_in_dim3A_440 : vector<16xi32>
          %broadcast_in_dim3A_442 = vector.shape_cast %xor3A_441 : vector<16xi32> to vector<16x1xi32>
          %gather3A_443 = vector.shape_cast %broadcast_in_dim3A_442 : vector<16x1xi32> to vector<16xi32>
          %gather3A_444 = tpu.dynamic_gather %add3A_358[%gather3A_443] in [0] : vector<16xf32>, vector<16xi32> -> vector<16xf32>
          %broadcast_in_dim3A_445 = arith.constant 1 : i32
          %broadcast_in_dim3A_446 = vector.broadcast %broadcast_in_dim3A_445 : i32 to vector<16xi32>
          %xor3A_447 = arith.xori %iota3A, %broadcast_in_dim3A_446 : vector<16xi32>
          %broadcast_in_dim3A_448 = vector.shape_cast %xor3A_447 : vector<16xi32> to vector<16x1xi32>
          %gather3A_449 = vector.shape_cast %broadcast_in_dim3A_448 : vector<16x1xi32> to vector<16xi32>
          %gather3A_450 = tpu.dynamic_gather %add3A_423[%gather3A_449] in [0] : vector<16xf32>, vector<16xi32> -> vector<16xf32>
          %broadcast_in_dim3A_451 = arith.constant 1 : i32
          %broadcast_in_dim3A_452 = vector.broadcast %broadcast_in_dim3A_451 : i32 to vector<16xi32>
          %broadcast_in_dim3A_453 = arith.constant 0 : i32
          %broadcast_in_dim3A_454 = vector.broadcast %broadcast_in_dim3A_453 : i32 to vector<16xi32>
          %and3A_455 = arith.andi %iota3A, %broadcast_in_dim3A_452 : vector<16xi32>
          %eq3A_456 = arith.cmpi eq, %and3A_455, %broadcast_in_dim3A_454 : vector<16xi32>
          %add3A_457 = arith.addf %add3A_358, %gather3A_444 : vector<16xf32>
          %add3A_458 = arith.addf %add3A_423, %gather3A_450 : vector<16xf32>
          %select_n3A_459 = arith.select %eq3A_456, %add3A_457, %add3A_458 : vector<16xi1>, vector<16xf32>
          %broadcast_in_dim3A_460 = arith.constant 2 : i32
          %broadcast_in_dim3A_461 = vector.broadcast %broadcast_in_dim3A_460 : i32 to vector<16xi32>
          %xor3A_462 = arith.xori %iota3A, %broadcast_in_dim3A_461 : vector<16xi32>
          %broadcast_in_dim3A_463 = vector.shape_cast %xor3A_462 : vector<16xi32> to vector<16x1xi32>
          %gather3A_464 = vector.shape_cast %broadcast_in_dim3A_463 : vector<16x1xi32> to vector<16xi32>
          %gather3A_465 = tpu.dynamic_gather %select_n3A[%gather3A_464] in [0] : vector<16xf32>, vector<16xi32> -> vector<16xf32>
          %broadcast_in_dim3A_466 = arith.constant 2 : i32
          %broadcast_in_dim3A_467 = vector.broadcast %broadcast_in_dim3A_466 : i32 to vector<16xi32>
          %xor3A_468 = arith.xori %iota3A, %broadcast_in_dim3A_467 : vector<16xi32>
          %broadcast_in_dim3A_469 = vector.shape_cast %xor3A_468 : vector<16xi32> to vector<16x1xi32>
          %gather3A_470 = vector.shape_cast %broadcast_in_dim3A_469 : vector<16x1xi32> to vector<16xi32>
          %gather3A_471 = tpu.dynamic_gather %select_n3A_459[%gather3A_470] in [0] : vector<16xf32>, vector<16xi32> -> vector<16xf32>
          %broadcast_in_dim3A_472 = arith.constant 2 : i32
          %broadcast_in_dim3A_473 = vector.broadcast %broadcast_in_dim3A_472 : i32 to vector<16xi32>
          %broadcast_in_dim3A_474 = arith.constant 0 : i32
          %broadcast_in_dim3A_475 = vector.broadcast %broadcast_in_dim3A_474 : i32 to vector<16xi32>
          %and3A_476 = arith.andi %iota3A, %broadcast_in_dim3A_473 : vector<16xi32>
          %eq3A_477 = arith.cmpi eq, %and3A_476, %broadcast_in_dim3A_475 : vector<16xi32>
          %add3A_478 = arith.addf %select_n3A, %gather3A_465 : vector<16xf32>
          %add3A_479 = arith.addf %select_n3A_459, %gather3A_471 : vector<16xf32>
          %select_n3A_480 = arith.select %eq3A_477, %add3A_478, %add3A_479 : vector<16xi1>, vector<16xf32>
          %broadcast_in_dim3A_481 = arith.constant 4 : i32
          %broadcast_in_dim3A_482 = vector.broadcast %broadcast_in_dim3A_481 : i32 to vector<16xi32>
          %xor3A_483 = arith.xori %iota3A, %broadcast_in_dim3A_482 : vector<16xi32>
          %broadcast_in_dim3A_484 = vector.shape_cast %xor3A_483 : vector<16xi32> to vector<16x1xi32>
          %gather3A_485 = vector.shape_cast %broadcast_in_dim3A_484 : vector<16x1xi32> to vector<16xi32>
          %gather3A_486 = tpu.dynamic_gather %select_n3A_480[%gather3A_485] in [0] : vector<16xf32>, vector<16xi32> -> vector<16xf32>
          %add3A_487 = arith.addf %select_n3A_480, %gather3A_486 : vector<16xf32>
          %broadcast_in_dim3A_488 = arith.constant 8 : i32
          %broadcast_in_dim3A_489 = vector.broadcast %broadcast_in_dim3A_488 : i32 to vector<16xi32>
          %xor3A_490 = arith.xori %iota3A, %broadcast_in_dim3A_489 : vector<16xi32>
          %broadcast_in_dim3A_491 = vector.shape_cast %xor3A_490 : vector<16xi32> to vector<16x1xi32>
          %gather3A_492 = vector.shape_cast %broadcast_in_dim3A_491 : vector<16x1xi32> to vector<16xi32>
          %gather3A_493 = tpu.dynamic_gather %add3A_487[%gather3A_492] in [0] : vector<16xf32>, vector<16xi32> -> vector<16xf32>
          %add3A_494 = arith.addf %add3A_487, %gather3A_493 : vector<16xf32>
          %bitcast_convert_type3A = tpu.bitcast %add3A_494 : vector<16xf32> -> vector<16xi32>
          %broadcast_in_dim3A_495 = arith.constant 1597463007 : i32
          %broadcast_in_dim3A_496 = vector.broadcast %broadcast_in_dim3A_495 : i32 to vector<16xi32>
          %broadcast_in_dim3A_497 = arith.constant 1 : i32
          %broadcast_in_dim3A_498 = vector.broadcast %broadcast_in_dim3A_497 : i32 to vector<16xi32>
          %shift_right_logical3A = arith.shrui %bitcast_convert_type3A, %broadcast_in_dim3A_498 : vector<16xi32>
          %sub3A = arith.subi %broadcast_in_dim3A_496, %shift_right_logical3A : vector<16xi32>
          %bitcast_convert_type3A_499 = tpu.bitcast %sub3A : vector<16xi32> -> vector<16xf32>
          %broadcast_in_dim3A_500 = arith.constant 1.500000e+00 : f32
          %broadcast_in_dim3A_501 = vector.broadcast %broadcast_in_dim3A_500 : f32 to vector<16xf32>
          %broadcast_in_dim3A_502 = arith.constant 5.000000e-01 : f32
          %broadcast_in_dim3A_503 = vector.broadcast %broadcast_in_dim3A_502 : f32 to vector<16xf32>
          %mul3A_504 = arith.mulf %broadcast_in_dim3A_503, %add3A_494 : vector<16xf32>
          %mul3A_505 = arith.mulf %mul3A_504, %bitcast_convert_type3A_499 : vector<16xf32>
          %mul3A_506 = arith.mulf %mul3A_505, %bitcast_convert_type3A_499 : vector<16xf32>
          %sub3A_507 = arith.subf %broadcast_in_dim3A_501, %mul3A_506 : vector<16xf32>
          %mul3A_508 = arith.mulf %bitcast_convert_type3A_499, %sub3A_507 : vector<16xf32>
          %broadcast_in_dim3A_509 = arith.constant 1.500000e+00 : f32
          %broadcast_in_dim3A_510 = vector.broadcast %broadcast_in_dim3A_509 : f32 to vector<16xf32>
          %broadcast_in_dim3A_511 = arith.constant 5.000000e-01 : f32
          %broadcast_in_dim3A_512 = vector.broadcast %broadcast_in_dim3A_511 : f32 to vector<16xf32>
          %mul3A_513 = arith.mulf %broadcast_in_dim3A_512, %add3A_494 : vector<16xf32>
          %mul3A_514 = arith.mulf %mul3A_513, %mul3A_508 : vector<16xf32>
          %mul3A_515 = arith.mulf %mul3A_514, %mul3A_508 : vector<16xf32>
          %sub3A_516 = arith.subf %broadcast_in_dim3A_510, %mul3A_515 : vector<16xf32>
          %mul3A_517 = arith.mulf %mul3A_508, %sub3A_516 : vector<16xf32>
          %mul3A_518 = arith.mulf %add3A_494, %mul3A_517 : vector<16xf32>
          %broadcast_in_dim3A_519 = arith.constant 2.000000e+00 : f32
          %broadcast_in_dim3A_520 = vector.broadcast %broadcast_in_dim3A_519 : f32 to vector<16xf32>
          %mul3A_521 = arith.mulf %broadcast_in_dim3A_520, %mul3A_518 : vector<16xf32>
          %exp3A = math.exp %mul3A_521 : vector<16xf32>
          %broadcast_in_dim3A_522 = arith.constant 1.000000e+00 : f32
          %broadcast_in_dim3A_523 = vector.broadcast %broadcast_in_dim3A_522 : f32 to vector<16xf32>
          %broadcast_in_dim3A_524 = arith.constant 2.000000e+00 : f32
          %broadcast_in_dim3A_525 = vector.broadcast %broadcast_in_dim3A_524 : f32 to vector<16xf32>
          %broadcast_in_dim3A_526 = arith.constant 1.000000e+00 : f32
          %broadcast_in_dim3A_527 = vector.broadcast %broadcast_in_dim3A_526 : f32 to vector<16xf32>
          %add3A_528 = arith.addf %exp3A, %broadcast_in_dim3A_527 : vector<16xf32>
          %div3A = arith.divf %broadcast_in_dim3A_525, %add3A_528 : vector<16xf32>
          %sub3A_529 = arith.subf %broadcast_in_dim3A_523, %div3A : vector<16xf32>
          %mul3A_530 = arith.mulf %sub3A_529, %mul3A_517 : vector<16xf32>
          %broadcast_in_dim3A_531 = arith.constant 1.000000e+00 : f32
          %broadcast_in_dim3A_532 = vector.broadcast %broadcast_in_dim3A_531 : f32 to vector<16xf32>
          %broadcast_in_dim3A_533 = arith.constant 0.333333343 : f32
          %broadcast_in_dim3A_534 = vector.broadcast %broadcast_in_dim3A_533 : f32 to vector<16xf32>
          %mul3A_535 = arith.mulf %add3A_494, %broadcast_in_dim3A_534 : vector<16xf32>
          %sub3A_536 = arith.subf %broadcast_in_dim3A_532, %mul3A_535 : vector<16xf32>
          %mul3A_537 = arith.mulf %add3A_494, %add3A_494 : vector<16xf32>
          %broadcast_in_dim3A_538 = arith.constant 0.13333334 : f32
          %broadcast_in_dim3A_539 = vector.broadcast %broadcast_in_dim3A_538 : f32 to vector<16xf32>
          %mul3A_540 = arith.mulf %mul3A_537, %broadcast_in_dim3A_539 : vector<16xf32>
          %add3A_541 = arith.addf %sub3A_536, %mul3A_540 : vector<16xf32>
          %broadcast_in_dim3A_542 = arith.constant 9.99999974E-5 : f32
          %broadcast_in_dim3A_543 = vector.broadcast %broadcast_in_dim3A_542 : f32 to vector<16xf32>
          %lt3A_544 = arith.cmpf olt, %add3A_494, %broadcast_in_dim3A_543 : vector<16xf32>
          %select_n3A_545 = arith.select %lt3A_544, %add3A_541, %mul3A_530 : vector<16xi1>, vector<16xf32>
          %broadcast_in_dim3A_546 = arith.constant 0x7F800000 : f32
          %broadcast_in_dim3A_547 = vector.broadcast %broadcast_in_dim3A_546 : f32 to vector<16xf32>
          %eq3A_548 = arith.cmpf oeq, %add3A_494, %broadcast_in_dim3A_547 : vector<16xf32>
          %broadcast_in_dim3A_549 = arith.constant 0.000000e+00 : f32
          %broadcast_in_dim3A_550 = vector.broadcast %broadcast_in_dim3A_549 : f32 to vector<16xf32>
          %select_n3A_551 = arith.select %eq3A_548, %broadcast_in_dim3A_550, %select_n3A_545 : vector<16xi1>, vector<16xf32>
          %add3A_552 = arith.constant 0 : i32
          %add3A_553 = arith.addi %mul3A_164, %add3A_552 : i32
          %broadcast_in_dim3A_554 = arith.constant 0 : i32
          %broadcast_in_dim3A_555 = vector.broadcast %broadcast_in_dim3A_554 : i32 to vector<16xi32>
          %broadcast_in_dim3A_556 = vector.shape_cast %broadcast_in_dim3A_555 : vector<16xi32> to vector<16x1xi32>
          %gather3A_557 = vector.shape_cast %broadcast_in_dim3A_556 : vector<16x1xi32> to vector<16xi32>
          %gather3A_558 = tpu.dynamic_gather %select_n3A_551[%gather3A_557] in [0] : vector<16xf32>, vector<16xi32> -> vector<16xf32>
          %get3A_559 = arith.constant 2 : i32
          %get3A_560 = arith.index_cast %get3A_559 : i32 to index
          %get3A_561 = arith.index_cast %add3A_553 : i32 to index
          %get3A_562 = arith.constant 0 : index
          %get3A_563 = tpu.vector_load %arg4[%get3A_560, %get3A_561, %get3A_562] {strides = array<i32>} : memref<3x80x128xf32, #tpu.memory_space<vmem>>, vector<1x1x16xf32>,
          %get3A_564 = vector.shape_cast %get3A_563 : vector<1x1x16xf32> to vector<16xf32>
          %mul3A_565 = arith.mulf %get3A_564, %gather3A_558 : vector<16xf32>
          %swap3A = arith.constant 2 : i32
          %swap3A_566 = arith.index_cast %swap3A : i32 to index
          %swap3A_567 = arith.index_cast %add3A_553 : i32 to index
          %swap3A_568 = arith.constant 0 : index
          %swap3A_569 = tpu.vector_load %arg5[%swap3A_566, %swap3A_567, %swap3A_568] {strides = array<i32>} : memref<3x80x128xf32, #tpu.memory_space<vmem>>, vector<1x1x16xf32>,
          %swap3A_570 = vector.shape_cast %swap3A_569 : vector<1x1x16xf32> to vector<16xf32>
          %swap3A_571 = vector.shape_cast %mul3A_565 : vector<16xf32> to vector<1x1x16xf32>
          tpu.vector_store %arg5[%swap3A_566, %swap3A_567, %swap3A_568], %swap3A_571 {strides = array<i32>} : memref<3x80x128xf32, #tpu.memory_space<vmem>>, vector<1x1x16xf32>,
          %get3A_572 = arith.constant 2 : i32
          %get3A_573 = arith.index_cast %get3A_572 : i32 to index
          %get3A_574 = arith.index_cast %add3A_553 : i32 to index
          %get3A_575 = arith.constant 16 : index
          %get3A_576 = tpu.vector_load %arg4[%get3A_573, %get3A_574, %get3A_575] {strides = array<i32>} : memref<3x80x128xf32, #tpu.memory_space<vmem>>, vector<1x1x16xf32>,
          %get3A_577 = vector.shape_cast %get3A_576 : vector<1x1x16xf32> to vector<16xf32>
          %mul3A_578 = arith.mulf %get3A_577, %gather3A_558 : vector<16xf32>
          %swap3A_579 = arith.constant 2 : i32
          %swap3A_580 = arith.index_cast %swap3A_579 : i32 to index
          %swap3A_581 = arith.index_cast %add3A_553 : i32 to index
          %swap3A_582 = arith.constant 16 : index
          %swap3A_583 = tpu.vector_load %arg5[%swap3A_580, %swap3A_581, %swap3A_582] {strides = array<i32>} : memref<3x80x128xf32, #tpu.memory_space<vmem>>, vector<1x1x16xf32>,
          %swap3A_584 = vector.shape_cast %swap3A_583 : vector<1x1x16xf32> to vector<16xf32>
          %swap3A_585 = vector.shape_cast %mul3A_578 : vector<16xf32> to vector<1x1x16xf32>
          tpu.vector_store %arg5[%swap3A_580, %swap3A_581, %swap3A_582], %swap3A_585 {strides = array<i32>} : memref<3x80x128xf32, #tpu.memory_space<vmem>>, vector<1x1x16xf32>,
          %get3A_586 = arith.constant 2 : i32
          %get3A_587 = arith.index_cast %get3A_586 : i32 to index
          %get3A_588 = arith.index_cast %add3A_553 : i32 to index
          %get3A_589 = arith.constant 32 : index
          %get3A_590 = tpu.vector_load %arg4[%get3A_587, %get3A_588, %get3A_589] {strides = array<i32>} : memref<3x80x128xf32, #tpu.memory_space<vmem>>, vector<1x1x16xf32>,
          %get3A_591 = vector.shape_cast %get3A_590 : vector<1x1x16xf32> to vector<16xf32>
          %mul3A_592 = arith.mulf %get3A_591, %gather3A_558 : vector<16xf32>
          %swap3A_593 = arith.constant 2 : i32
          %swap3A_594 = arith.index_cast %swap3A_593 : i32 to index
          %swap3A_595 = arith.index_cast %add3A_553 : i32 to index
          %swap3A_596 = arith.constant 32 : index
          %swap3A_597 = tpu.vector_load %arg5[%swap3A_594, %swap3A_595, %swap3A_596] {strides = array<i32>} : memref<3x80x128xf32, #tpu.memory_space<vmem>>, vector<1x1x16xf32>,
          %swap3A_598 = vector.shape_cast %swap3A_597 : vector<1x1x16xf32> to vector<16xf32>
          %swap3A_599 = vector.shape_cast %mul3A_592 : vector<16xf32> to vector<1x1x16xf32>
          tpu.vector_store %arg5[%swap3A_594, %swap3A_595, %swap3A_596], %swap3A_599 {strides = array<i32>} : memref<3x80x128xf32, #tpu.memory_space<vmem>>, vector<1x1x16xf32>,
          %get3A_600 = arith.constant 2 : i32
          %get3A_601 = arith.index_cast %get3A_600 : i32 to index
          %get3A_602 = arith.index_cast %add3A_553 : i32 to index
          %get3A_603 = arith.constant 48 : index
          %get3A_604 = tpu.vector_load %arg4[%get3A_601, %get3A_602, %get3A_603] {strides = array<i32>} : memref<3x80x128xf32, #tpu.memory_space<vmem>>, vector<1x1x16xf32>,
          %get3A_605 = vector.shape_cast %get3A_604 : vector<1x1x16xf32> to vector<16xf32>
          %mul3A_606 = arith.mulf %get3A_605, %gather3A_558 : vector<16xf32>
          %swap3A_607 = arith.constant 2 : i32
          %swap3A_608 = arith.index_cast %swap3A_607 : i32 to index
          %swap3A_609 = arith.index_cast %add3A_553 : i32 to index
          %swap3A_610 = arith.constant 48 : index
          %swap3A_611 = tpu.vector_load %arg5[%swap3A_608, %swap3A_609, %swap3A_610] {strides = array<i32>} : memref<3x80x128xf32, #tpu.memory_space<vmem>>, vector<1x1x16xf32>,
          %swap3A_612 = vector.shape_cast %swap3A_611 : vector<1x1x16xf32> to vector<16xf32>
          %swap3A_613 = vector.shape_cast %mul3A_606 : vector<16xf32> to vector<1x1x16xf32>
          tpu.vector_store %arg5[%swap3A_608, %swap3A_609, %swap3A_610], %swap3A_613 {strides = array<i32>} : memref<3x80x128xf32, #tpu.memory_space<vmem>>, vector<1x1x16xf32>,
          %get3A_614 = arith.constant 2 : i32
          %get3A_615 = arith.index_cast %get3A_614 : i32 to index
          %get3A_616 = arith.index_cast %add3A_553 : i32 to index
          %get3A_617 = arith.constant 64 : index
          %get3A_618 = tpu.vector_load %arg4[%get3A_615, %get3A_616, %get3A_617] {strides = array<i32>} : memref<3x80x128xf32, #tpu.memory_space<vmem>>, vector<1x1x16xf32>,
          %get3A_619 = vector.shape_cast %get3A_618 : vector<1x1x16xf32> to vector<16xf32>
          %mul3A_620 = arith.mulf %get3A_619, %gather3A_558 : vector<16xf32>
          %swap3A_621 = arith.constant 2 : i32
          %swap3A_622 = arith.index_cast %swap3A_621 : i32 to index
          %swap3A_623 = arith.index_cast %add3A_553 : i32 to index
          %swap3A_624 = arith.constant 64 : index
          %swap3A_625 = tpu.vector_load %arg5[%swap3A_622, %swap3A_623, %swap3A_624] {strides = array<i32>} : memref<3x80x128xf32, #tpu.memory_space<vmem>>, vector<1x1x16xf32>,
          %swap3A_626 = vector.shape_cast %swap3A_625 : vector<1x1x16xf32> to vector<16xf32>
          %swap3A_627 = vector.shape_cast %mul3A_620 : vector<16xf32> to vector<1x1x16xf32>
          tpu.vector_store %arg5[%swap3A_622, %swap3A_623, %swap3A_624], %swap3A_627 {strides = array<i32>} : memref<3x80x128xf32, #tpu.memory_space<vmem>>, vector<1x1x16xf32>,
          %get3A_628 = arith.constant 2 : i32
          %get3A_629 = arith.index_cast %get3A_628 : i32 to index
          %get3A_630 = arith.index_cast %add3A_553 : i32 to index
          %get3A_631 = arith.constant 80 : index
          %get3A_632 = tpu.vector_load %arg4[%get3A_629, %get3A_630, %get3A_631] {strides = array<i32>} : memref<3x80x128xf32, #tpu.memory_space<vmem>>, vector<1x1x16xf32>,
          %get3A_633 = vector.shape_cast %get3A_632 : vector<1x1x16xf32> to vector<16xf32>
          %mul3A_634 = arith.mulf %get3A_633, %gather3A_558 : vector<16xf32>
          %swap3A_635 = arith.constant 2 : i32
          %swap3A_636 = arith.index_cast %swap3A_635 : i32 to index
          %swap3A_637 = arith.index_cast %add3A_553 : i32 to index
          %swap3A_638 = arith.constant 80 : index
          %swap3A_639 = tpu.vector_load %arg5[%swap3A_636, %swap3A_637, %swap3A_638] {strides = array<i32>} : memref<3x80x128xf32, #tpu.memory_space<vmem>>, vector<1x1x16xf32>,
          %swap3A_640 = vector.shape_cast %swap3A_639 : vector<1x1x16xf32> to vector<16xf32>
          %swap3A_641 = vector.shape_cast %mul3A_634 : vector<16xf32> to vector<1x1x16xf32>
          tpu.vector_store %arg5[%swap3A_636, %swap3A_637, %swap3A_638], %swap3A_641 {strides = array<i32>} : memref<3x80x128xf32, #tpu.memory_space<vmem>>, vector<1x1x16xf32>,
          %get3A_642 = arith.constant 2 : i32
          %get3A_643 = arith.index_cast %get3A_642 : i32 to index
          %get3A_644 = arith.index_cast %add3A_553 : i32 to index
          %get3A_645 = arith.constant 96 : index
          %get3A_646 = tpu.vector_load %arg4[%get3A_643, %get3A_644, %get3A_645] {strides = array<i32>} : memref<3x80x128xf32, #tpu.memory_space<vmem>>, vector<1x1x16xf32>,
          %get3A_647 = vector.shape_cast %get3A_646 : vector<1x1x16xf32> to vector<16xf32>
          %mul3A_648 = arith.mulf %get3A_647, %gather3A_558 : vector<16xf32>
          %swap3A_649 = arith.constant 2 : i32
          %swap3A_650 = arith.index_cast %swap3A_649 : i32 to index
          %swap3A_651 = arith.index_cast %add3A_553 : i32 to index
          %swap3A_652 = arith.constant 96 : index
          %swap3A_653 = tpu.vector_load %arg5[%swap3A_650, %swap3A_651, %swap3A_652] {strides = array<i32>} : memref<3x80x128xf32, #tpu.memory_space<vmem>>, vector<1x1x16xf32>,
          %swap3A_654 = vector.shape_cast %swap3A_653 : vector<1x1x16xf32> to vector<16xf32>
          %swap3A_655 = vector.shape_cast %mul3A_648 : vector<16xf32> to vector<1x1x16xf32>
          tpu.vector_store %arg5[%swap3A_650, %swap3A_651, %swap3A_652], %swap3A_655 {strides = array<i32>} : memref<3x80x128xf32, #tpu.memory_space<vmem>>, vector<1x1x16xf32>,
          %get3A_656 = arith.constant 2 : i32
          %get3A_657 = arith.index_cast %get3A_656 : i32 to index
          %get3A_658 = arith.index_cast %add3A_553 : i32 to index
          %get3A_659 = arith.constant 112 : index
          %get3A_660 = tpu.vector_load %arg4[%get3A_657, %get3A_658, %get3A_659] {strides = array<i32>} : memref<3x80x128xf32, #tpu.memory_space<vmem>>, vector<1x1x16xf32>,
          %get3A_661 = vector.shape_cast %get3A_660 : vector<1x1x16xf32> to vector<16xf32>
          %mul3A_662 = arith.mulf %get3A_661, %gather3A_558 : vector<16xf32>
          %swap3A_663 = arith.constant 2 : i32
          %swap3A_664 = arith.index_cast %swap3A_663 : i32 to index
          %swap3A_665 = arith.index_cast %add3A_553 : i32 to index
          %swap3A_666 = arith.constant 112 : index
          %swap3A_667 = tpu.vector_load %arg5[%swap3A_664, %swap3A_665, %swap3A_666] {strides = array<i32>} : memref<3x80x128xf32, #tpu.memory_space<vmem>>, vector<1x1x16xf32>,
          %swap3A_668 = vector.shape_cast %swap3A_667 : vector<1x1x16xf32> to vector<16xf32>
          %swap3A_669 = vector.shape_cast %mul3A_662 : vector<16xf32> to vector<1x1x16xf32>
          tpu.vector_store %arg5[%swap3A_664, %swap3A_665, %swap3A_666], %swap3A_669 {strides = array<i32>} : memref<3x80x128xf32, #tpu.memory_space<vmem>>, vector<1x1x16xf32>,
          %add3A_670 = arith.constant 1 : i32
          %add3A_671 = arith.addi %mul3A_164, %add3A_670 : i32
          %broadcast_in_dim3A_672 = arith.constant 1 : i32
          %broadcast_in_dim3A_673 = vector.broadcast %broadcast_in_dim3A_672 : i32 to vector<16xi32>
          %broadcast_in_dim3A_674 = vector.shape_cast %broadcast_in_dim3A_673 : vector<16xi32> to vector<16x1xi32>
          %gather3A_675 = vector.shape_cast %broadcast_in_dim3A_674 : vector<16x1xi32> to vector<16xi32>
          %gather3A_676 = tpu.dynamic_gather %select_n3A_551[%gather3A_675] in [0] : vector<16xf32>, vector<16xi32> -> vector<16xf32>
          %get3A_677 = arith.constant 2 : i32
          %get3A_678 = arith.index_cast %get3A_677 : i32 to index
          %get3A_679 = arith.index_cast %add3A_671 : i32 to index
          %get3A_680 = arith.constant 0 : index
          %get3A_681 = tpu.vector_load %arg4[%get3A_678, %get3A_679, %get3A_680] {strides = array<i32>} : memref<3x80x128xf32, #tpu.memory_space<vmem>>, vector<1x1x16xf32>,
          %get3A_682 = vector.shape_cast %get3A_681 : vector<1x1x16xf32> to vector<16xf32>
          %mul3A_683 = arith.mulf %get3A_682, %gather3A_676 : vector<16xf32>
          %swap3A_684 = arith.constant 2 : i32
          %swap3A_685 = arith.index_cast %swap3A_684 : i32 to index
          %swap3A_686 = arith.index_cast %add3A_671 : i32 to index
          %swap3A_687 = arith.constant 0 : index
          %swap3A_688 = tpu.vector_load %arg5[%swap3A_685, %swap3A_686, %swap3A_687] {strides = array<i32>} : memref<3x80x128xf32, #tpu.memory_space<vmem>>, vector<1x1x16xf32>,
          %swap3A_689 = vector.shape_cast %swap3A_688 : vector<1x1x16xf32> to vector<16xf32>
          %swap3A_690 = vector.shape_cast %mul3A_683 : vector<16xf32> to vector<1x1x16xf32>
          tpu.vector_store %arg5[%swap3A_685, %swap3A_686, %swap3A_687], %swap3A_690 {strides = array<i32>} : memref<3x80x128xf32, #tpu.memory_space<vmem>>, vector<1x1x16xf32>,
          %get3A_691 = arith.constant 2 : i32
          %get3A_692 = arith.index_cast %get3A_691 : i32 to index
          %get3A_693 = arith.index_cast %add3A_671 : i32 to index
          %get3A_694 = arith.constant 16 : index
          %get3A_695 = tpu.vector_load %arg4[%get3A_692, %get3A_693, %get3A_694] {strides = array<i32>} : memref<3x80x128xf32, #tpu.memory_space<vmem>>, vector<1x1x16xf32>,
          %get3A_696 = vector.shape_cast %get3A_695 : vector<1x1x16xf32> to vector<16xf32>
          %mul3A_697 = arith.mulf %get3A_696, %gather3A_676 : vector<16xf32>
          %swap3A_698 = arith.constant 2 : i32
          %swap3A_699 = arith.index_cast %swap3A_698 : i32 to index
          %swap3A_700 = arith.index_cast %add3A_671 : i32 to index
          %swap3A_701 = arith.constant 16 : index
          %swap3A_702 = tpu.vector_load %arg5[%swap3A_699, %swap3A_700, %swap3A_701] {strides = array<i32>} : memref<3x80x128xf32, #tpu.memory_space<vmem>>, vector<1x1x16xf32>,
          %swap3A_703 = vector.shape_cast %swap3A_702 : vector<1x1x16xf32> to vector<16xf32>
          %swap3A_704 = vector.shape_cast %mul3A_697 : vector<16xf32> to vector<1x1x16xf32>
          tpu.vector_store %arg5[%swap3A_699, %swap3A_700, %swap3A_701], %swap3A_704 {strides = array<i32>} : memref<3x80x128xf32, #tpu.memory_space<vmem>>, vector<1x1x16xf32>,
          %get3A_705 = arith.constant 2 : i32
          %get3A_706 = arith.index_cast %get3A_705 : i32 to index
          %get3A_707 = arith.index_cast %add3A_671 : i32 to index
          %get3A_708 = arith.constant 32 : index
          %get3A_709 = tpu.vector_load %arg4[%get3A_706, %get3A_707, %get3A_708] {strides = array<i32>} : memref<3x80x128xf32, #tpu.memory_space<vmem>>, vector<1x1x16xf32>,
          %get3A_710 = vector.shape_cast %get3A_709 : vector<1x1x16xf32> to vector<16xf32>
          %mul3A_711 = arith.mulf %get3A_710, %gather3A_676 : vector<16xf32>
          %swap3A_712 = arith.constant 2 : i32
          %swap3A_713 = arith.index_cast %swap3A_712 : i32 to index
          %swap3A_714 = arith.index_cast %add3A_671 : i32 to index
          %swap3A_715 = arith.constant 32 : index
          %swap3A_716 = tpu.vector_load %arg5[%swap3A_713, %swap3A_714, %swap3A_715] {strides = array<i32>} : memref<3x80x128xf32, #tpu.memory_space<vmem>>, vector<1x1x16xf32>,
          %swap3A_717 = vector.shape_cast %swap3A_716 : vector<1x1x16xf32> to vector<16xf32>
          %swap3A_718 = vector.shape_cast %mul3A_711 : vector<16xf32> to vector<1x1x16xf32>
          tpu.vector_store %arg5[%swap3A_713, %swap3A_714, %swap3A_715], %swap3A_718 {strides = array<i32>} : memref<3x80x128xf32, #tpu.memory_space<vmem>>, vector<1x1x16xf32>,
          %get3A_719 = arith.constant 2 : i32
          %get3A_720 = arith.index_cast %get3A_719 : i32 to index
          %get3A_721 = arith.index_cast %add3A_671 : i32 to index
          %get3A_722 = arith.constant 48 : index
          %get3A_723 = tpu.vector_load %arg4[%get3A_720, %get3A_721, %get3A_722] {strides = array<i32>} : memref<3x80x128xf32, #tpu.memory_space<vmem>>, vector<1x1x16xf32>,
          %get3A_724 = vector.shape_cast %get3A_723 : vector<1x1x16xf32> to vector<16xf32>
          %mul3A_725 = arith.mulf %get3A_724, %gather3A_676 : vector<16xf32>
          %swap3A_726 = arith.constant 2 : i32
          %swap3A_727 = arith.index_cast %swap3A_726 : i32 to index
          %swap3A_728 = arith.index_cast %add3A_671 : i32 to index
          %swap3A_729 = arith.constant 48 : index
          %swap3A_730 = tpu.vector_load %arg5[%swap3A_727, %swap3A_728, %swap3A_729] {strides = array<i32>} : memref<3x80x128xf32, #tpu.memory_space<vmem>>, vector<1x1x16xf32>,
          %swap3A_731 = vector.shape_cast %swap3A_730 : vector<1x1x16xf32> to vector<16xf32>
          %swap3A_732 = vector.shape_cast %mul3A_725 : vector<16xf32> to vector<1x1x16xf32>
          tpu.vector_store %arg5[%swap3A_727, %swap3A_728, %swap3A_729], %swap3A_732 {strides = array<i32>} : memref<3x80x128xf32, #tpu.memory_space<vmem>>, vector<1x1x16xf32>,
          %get3A_733 = arith.constant 2 : i32
          %get3A_734 = arith.index_cast %get3A_733 : i32 to index
          %get3A_735 = arith.index_cast %add3A_671 : i32 to index
          %get3A_736 = arith.constant 64 : index
          %get3A_737 = tpu.vector_load %arg4[%get3A_734, %get3A_735, %get3A_736] {strides = array<i32>} : memref<3x80x128xf32, #tpu.memory_space<vmem>>, vector<1x1x16xf32>,
          %get3A_738 = vector.shape_cast %get3A_737 : vector<1x1x16xf32> to vector<16xf32>
          %mul3A_739 = arith.mulf %get3A_738, %gather3A_676 : vector<16xf32>
          %swap3A_740 = arith.constant 2 : i32
          %swap3A_741 = arith.index_cast %swap3A_740 : i32 to index
          %swap3A_742 = arith.index_cast %add3A_671 : i32 to index
          %swap3A_743 = arith.constant 64 : index
          %swap3A_744 = tpu.vector_load %arg5[%swap3A_741, %swap3A_742, %swap3A_743] {strides = array<i32>} : memref<3x80x128xf32, #tpu.memory_space<vmem>>, vector<1x1x16xf32>,
          %swap3A_745 = vector.shape_cast %swap3A_744 : vector<1x1x16xf32> to vector<16xf32>
          %swap3A_746 = vector.shape_cast %mul3A_739 : vector<16xf32> to vector<1x1x16xf32>
          tpu.vector_store %arg5[%swap3A_741, %swap3A_742, %swap3A_743], %swap3A_746 {strides = array<i32>} : memref<3x80x128xf32, #tpu.memory_space<vmem>>, vector<1x1x16xf32>,
          %get3A_747 = arith.constant 2 : i32
          %get3A_748 = arith.index_cast %get3A_747 : i32 to index
          %get3A_749 = arith.index_cast %add3A_671 : i32 to index
          %get3A_750 = arith.constant 80 : index
          %get3A_751 = tpu.vector_load %arg4[%get3A_748, %get3A_749, %get3A_750] {strides = array<i32>} : memref<3x80x128xf32, #tpu.memory_space<vmem>>, vector<1x1x16xf32>,
          %get3A_752 = vector.shape_cast %get3A_751 : vector<1x1x16xf32> to vector<16xf32>
          %mul3A_753 = arith.mulf %get3A_752, %gather3A_676 : vector<16xf32>
          %swap3A_754 = arith.constant 2 : i32
          %swap3A_755 = arith.index_cast %swap3A_754 : i32 to index
          %swap3A_756 = arith.index_cast %add3A_671 : i32 to index
          %swap3A_757 = arith.constant 80 : index
          %swap3A_758 = tpu.vector_load %arg5[%swap3A_755, %swap3A_756, %swap3A_757] {strides = array<i32>} : memref<3x80x128xf32, #tpu.memory_space<vmem>>, vector<1x1x16xf32>,
          %swap3A_759 = vector.shape_cast %swap3A_758 : vector<1x1x16xf32> to vector<16xf32>
          %swap3A_760 = vector.shape_cast %mul3A_753 : vector<16xf32> to vector<1x1x16xf32>
          tpu.vector_store %arg5[%swap3A_755, %swap3A_756, %swap3A_757], %swap3A_760 {strides = array<i32>} : memref<3x80x128xf32, #tpu.memory_space<vmem>>, vector<1x1x16xf32>,
          %get3A_761 = arith.constant 2 : i32
          %get3A_762 = arith.index_cast %get3A_761 : i32 to index
          %get3A_763 = arith.index_cast %add3A_671 : i32 to index
          %get3A_764 = arith.constant 96 : index
          %get3A_765 = tpu.vector_load %arg4[%get3A_762, %get3A_763, %get3A_764] {strides = array<i32>} : memref<3x80x128xf32, #tpu.memory_space<vmem>>, vector<1x1x16xf32>,
          %get3A_766 = vector.shape_cast %get3A_765 : vector<1x1x16xf32> to vector<16xf32>
          %mul3A_767 = arith.mulf %get3A_766, %gather3A_676 : vector<16xf32>
          %swap3A_768 = arith.constant 2 : i32
          %swap3A_769 = arith.index_cast %swap3A_768 : i32 to index
          %swap3A_770 = arith.index_cast %add3A_671 : i32 to index
          %swap3A_771 = arith.constant 96 : index
          %swap3A_772 = tpu.vector_load %arg5[%swap3A_769, %swap3A_770, %swap3A_771] {strides = array<i32>} : memref<3x80x128xf32, #tpu.memory_space<vmem>>, vector<1x1x16xf32>,
          %swap3A_773 = vector.shape_cast %swap3A_772 : vector<1x1x16xf32> to vector<16xf32>
          %swap3A_774 = vector.shape_cast %mul3A_767 : vector<16xf32> to vector<1x1x16xf32>
          tpu.vector_store %arg5[%swap3A_769, %swap3A_770, %swap3A_771], %swap3A_774 {strides = array<i32>} : memref<3x80x128xf32, #tpu.memory_space<vmem>>, vector<1x1x16xf32>,
          %get3A_775 = arith.constant 2 : i32
          %get3A_776 = arith.index_cast %get3A_775 : i32 to index
          %get3A_777 = arith.index_cast %add3A_671 : i32 to index
          %get3A_778 = arith.constant 112 : index
          %get3A_779 = tpu.vector_load %arg4[%get3A_776, %get3A_777, %get3A_778] {strides = array<i32>} : memref<3x80x128xf32, #tpu.memory_space<vmem>>, vector<1x1x16xf32>,
          %get3A_780 = vector.shape_cast %get3A_779 : vector<1x1x16xf32> to vector<16xf32>
          %mul3A_781 = arith.mulf %get3A_780, %gather3A_676 : vector<16xf32>
          %swap3A_782 = arith.constant 2 : i32
          %swap3A_783 = arith.index_cast %swap3A_782 : i32 to index
          %swap3A_784 = arith.index_cast %add3A_671 : i32 to index
          %swap3A_785 = arith.constant 112 : index
          %swap3A_786 = tpu.vector_load %arg5[%swap3A_783, %swap3A_784, %swap3A_785] {strides = array<i32>} : memref<3x80x128xf32, #tpu.memory_space<vmem>>, vector<1x1x16xf32>,
          %swap3A_787 = vector.shape_cast %swap3A_786 : vector<1x1x16xf32> to vector<16xf32>
          %swap3A_788 = vector.shape_cast %mul3A_781 : vector<16xf32> to vector<1x1x16xf32>
          tpu.vector_store %arg5[%swap3A_783, %swap3A_784, %swap3A_785], %swap3A_788 {strides = array<i32>} : memref<3x80x128xf32, #tpu.memory_space<vmem>>, vector<1x1x16xf32>,
          %add3A_789 = arith.constant 2 : i32
          %add3A_790 = arith.addi %mul3A_164, %add3A_789 : i32
          %broadcast_in_dim3A_791 = arith.constant 2 : i32
          %broadcast_in_dim3A_792 = vector.broadcast %broadcast_in_dim3A_791 : i32 to vector<16xi32>
          %broadcast_in_dim3A_793 = vector.shape_cast %broadcast_in_dim3A_792 : vector<16xi32> to vector<16x1xi32>
          %gather3A_794 = vector.shape_cast %broadcast_in_dim3A_793 : vector<16x1xi32> to vector<16xi32>
          %gather3A_795 = tpu.dynamic_gather %select_n3A_551[%gather3A_794] in [0] : vector<16xf32>, vector<16xi32> -> vector<16xf32>
          %get3A_796 = arith.constant 2 : i32
          %get3A_797 = arith.index_cast %get3A_796 : i32 to index
          %get3A_798 = arith.index_cast %add3A_790 : i32 to index
          %get3A_799 = arith.constant 0 : index
          %get3A_800 = tpu.vector_load %arg4[%get3A_797, %get3A_798, %get3A_799] {strides = array<i32>} : memref<3x80x128xf32, #tpu.memory_space<vmem>>, vector<1x1x16xf32>,
          %get3A_801 = vector.shape_cast %get3A_800 : vector<1x1x16xf32> to vector<16xf32>
          %mul3A_802 = arith.mulf %get3A_801, %gather3A_795 : vector<16xf32>
          %swap3A_803 = arith.constant 2 : i32
          %swap3A_804 = arith.index_cast %swap3A_803 : i32 to index
          %swap3A_805 = arith.index_cast %add3A_790 : i32 to index
          %swap3A_806 = arith.constant 0 : index
          %swap3A_807 = tpu.vector_load %arg5[%swap3A_804, %swap3A_805, %swap3A_806] {strides = array<i32>} : memref<3x80x128xf32, #tpu.memory_space<vmem>>, vector<1x1x16xf32>,
          %swap3A_808 = vector.shape_cast %swap3A_807 : vector<1x1x16xf32> to vector<16xf32>
          %swap3A_809 = vector.shape_cast %mul3A_802 : vector<16xf32> to vector<1x1x16xf32>
          tpu.vector_store %arg5[%swap3A_804, %swap3A_805, %swap3A_806], %swap3A_809 {strides = array<i32>} : memref<3x80x128xf32, #tpu.memory_space<vmem>>, vector<1x1x16xf32>,
          %get3A_810 = arith.constant 2 : i32
          %get3A_811 = arith.index_cast %get3A_810 : i32 to index
          %get3A_812 = arith.index_cast %add3A_790 : i32 to index
          %get3A_813 = arith.constant 16 : index
          %get3A_814 = tpu.vector_load %arg4[%get3A_811, %get3A_812, %get3A_813] {strides = array<i32>} : memref<3x80x128xf32, #tpu.memory_space<vmem>>, vector<1x1x16xf32>,
          %get3A_815 = vector.shape_cast %get3A_814 : vector<1x1x16xf32> to vector<16xf32>
          %mul3A_816 = arith.mulf %get3A_815, %gather3A_795 : vector<16xf32>
          %swap3A_817 = arith.constant 2 : i32
          %swap3A_818 = arith.index_cast %swap3A_817 : i32 to index
          %swap3A_819 = arith.index_cast %add3A_790 : i32 to index
          %swap3A_820 = arith.constant 16 : index
          %swap3A_821 = tpu.vector_load %arg5[%swap3A_818, %swap3A_819, %swap3A_820] {strides = array<i32>} : memref<3x80x128xf32, #tpu.memory_space<vmem>>, vector<1x1x16xf32>,
          %swap3A_822 = vector.shape_cast %swap3A_821 : vector<1x1x16xf32> to vector<16xf32>
          %swap3A_823 = vector.shape_cast %mul3A_816 : vector<16xf32> to vector<1x1x16xf32>
          tpu.vector_store %arg5[%swap3A_818, %swap3A_819, %swap3A_820], %swap3A_823 {strides = array<i32>} : memref<3x80x128xf32, #tpu.memory_space<vmem>>, vector<1x1x16xf32>,
          %get3A_824 = arith.constant 2 : i32
          %get3A_825 = arith.index_cast %get3A_824 : i32 to index
          %get3A_826 = arith.index_cast %add3A_790 : i32 to index
          %get3A_827 = arith.constant 32 : index
          %get3A_828 = tpu.vector_load %arg4[%get3A_825, %get3A_826, %get3A_827] {strides = array<i32>} : memref<3x80x128xf32, #tpu.memory_space<vmem>>, vector<1x1x16xf32>,
          %get3A_829 = vector.shape_cast %get3A_828 : vector<1x1x16xf32> to vector<16xf32>
          %mul3A_830 = arith.mulf %get3A_829, %gather3A_795 : vector<16xf32>
          %swap3A_831 = arith.constant 2 : i32
          %swap3A_832 = arith.index_cast %swap3A_831 : i32 to index
          %swap3A_833 = arith.index_cast %add3A_790 : i32 to index
          %swap3A_834 = arith.constant 32 : index
          %swap3A_835 = tpu.vector_load %arg5[%swap3A_832, %swap3A_833, %swap3A_834] {strides = array<i32>} : memref<3x80x128xf32, #tpu.memory_space<vmem>>, vector<1x1x16xf32>,
          %swap3A_836 = vector.shape_cast %swap3A_835 : vector<1x1x16xf32> to vector<16xf32>
          %swap3A_837 = vector.shape_cast %mul3A_830 : vector<16xf32> to vector<1x1x16xf32>
          tpu.vector_store %arg5[%swap3A_832, %swap3A_833, %swap3A_834], %swap3A_837 {strides = array<i32>} : memref<3x80x128xf32, #tpu.memory_space<vmem>>, vector<1x1x16xf32>,
          %get3A_838 = arith.constant 2 : i32
          %get3A_839 = arith.index_cast %get3A_838 : i32 to index
          %get3A_840 = arith.index_cast %add3A_790 : i32 to index
          %get3A_841 = arith.constant 48 : index
          %get3A_842 = tpu.vector_load %arg4[%get3A_839, %get3A_840, %get3A_841] {strides = array<i32>} : memref<3x80x128xf32, #tpu.memory_space<vmem>>, vector<1x1x16xf32>,
          %get3A_843 = vector.shape_cast %get3A_842 : vector<1x1x16xf32> to vector<16xf32>
          %mul3A_844 = arith.mulf %get3A_843, %gather3A_795 : vector<16xf32>
          %swap3A_845 = arith.constant 2 : i32
          %swap3A_846 = arith.index_cast %swap3A_845 : i32 to index
          %swap3A_847 = arith.index_cast %add3A_790 : i32 to index
          %swap3A_848 = arith.constant 48 : index
          %swap3A_849 = tpu.vector_load %arg5[%swap3A_846, %swap3A_847, %swap3A_848] {strides = array<i32>} : memref<3x80x128xf32, #tpu.memory_space<vmem>>, vector<1x1x16xf32>,
          %swap3A_850 = vector.shape_cast %swap3A_849 : vector<1x1x16xf32> to vector<16xf32>
          %swap3A_851 = vector.shape_cast %mul3A_844 : vector<16xf32> to vector<1x1x16xf32>
          tpu.vector_store %arg5[%swap3A_846, %swap3A_847, %swap3A_848], %swap3A_851 {strides = array<i32>} : memref<3x80x128xf32, #tpu.memory_space<vmem>>, vector<1x1x16xf32>,
          %get3A_852 = arith.constant 2 : i32
          %get3A_853 = arith.index_cast %get3A_852 : i32 to index
          %get3A_854 = arith.index_cast %add3A_790 : i32 to index
          %get3A_855 = arith.constant 64 : index
          %get3A_856 = tpu.vector_load %arg4[%get3A_853, %get3A_854, %get3A_855] {strides = array<i32>} : memref<3x80x128xf32, #tpu.memory_space<vmem>>, vector<1x1x16xf32>,
          %get3A_857 = vector.shape_cast %get3A_856 : vector<1x1x16xf32> to vector<16xf32>
          %mul3A_858 = arith.mulf %get3A_857, %gather3A_795 : vector<16xf32>
          %swap3A_859 = arith.constant 2 : i32
          %swap3A_860 = arith.index_cast %swap3A_859 : i32 to index
          %swap3A_861 = arith.index_cast %add3A_790 : i32 to index
          %swap3A_862 = arith.constant 64 : index
          %swap3A_863 = tpu.vector_load %arg5[%swap3A_860, %swap3A_861, %swap3A_862] {strides = array<i32>} : memref<3x80x128xf32, #tpu.memory_space<vmem>>, vector<1x1x16xf32>,
          %swap3A_864 = vector.shape_cast %swap3A_863 : vector<1x1x16xf32> to vector<16xf32>
          %swap3A_865 = vector.shape_cast %mul3A_858 : vector<16xf32> to vector<1x1x16xf32>
          tpu.vector_store %arg5[%swap3A_860, %swap3A_861, %swap3A_862], %swap3A_865 {strides = array<i32>} : memref<3x80x128xf32, #tpu.memory_space<vmem>>, vector<1x1x16xf32>,
          %get3A_866 = arith.constant 2 : i32
          %get3A_867 = arith.index_cast %get3A_866 : i32 to index
          %get3A_868 = arith.index_cast %add3A_790 : i32 to index
          %get3A_869 = arith.constant 80 : index
          %get3A_870 = tpu.vector_load %arg4[%get3A_867, %get3A_868, %get3A_869] {strides = array<i32>} : memref<3x80x128xf32, #tpu.memory_space<vmem>>, vector<1x1x16xf32>,
          %get3A_871 = vector.shape_cast %get3A_870 : vector<1x1x16xf32> to vector<16xf32>
          %mul3A_872 = arith.mulf %get3A_871, %gather3A_795 : vector<16xf32>
          %swap3A_873 = arith.constant 2 : i32
          %swap3A_874 = arith.index_cast %swap3A_873 : i32 to index
          %swap3A_875 = arith.index_cast %add3A_790 : i32 to index
          %swap3A_876 = arith.constant 80 : index
          %swap3A_877 = tpu.vector_load %arg5[%swap3A_874, %swap3A_875, %swap3A_876] {strides = array<i32>} : memref<3x80x128xf32, #tpu.memory_space<vmem>>, vector<1x1x16xf32>,
          %swap3A_878 = vector.shape_cast %swap3A_877 : vector<1x1x16xf32> to vector<16xf32>
          %swap3A_879 = vector.shape_cast %mul3A_872 : vector<16xf32> to vector<1x1x16xf32>
          tpu.vector_store %arg5[%swap3A_874, %swap3A_875, %swap3A_876], %swap3A_879 {strides = array<i32>} : memref<3x80x128xf32, #tpu.memory_space<vmem>>, vector<1x1x16xf32>,
          %get3A_880 = arith.constant 2 : i32
          %get3A_881 = arith.index_cast %get3A_880 : i32 to index
          %get3A_882 = arith.index_cast %add3A_790 : i32 to index
          %get3A_883 = arith.constant 96 : index
          %get3A_884 = tpu.vector_load %arg4[%get3A_881, %get3A_882, %get3A_883] {strides = array<i32>} : memref<3x80x128xf32, #tpu.memory_space<vmem>>, vector<1x1x16xf32>,
          %get3A_885 = vector.shape_cast %get3A_884 : vector<1x1x16xf32> to vector<16xf32>
          %mul3A_886 = arith.mulf %get3A_885, %gather3A_795 : vector<16xf32>
          %swap3A_887 = arith.constant 2 : i32
          %swap3A_888 = arith.index_cast %swap3A_887 : i32 to index
          %swap3A_889 = arith.index_cast %add3A_790 : i32 to index
          %swap3A_890 = arith.constant 96 : index
          %swap3A_891 = tpu.vector_load %arg5[%swap3A_888, %swap3A_889, %swap3A_890] {strides = array<i32>} : memref<3x80x128xf32, #tpu.memory_space<vmem>>, vector<1x1x16xf32>,
          %swap3A_892 = vector.shape_cast %swap3A_891 : vector<1x1x16xf32> to vector<16xf32>
          %swap3A_893 = vector.shape_cast %mul3A_886 : vector<16xf32> to vector<1x1x16xf32>
          tpu.vector_store %arg5[%swap3A_888, %swap3A_889, %swap3A_890], %swap3A_893 {strides = array<i32>} : memref<3x80x128xf32, #tpu.memory_space<vmem>>, vector<1x1x16xf32>,
          %get3A_894 = arith.constant 2 : i32
          %get3A_895 = arith.index_cast %get3A_894 : i32 to index
          %get3A_896 = arith.index_cast %add3A_790 : i32 to index
          %get3A_897 = arith.constant 112 : index
          %get3A_898 = tpu.vector_load %arg4[%get3A_895, %get3A_896, %get3A_897] {strides = array<i32>} : memref<3x80x128xf32, #tpu.memory_space<vmem>>, vector<1x1x16xf32>,
          %get3A_899 = vector.shape_cast %get3A_898 : vector<1x1x16xf32> to vector<16xf32>
          %mul3A_900 = arith.mulf %get3A_899, %gather3A_795 : vector<16xf32>
          %swap3A_901 = arith.constant 2 : i32
          %swap3A_902 = arith.index_cast %swap3A_901 : i32 to index
          %swap3A_903 = arith.index_cast %add3A_790 : i32 to index
          %swap3A_904 = arith.constant 112 : index
          %swap3A_905 = tpu.vector_load %arg5[%swap3A_902, %swap3A_903, %swap3A_904] {strides = array<i32>} : memref<3x80x128xf32, #tpu.memory_space<vmem>>, vector<1x1x16xf32>,
          %swap3A_906 = vector.shape_cast %swap3A_905 : vector<1x1x16xf32> to vector<16xf32>
          %swap3A_907 = vector.shape_cast %mul3A_900 : vector<16xf32> to vector<1x1x16xf32>
          tpu.vector_store %arg5[%swap3A_902, %swap3A_903, %swap3A_904], %swap3A_907 {strides = array<i32>} : memref<3x80x128xf32, #tpu.memory_space<vmem>>, vector<1x1x16xf32>,
          %add3A_908 = arith.constant 3 : i32
          %add3A_909 = arith.addi %mul3A_164, %add3A_908 : i32
          %broadcast_in_dim3A_910 = arith.constant 3 : i32
          %broadcast_in_dim3A_911 = vector.broadcast %broadcast_in_dim3A_910 : i32 to vector<16xi32>
          %broadcast_in_dim3A_912 = vector.shape_cast %broadcast_in_dim3A_911 : vector<16xi32> to vector<16x1xi32>
          %gather3A_913 = vector.shape_cast %broadcast_in_dim3A_912 : vector<16x1xi32> to vector<16xi32>
          %gather3A_914 = tpu.dynamic_gather %select_n3A_551[%gather3A_913] in [0] : vector<16xf32>, vector<16xi32> -> vector<16xf32>
          %get3A_915 = arith.constant 2 : i32
          %get3A_916 = arith.index_cast %get3A_915 : i32 to index
          %get3A_917 = arith.index_cast %add3A_909 : i32 to index
          %get3A_918 = arith.constant 0 : index
          %get3A_919 = tpu.vector_load %arg4[%get3A_916, %get3A_917, %get3A_918] {strides = array<i32>} : memref<3x80x128xf32, #tpu.memory_space<vmem>>, vector<1x1x16xf32>,
          %get3A_920 = vector.shape_cast %get3A_919 : vector<1x1x16xf32> to vector<16xf32>
          %mul3A_921 = arith.mulf %get3A_920, %gather3A_914 : vector<16xf32>
          %swap3A_922 = arith.constant 2 : i32
          %swap3A_923 = arith.index_cast %swap3A_922 : i32 to index
          %swap3A_924 = arith.index_cast %add3A_909 : i32 to index
          %swap3A_925 = arith.constant 0 : index
          %swap3A_926 = tpu.vector_load %arg5[%swap3A_923, %swap3A_924, %swap3A_925] {strides = array<i32>} : memref<3x80x128xf32, #tpu.memory_space<vmem>>, vector<1x1x16xf32>,
          %swap3A_927 = vector.shape_cast %swap3A_926 : vector<1x1x16xf32> to vector<16xf32>
          %swap3A_928 = vector.shape_cast %mul3A_921 : vector<16xf32> to vector<1x1x16xf32>
          tpu.vector_store %arg5[%swap3A_923, %swap3A_924, %swap3A_925], %swap3A_928 {strides = array<i32>} : memref<3x80x128xf32, #tpu.memory_space<vmem>>, vector<1x1x16xf32>,
          %get3A_929 = arith.constant 2 : i32
          %get3A_930 = arith.index_cast %get3A_929 : i32 to index
          %get3A_931 = arith.index_cast %add3A_909 : i32 to index
          %get3A_932 = arith.constant 16 : index
          %get3A_933 = tpu.vector_load %arg4[%get3A_930, %get3A_931, %get3A_932] {strides = array<i32>} : memref<3x80x128xf32, #tpu.memory_space<vmem>>, vector<1x1x16xf32>,
          %get3A_934 = vector.shape_cast %get3A_933 : vector<1x1x16xf32> to vector<16xf32>
          %mul3A_935 = arith.mulf %get3A_934, %gather3A_914 : vector<16xf32>
          %swap3A_936 = arith.constant 2 : i32
          %swap3A_937 = arith.index_cast %swap3A_936 : i32 to index
          %swap3A_938 = arith.index_cast %add3A_909 : i32 to index
          %swap3A_939 = arith.constant 16 : index
          %swap3A_940 = tpu.vector_load %arg5[%swap3A_937, %swap3A_938, %swap3A_939] {strides = array<i32>} : memref<3x80x128xf32, #tpu.memory_space<vmem>>, vector<1x1x16xf32>,
          %swap3A_941 = vector.shape_cast %swap3A_940 : vector<1x1x16xf32> to vector<16xf32>
          %swap3A_942 = vector.shape_cast %mul3A_935 : vector<16xf32> to vector<1x1x16xf32>
          tpu.vector_store %arg5[%swap3A_937, %swap3A_938, %swap3A_939], %swap3A_942 {strides = array<i32>} : memref<3x80x128xf32, #tpu.memory_space<vmem>>, vector<1x1x16xf32>,
          %get3A_943 = arith.constant 2 : i32
          %get3A_944 = arith.index_cast %get3A_943 : i32 to index
          %get3A_945 = arith.index_cast %add3A_909 : i32 to index
          %get3A_946 = arith.constant 32 : index
          %get3A_947 = tpu.vector_load %arg4[%get3A_944, %get3A_945, %get3A_946] {strides = array<i32>} : memref<3x80x128xf32, #tpu.memory_space<vmem>>, vector<1x1x16xf32>,
          %get3A_948 = vector.shape_cast %get3A_947 : vector<1x1x16xf32> to vector<16xf32>
          %mul3A_949 = arith.mulf %get3A_948, %gather3A_914 : vector<16xf32>
          %swap3A_950 = arith.constant 2 : i32
          %swap3A_951 = arith.index_cast %swap3A_950 : i32 to index
          %swap3A_952 = arith.index_cast %add3A_909 : i32 to index
          %swap3A_953 = arith.constant 32 : index
          %swap3A_954 = tpu.vector_load %arg5[%swap3A_951, %swap3A_952, %swap3A_953] {strides = array<i32>} : memref<3x80x128xf32, #tpu.memory_space<vmem>>, vector<1x1x16xf32>,
          %swap3A_955 = vector.shape_cast %swap3A_954 : vector<1x1x16xf32> to vector<16xf32>
          %swap3A_956 = vector.shape_cast %mul3A_949 : vector<16xf32> to vector<1x1x16xf32>
          tpu.vector_store %arg5[%swap3A_951, %swap3A_952, %swap3A_953], %swap3A_956 {strides = array<i32>} : memref<3x80x128xf32, #tpu.memory_space<vmem>>, vector<1x1x16xf32>,
          %get3A_957 = arith.constant 2 : i32
          %get3A_958 = arith.index_cast %get3A_957 : i32 to index
          %get3A_959 = arith.index_cast %add3A_909 : i32 to index
          %get3A_960 = arith.constant 48 : index
          %get3A_961 = tpu.vector_load %arg4[%get3A_958, %get3A_959, %get3A_960] {strides = array<i32>} : memref<3x80x128xf32, #tpu.memory_space<vmem>>, vector<1x1x16xf32>,
          %get3A_962 = vector.shape_cast %get3A_961 : vector<1x1x16xf32> to vector<16xf32>
          %mul3A_963 = arith.mulf %get3A_962, %gather3A_914 : vector<16xf32>
          %swap3A_964 = arith.constant 2 : i32
          %swap3A_965 = arith.index_cast %swap3A_964 : i32 to index
          %swap3A_966 = arith.index_cast %add3A_909 : i32 to index
          %swap3A_967 = arith.constant 48 : index
          %swap3A_968 = tpu.vector_load %arg5[%swap3A_965, %swap3A_966, %swap3A_967] {strides = array<i32>} : memref<3x80x128xf32, #tpu.memory_space<vmem>>, vector<1x1x16xf32>,
          %swap3A_969 = vector.shape_cast %swap3A_968 : vector<1x1x16xf32> to vector<16xf32>
          %swap3A_970 = vector.shape_cast %mul3A_963 : vector<16xf32> to vector<1x1x16xf32>
          tpu.vector_store %arg5[%swap3A_965, %swap3A_966, %swap3A_967], %swap3A_970 {strides = array<i32>} : memref<3x80x128xf32, #tpu.memory_space<vmem>>, vector<1x1x16xf32>,
          %get3A_971 = arith.constant 2 : i32
          %get3A_972 = arith.index_cast %get3A_971 : i32 to index
          %get3A_973 = arith.index_cast %add3A_909 : i32 to index
          %get3A_974 = arith.constant 64 : index
          %get3A_975 = tpu.vector_load %arg4[%get3A_972, %get3A_973, %get3A_974] {strides = array<i32>} : memref<3x80x128xf32, #tpu.memory_space<vmem>>, vector<1x1x16xf32>,
          %get3A_976 = vector.shape_cast %get3A_975 : vector<1x1x16xf32> to vector<16xf32>
          %mul3A_977 = arith.mulf %get3A_976, %gather3A_914 : vector<16xf32>
          %swap3A_978 = arith.constant 2 : i32
          %swap3A_979 = arith.index_cast %swap3A_978 : i32 to index
          %swap3A_980 = arith.index_cast %add3A_909 : i32 to index
          %swap3A_981 = arith.constant 64 : index
          %swap3A_982 = tpu.vector_load %arg5[%swap3A_979, %swap3A_980, %swap3A_981] {strides = array<i32>} : memref<3x80x128xf32, #tpu.memory_space<vmem>>, vector<1x1x16xf32>,
          %swap3A_983 = vector.shape_cast %swap3A_982 : vector<1x1x16xf32> to vector<16xf32>
          %swap3A_984 = vector.shape_cast %mul3A_977 : vector<16xf32> to vector<1x1x16xf32>
          tpu.vector_store %arg5[%swap3A_979, %swap3A_980, %swap3A_981], %swap3A_984 {strides = array<i32>} : memref<3x80x128xf32, #tpu.memory_space<vmem>>, vector<1x1x16xf32>,
          %get3A_985 = arith.constant 2 : i32
          %get3A_986 = arith.index_cast %get3A_985 : i32 to index
          %get3A_987 = arith.index_cast %add3A_909 : i32 to index
          %get3A_988 = arith.constant 80 : index
          %get3A_989 = tpu.vector_load %arg4[%get3A_986, %get3A_987, %get3A_988] {strides = array<i32>} : memref<3x80x128xf32, #tpu.memory_space<vmem>>, vector<1x1x16xf32>,
          %get3A_990 = vector.shape_cast %get3A_989 : vector<1x1x16xf32> to vector<16xf32>
          %mul3A_991 = arith.mulf %get3A_990, %gather3A_914 : vector<16xf32>
          %swap3A_992 = arith.constant 2 : i32
          %swap3A_993 = arith.index_cast %swap3A_992 : i32 to index
          %swap3A_994 = arith.index_cast %add3A_909 : i32 to index
          %swap3A_995 = arith.constant 80 : index
          %swap3A_996 = tpu.vector_load %arg5[%swap3A_993, %swap3A_994, %swap3A_995] {strides = array<i32>} : memref<3x80x128xf32, #tpu.memory_space<vmem>>, vector<1x1x16xf32>,
          %swap3A_997 = vector.shape_cast %swap3A_996 : vector<1x1x16xf32> to vector<16xf32>
          %swap3A_998 = vector.shape_cast %mul3A_991 : vector<16xf32> to vector<1x1x16xf32>
          tpu.vector_store %arg5[%swap3A_993, %swap3A_994, %swap3A_995], %swap3A_998 {strides = array<i32>} : memref<3x80x128xf32, #tpu.memory_space<vmem>>, vector<1x1x16xf32>,
          %get3A_999 = arith.constant 2 : i32
          %get3A_1000 = arith.index_cast %get3A_999 : i32 to index
          %get3A_1001 = arith.index_cast %add3A_909 : i32 to index
          %get3A_1002 = arith.constant 96 : index
          %get3A_1003 = tpu.vector_load %arg4[%get3A_1000, %get3A_1001, %get3A_1002] {strides = array<i32>} : memref<3x80x128xf32, #tpu.memory_space<vmem>>, vector<1x1x16xf32>,
          %get3A_1004 = vector.shape_cast %get3A_1003 : vector<1x1x16xf32> to vector<16xf32>
          %mul3A_1005 = arith.mulf %get3A_1004, %gather3A_914 : vector<16xf32>
          %swap3A_1006 = arith.constant 2 : i32
          %swap3A_1007 = arith.index_cast %swap3A_1006 : i32 to index
          %swap3A_1008 = arith.index_cast %add3A_909 : i32 to index
          %swap3A_1009 = arith.constant 96 : index
          %swap3A_1010 = tpu.vector_load %arg5[%swap3A_1007, %swap3A_1008, %swap3A_1009] {strides = array<i32>} : memref<3x80x128xf32, #tpu.memory_space<vmem>>, vector<1x1x16xf32>,
          %swap3A_1011 = vector.shape_cast %swap3A_1010 : vector<1x1x16xf32> to vector<16xf32>
          %swap3A_1012 = vector.shape_cast %mul3A_1005 : vector<16xf32> to vector<1x1x16xf32>
          tpu.vector_store %arg5[%swap3A_1007, %swap3A_1008, %swap3A_1009], %swap3A_1012 {strides = array<i32>} : memref<3x80x128xf32, #tpu.memory_space<vmem>>, vector<1x1x16xf32>,
          %get3A_1013 = arith.constant 2 : i32
          %get3A_1014 = arith.index_cast %get3A_1013 : i32 to index
          %get3A_1015 = arith.index_cast %add3A_909 : i32 to index
          %get3A_1016 = arith.constant 112 : index
          %get3A_1017 = tpu.vector_load %arg4[%get3A_1014, %get3A_1015, %get3A_1016] {strides = array<i32>} : memref<3x80x128xf32, #tpu.memory_space<vmem>>, vector<1x1x16xf32>,
          %get3A_1018 = vector.shape_cast %get3A_1017 : vector<1x1x16xf32> to vector<16xf32>
          %mul3A_1019 = arith.mulf %get3A_1018, %gather3A_914 : vector<16xf32>
          %swap3A_1020 = arith.constant 2 : i32
          %swap3A_1021 = arith.index_cast %swap3A_1020 : i32 to index
          %swap3A_1022 = arith.index_cast %add3A_909 : i32 to index
          %swap3A_1023 = arith.constant 112 : index
          %swap3A_1024 = tpu.vector_load %arg5[%swap3A_1021, %swap3A_1022, %swap3A_1023] {strides = array<i32>} : memref<3x80x128xf32, #tpu.memory_space<vmem>>, vector<1x1x16xf32>,
          %swap3A_1025 = vector.shape_cast %swap3A_1024 : vector<1x1x16xf32> to vector<16xf32>
          %swap3A_1026 = vector.shape_cast %mul3A_1019 : vector<16xf32> to vector<1x1x16xf32>
          tpu.vector_store %arg5[%swap3A_1021, %swap3A_1022, %swap3A_1023], %swap3A_1026 {strides = array<i32>} : memref<3x80x128xf32, #tpu.memory_space<vmem>>, vector<1x1x16xf32>,
        }
        %scan3A_146 = arith.constant 20 : i32
        %mul3A_147 = arith.constant 80 : i32
        %mul3A_148 = arith.muli %add3A_109, %mul3A_147 : i32
        %dma_start3A_149 = arith.constant 2 : i32
        %dma_start3A_150 = arith.constant 0 : i32
        %dma_start3A_151 = arith.constant 0 : i32
        %dma_start3A_152 = tpu.memref_slice %arg5[%dma_start3A_149, %dma_start3A_150, %dma_start3A_151] : memref<3x80x128xf32, #tpu.memory_space<vmem>> -> memref<1x80x128xf32, #tpu.memory_space<vmem>>
        %dma_start3A_153 = tpu.memref_squeeze %dma_start3A_152 : memref<1x80x128xf32, #tpu.memory_space<vmem>> -> memref<80x128xf32, #tpu.memory_space<vmem>>
        %dma_start3A_154 = arith.constant 0 : i32
        %dma_start3A_155 = tpu.memref_slice %arg3[%mul3A_148, %dma_start3A_154] : memref<100000x128xf32, #tpu.memory_space<hbm>> -> memref<80x128xf32, #tpu.memory_space<hbm>>
        %dma_start3A_156 = arith.constant 0 : i32
        %dma_start3A_157 = tpu.memref_slice %arg3[%mul3A_148, %dma_start3A_156] : memref<100000x128xf32, #tpu.memory_space<hbm>> -> memref<80x128xf32, #tpu.memory_space<hbm>>
        %dma_start3A_158 = arith.constant 0 : i32
        %dma_start3A_159 = arith.constant 0 : i32
        %dma_start3A_160 = tpu.memref_slice %arg5[%dma_start3A_149, %dma_start3A_158, %dma_start3A_159] : memref<3x80x128xf32, #tpu.memory_space<vmem>> -> memref<1x80x128xf32, #tpu.memory_space<vmem>>
        %dma_start3A_161 = tpu.memref_squeeze %dma_start3A_160 : memref<1x80x128xf32, #tpu.memory_space<vmem>> -> memref<80x128xf32, #tpu.memory_space<vmem>>
        tpu.enqueue_dma source(%dma_start3A_161 : memref<80x128xf32, #tpu.memory_space<vmem>>) target(%dma_start3A_157 : memref<80x128xf32, #tpu.memory_space<hbm>>) target_semaphore(%arg11 : memref<!tpu.dma_semaphore, #tpu.memory_space<semaphore_mem>>)
      } else {
      }
    }
    %scan3A_36 = arith.constant 14 : i32
    %dma_wait3A = arith.constant 0 : i32
    %dma_wait3A_37 = arith.constant 0 : i32
    %dma_wait3A_38 = arith.constant 0 : i32
    %dma_wait3A_39 = tpu.memref_slice %arg5[%dma_wait3A, %dma_wait3A_37, %dma_wait3A_38] : memref<3x80x128xf32, #tpu.memory_space<vmem>> -> memref<1x80x128xf32, #tpu.memory_space<vmem>>
    %dma_wait3A_40 = tpu.memref_squeeze %dma_wait3A_39 : memref<1x80x128xf32, #tpu.memory_space<vmem>> -> memref<80x128xf32, #tpu.memory_space<vmem>>
    %dma_wait3A_41 = arith.constant 0 : i32
    %dma_wait3A_42 = arith.constant 0 : i32
    %dma_wait3A_43 = tpu.memref_slice %arg3[%dma_wait3A_41, %dma_wait3A_42] : memref<100000x128xf32, #tpu.memory_space<hbm>> -> memref<80x128xf32, #tpu.memory_space<hbm>>
    %dma_wait3A_44 = arith.constant 0 : i32
    %dma_wait3A_45 = arith.constant 0 : i32
    %dma_wait3A_46 = tpu.memref_slice %arg3[%dma_wait3A_44, %dma_wait3A_45] : memref<100000x128xf32, #tpu.memory_space<hbm>> -> memref<80x128xf32, #tpu.memory_space<hbm>>
    %dma_wait3A_47 = arith.constant 0 : i32
    %dma_wait3A_48 = arith.constant 0 : i32
    %dma_wait3A_49 = tpu.memref_slice %arg5[%dma_wait3A, %dma_wait3A_47, %dma_wait3A_48] : memref<3x80x128xf32, #tpu.memory_space<vmem>> -> memref<1x80x128xf32, #tpu.memory_space<vmem>>
    %dma_wait3A_50 = tpu.memref_squeeze %dma_wait3A_49 : memref<1x80x128xf32, #tpu.memory_space<vmem>> -> memref<80x128xf32, #tpu.memory_space<vmem>>
    tpu.wait_dma2 semaphore(%arg9 : memref<!tpu.dma_semaphore, #tpu.memory_space<semaphore_mem>>) src(%dma_wait3A_50 : memref<80x128xf32, #tpu.memory_space<vmem>>) dst(%dma_wait3A_46 : memref<80x128xf32, #tpu.memory_space<hbm>>)
    %dma_wait3A_51 = arith.constant 1 : i32
    %dma_wait3A_52 = arith.constant 0 : i32
    %dma_wait3A_53 = arith.constant 0 : i32
    %dma_wait3A_54 = tpu.memref_slice %arg5[%dma_wait3A_51, %dma_wait3A_52, %dma_wait3A_53] : memref<3x80x128xf32, #tpu.memory_space<vmem>> -> memref<1x80x128xf32, #tpu.memory_space<vmem>>
    %dma_wait3A_55 = tpu.memref_squeeze %dma_wait3A_54 : memref<1x80x128xf32, #tpu.memory_space<vmem>> -> memref<80x128xf32, #tpu.memory_space<vmem>>
    %dma_wait3A_56 = arith.constant 0 : i32
    %dma_wait3A_57 = arith.constant 0 : i32
    %dma_wait3A_58 = tpu.memref_slice %arg3[%dma_wait3A_56, %dma_wait3A_57] : memref<100000x128xf32, #tpu.memory_space<hbm>> -> memref<80x128xf32, #tpu.memory_space<hbm>>
    %dma_wait3A_59 = arith.constant 0 : i32
    %dma_wait3A_60 = arith.constant 0 : i32
    %dma_wait3A_61 = tpu.memref_slice %arg3[%dma_wait3A_59, %dma_wait3A_60] : memref<100000x128xf32, #tpu.memory_space<hbm>> -> memref<80x128xf32, #tpu.memory_space<hbm>>
    %dma_wait3A_62 = arith.constant 0 : i32
    %dma_wait3A_63 = arith.constant 0 : i32
    %dma_wait3A_64 = tpu.memref_slice %arg5[%dma_wait3A_51, %dma_wait3A_62, %dma_wait3A_63] : memref<3x80x128xf32, #tpu.memory_space<vmem>> -> memref<1x80x128xf32, #tpu.memory_space<vmem>>
    %dma_wait3A_65 = tpu.memref_squeeze %dma_wait3A_64 : memref<1x80x128xf32, #tpu.memory_space<vmem>> -> memref<80x128xf32, #tpu.memory_space<vmem>>
    tpu.wait_dma2 semaphore(%arg10 : memref<!tpu.dma_semaphore, #tpu.memory_space<semaphore_mem>>) src(%dma_wait3A_65 : memref<80x128xf32, #tpu.memory_space<vmem>>) dst(%dma_wait3A_61 : memref<80x128xf32, #tpu.memory_space<hbm>>)
    %dma_wait3A_66 = arith.constant 2 : i32
    %dma_wait3A_67 = arith.constant 0 : i32
    %dma_wait3A_68 = arith.constant 0 : i32
    %dma_wait3A_69 = tpu.memref_slice %arg5[%dma_wait3A_66, %dma_wait3A_67, %dma_wait3A_68] : memref<3x80x128xf32, #tpu.memory_space<vmem>> -> memref<1x80x128xf32, #tpu.memory_space<vmem>>
    %dma_wait3A_70 = tpu.memref_squeeze %dma_wait3A_69 : memref<1x80x128xf32, #tpu.memory_space<vmem>> -> memref<80x128xf32, #tpu.memory_space<vmem>>
    %dma_wait3A_71 = arith.constant 0 : i32
    %dma_wait3A_72 = arith.constant 0 : i32
    %dma_wait3A_73 = tpu.memref_slice %arg3[%dma_wait3A_71, %dma_wait3A_72] : memref<100000x128xf32, #tpu.memory_space<hbm>> -> memref<80x128xf32, #tpu.memory_space<hbm>>
    %dma_wait3A_74 = arith.constant 0 : i32
    %dma_wait3A_75 = arith.constant 0 : i32
    %dma_wait3A_76 = tpu.memref_slice %arg3[%dma_wait3A_74, %dma_wait3A_75] : memref<100000x128xf32, #tpu.memory_space<hbm>> -> memref<80x128xf32, #tpu.memory_space<hbm>>
    %dma_wait3A_77 = arith.constant 0 : i32
    %dma_wait3A_78 = arith.constant 0 : i32
    %dma_wait3A_79 = tpu.memref_slice %arg5[%dma_wait3A_66, %dma_wait3A_77, %dma_wait3A_78] : memref<3x80x128xf32, #tpu.memory_space<vmem>> -> memref<1x80x128xf32, #tpu.memory_space<vmem>>
    %dma_wait3A_80 = tpu.memref_squeeze %dma_wait3A_79 : memref<1x80x128xf32, #tpu.memory_space<vmem>> -> memref<80x128xf32, #tpu.memory_space<vmem>>
    tpu.wait_dma2 semaphore(%arg11 : memref<!tpu.dma_semaphore, #tpu.memory_space<semaphore_mem>>) src(%dma_wait3A_80 : memref<80x128xf32, #tpu.memory_space<vmem>>) dst(%dma_wait3A_76 : memref<80x128xf32, #tpu.memory_space<hbm>>)
    return
  }
}

</mosaic_0001>

<sc_bundles>
// kernel: kernel.3.cloned.1.call-start
scs
__scs_entry_jumppad:
0x0: {  	(pc) =	sbr.rel $0x88, $3  }
0x1: {  	(tag) =	ssettag $0x0;
	lr =	simm.s32 $0x1  }
0x2: {  	[smem:$0x3FA0] =	sst lr;
	_ =	strace $0xD0000000  }
0x3: {  	_ = 	snop  }
0x4: {  	_ = 	snop  }
0x5: {  	_ = 	snop  }
0x6: {  	_ = 	snop  }
0x7: {  	_ = 	snop  }
__scs_overlays_trampoline_lowered:
0x8: {  	[smem:$0x3FAF] =	sst s0  }
0x9: {  	[smem:$0x3FB0] =	sst s1  }
0xa: {  	[smem:$0x3FB1] =	sst s2  }
0xb: {  	[smem:$0x3FB2] =	sst s3  }
0xc: {  	[smem:$0x3FB3] =	sst s4  }
0xd: {  	[smem:$0x3FB4] =	sst s5  }
0xe: {  	[smem:$0x3FB5] =	sst s6  }
0xf: {  	[smem:$0x3FB6] =	sst s7  }
0x10: {  	[smem:$0x3FB7] =	sst s8  }
0x11: {  	[smem:$0x3FB8] =	sst s9;
	s0 =	simm.s32 @!p0 $0x0  }
0x12: {  	s1 =	sld [smem:$0x3F9E];
	s0 =	simm.s32 @p0 $0x1  }
0x13: {  	[smem:$0x3FB9] =	sst s0;
	s0 =	simm.s32 @!p1 $0x0  }
0x14: {  	s2 =	sld [smem:$0x3F9D];
	s0 =	simm.s32 @p1 $0x1  }
0x15: {  	[smem:$0x3FBA] =	sst s0;
	s0 =	simm.s32 @!p2 $0x0  }
0x16: {  	s3 =	sld [smem:$0x3FDB];
	s0 =	simm.s32 @p2 $0x1  }
0x17: {  	s4 =	simm.s32 $0x1BF5;
	[smem:$0x3FBC] =	sst s0  }
0x18: {  	s0 =	sld [smem:$0x3F9F];
	_ =	swait.ge [sflag:s4], $0x0  }
0x19: {  	s7 =	sld [smem:$0x3FA0]  }
0x1a: {  	s8 =	sadd.s32 $0xFFFFE003, lr  }
0x1b: {  	s9 =	sadd.s32 $0xFFFFFEF7, lr;
	s5 =	simm.s32 $0xFFFFFFFF;
	p2 =	slt.u32 s8, $0xFFFFF086  }
0x1c: {  	p1 =	slt.u32 s9, $0xF7A;
	s5 =	simm.s32 @!p2 $0x0  }
0x1d: {  	s5 =	simm.s32 @p1 $0x1;
	p0 =	seq.s32 s7, s2  }
0x1e: {  	s7 =	smul.u32 @!p0 $0xF7A, s2;
	p2 =	seq.s32 @!p0 s5, $0x0  }
0x1f: {  	s9 =	smul.u32 $0xF7A, s1;
	s8 =	simm.s32 @!p0 $0x1BF5;
	p2 =	por !p2, p0  }
0x20: {  	[sflag:s8] =	ssyncset.s32 @!p0 $0xFFFFF086;
	s6 =	sadd.s32 @!p0 s3, s7;
	s7 =	simm.s32 @!p0 $0x108  }
0x21: {  	s3 =	sadd.s32 s3, s9;
	s6 =	sadd.s32 @!p0 $0x88, s6;
	s7 =	simm.s32 @p2 $0x1082  }
0x22: {  	[simem:s7], [sflag:s8] =	dma.local @!p0 [hbm:s6], $0xF7A  }
0x23: {  	s9 =	sor.u32 $0xD0000000, s2;
	s6 =	simm.s32 $0x108;
	_ =	swait.ge @!p0 [sflag:s8], $0x0  }
0x24: {  	s3 =	sadd.s32 $0x88, s3;
	s6 =	simm.s32 @!p1 $0x1082;
	[sflag:s4] =	ssyncset.s32 $0xFFFFF086  }
0x25: {  	[simem:s6], [sflag:s4] =	dma.local [hbm:s3], $0xF7A  }
0x26: {  	[smem:$0x3FA0] =	sst s1;
	(tag) =	ssettag s2;
	_ =	strace s9  }
0x27: {  	s1 =	sld [smem:$0x3FB0]  }
0x28: {  	s2 =	sld [smem:$0x3FB1]  }
0x29: {  	s4 =	sld [smem:$0x3FB3]  }
0x2a: {  	p0 =	seq.s32 s5, $0x0;
	s5 =	sld [smem:$0x3FB4]  }
0x2b: {  	s6 =	sld [smem:$0x3FB5]  }
0x2c: {  	s7 =	sld [smem:$0x3FB6]  }
0x2d: {  	s3 =	simm.s32 $0x108;
	s8 =	sld [smem:$0x3FB7]  }
0x2e: {  	s3 =	simm.s32 @!p0 $0x1082;
	s9 =	sld [smem:$0x3FB8]  }
0x2f: {  	lr =	sadd.s32 s0, s3;
	s0 =	sld [smem:$0x3FAF]  }
0x30: {  	s3 =	sld [smem:$0x3FB2]  }
0x31: {  	[smem:$0x3FBB] =	sst s10  }
0x32: {  	s10 =	sld [smem:$0x3FB9];
	_ =	sdelay $0x3  }
0x33: {  	p0 =	seq.s32 s10, $0x1;
	s10 =	sld [smem:$0x3FBB];
	_ =	sdelay $0x3  }
0x34: {  	[smem:$0x3FBB] =	sst s10  }
0x35: {  	s10 =	sld [smem:$0x3FBA];
	_ =	sdelay $0x3  }
0x36: {  	p1 =	seq.s32 s10, $0x1;
	s10 =	sld [smem:$0x3FBB];
	_ =	sdelay $0x3  }
0x37: {  	[smem:$0x3FBB] =	sst s10  }
0x38: {  	s10 =	sld [smem:$0x3FBC]  }
0x39: {  	_ = 	snop;
	(pc) =	sbr.ind lr, $3  }
0x3a: {  	_ = 	snop  }
0x3b: {  	_ = 	snop  }
0x3c: {  	p2 =	seq.s32 s10, $0x1;
	s10 =	sld [smem:$0x3FBB]  }
0x3d: {  	_ =	shalt  }
0x3e: {  	_ =	shalt  }
0x3f: {  	_ =	shalt  }
0x40: {  	_ =	shalt  }
0x41: {  	_ =	shalt  }
0x42: {  	_ =	shalt  }
0x43: {  	_ =	shalt  }
0x44: {  	_ =	shalt  }
0x45: {  	_ =	shalt  }
0x46: {  	_ =	shalt  }
0x47: {  	_ =	shalt  }
0x48: {  	_ =	shalt  }
0x49: {  	_ =	shalt  }
0x4a: {  	_ =	shalt  }
0x4b: {  	_ =	shalt  }
0x4c: {  	_ =	shalt  }
0x4d: {  	_ =	shalt  }
0x4e: {  	_ =	shalt  }
0x4f: {  	_ =	shalt  }
0x50: {  	_ =	shalt  }
0x51: {  	_ =	shalt  }
0x52: {  	_ =	shalt  }
0x53: {  	_ =	shalt  }
0x54: {  	_ =	shalt  }
0x55: {  	_ =	shalt  }
0x56: {  	_ =	shalt  }
0x57: {  	_ =	shalt  }
0x58: {  	_ =	shalt  }
0x59: {  	_ =	shalt  }
0x5a: {  	_ =	shalt  }
0x5b: {  	_ =	shalt  }
0x5c: {  	_ =	shalt  }
0x5d: {  	_ =	shalt  }
0x5e: {  	_ =	shalt  }
0x5f: {  	_ =	shalt  }
0x60: {  	_ =	shalt  }
0x61: {  	_ =	shalt  }
0x62: {  	_ =	shalt  }
0x63: {  	_ =	shalt  }
0x64: {  	_ =	shalt  }
0x65: {  	_ =	shalt  }
0x66: {  	_ =	shalt  }
0x67: {  	_ =	shalt  }
0x68: {  	_ =	shalt  }
0x69: {  	_ =	shalt  }
0x6a: {  	_ =	shalt  }
0x6b: {  	_ =	shalt  }
0x6c: {  	_ =	shalt  }
0x6d: {  	_ =	shalt  }
0x6e: {  	_ =	shalt  }
0x6f: {  	_ =	shalt  }
0x70: {  	_ =	shalt  }
0x71: {  	_ =	shalt  }
0x72: {  	_ =	shalt  }
0x73: {  	_ =	shalt  }
0x74: {  	_ =	shalt  }
0x75: {  	_ =	shalt  }
0x76: {  	_ =	shalt  }
0x77: {  	_ =	shalt  }
0x78: {  	_ =	shalt  }
0x79: {  	_ =	shalt  }
0x7a: {  	_ =	shalt  }
0x7b: {  	_ =	shalt  }
0x7c: {  	_ =	shalt  }
0x7d: {  	_ =	shalt  }
0x7e: {  	_ =	shalt  }
0x7f: {  	_ =	shalt  }
0x80: {  	_ =	shalt  }
0x81: {  	_ =	shalt  }
0x82: {  	_ =	shalt  }
0x83: {  	_ =	shalt  }
0x84: {  	_ =	shalt  }
0x85: {  	_ =	shalt  }
0x86: {  	_ =	shalt  }
0x87: {  	_ =	shalt  }
.Lfunc_end0:
.L_simem_size_0:
called_computation_lowered:
.L_overlay_start_0:
0x88: {  	s2 =	sld [smem:$0x3FD9]  }
0x89: {  	s3 =	sld [smem:$0x3FFE];
	_ =	sdelay $0x1  }
0x8a: {  	s1 =	srdreg.scid  }
0x8b: {  	s0 =	sand.u32 $0x1, s1  }
0x8c: {  	s18 =	sshll.u32 s0, $0xA;
	s2 =	sadd.s32 s3, s2  }
0x8d: {  	s2 =	sadd.s32 s2, s18  }
0x8e: {  	[smem:$0x3FC7] =	sst s2  }
0x8f: {  	_ = 	snop  }
0x90: {  	s2 =	sld [smem:$0x3FC9]  }
0x91: {  	s19 =	sld [smem:$0x3FD0];
	(tm) =	ssettm $0x1  }
0x92: {  	s4 =	sld [smem:$0x3FFB];
	_ =	sdelay $0x3  }
0x93: {  	_ =	strace s4  }
0x94: {  	s4 =	sld [smem:$0x3FFC];
	_ =	sdelay $0x3  }
0x95: {  	_ =	strace s4  }
0x96: {  	s4 =	sld [smem:$0x3FFD];
	_ =	sdelay $0x3  }
0x97: {  	_ =	strace s4  }
0x98: {  	_ =	strace $0x8FFFFFFF  }
0x99: {  	s20 =	sld [smem:$0x3FDB];
	_ =	sdelay $0x1  }
0x9a: {  	s5 =	simm.s32 $_scs_section_size  }
0x9b: {  	s6 =	simm.s32 $_size__tile_overlayer_lowered;
	s7 =	simm.s32 $_tile_overlayer_lowered  }
0x9c: {  	s23 =	simm.s32 $0x1BFF;
	s22 =	sshll.u32 s7, $0x1;
	s4 =	sadd.s32 s5, s20  }
0x9d: {  	s8 =	simm.s32 $0x0;
	s21 =	sshll.u32 s6, $0x1;
	s6 =	sadd.s32 s22, s4  }
0x9e: {  	[timem:s8], [sflag:s23] =	dma.local [hbm:s6], s21  }
0x9f: {  	_ =	swait.ge [sflag:s23], s21  }
0xa0: {  	s5 =	ssub.s32 $0x0, s21;
	[sflag:s23] =	ssyncset.done $0x0  }
0xa1: {  	[sflag:s23] =	ssyncadd.s32 s5;
	_ =	sdelay $0x1  }
0xa2: {  	s24 =	simm.s32 $0x1B8B  }
0xa3: {  	_ =	swait.ge [sflag:s24], $0x1  }
0xa4: {  	[sflag:s24] =	ssyncset.done $0x0  }
0xa5: {  	s25 =	simm.s32 $0x1B8E;
	[sflag:s24] =	ssyncadd.s32 $0xFFFFFFFF  }
0xa6: {  	s26 =	simm.s32 $execute0_lowered;
	[smem:$0x3FD2] =	sst s25  }
0xa7: {  	s5 =	sshll.u32 s26, $0x1;
	_ =	strace $0x80000046;
	[dreg:$0x1] =	wrdreg $0xFFFFFFFF  }
0xa8: {  	s28 =	simm.s32 $_size_execute0_lowered;
	s4 =	sadd.s32 s4, s5;
	[dreg:$0x0] =	wrdreg $0x0  }
0xa9: {  	s5 =	sshll.u32 s28, $0x1;
	[dreg:$0x2] =	wrdreg s4  }
0xaa: {  	[dreg:$0x3] =	wrdreg s5  }
0xab: {  	[dreg:$0x4] =	wrdreg $0xC0  }
0xac: {  	_ =	task [dreg:s8], $0x5FFFF  }
0xad: {  	[dreg:$0x1] =	wrdreg $0xFFFFFFFF  }
0xae: {  	[dreg:$0x0] =	wrdreg $0x60  }
0xaf: {  	[dreg:$0x2] =	wrdreg s2  }
0xb0: {  	[dreg:$0x3] =	wrdreg s19  }
0xb1: {  	[dreg:$0x4] =	wrdreg $0x9  }
0xb2: {  	_ =	task.clear_ibuf [dreg:s8], $0x5FFFF;
	_ =	strace $0x90000046  }
0xb3: {  	s29 =	simm.s32 $0x9;
	_ =	strace $0x80000048  }
0xb4: {  	_ =	swait.ge [sflag:s29], $0x1  }
0xb5: {  	[sflag:s29] =	ssyncadd.s32 $0xFFFFFFFF  }
0xb6: {  	_ =	strace $0x90000048  }
0xb7: {  	_ =	sfence  }
0xb8: {  	s30 =	sld [smem:$0x0];
	_ =	sdelay $0x2  }
0xb9: {  	s31 =	sshll.u32 s1, $0xD;
	s1 =	sshrl.u32 s1, $0x2  }
0xba: {  	s3 =	sand.u32 $0x4000, s31;
	s1 =	sadd.s32 s1, s30  }
0xbb: {  	s0 =	sor.u32 s3, s0;
	s1 =	sshll.u32 s1, $0x11  }
0xbc: {  	s0 =	sor.u32 s1, s0  }
0xbd: {  	s0 =	sadd.s32 $0x8F2B, s0  }
0xbe: {  	[sflag:s0] =	ssyncadd.remote.s32 $0x1  }
0xbf: {  	_ =	sfence.sel $0xFFFF  }
0xc0: {  	[dreg:$0x0] =	wrdreg $0xFFFFFFFF;
	(pc) =	sbr.abs _section_cstart, $3  }
0xc1: {  	[dreg:$0x1] =	wrdreg $0xFFFFFFFF  }
0xc2: {  	_ =	task.clear_ibuf [dreg:s8], $0x2FFFF;
	_ =	strace $0x9FFFFFFF  }
0xc3: {  	(tm) =	ssettm $0x7FFFFFFF  }
tec
execute0_lowered:
.L_overlay_start_1:
0x0: {  	(tag) =	ssettag $0x1  }
0x1: {  	v0 =	vimm.s32 $0xEFCDAB89;
	vm0 =	vcmask $0xB08  }
0x2: {  	vm1 =	vcmask $0x300;
	v1 =	vimm.s32 $0x67452301;
	v2 =	vimm.s32 $0xDCFE98BA  }
0x3: {  	v3 =	vimm.s32 $0x54761032;
	vm2 =	vcmask $0x700;
	v59 =	vimm.s32 $0xBA98FEDC  }
0x4: {  	v60 =	vimm.s32 $0xFEDCBA98;
	v4 =	vimm.s32 $0x32107654;
	v5 =	vimm.s32 $0x76543210  }
0x5: {  	v0 =	vunpack.c.l.s4.s8 v0;
	vm0 =	vmor vm1, vm0;
	vm1 =	vcmask $0x1310  }
0x6: {  	v1 =	vunpack.c.l.s4.s8 v1;
	v2 =	vunpack.c.l.s4.s8 v2;
	v3 =	vunpack.c.l.s4.s8 v3  }
0x7: {  	v4 =	vunpack.c.l.s4.s8 v4;
	vm0 =	vmor vm0, vm1;
	vm1 =	vcmask $0x1B18  }
0x8: {  	s2 =	srdreg.scid;
	s1 =	rddreg [dreg:$0x0];
	v5 =	vunpack.c.l.s4.s8 v5;
	v0 =	vunpack.c.0.s8.s32 v0;
	vm0 =	vmor vm0, vm1  }
0x9: {  	s0 =	stileid.u32;
	s3 =	simm.s32 $0x0;
	s5 =	rddreg [dreg:$0x2];
	vm1 =	vcmask $0x2320;
	v1 =	vunpack.c.0.s8.s32 v1;
	v57 =	vunpack.c.0.s8.s32 v2  }
0xa: {  	s11 =	simm.s32 $0x2800;
	s12 =	simm.s32 $0x1;
	s13 =	simm.s32 $0x7800;
	v58 =	vunpack.c.0.s8.s32 v3;
	v3 =	vunpack.c.l.s4.s8 v60;
	v2 =	vunpack.c.l.s4.s8 v59  }
0xb: {  	s14 =	simm.s32 $0x2;
	s15 =	simm.s32 $0xA000;
	s16 =	simm.s32 $0x3;
	v4 =	vunpack.c.0.s8.s32 v4;
	vm0 =	vmor vm0, vm1;
	vm1 =	vcmask $0x2B28  }
0xc: {  	s17 =	simm.s32 $0xC800;
	s6 =	sand.u32 $0x1, s2;
	s4 =	sshll.u32 s0, $0x1;
	v5 =	vunpack.c.0.s8.s32 v5;
	vm0 =	vmor vm0, vm1;
	vm1 =	vcmask $0x3330  }
0xd: {  	s18 =	simm.s32 $0x4;
	s19 =	simm.s32 $0x5;
	s4 =	sor.u32 s6, s4;
	v0 =	vcombine.low v1, v0;
	v1 =	vcombine.low v58, v57;
	v3 =	vunpack.c.0.s8.s32 v3  }
0xe: {  	s20 =	simm.s32 $0x6;
	s21 =	simm.s32 $0x0;
	s7 =	smul.u32 $0x2800, s4;
	v2 =	vunpack.c.0.s8.s32 v2;
	vm0 =	vmor vm0, vm1;
	vm1 =	vcmask $0x3B38  }
.Ltmp0:
0xf: {  	s2 =	rddreg [dreg:$0x1];
	s6 =	ssub.s32 $0x2, s6;
	vm0 =	vmor vm0, vm1;
	vm1 =	vcmask $0x1710;
	v0 =	vand.u32 $0xF, v0;
	(pc) =	sbr.rel .LBB2_1-.Ltmp0, $4  }
0x10: {  	[smem:$0x7FF] =	sst s3;
	s8 =	smul.u32 $0x500, s4;
	s9 =	sshrl.u32 s6, $0x1;
	v61 =	vand.u32 $0xF, v1;
	v3 =	vand.u32 $0xF, v3;
	v62 =	vcombine.low v4, v2;
	[tilespmem:$0x1FFC0] =	vst v0  }
0x11: {  	s10 =	ssub.s32 s6, s9;
	s7 =	sshrl.u32 s7, $0x3;
	vm1 =	vmor vm2, vm1;
	vm2 =	vcmask $0x2720;
	v63 =	vcombine.low v3, v5;
	_ =	strace $0x80000047;
	[tilespmem:$0x1FFD0] =	vst v61  }
0x12: {  	s9 =	sor.u32 $0x40, s4;
	s6 =	sadd.s32 s1, s8;
	s7 =	sadd.s32 s1, s7;
	vm1 =	vmor vm1, vm2;
	vm2 =	vcmask $0x3730;
	[tilespmem:$0x1FFE0] =	vst v62  }
0x13: {  	s8 =	sor.u32 $0x20, s4;
	s10 =	smax.u32 s10, $0x1;
	s7 =	sadd.s32 $0xA000, s7;
	vm1 =	vmor vm1, vm2;
	[tilespmem:$0x1FFF0] =	vst v63  }
.LBB2_15:
0x14: {  	_ =	swait.ge [sflag:s18], $0x2800  }
0x15: {  	[sflag:s18] =	ssyncset.done $0x0  }
0x16: {  	s21 =	sadd.s32 $0x1, s21;
	[sflag:s18] =	ssyncadd.s32 $0xFFFFD800  }
0x17: {  	p0 =	sne.s32 s21, s10;
	_ =	swait.ge [sflag:s19], $0x2800  }
.Ltmp1:
0x18: {  	[sflag:s19] =	ssyncset.done $0x0;
	(pc) =	sbr.rel @!p0 .LBB2_16-.Ltmp1, $4  }
0x19: {  	[sflag:s19] =	ssyncadd.s32 $0xFFFFD800  }
0x1a: {  	_ =	swait.ge [sflag:s20], $0x2800  }
0x1b: {  	[sflag:s20] =	ssyncset.done $0x0  }
0x1c: {  	[sflag:s20] =	ssyncadd.s32 $0xFFFFD800  }
.LBB2_1:
.Ltmp2:
0x1d: {  	(pc) =	sbr.rel .LBB2_2-.Ltmp2, $4  }
0x1e: {  	_ = 	snop  }
0x1f: {  	[tilespmem:s3], [sflag:$0x1] =	stream.linear.gather [hbm4b:s6+s3], $0x2800, $0x38;
	[tilespmem:$0xF000] =	vst v63  }
0x20: {  	s22 =	simm.s32 $0x0  }
0x21: {  	[tilespmem:s11], [sflag:$0x2] =	stream.linear.gather [hbm4b:s7+s3], $0x2800, $0x38;
	[tilespmem:$0xF000] =	vst v63  }
.LBB2_14:
0x22: {  	s22 =	sadd.s32 $0x1, s22  }
0x23: {  	p0 =	sne.s32 s22, $0xE  }
.Ltmp3:
0x24: {  	_ = 	snop;
	(pc) =	sbr.rel @!p0 .LBB2_15-.Ltmp3, $1  }
0x25: {  	_ =	sdelay $0x3  }
.LBB2_2:
0x26: {  	s23 =	smul.u32 $0x60, s22;
	_ =	sdelay $0x1  }
0x27: {  	s24 =	sor.u32 s4, s23  }
0x28: {  	p0 =	sgt.u32 s24, $0x4E1  }
.Ltmp4:
0x29: {  	_ = 	snop;
	(pc) =	sbr.rel @p0 .LBB2_6-.Ltmp4, $1  }
0x2a: {  	_ =	sdelay $0x3  }
0x2b: {  	p0 =	sgt.u32 s24, $0x4A1  }
0x2c: {  	s25 =	smul.u32 @!p0 $0x2800, s24;
	_ =	sdelay $0x1  }
0x2d: {  	s25 =	sshrl.u32 @!p0 s25, $0x3  }
0x2e: {  	s25 =	sadd.s32 @!p0 s1, s25  }
0x2f: {  	s26 =	simm.s32 @!p0 $0x0;
	s28 =	simm.s32 @!p0 $0x5000;
	s25 =	sadd.s32 @!p0 $0x14000, s25  }
0x30: {  	[tilespmem:s28], [sflag:$0x3] =	stream.linear.gather @!p0 [hbm4b:s25+s26], $0x2800, $0x38;
	[tilespmem:$0xF000] =	vst v63  }
0x31: {  	_ =	swait.ge [sflag:s12], $0x2800  }
0x32: {  	p0 =	seq.s32 s22, $0x0;
	[sflag:s12] =	ssyncset.done $0x0  }
0x33: {  	s25 =	simm.s32 @!p0 $0x4;
	[sflag:s12] =	ssyncadd.s32 $0xFFFFD800  }
0x34: {  	_ =	swait.ge @!p0 [sflag:s25], $0x2800  }
0x35: {  	[sflag:s25] =	ssyncset.done @!p0 $0x0  }
0x36: {  	[sflag:s25] =	ssyncadd.s32 @!p0 $0xFFFFD800;
	s25 =	simm.s32 $0x0  }
0x37: {  	v0 =	vld [tilespmem:s25+$0x0]  }
0x38: {  	v2 =	vld [tilespmem:s25+$0x10]  }
0x39: {  	v4 =	vld [tilespmem:s25+$0x20]  }
0x3a: {  	v5 =	vld [tilespmem:s25+$0x30]  }
0x3b: {  	v6 =	vld [tilespmem:s25+$0x40]  }
0x3c: {  	v7 =	vld [tilespmem:s25+$0x50]  }
0x3d: {  	v9 =	vld [tilespmem:s25+$0x60]  }
0x3e: {  	v10 =	vld [tilespmem:s25+$0x70]  }
0x3f: {  	v11 =	vld [tilespmem:s25+$0x80]  }
0x40: {  	v12 =	vld [tilespmem:s25+$0x90]  }
0x41: {  	v13 =	vld [tilespmem:s25+$0xA0]  }
0x42: {  	v14 =	vld [tilespmem:s25+$0xB0]  }
0x43: {  	v15 =	vld [tilespmem:s25+$0xC0]  }
0x44: {  	v16 =	vld [tilespmem:s25+$0xD0]  }
0x45: {  	v17 =	vld [tilespmem:s25+$0xE0]  }
0x46: {  	v18 =	vld [tilespmem:s25+$0xF0]  }
0x47: {  	v19 =	vld [tilespmem:s25+$0x100]  }
0x48: {  	v20 =	vld [tilespmem:s25+$0x110]  }
0x49: {  	v22 =	vld [tilespmem:s25+$0x120]  }
0x4a: {  	v23 =	vld [tilespmem:s25+$0x130]  }
0x4b: {  	v24 =	vld [tilespmem:s25+$0x140]  }
0x4c: {  	v25 =	vld [tilespmem:s25+$0x150]  }
0x4d: {  	v26 =	vld [tilespmem:s25+$0x160]  }
0x4e: {  	v28 =	vld [tilespmem:s25+$0x180]  }
0x4f: {  	v29 =	vld [tilespmem:s25+$0x190]  }
0x50: {  	v30 =	vld [tilespmem:s25+$0x1A0]  }
0x51: {  	v31 =	vld [tilespmem:s25+$0x1B0]  }
0x52: {  	v32 =	vld [tilespmem:s25+$0x1C0];
	v21 =	vmul.f32 v0, v0  }
0x53: {  	v33 =	vld [tilespmem:s25+$0x1D0];
	v2 =	vmul.f32 v2, v2;
	v4 =	vmul.f32 v4, v4  }
0x54: {  	v37 =	vld [tilespmem:s25+$0xE0];
	v5 =	vmul.f32 v5, v5;
	v6 =	vmul.f32 v6, v6  }
0x55: {  	v38 =	vld [tilespmem:s25+$0x100];
	v7 =	vmul.f32 v7, v7;
	v9 =	vmul.f32 v9, v9  }
0x56: {  	v36 =	vld [tilespmem:s25+$0x150];
	v10 =	vmul.f32 v10, v10;
	v11 =	vmul.f32 v11, v11  }
0x57: {  	s26 =	simm.s32 $0x200;
	v39 =	vld [tilespmem:s25+$0x170];
	v12 =	vmul.f32 v12, v12;
	v27 =	vmul.f32 v13, v13  }
0x58: {  	v41 =	vld [tilespmem:s26+$0x40];
	v14 =	vmul.f32 v14, v14;
	v15 =	vmul.f32 v15, v15  }
0x59: {  	v44 =	vld [tilespmem:s26+$0x50];
	v16 =	vmul.f32 v16, v16;
	v17 =	vmul.f32 v17, v17  }
0x5a: {  	v45 =	vld [tilespmem:s26+$0x60];
	v18 =	vmul.f32 v18, v18;
	v19 =	vmul.f32 v19, v19  }
0x5b: {  	v46 =	vld [tilespmem:s26+$0x70];
	v20 =	vmul.f32 v20, v20;
	v22 =	vmul.f32 v22, v22  }
0x5c: {  	v47 =	vld [tilespmem:s26+$0x80];
	v23 =	vmul.f32 v23, v23;
	v24 =	vmul.f32 v24, v24  }
0x5d: {  	v48 =	vld [tilespmem:s26+$0x90];
	v25 =	vmul.f32 v25, v25;
	v28 =	vmul.f32 v28, v28;
	v2 =	vadd.f32 v2, v21  }
0x5e: {  	v13 =	vld [tilespmem:s25+$0x170];
	v29 =	vmul.f32 v29, v29;
	v4 =	vadd.f32 v5, v4;
	v5 =	vadd.f32 v7, v6  }
0x5f: {  	v21 =	vld [tilespmem:s25+$0x1E0];
	v7 =	vmul.f32 v30, v30;
	v30 =	vadd.f32 v10, v9;
	v35 =	vadd.f32 v12, v11  }
0x60: {  	v6 =	vld [tilespmem:s25+$0x1F0];
	v12 =	vmul.f32 v31, v31;
	v14 =	vadd.f32 v14, v27;
	v15 =	vadd.f32 v16, v15  }
0x61: {  	v49 =	vld [tilespmem:s26+$0xA0];
	v27 =	vmul.f32 v32, v32;
	v17 =	vadd.f32 v18, v17;
	v18 =	vadd.f32 v20, v19  }
0x62: {  	v57 =	vld [tilespmem:s26+$0xB0];
	v19 =	vmul.f32 v33, v33;
	v20 =	vadd.f32 v23, v22;
	v23 =	vadd.f32 v25, v24  }
0x63: {  	[tilespmem:$0x1FF20] =	vst v0;
	v26 =	vmul.f32 v26, v26;
	v0 =	vld [tilespmem:s25+$0x10];
	v25 =	vadd.f32 v29, v28;
	v7 =	vadd.f32 v12, v7  }
0x64: {  	v63 =	vld [tilespmem:s26+$0xC0];
	v19 =	vadd.f32 v19, v27;
	v2 =	vadd.f32 v4, v2;
	v34 =	vmul.f32 v13, v13  }
0x65: {  	v51 =	vld [tilespmem:s26+$0xD0];
	v4 =	vadd.f32 v30, v5;
	v21 =	vmul.f32 v21, v21;
	v6 =	vmul.f32 v6, v6  }
0x66: {  	v1 =	vld [tilespmem:s26+$0x100];
	v5 =	vadd.f32 v14, v35;
	v14 =	vadd.f32 v17, v15  }
0x67: {  	v12 =	vld [tilespmem:$0x1FFC0];
	v24 =	vadd.f32 v34, v26;
	v6 =	vadd.f32 v6, v21  }
0x68: {  	v15 =	vadd.f32 v20, v18;
	[tilespmem:$0x1FF30] =	vst v0;
	v0 =	vld [tilespmem:s25+$0x20];
	v7 =	vadd.f32 v7, v25  }
0x69: {  	v3 =	vld [tilespmem:s26+$0x110];
	v17 =	vadd.f32 v24, v23;
	v6 =	vadd.f32 v6, v19  }
0x6a: {  	v54 =	vld [tilespmem:s26+$0x130];
	v2 =	vadd.f32 v4, v2;
	v4 =	vadd.f32 v14, v5  }
0x6b: {  	v53 =	vld [tilespmem:s26+$0x140];
	v5 =	vadd.f32 v17, v15;
	v6 =	vadd.f32 v6, v7  }
0x6c: {  	v13 =	vld [tilespmem:$0x1FFD0];
	v14 =	vperm.xlane v4, v12;
	v7 =	vperm.xlane v2, v12  }
0x6d: {  	[tilespmem:$0x1FF40] =	vst v0;
	v0 =	vld [tilespmem:s25+$0x40];
	v15 =	vperm.xlane v5, v12;
	v18 =	vperm.xlane v6, v12  }
0x6e: {  	v61 =	vld [tilespmem:s26+$0x150];
	v4 =	vadd.f32 v14, v4;
	v2 =	vadd.f32 v7, v2  }
0x6f: {  	v56 =	vmul.f32 v41, v41;
	v41 =	vld [tilespmem:s26+$0x190];
	v5 =	vadd.f32 v15, v5;
	v6 =	vadd.f32 v18, v6  }
0x70: {  	v16 =	vld [tilespmem:s25+$0x30]  }
0x71: {  	v14 =	vld [tilespmem:$0x1FFE0];
	v2 =	vsel vm0, v2, v4;
	v4 =	vsel vm0, v5, v6  }
0x72: {  	[tilespmem:$0x1FF50] =	vst v0;
	v0 =	vld [tilespmem:s25+$0x50];
	v5 =	vperm.xlane v2, v13;
	v6 =	vperm.xlane v4, v13  }
0x73: {  	v22 =	vld [tilespmem:s25+$0x80]  }
0x74: {  	v31 =	vld [tilespmem:s25+$0x90];
	v2 =	vadd.f32 v5, v2;
	v4 =	vadd.f32 v6, v4  }
0x75: {  	v32 =	vld [tilespmem:s25+$0xA0]  }
0x76: {  	v15 =	vld [tilespmem:$0x1FFF0];
	v2 =	vsel vm1, v2, v4  }
0x77: {  	[tilespmem:$0x1FF60] =	vst v0;
	v0 =	vld [tilespmem:s25+$0x60];
	v4 =	vperm.xlane v2, v14  }
0x78: {  	v33 =	vld [tilespmem:s25+$0xB0]  }
0x79: {  	v29 =	vld [tilespmem:s25+$0xF0];
	v2 =	vadd.f32 v2, v4  }
0x7a: {  	v28 =	vld [tilespmem:s26+$0x0]  }
0x7b: {  	v10 =	vld [tilespmem:s26+$0xE0];
	v4 =	vperm.xlane v2, v15  }
0x7c: {  	[tilespmem:$0x1FF70] =	vst v0;
	v0 =	vld [tilespmem:s25+$0x120]  }
0x7d: {  	v35 =	vld [tilespmem:s25+$0xD0];
	v40 =	vadd.f32 v2, v4  }
0x7e: {  	v30 =	vld [tilespmem:s25+$0x160]  }
0x7f: {  	v27 =	vld [tilespmem:s25+$0x1C0];
	v5 =	vshrl.u32 v40, $0x1;
	v6 =	vmul.f32 $5.000000000e-01, v40  }
0x80: {  	v25 =	vld [tilespmem:s25+$0x190];
	v5 =	vsub.s32 $0x5F3759DF, v5  }
0x81: {  	[tilespmem:$0x1FF80] =	vst v0;
	v0 =	vld [tilespmem:s25+$0x130];
	v42 =	vmul.f32 v5, v6  }
0x82: {  	v34 =	vld [tilespmem:s25+$0xC0]  }
0x83: {  	v26 =	vld [tilespmem:s25+$0x1A0];
	v42 =	vmul.f32 v5, v42  }
0x84: {  	v60 =	vmul.f32 v45, v45;
	v45 =	vmul.f32 v10, v10;
	v10 =	vld [tilespmem:s26+$0x1A0]  }
0x85: {  	v2 =	vld [tilespmem:s26+$0x10];
	v42 =	vsub.f32 $1.500000000e+00, v42  }
0x86: {  	[tilespmem:$0x1FF90] =	vst v0;
	v0 =	vld [tilespmem:s25+$0x1B0]  }
0x87: {  	v21 =	vld [tilespmem:s25+$0x70];
	v5 =	vmul.f32 v5, v42  }
0x88: {  	v23 =	vld [tilespmem:s25+$0x140]  }
0x89: {  	v4 =	vld [tilespmem:s26+$0x20];
	v6 =	vmul.f32 v5, v6  }
0x8a: {  	v50 =	vmul.f32 v2, v2;
	v2 =	vld [tilespmem:s26+$0x120]  }
0x8b: {  	[tilespmem:$0x1FFA0] =	vst v0;
	v0 =	vld [tilespmem:s25+$0x1E0];
	v6 =	vmul.f32 v6, v5  }
0x8c: {  	v59 =	vmul.f32 v44, v44;
	v62 =	vmul.f32 v46, v46;
	v24 =	vld [tilespmem:s25+$0x180]  }
0x8d: {  	v8 =	vmul.f32 v47, v47;
	v47 =	vmul.f32 v1, v1;
	v7 =	vld [tilespmem:s26+$0x30];
	v6 =	vsub.f32 $1.500000000e+00, v6  }
0x8e: {  	v20 =	vmul.f32 v51, v51;
	v52 =	vmul.f32 v4, v4;
	v4 =	vld [tilespmem:s26+$0x160]  }
0x8f: {  	v51 =	vmul.f32 v2, v2;
	v2 =	vld [tilespmem:s26+$0x1C0];
	v43 =	vmul.f32 v6, v5  }
0x90: {  	v9 =	vmul.f32 v49, v49;
	v11 =	vmul.f32 v57, v57;
	[tilespmem:$0x1FFB0] =	vst v0;
	v0 =	vld [tilespmem:s26+$0xF0]  }
0x91: {  	v49 =	vadd.f32 v59, v56;
	v56 =	vmul.f32 v61, v61;
	v19 =	vld [tilespmem:s25+$0x110];
	v58 =	vmul.f32 v43, v40  }
0x92: {  	v55 =	vmul.f32 v28, v28;
	v18 =	vmul.f32 v63, v63;
	v6 =	vld [tilespmem:s26+$0x180]  }
0x93: {  	v63 =	vmul.f32 v10, v10;
	v5 =	vmul.f32 v7, v7;
	v7 =	vld [tilespmem:s26+$0x1B0];
	v44 =	vadd.f32 v58, v58  }
0x94: {  	v17 =	vld [tilespmem:s25+$0x1D0];
	v57 =	vmul.f32 v4, v4;
	v2 =	vmul.f32 v2, v2  }
0x95: {  	v42 =	vld [tilespmem:s26+$0x170];
	v46 =	vmul.f32 v0, v0;
	v44 =	vmul.f32 $1.442695020e+00, v44  }
0x96: {  	v4 =	vld [tilespmem:s26+$0x1E0];
	v58 =	vmul.f32 v48, v48;
	v48 =	vadd.f32 v5, v52;
	v52 =	vmul.f32 v54, v54  }
0x97: {  	v61 =	vadd.f32 v20, v18;
	v5 =	vld [tilespmem:s26+$0x1D0];
	v59 =	vmul.f32 v6, v6;
	(erf) = vpow2.f32 v44  }
0x98: {  	v6 =	vld [tilespmem:s26+$0x1F0];
	v7 =	vmul.f32 v7, v7;
	v54 =	vadd.f32 v58, v8;
	v44 =	vadd.f32 v50, v55  }
0x99: {  	v55 =	vmul.f32 v53, v53;
	v53 =	vadd.f32 v62, v60;
	v62 =	vmul.f32 v41, v41;
	v41 =	vld [tilespmem:s26+$0x10]  }
0x9a: {  	s28 =	simm.s32 $0x1000;
	v58 =	vadd.f32 v11, v9;
	v50 =	vmul.f32 v3, v3;
	v60 =	vmul.f32 v42, v42;
	v42 =	vld [tilespmem:s26+$0x20]  }
.LBB2_4:
0x9b: {  	_ =	sdelay $0x1  }
0x9c: {  	v45 =	vadd.f32 v46, v45;
	v3 =	vld [tilespmem:s26+$0x150]  }
0x9d: {  	v1 =	vld [tilespmem:s26+$0x190];
	v46 =	vadd.f32 v50, v47;
	v50 =	vadd.f32 v52, v51  }
0x9e: {  	v8 =	vld [tilespmem:s26+$0x1A0];
	v51 =	vadd.f32 v56, v55;
	v10 =	vadd.f32 v60, v57  }
0x9f: {  	v47 =	vld [tilespmem:s26+$0x30];
	v59 =	vadd.f32 v62, v59;
	v7 =	vadd.f32 v7, v63;
	v9 =	vpop (erf)  }
0xa0: {  	v52 =	vld [tilespmem:s26+$0x40];
	v11 =	vadd.f32 v53, v49;
	v5 =	vmul.f32 v5, v5;
	v55 =	vadd.f32 $1.000000000e+00, v9  }
0xa1: {  	v57 =	vld [tilespmem:s26+$0x50];
	v62 =	vadd.f32 v58, v54;
	v4 =	vmul.f32 v4, v4;
	v6 =	vmul.f32 v6, v6  }
0xa2: {  	v60 =	vld [tilespmem:s26+$0x60];
	v45 =	vadd.f32 v45, v61;
	v46 =	vadd.f32 v50, v46;
	(erf) = vrcp.f32 v55  }
0xa3: {  	v53 =	vld [tilespmem:s26+$0x90];
	v2 =	vadd.f32 v5, v2;
	v4 =	vadd.f32 v6, v4  }
0xa4: {  	v49 =	vld [tilespmem:s26+$0xD0];
	v63 =	vadd.f32 v10, v51;
	v6 =	vadd.f32 v48, v44  }
0xa5: {  	v54 =	vld [tilespmem:s26+$0xE0];
	v7 =	vadd.f32 v7, v59;
	v2 =	vadd.f32 v4, v2  }
0xa6: {  	v56 =	vld [tilespmem:s26+$0xF0];
	v6 =	vadd.f32 v11, v6;
	v9 =	vadd.f32 v45, v62  }
0xa7: {  	v51 =	vld [tilespmem:s26+$0xA0];
	v2 =	vadd.f32 v2, v7  }
0xa8: {  	v50 =	vld [tilespmem:s26+$0x100];
	v46 =	vadd.f32 v63, v46;
	v7 =	vperm.xlane v6, v12;
	v10 =	vperm.xlane v9, v12  }
0xa9: {  	v59 =	vld [tilespmem:s26+$0x110];
	v11 =	vperm.xlane v2, v12  }
0xaa: {  	v5 =	vld [tilespmem:s26+$0x70];
	v55 =	vperm.xlane v46, v12;
	v6 =	vadd.f32 v7, v6;
	v7 =	vadd.f32 v10, v9  }
0xab: {  	v48 =	vld [tilespmem:s26+$0x80];
	v9 =	vmul.f32 $-3.333333430e-01, v40;
	v10 =	vmul.f32 v40, v40;
	v2 =	vadd.f32 v11, v2;
	v63 =	vpop (erf)  }
0xac: {  	v44 =	vld [tilespmem:s26+$0x120];
	v6 =	vsel vm0, v6, v7;
	v7 =	vadd.f32 v55, v46;
	v58 =	vadd.f32 v63, v63  }
0xad: {  	v4 =	vld [tilespmem:s26+$0xB0];
	v11 =	vadd.f32 $1.000000000e+00, v9  }
0xae: {  	v45 =	vld [tilespmem:s26+$0xC0];
	v9 =	vmul.f32 $1.333333400e-01, v10;
	v2 =	vsel vm0, v7, v2;
	v55 =	vsub.f32 $1.000000000e+00, v58  }
0xaf: {  	v62 =	vld [tilespmem:s26+$0x140];
	v7 =	vperm.xlane v6, v13;
	v10 =	vperm.xlane v2, v13  }
0xb0: {  	v46 =	vld [tilespmem:s26+$0x130];
	v11 =	vadd.f32 v9, v11;
	v43 =	vmul.f32 v55, v43  }
0xb1: {  	vm2 =	vlt.f32 v40, $9.999999740e-05;
	v6 =	vadd.f32 v7, v6;
	v7 =	vld [tilespmem:s25+$0x1F0];
	v2 =	vadd.f32 v10, v2  }
0xb2: {  	v10 =	vld [tilespmem:$0x1FF20];
	v43 =	vsel vm2, v11, v43;
	vm2 =	veq.f32 v40, $+Inf  }
0xb3: {  	v0 =	vimm.s32 $0x0;
	v2 =	vsel vm1, v6, v2;
	v6 =	vld [tilespmem:s26+$0x180];
	v40 =	vsel vm2, $0x0, v43  }
0xb4: {  	v58 =	vld [tilespmem:s26+$0x160];
	v63 =	vperm.xlane v2, v14;
	v61 =	vperm.xlane v40, v0;
	v0 =	vimm.s32 $0x3  }
0xb5: {  	v55 =	vld [tilespmem:s26+$0x170];
	v43 =	vperm.xlane v40, v0  }
0xb6: {  	v9 =	vimm.s32 $0x2;
	v2 =	vadd.f32 v2, v63;
	v63 =	vld [tilespmem:s26+$0x1B0];
	v11 =	vmov v28  }
0xb7: {  	[tilespmem:$0x1FF20] =	vst v11;
	v11 =	vld [tilespmem:s26+$0x1C0];
	v9 =	vperm.xlane v40, v9;
	v0 =	vimm.s32 $0x1;
	v14 =	vmul.f32 v7, v43  }
0xb8: {  	v0 =	vperm.xlane v40, v0;
	v40 =	vmul.f32 v61, v10;
	v10 =	vld [tilespmem:$0x1FF30]  }
0xb9: {  	v7 =	vmov v41;
	[tilespmem:s25+$0x79F0] =	vst v14;
	v14 =	vld [tilespmem:$0x1FF50]  }
0xba: {  	v12 =	vld [tilespmem:$0x1FF40];
	[tilespmem:$0x1FF30] =	vst v7;
	v7 =	vperm.xlane v2, v15;
	v15 =	vmov v52;
	_ =	sdelay $0x1  }
0xbb: {  	v52 =	vld [tilespmem:$0x1FF60];
	[tilespmem:$0x1FF50] =	vst v15  }
0xbc: {  	v41 =	vld [tilespmem:s26+$0x1D0];
	[tilespmem:s25+$0x7800] =	vst v40;
	v15 =	vmov v57  }
0xbd: {  	v18 =	vmovc v47;
	v10 =	vmul.f32 v10, v61;
	[tilespmem:$0x1FF60] =	vst v15;
	v47 =	vmul.f32 v14, v61;
	v14 =	vmov v42  }
0xbe: {  	v12 =	vmul.f32 v12, v61;
	[tilespmem:$0x1FF40] =	vst v14;
	v14 =	vld [tilespmem:$0x1FF70]  }
0xbf: {  	s29 =	sshra.s32 s28, $0x2;
	v13 =	vmul.f32 v16, v61;
	v42 =	vld [tilespmem:s26+$0x1E0];
	[tilespmem:s25+$0x7810] =	vst v10  }
0xc0: {  	v28 =	vld [tilespmem:s29+$0x0];
	[tilespmem:s25+$0x7820] =	vst v12  }
0xc1: {  	v10 =	vmul.f32 v52, v61;
	v12 =	vld [tilespmem:s29+$0x10];
	[tilespmem:s25+$0x7830] =	vst v13  }
0xc2: {  	v40 =	vadd.f32 v2, v7;
	v2 =	vmul.f32 v21, v61;
	v21 =	vmov v5;
	v5 =	vld [tilespmem:s29+$0x20];
	[tilespmem:s25+$0x7840] =	vst v47  }
0xc3: {  	v57 =	vmul.f32 v32, v0;
	v32 =	vmovc v51;
	v51 =	vld [tilespmem:s29+$0x30];
	[tilespmem:s25+$0x7850] =	vst v10;
	v52 =	vmul.f32 v14, v61;
	v14 =	vmov v60  }
0xc4: {  	v47 =	vmul.f32 v33, v0;
	v33 =	vmov v4;
	v4 =	vld [tilespmem:s29+$0x40];
	[tilespmem:$0x1FF70] =	vst v14  }
0xc5: {  	v7 =	vmul.f32 v22, v0;
	v14 =	vld [tilespmem:$0x1FF90];
	[tilespmem:s25+$0x7860] =	vst v52  }
0xc6: {  	v22 =	vmovc v48;
	v13 =	vmul.f32 v31, v0;
	v10 =	vmul.f32 v34, v0;
	v34 =	vmov v45;
	v45 =	vld [tilespmem:s29+$0x50];
	[tilespmem:s25+$0x7870] =	vst v2  }
0xc7: {  	v48 =	vshrl.u32 v40, $0x1;
	v31 =	vmovc v53;
	v53 =	vmul.f32 v35, v0;
	v35 =	vmovc v49;
	v60 =	vmul.f32 $5.000000000e-01, v40;
	v49 =	vld [tilespmem:s29+$0x60];
	[tilespmem:s25+$0x7880] =	vst v7  }
0xc8: {  	v48 =	vsub.s32 $0x5F3759DF, v48;
	v15 =	vmovc v44;
	v2 =	vmul.f32 v38, v9;
	v38 =	vmov v50;
	v50 =	vld [tilespmem:s29+$0x70];
	[tilespmem:s25+$0x7890] =	vst v13  }
0xc9: {  	v61 =	vmul.f32 v48, v60;
	v52 =	vmul.f32 v37, v0;
	v13 =	vld [tilespmem:$0x1FF80];
	[tilespmem:$0x1FF80] =	vst v15  }
0xca: {  	v0 =	vmul.f32 v29, v0;
	v29 =	vmovc v56;
	v56 =	vmul.f32 v14, v9;
	v14 =	vmov v46;
	v44 =	vld [tilespmem:s29+$0x80];
	[tilespmem:s25+$0x78A0] =	vst v57  }
0xcb: {  	v20 =	vmov v59;
	v61 =	vmul.f32 v48, v61;
	[tilespmem:$0x1FF90] =	vst v14;
	v59 =	vld [tilespmem:s29+$0x90]  }
0xcc: {  	v37 =	vmov v54;
	v54 =	vmul.f32 v23, v9;
	[tilespmem:s25+$0x78B0] =	vst v47;
	v14 =	vld [tilespmem:$0x1FFA0]  }
0xcd: {  	v7 =	vmul.f32 v19, v9;
	v61 =	vsub.f32 $1.500000000e+00, v61;
	v57 =	vmul.f32 v36, v9;
	v36 =	vmovc v3;
	v3 =	vld [tilespmem:s29+$0xA0];
	[tilespmem:s25+$0x78C0] =	vst v10  }
0xce: {  	v47 =	vmul.f32 v30, v9;
	v10 =	vmul.f32 v24, v43;
	v24 =	vmov v6;
	v6 =	vld [tilespmem:s29+$0xB0];
	[tilespmem:s25+$0x78D0] =	vst v53  }
0xcf: {  	v46 =	vmul.f32 v48, v61;
	v48 =	vmul.f32 v25, v43;
	v25 =	vmov v1;
	v1 =	vld [tilespmem:s29+$0xC0];
	[tilespmem:s25+$0x78E0] =	vst v52  }
0xd0: {  	v15 =	vmovc v63;
	v13 =	vmul.f32 v13, v9;
	v9 =	vmul.f32 v39, v9;
	v39 =	vmov v55;
	v55 =	vld [tilespmem:s29+$0xD0];
	[tilespmem:s25+$0x78F0] =	vst v0  }
0xd1: {  	[tilespmem:$0x1FFA0] =	vst v15;
	v0 =	vmul.f32 v27, v43;
	v27 =	vmov v11;
	v11 =	vld [tilespmem:s29+$0xE0]  }
0xd2: {  	[tilespmem:s25+$0x7900] =	vst v2;
	v2 =	vld [tilespmem:$0x1FFB0]  }
0xd3: {  	v19 =	vmov v41;
	v41 =	vld [tilespmem:s29+$0xF0];
	[tilespmem:s25+$0x7910] =	vst v7  }
0xd4: {  	v52 =	vmul.f32 v14, v43;
	v14 =	vmov v42;
	v42 =	vld [tilespmem:s29+$0x100];
	[tilespmem:s25+$0x7920] =	vst v13  }
0xd5: {  	v63 =	vmul.f32 v4, v4;
	v13 =	vmul.f32 v5, v5;
	v5 =	vld [tilespmem:s29+$0x110];
	[tilespmem:s25+$0x7930] =	vst v56  }
0xd6: {  	v53 =	vmul.f32 v26, v43;
	v26 =	vmov v8;
	v8 =	vmul.f32 v46, v60;
	v4 =	vld [tilespmem:s29+$0x120];
	[tilespmem:s25+$0x7940] =	vst v54  }
0xd7: {  	v54 =	vmul.f32 v49, v49;
	v49 =	vld [tilespmem:s29+$0x130];
	[tilespmem:s25+$0x7950] =	vst v57  }
0xd8: {  	v8 =	vmul.f32 v8, v46;
	v56 =	vld [tilespmem:s29+$0x140];
	[tilespmem:s25+$0x7960] =	vst v47  }
0xd9: {  	v30 =	vmov v58;
	v58 =	vmul.f32 v17, v43;
	v15 =	vmul.f32 v44, v44;
	v44 =	vld [tilespmem:s29+$0x150];
	[tilespmem:s25+$0x7970] =	vst v9  }
0xda: {  	v61 =	vmul.f32 v51, v51;
	v8 =	vsub.f32 $1.500000000e+00, v8;
	v9 =	vmul.f32 v6, v6;
	v6 =	vld [tilespmem:s29+$0x160];
	[tilespmem:s25+$0x7980] =	vst v10  }
0xdb: {  	v16 =	vmul.f32 v59, v59;
	[tilespmem:$0x1FFB0] =	vst v14;
	v14 =	vmul.f32 v50, v50;
	v60 =	vld [tilespmem:s29+$0x170]  }
0xdc: {  	v2 =	vmul.f32 v2, v43;
	v43 =	vmul.f32 v8, v46;
	[tilespmem:s25+$0x7990] =	vst v48;
	v48 =	vadd.f32 v61, v13;
	v13 =	vld [tilespmem:$0x1FFD0]  }
0xdd: {  	v8 =	vmul.f32 v45, v45;
	v45 =	vmul.f32 v11, v11;
	v11 =	vld [tilespmem:s29+$0x180]  }
0xde: {  	[tilespmem:s25+$0x79A0] =	vst v53;
	v53 =	vadd.f32 v14, v54;
	v14 =	vld [tilespmem:$0x1FFE0]  }
0xdf: {  	v12 =	vmul.f32 v12, v12;
	v50 =	vmul.f32 v43, v40;
	v54 =	vadd.f32 v16, v15;
	v15 =	vld [tilespmem:$0x1FFF0]  }
0xe0: {  	v7 =	vmul.f32 v28, v28;
	v46 =	vmul.f32 v41, v41;
	v41 =	vld [tilespmem:s29+$0x190];
	[tilespmem:s25+$0x79B0] =	vst v52  }
0xe1: {  	v47 =	vmul.f32 v42, v42;
	v10 =	vmul.f32 v55, v55;
	v51 =	vadd.f32 v50, v50;
	v42 =	vld [tilespmem:s29+$0x1A0]  }
0xe2: {  	v55 =	vmul.f32 v56, v56;
	[tilespmem:s25+$0x79C0] =	vst v0;
	v56 =	vmul.f32 v44, v44;
	v44 =	vadd.f32 v12, v7;
	v12 =	vld [tilespmem:$0x1FFC0]  }
0xe3: {  	v3 =	vmul.f32 v3, v3;
	v1 =	vmul.f32 v1, v1;
	v0 =	vld [tilespmem:s29+$0x1B0];
	[tilespmem:s25+$0x79D0] =	vst v58  }
0xe4: {  	p0 =	sne.s32 s28, $0x9800;
	v23 =	vmov v62;
	v50 =	vmul.f32 v5, v5;
	v62 =	vmul.f32 $1.442695020e+00, v51;
	v17 =	vld [tilespmem:s29+$0x1C0];
	[tilespmem:s25+$0x79E0] =	vst v2;
	s25 =	smov.u32 s26;
	s26 =	smov.u32 s29  }
.Ltmp5:
0xe5: {  	v51 =	vmul.f32 v4, v4;
	v52 =	vmul.f32 v49, v49;
	v5 =	vld [tilespmem:s26+$0x1D0];
	(pc) =	sbr.rel @p0 .LBB2_4-.Ltmp5, $4  }
0xe6: {  	v61 =	vadd.f32 v10, v1;
	(erf) = vpow2.f32 v62;
	v57 =	vmul.f32 v6, v6;
	v4 =	vld [tilespmem:s26+$0x1E0]  }
0xe7: {  	v49 =	vadd.f32 v8, v63;
	v60 =	vmul.f32 v60, v60;
	v59 =	vmul.f32 v11, v11;
	v6 =	vld [tilespmem:s26+$0x1F0]  }
0xe8: {  	v58 =	vadd.f32 v9, v3;
	v62 =	vmul.f32 v41, v41;
	v41 =	vld [tilespmem:s26+$0x10];
	v63 =	vmul.f32 v42, v42  }
0xe9: {  	s28 =	sadd.s32 $0x800, s28;
	v16 =	vmovc v18;
	v42 =	vld [tilespmem:s26+$0x20];
	v7 =	vmul.f32 v0, v0;
	v2 =	vmul.f32 v17, v17;
	v17 =	vmovc v19;
	v19 =	vmov v20  }
0xea: {  	v0 =	vadd.f32 v46, v45;
	v1 =	vadd.f32 v50, v47  }
0xeb: {  	v52 =	vadd.f32 v52, v51;
	v8 =	vadd.f32 v56, v55  }
0xec: {  	v9 =	vadd.f32 v60, v57;
	v10 =	vadd.f32 v62, v59  }
0xed: {  	v3 =	vmul.f32 v5, v5;
	v60 =	vadd.f32 v48, v44;
	v62 =	vadd.f32 v53, v49  }
0xee: {  	v11 =	vadd.f32 v58, v54;
	v4 =	vmul.f32 v4, v4;
	v6 =	vmul.f32 v6, v6  }
0xef: {  	v7 =	vadd.f32 v7, v63;
	v2 =	vadd.f32 v3, v2  }
0xf0: {  	v0 =	vadd.f32 v0, v61;
	v59 =	vadd.f32 v6, v4  }
0xf1: {  	v1 =	vadd.f32 v52, v1;
	v63 =	vadd.f32 v9, v8  }
0xf2: {  	v7 =	vadd.f32 v7, v10;
	v2 =	vadd.f32 v59, v2  }
0xf3: {  	v9 =	vadd.f32 v62, v60;
	v0 =	vadd.f32 v0, v11  }
0xf4: {  	v1 =	vadd.f32 v63, v1;
	v2 =	vadd.f32 v2, v7  }
0xf5: {  	v4 =	vperm.xlane v9, v12;
	v10 =	vperm.xlane v0, v12  }
0xf6: {  	v11 =	vperm.xlane v1, v12;
	v7 =	vperm.xlane v2, v12  }
0xf7: {  	v3 =	vadd.f32 v4, v9;
	v0 =	vadd.f32 v10, v0  }
0xf8: {  	v1 =	vadd.f32 v11, v1;
	v2 =	vadd.f32 v7, v2;
	_ =	sdelay $0x1  }
0xf9: {  	v0 =	vsel vm0, v3, v0;
	v1 =	vsel vm0, v1, v2  }
0xfa: {  	v18 =	vperm.xlane v0, v13;
	v20 =	vperm.xlane v1, v13;
	_ =	sdelay $0x1  }
0xfb: {  	v0 =	vadd.f32 v18, v0;
	v1 =	vadd.f32 v20, v1  }
0xfc: {  	v54 =	vld [tilespmem:s26+$0x30]  }
0xfd: {  	v55 =	vld [tilespmem:s26+$0x40];
	v0 =	vsel vm1, v0, v1  }
0xfe: {  	v56 =	vld [tilespmem:s26+$0x50];
	v44 =	vpop (erf);
	v1 =	vperm.xlane v0, v14  }
0xff: {  	v57 =	vld [tilespmem:s26+$0x60];
	v45 =	vadd.f32 $1.000000000e+00, v44  }
0x100: {  	v58 =	vld [tilespmem:s26+$0x70];
	v0 =	vadd.f32 v0, v1  }
0x101: {  	v49 =	vld [tilespmem:s26+$0x90];
	(erf) = vrcp.f32 v45  }
0x102: {  	v50 =	vld [tilespmem:s26+$0xA0];
	v46 =	vperm.xlane v0, v15  }
0x103: {  	v51 =	vld [tilespmem:s26+$0xC0]  }
0x104: {  	v53 =	vld [tilespmem:s26+$0x130];
	v44 =	vadd.f32 v0, v46  }
0x105: {  	v48 =	vld [tilespmem:s26+$0x160]  }
0x106: {  	v52 =	vld [tilespmem:s26+$0xD0];
	v0 =	vshrl.u32 v44, $0x1;
	v47 =	vmul.f32 $5.000000000e-01, v44  }
0x107: {  	v60 =	vld [tilespmem:s26+$0x120];
	v0 =	vsub.s32 $0x5F3759DF, v0  }
0x108: {  	v61 =	vld [tilespmem:s26+$0x150];
	v62 =	vmul.f32 v0, v47  }
0x109: {  	v63 =	vld [tilespmem:s26+$0xE0]  }
0x10a: {  	v6 =	vld [tilespmem:s26+$0xF0];
	v7 =	vpop (erf);
	v2 =	vmul.f32 v0, v62  }
0x10b: {  	v8 =	vmul.f32 $-3.333333430e-01, v40;
	v59 =	vld [tilespmem:s26+$0x80];
	v9 =	vmul.f32 v40, v40;
	v3 =	vadd.f32 v7, v7  }
0x10c: {  	v4 =	vld [tilespmem:s25+$0x1F0];
	v2 =	vsub.f32 $1.500000000e+00, v2  }
0x10d: {  	v11 =	vadd.f32 $1.000000000e+00, v8;
	v45 =	vld [tilespmem:s26+$0x170];
	v12 =	vmul.f32 $1.333333400e-01, v9;
	v10 =	vsub.f32 $1.000000000e+00, v3  }
0x10e: {  	[tilespmem:$0x1FF00] =	vst v63;
	v63 =	vld [tilespmem:s26+$0x1A0];
	v0 =	vmul.f32 v0, v2  }
0x10f: {  	v18 =	vld [tilespmem:s26+$0x110];
	v3 =	vadd.f32 v12, v11;
	v2 =	vmul.f32 v10, v43  }
0x110: {  	vm2 =	vlt.f32 v40, $9.999999740e-05;
	v13 =	vld [tilespmem:$0x1FF20];
	v1 =	vmul.f32 v0, v47  }
0x111: {  	v20 =	vld [tilespmem:s26+$0xB0];
	v2 =	vsel vm2, v3, v2;
	vm2 =	veq.f32 v40, $+Inf  }
0x112: {  	v12 =	vimm.s32 $0x3;
	v15 =	vld [tilespmem:s26+$0x100];
	v2 =	vsel vm2, $0x0, v2;
	v1 =	vmul.f32 v1, v0  }
0x113: {  	v46 =	vld [tilespmem:s26+$0x1C0];
	v3 =	vperm.xlane v2, v12  }
0x114: {  	v62 =	vld [tilespmem:s26+$0x140];
	v1 =	vsub.f32 $1.500000000e+00, v1  }
0x115: {  	v11 =	vimm.s32 $0x0;
	v43 =	vld [tilespmem:s26+$0x190];
	v4 =	vmul.f32 v4, v3  }
0x116: {  	v47 =	vld [tilespmem:s26+$0x180];
	v0 =	vmul.f32 v1, v0;
	v1 =	vperm.xlane v2, v11  }
0x117: {  	v40 =	vld [tilespmem:s26+$0x1B0]  }
0x118: {  	[tilespmem:s25+$0x79F0] =	vst v4;
	v4 =	vmul.f32 v1, v13;
	v14 =	vmul.f32 v0, v44;
	v13 =	vld [tilespmem:$0x1FF30]  }
0x119: {  	v10 =	vld [tilespmem:$0x1FF60]  }
0x11a: {  	v5 =	vadd.f32 v14, v14;
	v14 =	vld [tilespmem:$0x1FF40];
	_ =	sdelay $0x1  }
0x11b: {  	[tilespmem:$0x1FF10] =	vst v6;
	v9 =	vld [tilespmem:$0x1FF50];
	v16 =	vmul.f32 v16, v1  }
0x11c: {  	v8 =	vld [tilespmem:s26+$0x1D0];
	[tilespmem:s25+$0x7800] =	vst v4;
	v4 =	vmul.f32 v13, v1  }
0x11d: {  	v17 =	vmul.f32 v17, v3;
	v5 =	vmul.f32 $1.442695020e+00, v5;
	v13 =	vld [tilespmem:s26+$0x1E0];
	[tilespmem:s25+$0x7830] =	vst v16  }
0x11e: {  	v6 =	vmul.f32 v14, v1;
	[tilespmem:s25+$0x7810] =	vst v4;
	v4 =	vmul.f32 v10, v1;
	v10 =	vimm.s32 $0x1  }
0x11f: {  	[tilespmem:s25+$0x79D0] =	vst v17;
	v14 =	vperm.xlane v2, v10  }
0x120: {  	(erf) = vpow2.f32 v5;
	[tilespmem:s25+$0x7820] =	vst v6;
	v6 =	vmul.f32 v9, v1  }
0x121: {  	[tilespmem:s25+$0x7850] =	vst v4;
	v22 =	vmul.f32 v22, v14  }
0x122: {  	v31 =	vmul.f32 v31, v14;
	[tilespmem:s25+$0x7840] =	vst v6  }
0x123: {  	v16 =	vld [tilespmem:$0x1FF70];
	v32 =	vmul.f32 v32, v14;
	[tilespmem:s25+$0x7880] =	vst v22  }
0x124: {  	v33 =	vmul.f32 v33, v14;
	[tilespmem:s25+$0x7890] =	vst v31  }
0x125: {  	v34 =	vmul.f32 v34, v14;
	[tilespmem:s25+$0x78A0] =	vst v32  }
0x126: {  	v35 =	vmul.f32 v35, v14;
	[tilespmem:s25+$0x78B0] =	vst v33  }
0x127: {  	v37 =	vmul.f32 v37, v14;
	[tilespmem:s25+$0x78C0] =	vst v34  }
0x128: {  	v9 =	vimm.s32 $0x2;
	v6 =	vmul.f32 v16, v1;
	v1 =	vmul.f32 v21, v1;
	[tilespmem:s25+$0x78D0] =	vst v35  }
0x129: {  	v2 =	vperm.xlane v2, v9;
	v5 =	vmul.f32 v29, v14;
	[tilespmem:s25+$0x78E0] =	vst v37;
	v14 =	vpop (erf)  }
0x12a: {  	[tilespmem:s25+$0x7870] =	vst v1;
	v1 =	vadd.f32 $1.000000000e+00, v14  }
0x12b: {  	v16 =	vmul.f32 v38, v2;
	[tilespmem:s25+$0x78F0] =	vst v5  }
0x12c: {  	v19 =	vmul.f32 v19, v2;
	[tilespmem:s25+$0x7860] =	vst v6;
	(erf) = vrcp.f32 v1  }
0x12d: {  	v29 =	vmul.f32 v23, v2;
	[tilespmem:s25+$0x7900] =	vst v16  }
0x12e: {  	v22 =	vld [tilespmem:$0x1FF90];
	v31 =	vmul.f32 v36, v2;
	[tilespmem:s25+$0x7910] =	vst v19  }
0x12f: {  	v21 =	vld [tilespmem:$0x1FF80];
	v32 =	vmul.f32 v30, v2;
	[tilespmem:s25+$0x7940] =	vst v29  }
0x130: {  	v33 =	vmul.f32 v24, v3;
	[tilespmem:s25+$0x7950] =	vst v31  }
0x131: {  	v34 =	vmul.f32 v25, v3;
	[tilespmem:s25+$0x7960] =	vst v32  }
0x132: {  	v35 =	vmul.f32 v26, v3;
	v36 =	vld [tilespmem:$0x1FFA0];
	[tilespmem:s25+$0x7980] =	vst v33  }
0x133: {  	v37 =	vmul.f32 v27, v3;
	[tilespmem:s25+$0x7990] =	vst v34;
	v19 =	vld [tilespmem:$0x1FFB0];
	v4 =	vmul.f32 v22, v2  }
0x134: {  	[tilespmem:s25+$0x79A0] =	vst v35;
	v1 =	vmul.f32 v21, v2;
	v2 =	vmul.f32 v39, v2  }
0x135: {  	v16 =	vmul.f32 v44, v44;
	[tilespmem:s25+$0x79C0] =	vst v37;
	v38 =	vpop (erf)  }
0x136: {  	v39 =	vmul.f32 $-3.333333430e-01, v44;
	[tilespmem:s25+$0x7970] =	vst v2;
	v2 =	vadd.f32 v38, v38  }
0x137: {  	v23 =	vmul.f32 $1.333333400e-01, v16;
	[tilespmem:s25+$0x7920] =	vst v1;
	v1 =	vmul.f32 v36, v3  }
0x138: {  	[tilespmem:s25+$0x7930] =	vst v4;
	v3 =	vmul.f32 v19, v3;
	v22 =	vadd.f32 $1.000000000e+00, v39;
	v21 =	vsub.f32 $1.000000000e+00, v2  }
0x139: {  	[tilespmem:s25+$0x79B0] =	vst v1  }
0x13a: {  	[tilespmem:s25+$0x79E0] =	vst v3;
	v24 =	vadd.f32 v23, v22;
	v0 =	vmul.f32 v21, v0  }
0x13b: {  	vm2 =	vlt.f32 v44, $9.999999740e-05;
	v25 =	vld [tilespmem:s26+$0x1F0]  }
0x13c: {  	v0 =	vsel vm2, v24, v0;
	vm2 =	veq.f32 v44, $+Inf  }
0x13d: {  	v0 =	vsel vm2, $0x0, v0  }
0x13e: {  	v26 =	vperm.xlane v0, v12  }
0x13f: {  	v27 =	vperm.xlane v0, v11  }
0x140: {  	v2 =	vmul.f32 v25, v26  }
0x141: {  	v28 =	vmul.f32 v27, v28  }
0x142: {  	v29 =	vmul.f32 v41, v27;
	[tilespmem:s26+$0x79F0] =	vst v2  }
0x143: {  	v30 =	vmul.f32 v42, v27;
	[tilespmem:s26+$0x7800] =	vst v28  }
0x144: {  	v31 =	vmul.f32 v54, v27;
	[tilespmem:s26+$0x7810] =	vst v29  }
0x145: {  	v32 =	vmul.f32 v55, v27;
	[tilespmem:s26+$0x7820] =	vst v30  }
0x146: {  	v33 =	vmul.f32 v56, v27;
	[tilespmem:s26+$0x7830] =	vst v31  }
0x147: {  	v34 =	vperm.xlane v0, v10;
	v35 =	vmul.f32 v57, v27;
	[tilespmem:s26+$0x7840] =	vst v32  }
0x148: {  	v3 =	vmul.f32 v58, v27;
	[tilespmem:s26+$0x7850] =	vst v33  }
0x149: {  	v36 =	vmul.f32 v59, v34;
	[tilespmem:s26+$0x7860] =	vst v35  }
0x14a: {  	v37 =	vmul.f32 v49, v34;
	[tilespmem:s26+$0x7870] =	vst v3  }
0x14b: {  	v38 =	vmul.f32 v50, v34;
	[tilespmem:s26+$0x7880] =	vst v36  }
0x14c: {  	v39 =	vmul.f32 v20, v34;
	[tilespmem:s26+$0x7890] =	vst v37  }
0x14d: {  	v0 =	vperm.xlane v0, v9;
	v41 =	vmul.f32 v51, v34;
	[tilespmem:s26+$0x78A0] =	vst v38  }
0x14e: {  	v42 =	vmul.f32 v52, v34;
	[tilespmem:s26+$0x78B0] =	vst v39  }
0x14f: {  	v50 =	vmul.f32 v15, v0;
	[tilespmem:s26+$0x78C0] =	vst v41  }
0x150: {  	v51 =	vmul.f32 v18, v0;
	[tilespmem:s26+$0x78D0] =	vst v42  }
0x151: {  	v52 =	vmul.f32 v60, v0;
	[tilespmem:s26+$0x7900] =	vst v50  }
0x152: {  	v54 =	vmul.f32 v53, v0;
	[tilespmem:s26+$0x7910] =	vst v51  }
0x153: {  	v55 =	vmul.f32 v62, v0;
	[tilespmem:s26+$0x7920] =	vst v52  }
0x154: {  	v56 =	vmul.f32 v61, v0;
	[tilespmem:s26+$0x7930] =	vst v54  }
0x155: {  	v57 =	vmul.f32 v48, v0;
	[tilespmem:s26+$0x7940] =	vst v55  }
0x156: {  	v0 =	vmul.f32 v45, v0;
	[tilespmem:s26+$0x7950] =	vst v56  }
0x157: {  	v58 =	vmul.f32 v47, v26;
	[tilespmem:s26+$0x7960] =	vst v57  }
0x158: {  	v59 =	vmul.f32 v43, v26;
	[tilespmem:s26+$0x7970] =	vst v0  }
0x159: {  	v44 =	vld [tilespmem:$0x1FF00];
	v60 =	vmul.f32 v63, v26;
	[tilespmem:s26+$0x7980] =	vst v58  }
0x15a: {  	v49 =	vld [tilespmem:$0x1FF10];
	v61 =	vmul.f32 v40, v26;
	[tilespmem:s26+$0x7990] =	vst v59  }
0x15b: {  	v62 =	vmul.f32 v46, v26;
	[tilespmem:s26+$0x79A0] =	vst v60  }
0x15c: {  	v63 =	vmul.f32 v8, v26;
	[tilespmem:s26+$0x79B0] =	vst v61  }
0x15d: {  	v1 =	vmul.f32 v13, v26;
	[tilespmem:s26+$0x79C0] =	vst v62  }
0x15e: {  	v2 =	vmul.f32 v44, v34;
	[tilespmem:s26+$0x79D0] =	vst v63  }
0x15f: {  	s24 =	smul.u32 $0x500, s24;
	[tilespmem:s26+$0x79E0] =	vst v1;
	v4 =	vmul.f32 v49, v34  }
0x160: {  	[tilespmem:s26+$0x78E0] =	vst v2  }
0x161: {  	s24 =	sadd.s32 s2, s24;
	[tilespmem:s26+$0x78F0] =	vst v4  }
0x162: {  	[hbm4b:s24+s3] =	stream.linear.scatter [tilespmem:s13], [sflag:$0x4], $0x2800, $0x38;
	[tilespmem:$0xF000] =	vst v63  }
.LBB2_6:
0x163: {  	s24 =	sadd.s32 s8, s23  }
0x164: {  	p0 =	sgt.u32 s24, $0x4E1  }
.Ltmp6:
0x165: {  	_ = 	snop;
	(pc) =	sbr.rel @p0 .LBB2_10-.Ltmp6, $1  }
0x166: {  	_ =	sdelay $0x3  }
0x167: {  	p0 =	sgt.u32 s24, $0x4A1  }
0x168: {  	s25 =	smul.u32 @!p0 $0x2800, s24;
	_ =	sdelay $0x1  }
0x169: {  	s25 =	sshrl.u32 @!p0 s25, $0x3  }
0x16a: {  	s25 =	sadd.s32 @!p0 s1, s25  }
0x16b: {  	s26 =	simm.s32 @!p0 $0x0;
	s25 =	sadd.s32 @!p0 $0x14000, s25  }
0x16c: {  	[tilespmem:s26], [sflag:$0x1] =	stream.linear.gather @!p0 [hbm4b:s25+s26], $0x2800, $0x38;
	[tilespmem:$0xF000] =	vst v63  }
0x16d: {  	_ =	swait.ge [sflag:s14], $0x2800  }
0x16e: {  	p0 =	seq.s32 s22, $0x0;
	[sflag:s14] =	ssyncset.done $0x0  }
0x16f: {  	s25 =	simm.s32 @!p0 $0x5;
	[sflag:s14] =	ssyncadd.s32 $0xFFFFD800  }
0x170: {  	_ =	swait.ge @!p0 [sflag:s25], $0x2800  }
0x171: {  	[sflag:s25] =	ssyncset.done @!p0 $0x0  }
0x172: {  	[sflag:s25] =	ssyncadd.s32 @!p0 $0xFFFFD800;
	s25 =	simm.s32 $0x0  }
0x173: {  	v8 =	vld [tilespmem:s25+$0x2800]  }
0x174: {  	v0 =	vld [tilespmem:s25+$0x2810]  }
0x175: {  	v1 =	vld [tilespmem:s25+$0x2820]  }
0x176: {  	v2 =	vld [tilespmem:s25+$0x2830]  }
0x177: {  	v3 =	vld [tilespmem:s25+$0x2840]  }
0x178: {  	v4 =	vld [tilespmem:s25+$0x2850]  }
0x179: {  	v5 =	vld [tilespmem:s25+$0x2860]  }
0x17a: {  	v6 =	vld [tilespmem:s25+$0x2870]  }
0x17b: {  	v7 =	vld [tilespmem:s25+$0x2880]  }
0x17c: {  	v9 =	vld [tilespmem:s25+$0x2890]  }
0x17d: {  	v10 =	vld [tilespmem:s25+$0x28A0]  }
0x17e: {  	v11 =	vld [tilespmem:s25+$0x28B0]  }
0x17f: {  	v12 =	vld [tilespmem:s25+$0x28C0]  }
0x180: {  	v13 =	vld [tilespmem:s25+$0x28D0]  }
0x181: {  	v14 =	vld [tilespmem:s25+$0x28E0]  }
0x182: {  	v15 =	vld [tilespmem:s25+$0x28F0]  }
0x183: {  	v16 =	vld [tilespmem:s25+$0x2900]  }
0x184: {  	v17 =	vld [tilespmem:s25+$0x2910]  }
0x185: {  	v19 =	vld [tilespmem:s25+$0x2920]  }
0x186: {  	v20 =	vld [tilespmem:s25+$0x2930]  }
0x187: {  	v21 =	vld [tilespmem:s25+$0x2940]  }
0x188: {  	v22 =	vld [tilespmem:s25+$0x2950]  }
0x189: {  	v23 =	vld [tilespmem:s25+$0x2960]  }
0x18a: {  	v24 =	vld [tilespmem:s25+$0x2970]  }
0x18b: {  	v25 =	vld [tilespmem:s25+$0x2980]  }
0x18c: {  	v28 =	vld [tilespmem:s25+$0x29B0];
	v18 =	vmul.f32 v8, v8  }
0x18d: {  	v29 =	vld [tilespmem:s25+$0x29C0];
	v0 =	vmul.f32 v0, v0;
	v1 =	vmul.f32 v1, v1  }
0x18e: {  	v30 =	vld [tilespmem:s25+$0x29D0];
	v2 =	vmul.f32 v2, v2;
	v3 =	vmul.f32 v3, v3  }
0x18f: {  	v32 =	vld [tilespmem:s25+$0x28A0];
	v4 =	vmul.f32 v4, v4;
	v5 =	vmul.f32 v5, v5  }
0x190: {  	v33 =	vld [tilespmem:s25+$0x28B0];
	v6 =	vmul.f32 v6, v6;
	v7 =	vmul.f32 v7, v7  }
0x191: {  	v34 =	vld [tilespmem:s25+$0x28C0];
	v9 =	vmul.f32 v9, v9;
	v10 =	vmul.f32 v10, v10  }
0x192: {  	v35 =	vld [tilespmem:s25+$0x28D0];
	v11 =	vmul.f32 v11, v11;
	v12 =	vmul.f32 v12, v12  }
0x193: {  	v37 =	vld [tilespmem:s25+$0x28E0];
	v26 =	vmul.f32 v13, v13;
	v14 =	vmul.f32 v14, v14  }
0x194: {  	v15 =	vmul.f32 v15, v15;
	v27 =	vmul.f32 v16, v16;
	v16 =	vld [tilespmem:s25+$0x29A0]  }
0x195: {  	v17 =	vmul.f32 v17, v17;
	v5 =	vadd.f32 v6, v5;
	v6 =	vadd.f32 v9, v7;
	v7 =	vld [tilespmem:s25+$0x2810]  }
0x196: {  	v38 =	vld [tilespmem:s25+$0x2900];
	v19 =	vmul.f32 v19, v19;
	v20 =	vmul.f32 v20, v20  }
0x197: {  	v36 =	vld [tilespmem:s25+$0x2950];
	v21 =	vmul.f32 v21, v21;
	v22 =	vmul.f32 v22, v22;
	v0 =	vadd.f32 v0, v18  }
0x198: {  	v13 =	vld [tilespmem:s25+$0x2990];
	v23 =	vmul.f32 v23, v23;
	v1 =	vadd.f32 v2, v1;
	v2 =	vadd.f32 v4, v3  }
0x199: {  	v24 =	vmul.f32 v24, v24;
	v18 =	vld [tilespmem:s25+$0x29E0];
	v26 =	vadd.f32 v26, v12;
	v14 =	vadd.f32 v15, v14  }
0x19a: {  	v3 =	vld [tilespmem:s25+$0x29F0];
	v15 =	vadd.f32 v17, v27;
	v4 =	vmul.f32 v16, v16;
	[tilespmem:$0x1FE90] =	vst v7;
	v7 =	vmul.f32 v28, v28  }
0x19b: {  	v39 =	vld [tilespmem:s25+$0x2970];
	v25 =	vmul.f32 v25, v25;
	v19 =	vadd.f32 v20, v19;
	v20 =	vadd.f32 v22, v21  }
0x19c: {  	s26 =	simm.s32 $0x200;
	v29 =	vmul.f32 v29, v29;
	v23 =	vadd.f32 v24, v23;
	v4 =	vadd.f32 v7, v4;
	v7 =	vld [tilespmem:s25+$0x2860]  }
0x19d: {  	v41 =	vld [tilespmem:s26+$0x2860];
	v17 =	vmul.f32 v30, v30;
	v0 =	vadd.f32 v1, v0;
	v1 =	vadd.f32 v5, v2  }
0x19e: {  	v42 =	vld [tilespmem:s26+$0x2870];
	v5 =	vadd.f32 v14, v26;
	v14 =	vadd.f32 v23, v20;
	v31 =	vmul.f32 v13, v13  }
0x19f: {  	v44 =	vld [tilespmem:s26+$0x2880];
	v0 =	vadd.f32 v1, v0;
	v18 =	vmul.f32 v18, v18;
	v3 =	vmul.f32 v3, v3  }
0x1a0: {  	v45 =	vld [tilespmem:s26+$0x2890];
	v28 =	vadd.f32 v11, v10;
	v24 =	vadd.f32 v31, v25  }
0x1a1: {  	v12 =	vld [tilespmem:$0x1FFC0];
	v3 =	vadd.f32 v3, v18;
	[tilespmem:$0x1FED0] =	vst v7;
	v7 =	vadd.f32 v17, v29  }
0x1a2: {  	v46 =	vld [tilespmem:s26+$0x28A0];
	v2 =	vadd.f32 v28, v6;
	v6 =	vadd.f32 v19, v15  }
0x1a3: {  	v47 =	vld [tilespmem:s26+$0x28C0];
	v4 =	vadd.f32 v4, v24;
	v3 =	vadd.f32 v3, v7  }
0x1a4: {  	v63 =	vld [tilespmem:s26+$0x28D0];
	v1 =	vadd.f32 v5, v2;
	v2 =	vadd.f32 v14, v6  }
0x1a5: {  	v49 =	vld [tilespmem:s26+$0x28E0];
	v3 =	vadd.f32 v3, v4  }
0x1a6: {  	v50 =	vld [tilespmem:s26+$0x28F0];
	v5 =	vperm.xlane v1, v12;
	v6 =	vperm.xlane v2, v12  }
0x1a7: {  	v13 =	vld [tilespmem:$0x1FFD0];
	v4 =	vperm.xlane v0, v12;
	v7 =	vperm.xlane v3, v12  }
0x1a8: {  	v51 =	vld [tilespmem:s26+$0x2900];
	v1 =	vadd.f32 v5, v1;
	v2 =	vadd.f32 v6, v2  }
0x1a9: {  	v54 =	vld [tilespmem:s26+$0x2920];
	v0 =	vadd.f32 v4, v0;
	v3 =	vadd.f32 v7, v3  }
0x1aa: {  	v56 =	vld [tilespmem:s26+$0x2950]  }
0x1ab: {  	v57 =	vld [tilespmem:s26+$0x2960];
	v0 =	vsel vm0, v0, v1;
	v1 =	vsel vm0, v2, v3  }
0x1ac: {  	v14 =	vld [tilespmem:$0x1FFE0];
	v2 =	vperm.xlane v0, v13;
	v3 =	vperm.xlane v1, v13  }
0x1ad: {  	v59 =	vld [tilespmem:s26+$0x2970]  }
0x1ae: {  	[tilespmem:$0x1FE80] =	vst v8;
	v8 =	vld [tilespmem:s25+$0x2830];
	v0 =	vadd.f32 v2, v0;
	v1 =	vadd.f32 v3, v1  }
0x1af: {  	v2 =	vld [tilespmem:s25+$0x29D0]  }
0x1b0: {  	v15 =	vld [tilespmem:$0x1FFF0];
	v0 =	vsel vm1, v0, v1  }
0x1b1: {  	v21 =	vld [tilespmem:s25+$0x2870];
	v1 =	vperm.xlane v0, v14  }
0x1b2: {  	v22 =	vld [tilespmem:s25+$0x2880]  }
0x1b3: {  	v30 =	vld [tilespmem:s25+$0x2960];
	v0 =	vadd.f32 v0, v1  }
0x1b4: {  	[tilespmem:$0x1FEE0] =	vst v2;
	v2 =	vld [tilespmem:s25+$0x29E0]  }
0x1b5: {  	v27 =	vld [tilespmem:s25+$0x29C0];
	v1 =	vperm.xlane v0, v15  }
0x1b6: {  	v23 =	vld [tilespmem:s25+$0x2940]  }
0x1b7: {  	v26 =	vld [tilespmem:s25+$0x29A0];
	v40 =	vadd.f32 v0, v1  }
0x1b8: {  	v20 =	vld [tilespmem:s25+$0x29B0]  }
0x1b9: {  	v16 =	vld [tilespmem:s25+$0x2820];
	[tilespmem:$0x1FEF0] =	vst v2;
	v2 =	vshrl.u32 v40, $0x1;
	v3 =	vmul.f32 $5.000000000e-01, v40  }
0x1ba: {  	[tilespmem:$0x1FEA0] =	vst v8;
	v8 =	vld [tilespmem:s25+$0x2840];
	v2 =	vsub.s32 $0x5F3759DF, v2  }
0x1bb: {  	v31 =	vld [tilespmem:s25+$0x2890];
	v6 =	vmul.f32 v2, v3  }
0x1bc: {  	v25 =	vld [tilespmem:s25+$0x2990]  }
0x1bd: {  	v11 =	vld [tilespmem:s26+$0x2990];
	v6 =	vmul.f32 v2, v6  }
0x1be: {  	v18 =	vld [tilespmem:s25+$0x2920]  }
0x1bf: {  	v19 =	vld [tilespmem:s25+$0x2930];
	v6 =	vsub.f32 $1.500000000e+00, v6  }
0x1c0: {  	v28 =	vld [tilespmem:s26+$0x2800]  }
0x1c1: {  	[tilespmem:$0x1FEB0] =	vst v8;
	v8 =	vld [tilespmem:s25+$0x2850];
	v2 =	vmul.f32 v2, v6  }
0x1c2: {  	v24 =	vld [tilespmem:s25+$0x2980]  }
0x1c3: {  	v29 =	vld [tilespmem:s25+$0x28F0];
	v3 =	vmul.f32 v2, v3  }
0x1c4: {  	v17 =	vld [tilespmem:s25+$0x2910]  }
0x1c5: {  	v41 =	vmul.f32 v41, v41;
	v5 =	vld [tilespmem:s26+$0x2840];
	v3 =	vmul.f32 v3, v2  }
0x1c6: {  	v42 =	vmul.f32 v42, v42;
	v62 =	vmul.f32 v44, v44;
	[tilespmem:$0x1FEC0] =	vst v8;
	v8 =	vld [tilespmem:s26+$0x2910]  }
0x1c7: {  	v61 =	vmul.f32 v45, v45;
	v45 =	vmul.f32 v49, v49;
	v0 =	vld [tilespmem:s26+$0x2810];
	v3 =	vsub.f32 $1.500000000e+00, v3  }
0x1c8: {  	v56 =	vmul.f32 v56, v56;
	v57 =	vmul.f32 v57, v57;
	v1 =	vld [tilespmem:s26+$0x2820]  }
0x1c9: {  	v9 =	vmul.f32 v46, v46;
	v6 =	vld [tilespmem:s26+$0x28B0];
	v43 =	vmul.f32 v3, v2  }
0x1ca: {  	v46 =	vmul.f32 v50, v50;
	v10 =	vmul.f32 v47, v47;
	v4 =	vld [tilespmem:s26+$0x2830]  }
0x1cb: {  	v47 =	vmul.f32 v51, v51;
	v7 =	vld [tilespmem:s26+$0x2850];
	v55 =	vmul.f32 v43, v40  }
0x1cc: {  	v51 =	vmul.f32 v54, v54;
	v53 =	vmul.f32 v5, v5;
	v5 =	vld [tilespmem:s26+$0x2940]  }
0x1cd: {  	v52 =	vmul.f32 v28, v28;
	v60 =	vmul.f32 v1, v1;
	v1 =	vld [tilespmem:s26+$0x29A0];
	v55 =	vadd.f32 v55, v55  }
0x1ce: {  	v48 =	vmul.f32 v0, v0;
	v0 =	vld [tilespmem:s26+$0x29B0];
	v58 =	vmul.f32 v6, v6  }
0x1cf: {  	v6 =	vld [tilespmem:s26+$0x2980];
	v2 =	vmul.f32 v4, v4;
	v44 =	vmul.f32 $1.442695020e+00, v55  }
0x1d0: {  	v54 =	vadd.f32 v61, v62;
	v62 =	vmul.f32 v11, v11;
	v7 =	vmul.f32 v7, v7;
	v4 =	vld [tilespmem:s26+$0x2930]  }
0x1d1: {  	(erf) = vpow2.f32 v44;
	v44 =	vadd.f32 v48, v52;
	v48 =	vadd.f32 v2, v60;
	v2 =	vld [tilespmem:s26+$0x29C0]  }
0x1d2: {  	v50 =	vmul.f32 v8, v8;
	v49 =	vadd.f32 v7, v53;
	v53 =	vadd.f32 v42, v41;
	v41 =	vld [tilespmem:s26+$0x2810]  }
0x1d3: {  	v42 =	vld [tilespmem:s26+$0x2820];
	v7 =	vmul.f32 v0, v0;
	v3 =	vmul.f32 v63, v63  }
0x1d4: {  	v63 =	vmul.f32 v1, v1;
	v55 =	vmul.f32 v5, v5;
	v5 =	vld [tilespmem:s26+$0x29D0]  }
0x1d5: {  	v58 =	vadd.f32 v58, v9;
	v52 =	vmul.f32 v4, v4;
	v4 =	vld [tilespmem:s26+$0x29E0];
	v60 =	vmul.f32 v59, v59  }
0x1d6: {  	s28 =	simm.s32 $0x1000;
	v61 =	vadd.f32 v3, v10;
	v59 =	vmul.f32 v6, v6;
	v6 =	vld [tilespmem:s26+$0x29F0];
	v2 =	vmul.f32 v2, v2  }
.LBB2_8:
0x1d7: {  	v0 =	vadd.f32 v46, v45;
	v1 =	vadd.f32 v50, v47  }
0x1d8: {  	v45 =	vadd.f32 v52, v51;
	v46 =	vadd.f32 v56, v55;
	v47 =	vld [tilespmem:s26+$0x2840]  }
0x1d9: {  	v10 =	vadd.f32 v60, v57;
	v52 =	vld [tilespmem:s26+$0x2850];
	v11 =	vadd.f32 v62, v59  }
0x1da: {  	v7 =	vadd.f32 v7, v63;
	v56 =	vld [tilespmem:s26+$0x2860];
	v59 =	vadd.f32 v53, v49;
	v9 =	vpop (erf)  }
0x1db: {  	v60 =	vadd.f32 v58, v54;
	v51 =	vld [tilespmem:s26+$0x28E0];
	v3 =	vmul.f32 v5, v5;
	v50 =	vadd.f32 $1.000000000e+00, v9  }
0x1dc: {  	v54 =	vld [tilespmem:s26+$0x28F0];
	v0 =	vadd.f32 v0, v61;
	v4 =	vmul.f32 v4, v4;
	v6 =	vmul.f32 v6, v6  }
0x1dd: {  	v57 =	vld [tilespmem:s26+$0x2910];
	v61 =	vadd.f32 v10, v46;
	v2 =	vadd.f32 v3, v2;
	(erf) = vrcp.f32 v50  }
0x1de: {  	v46 =	vld [tilespmem:s26+$0x28A0];
	v3 =	vadd.f32 v6, v4;
	v6 =	vadd.f32 v48, v44  }
0x1df: {  	v1 =	vadd.f32 v45, v1;
	v7 =	vadd.f32 v7, v11;
	v45 =	vld [tilespmem:s26+$0x28D0]  }
0x1e0: {  	v5 =	vld [tilespmem:s26+$0x2830];
	v2 =	vadd.f32 v3, v2;
	v6 =	vadd.f32 v59, v6  }
0x1e1: {  	v0 =	vadd.f32 v0, v60;
	v1 =	vadd.f32 v61, v1;
	v61 =	vld [tilespmem:s26+$0x2950]  }
0x1e2: {  	v4 =	vld [tilespmem:s26+$0x2870];
	v2 =	vadd.f32 v2, v7;
	v7 =	vperm.xlane v6, v12  }
0x1e3: {  	v48 =	vld [tilespmem:s26+$0x2880];
	v49 =	vperm.xlane v0, v12  }
0x1e4: {  	v44 =	vld [tilespmem:s26+$0x28C0];
	v62 =	vperm.xlane v1, v12;
	v6 =	vadd.f32 v7, v6;
	v7 =	vperm.xlane v2, v12  }
0x1e5: {  	v3 =	vld [tilespmem:s26+$0x28B0];
	v0 =	vadd.f32 v49, v0;
	v9 =	vmul.f32 $-3.333333430e-01, v40  }
0x1e6: {  	v10 =	vmul.f32 v40, v40;
	v49 =	vld [tilespmem:s26+$0x2900];
	v1 =	vadd.f32 v62, v1;
	v2 =	vadd.f32 v7, v2;
	v63 =	vpop (erf)  }
0x1e7: {  	v59 =	vld [tilespmem:s26+$0x2940];
	v11 =	vadd.f32 $1.000000000e+00, v9;
	v55 =	vadd.f32 v63, v63  }
0x1e8: {  	v62 =	vld [tilespmem:s26+$0x2990];
	v9 =	vmul.f32 $1.333333400e-01, v10;
	v0 =	vsel vm0, v6, v0;
	v1 =	vsel vm0, v1, v2  }
0x1e9: {  	v50 =	vld [tilespmem:s26+$0x2890];
	v2 =	vperm.xlane v0, v13;
	v10 =	vperm.xlane v1, v13;
	v53 =	vsub.f32 $1.000000000e+00, v55  }
0x1ea: {  	v11 =	vadd.f32 v9, v11;
	v6 =	vld [tilespmem:s26+$0x2920]  }
0x1eb: {  	v7 =	vld [tilespmem:s26+$0x2930];
	v0 =	vadd.f32 v2, v0;
	v1 =	vadd.f32 v10, v1;
	v43 =	vmul.f32 v53, v43  }
0x1ec: {  	vm2 =	vlt.f32 v40, $9.999999740e-05;
	v2 =	vld [tilespmem:s25+$0x29F0]  }
0x1ed: {  	v10 =	vld [tilespmem:$0x1FE80];
	v0 =	vsel vm1, v0, v1;
	v43 =	vsel vm2, v11, v43;
	vm2 =	veq.f32 v40, $+Inf  }
0x1ee: {  	v8 =	vimm.s32 $0x0;
	v1 =	vld [tilespmem:s26+$0x2980];
	v60 =	vperm.xlane v0, v14;
	v40 =	vsel vm2, $0x0, v43  }
0x1ef: {  	v55 =	vld [tilespmem:s26+$0x2960];
	v58 =	vperm.xlane v40, v8;
	v8 =	vimm.s32 $0x3  }
0x1f0: {  	v0 =	vadd.f32 v0, v60;
	v60 =	vld [tilespmem:s26+$0x29B0];
	v43 =	vperm.xlane v40, v8  }
0x1f1: {  	v53 =	vld [tilespmem:s26+$0x2970];
	v11 =	vmov v28  }
0x1f2: {  	[tilespmem:$0x1FE80] =	vst v11;
	v11 =	vld [tilespmem:s26+$0x29C0];
	v8 =	vimm.s32 $0x1;
	v14 =	vmul.f32 v2, v43  }
0x1f3: {  	v63 =	vperm.xlane v40, v8;
	v8 =	vld [tilespmem:s26+$0x29A0]  }
0x1f4: {  	v9 =	vimm.s32 $0x2;
	[tilespmem:s25+$0xA1F0] =	vst v14;
	v14 =	vld [tilespmem:$0x1FEB0]  }
0x1f5: {  	v9 =	vperm.xlane v40, v9;
	v40 =	vmul.f32 v58, v10;
	v10 =	vld [tilespmem:$0x1FE90];
	_ =	sdelay $0x1  }
0x1f6: {  	v5 =	vmov v5;
	v13 =	vld [tilespmem:$0x1FEA0]  }
0x1f7: {  	[tilespmem:$0x1FEA0] =	vst v5;
	v2 =	vmov v41  }
0x1f8: {  	[tilespmem:$0x1FE90] =	vst v2;
	v41 =	vmul.f32 v14, v58;
	v14 =	vmov v47;
	v47 =	vld [tilespmem:$0x1FEC0]  }
0x1f9: {  	v10 =	vmul.f32 v10, v58;
	[tilespmem:$0x1FEB0] =	vst v14;
	v14 =	vld [tilespmem:$0x1FED0]  }
0x1fa: {  	v12 =	vmul.f32 v16, v58;
	v5 =	vld [tilespmem:s26+$0x29D0];
	[tilespmem:s25+$0xA000] =	vst v40  }
0x1fb: {  	s29 =	sshra.s32 s28, $0x2;
	v13 =	vmul.f32 v13, v58;
	v16 =	vmov v42;
	v2 =	vperm.xlane v0, v15;
	v42 =	vld [tilespmem:s26+$0x29E0];
	[tilespmem:s25+$0xA010] =	vst v10  }
0x1fc: {  	v28 =	vld [tilespmem:s29+$0x2800];
	[tilespmem:s25+$0xA020] =	vst v12  }
0x1fd: {  	v40 =	vadd.f32 v0, v2;
	v0 =	vmul.f32 v21, v58;
	v12 =	vld [tilespmem:s29+$0x2810];
	[tilespmem:s25+$0xA030] =	vst v13  }
0x1fe: {  	v21 =	vmovc v4;
	v4 =	vld [tilespmem:s29+$0x2820];
	[tilespmem:s25+$0xA040] =	vst v41;
	v10 =	vmul.f32 v47, v58;
	v47 =	vmul.f32 v14, v58;
	v14 =	vmov v56  }
0x1ff: {  	v15 =	vmov v52;
	v52 =	vmul.f32 v32, v63;
	v32 =	vmov v46;
	v46 =	vld [tilespmem:s29+$0x2830];
	[tilespmem:$0x1FED0] =	vst v14  }
0x200: {  	v2 =	vmul.f32 v22, v63;
	v22 =	vmovc v48;
	v48 =	vshrl.u32 v40, $0x1;
	v13 =	vmul.f32 v31, v63;
	[tilespmem:s25+$0xA050] =	vst v10;
	v14 =	vld [tilespmem:$0x1FEE0]  }
0x201: {  	v48 =	vsub.s32 $0x5F3759DF, v48;
	v41 =	vmul.f32 v33, v63;
	v33 =	vmovc v3;
	v56 =	vmul.f32 $5.000000000e-01, v40;
	v3 =	vld [tilespmem:s29+$0x2840];
	[tilespmem:s25+$0xA060] =	vst v47  }
0x202: {  	v31 =	vmovc v50;
	v50 =	vmul.f32 v35, v63;
	v10 =	vmul.f32 v34, v63;
	v34 =	vmov v44;
	v44 =	vld [tilespmem:s29+$0x2850];
	[tilespmem:s25+$0xA070] =	vst v0  }
0x203: {  	v58 =	vmul.f32 v48, v56;
	v47 =	vmul.f32 v37, v63;
	v37 =	vmov v51;
	v51 =	vld [tilespmem:s29+$0x2860];
	[tilespmem:s25+$0xA080] =	vst v2  }
0x204: {  	v35 =	vmovc v45;
	v45 =	vmul.f32 v38, v9;
	v38 =	vmov v49;
	v0 =	vmul.f32 v29, v63;
	v49 =	vld [tilespmem:s29+$0x2870];
	[tilespmem:s25+$0xA090] =	vst v13  }
0x205: {  	[tilespmem:$0x1FEC0] =	vst v15;
	v63 =	vmul.f32 v48, v58;
	v13 =	vmul.f32 v18, v9;
	v18 =	vmov v6;
	v6 =	vld [tilespmem:s29+$0x2880]  }
0x206: {  	[tilespmem:s25+$0xA0A0] =	vst v52;
	v52 =	vmul.f32 v23, v9;
	v23 =	vmov v59;
	v59 =	vmul.f32 v14, v43;
	v14 =	vld [tilespmem:$0x1FEF0]  }
0x207: {  	v2 =	vmul.f32 v17, v9;
	v17 =	vmov v57;
	v57 =	vmul.f32 v19, v9;
	v58 =	vld [tilespmem:s29+$0x2890];
	[tilespmem:s25+$0xA0B0] =	vst v41  }
0x208: {  	v19 =	vmovc v7;
	v7 =	vsub.f32 $1.500000000e+00, v63;
	v41 =	vmul.f32 v30, v9;
	v30 =	vmov v55;
	v55 =	vld [tilespmem:s29+$0x28A0];
	[tilespmem:s25+$0xA0C0] =	vst v10  }
0x209: {  	v10 =	vmul.f32 v24, v43;
	v24 =	vmov v1;
	v63 =	vmov v5;
	v1 =	vld [tilespmem:s29+$0x28B0];
	[tilespmem:s25+$0xA0D0] =	vst v50  }
0x20a: {  	v7 =	vmul.f32 v48, v7;
	[tilespmem:$0x1FEE0] =	vst v63  }
0x20b: {  	v29 =	vmovc v54;
	v54 =	vmul.f32 v36, v9;
	v50 =	vmul.f32 v26, v43;
	v26 =	vmov v8;
	v8 =	vld [tilespmem:s29+$0x28C0];
	[tilespmem:s25+$0xA0E0] =	vst v47  }
0x20c: {  	v48 =	vmul.f32 v25, v43;
	v25 =	vmov v62;
	v62 =	vmul.f32 v7, v56;
	v47 =	vld [tilespmem:s29+$0x28D0];
	[tilespmem:s25+$0xA0F0] =	vst v0  }
0x20d: {  	v9 =	vmul.f32 v39, v9;
	v39 =	vmov v53;
	v0 =	vmul.f32 v27, v43;
	v5 =	vld [tilespmem:s29+$0x28E0];
	[tilespmem:s25+$0xA100] =	vst v45  }
0x20e: {  	v27 =	vmovc v11;
	v53 =	vmul.f32 v14, v43;
	v14 =	vmov v42;
	v11 =	vmul.f32 v62, v7;
	v42 =	vld [tilespmem:s29+$0x28F0];
	[tilespmem:s25+$0xA110] =	vst v2  }
0x20f: {  	v56 =	vmul.f32 v20, v43;
	v20 =	vmov v60;
	v60 =	vld [tilespmem:s29+$0x2900];
	[tilespmem:s25+$0xA120] =	vst v13  }
0x210: {  	v11 =	vsub.f32 $1.500000000e+00, v11;
	v13 =	vmul.f32 v4, v4;
	v4 =	vld [tilespmem:s29+$0x2910];
	[tilespmem:s25+$0xA130] =	vst v57  }
0x211: {  	v57 =	vld [tilespmem:s29+$0x2920];
	[tilespmem:s25+$0xA140] =	vst v52  }
0x212: {  	v43 =	vmul.f32 v11, v7;
	v7 =	vmul.f32 v44, v44;
	v44 =	vld [tilespmem:s29+$0x2930];
	[tilespmem:s25+$0xA150] =	vst v54  }
0x213: {  	v54 =	vmul.f32 v49, v49;
	v49 =	vld [tilespmem:s29+$0x2940];
	[tilespmem:s25+$0xA160] =	vst v41  }
0x214: {  	v41 =	vmul.f32 v6, v6;
	v6 =	vld [tilespmem:s29+$0x2950];
	[tilespmem:s25+$0xA170] =	vst v9  }
0x215: {  	v12 =	vmul.f32 v12, v12;
	v62 =	vld [tilespmem:s29+$0x2960];
	[tilespmem:s25+$0xA180] =	vst v10  }
0x216: {  	v2 =	vmul.f32 v28, v28;
	v52 =	vmul.f32 v43, v40;
	v63 =	vld [tilespmem:s29+$0x2970];
	[tilespmem:s25+$0xA190] =	vst v48  }
0x217: {  	[tilespmem:$0x1FEF0] =	vst v14;
	v9 =	vmul.f32 v55, v55;
	v48 =	vld [tilespmem:s29+$0x2980]  }
0x218: {  	v55 =	vadd.f32 v52, v52;
	[tilespmem:s25+$0xA1A0] =	vst v50;
	v52 =	vmul.f32 v44, v44;
	v44 =	vadd.f32 v12, v2;
	v12 =	vld [tilespmem:$0x1FFC0]  }
0x219: {  	v36 =	vmov v61;
	v61 =	vmul.f32 v46, v46;
	v46 =	vmul.f32 v42, v42;
	v42 =	vld [tilespmem:s29+$0x2990];
	[tilespmem:s25+$0xA1B0] =	vst v56  }
0x21a: {  	v3 =	vmul.f32 v3, v3;
	v58 =	vmul.f32 v58, v58;
	v14 =	vld [tilespmem:s29+$0x29A0];
	[tilespmem:s25+$0xA1C0] =	vst v0  }
0x21b: {  	v45 =	vmul.f32 v5, v5;
	v5 =	vmul.f32 $1.442695020e+00, v55;
	v0 =	vld [tilespmem:s29+$0x29B0];
	[tilespmem:s25+$0xA1D0] =	vst v59  }
0x21c: {  	v1 =	vmul.f32 v1, v1;
	v8 =	vmul.f32 v8, v8;
	v15 =	vld [tilespmem:s29+$0x29C0];
	[tilespmem:s25+$0xA1E0] =	vst v53;
	s25 =	smov.u32 s26;
	s26 =	smov.u32 s29  }
0x21d: {  	v11 =	vmul.f32 v51, v51;
	(erf) = vpow2.f32 v5;
	v5 =	vld [tilespmem:s26+$0x29D0]  }
0x21e: {  	v10 =	vmul.f32 v47, v47;
	v50 =	vmul.f32 v4, v4;
	v4 =	vld [tilespmem:s26+$0x29E0]  }
0x21f: {  	p0 =	sne.s32 s28, $0x9800;
	v47 =	vmul.f32 v60, v60;
	v56 =	vmul.f32 v6, v6;
	v6 =	vld [tilespmem:s26+$0x29F0]  }
.Ltmp7:
0x220: {  	v51 =	vmul.f32 v57, v57;
	v59 =	vmul.f32 v48, v48;
	v48 =	vadd.f32 v61, v13;
	v13 =	vld [tilespmem:$0x1FFD0];
	(pc) =	sbr.rel @p0 .LBB2_8-.Ltmp7, $4  }
0x221: {  	v55 =	vmul.f32 v49, v49;
	v53 =	vadd.f32 v54, v11;
	v54 =	vadd.f32 v58, v41;
	v41 =	vld [tilespmem:s26+$0x2810]  }
0x222: {  	v49 =	vadd.f32 v7, v3;
	v57 =	vmul.f32 v62, v62;
	v62 =	vmul.f32 v42, v42;
	v42 =	vld [tilespmem:s26+$0x2820]  }
0x223: {  	v60 =	vmul.f32 v63, v63;
	v58 =	vadd.f32 v1, v9;
	v63 =	vmul.f32 v14, v14;
	v14 =	vld [tilespmem:$0x1FFE0]  }
0x224: {  	s28 =	sadd.s32 $0x800, s28;
	v61 =	vadd.f32 v10, v8;
	v7 =	vmul.f32 v0, v0;
	v2 =	vmul.f32 v15, v15;
	v15 =	vld [tilespmem:$0x1FFF0]  }
0x225: {  	v0 =	vadd.f32 v46, v45  }
0x226: {  	v1 =	vadd.f32 v50, v47;
	v52 =	vadd.f32 v52, v51  }
0x227: {  	v3 =	vmul.f32 v5, v5;
	v8 =	vadd.f32 v56, v55;
	v9 =	vadd.f32 v60, v57  }
0x228: {  	v4 =	vmul.f32 v4, v4;
	v10 =	vadd.f32 v62, v59;
	v56 =	vadd.f32 v48, v44  }
0x229: {  	v6 =	vmul.f32 v6, v6;
	v57 =	vadd.f32 v53, v49;
	v11 =	vadd.f32 v58, v54  }
0x22a: {  	v7 =	vadd.f32 v7, v63;
	v2 =	vadd.f32 v3, v2  }
0x22b: {  	v55 =	vadd.f32 v6, v4;
	v0 =	vadd.f32 v0, v61  }
0x22c: {  	v1 =	vadd.f32 v52, v1;
	v58 =	vadd.f32 v9, v8  }
0x22d: {  	v7 =	vadd.f32 v7, v10;
	v2 =	vadd.f32 v55, v2  }
0x22e: {  	v59 =	vadd.f32 v57, v56;
	v0 =	vadd.f32 v0, v11  }
0x22f: {  	v1 =	vadd.f32 v58, v1;
	v2 =	vadd.f32 v2, v7  }
0x230: {  	v4 =	vperm.xlane v59, v12;
	v60 =	vperm.xlane v0, v12  }
0x231: {  	v61 =	vperm.xlane v1, v12;
	v7 =	vperm.xlane v2, v12  }
0x232: {  	v3 =	vadd.f32 v4, v59;
	v0 =	vadd.f32 v60, v0  }
0x233: {  	v1 =	vadd.f32 v61, v1;
	v2 =	vadd.f32 v7, v2;
	_ =	sdelay $0x1  }
0x234: {  	v0 =	vsel vm0, v3, v0;
	v1 =	vsel vm0, v1, v2  }
0x235: {  	v62 =	vperm.xlane v0, v13;
	v63 =	vperm.xlane v1, v13  }
0x236: {  	v54 =	vld [tilespmem:s26+$0x2830]  }
0x237: {  	v49 =	vld [tilespmem:s26+$0x2890];
	v0 =	vadd.f32 v62, v0;
	v1 =	vadd.f32 v63, v1  }
0x238: {  	v50 =	vld [tilespmem:s26+$0x28A0]  }
0x239: {  	v51 =	vld [tilespmem:s26+$0x28C0];
	v0 =	vsel vm1, v0, v1  }
0x23a: {  	v45 =	vld [tilespmem:s26+$0x2910];
	v5 =	vpop (erf);
	v1 =	vperm.xlane v0, v14  }
0x23b: {  	v53 =	vld [tilespmem:s26+$0x2930];
	v6 =	vadd.f32 $1.000000000e+00, v5  }
0x23c: {  	v56 =	vld [tilespmem:s26+$0x2850];
	v0 =	vadd.f32 v0, v1  }
0x23d: {  	v57 =	vld [tilespmem:s26+$0x2860];
	(erf) = vrcp.f32 v6  }
0x23e: {  	v8 =	vld [tilespmem:s26+$0x28B0];
	v7 =	vperm.xlane v0, v15  }
0x23f: {  	v52 =	vld [tilespmem:s26+$0x28D0]  }
0x240: {  	v55 =	vld [tilespmem:s26+$0x2840];
	v44 =	vadd.f32 v0, v7  }
0x241: {  	v58 =	vld [tilespmem:s26+$0x2870]  }
0x242: {  	[tilespmem:$0x1FE70] =	vst v45;
	v45 =	vld [tilespmem:s26+$0x2970];
	v9 =	vshrl.u32 v44, $0x1;
	v10 =	vmul.f32 $5.000000000e-01, v44  }
0x243: {  	v46 =	vmul.f32 $-3.333333430e-01, v40;
	v59 =	vld [tilespmem:s26+$0x2880];
	v0 =	vsub.s32 $0x5F3759DF, v9  }
0x244: {  	v4 =	vld [tilespmem:s25+$0x29F0];
	v11 =	vmul.f32 v0, v10  }
0x245: {  	[tilespmem:$0x1FE40] =	vst v8;
	v8 =	vadd.f32 $1.000000000e+00, v46;
	v46 =	vld [tilespmem:s26+$0x29C0]  }
0x246: {  	v12 =	vld [tilespmem:s26+$0x28E0];
	v14 =	vpop (erf);
	v2 =	vmul.f32 v0, v11  }
0x247: {  	v47 =	vmul.f32 v40, v40;
	v60 =	vld [tilespmem:s26+$0x2920];
	v3 =	vadd.f32 v14, v14  }
0x248: {  	v61 =	vld [tilespmem:s26+$0x2950];
	v2 =	vsub.f32 $1.500000000e+00, v2  }
0x249: {  	v13 =	vld [tilespmem:s26+$0x28F0];
	v48 =	vsub.f32 $1.000000000e+00, v3;
	v9 =	vmul.f32 $1.333333400e-01, v47  }
0x24a: {  	v62 =	vld [tilespmem:s26+$0x2940];
	v0 =	vmul.f32 v0, v2  }
0x24b: {  	v63 =	vld [tilespmem:s26+$0x29A0];
	v3 =	vadd.f32 v9, v8;
	v2 =	vmul.f32 v48, v43  }
0x24c: {  	vm2 =	vlt.f32 v40, $9.999999740e-05;
	v14 =	vld [tilespmem:$0x1FE90];
	v1 =	vmul.f32 v0, v10  }
0x24d: {  	v15 =	vld [tilespmem:s26+$0x2900];
	v2 =	vsel vm2, v3, v2;
	vm2 =	veq.f32 v40, $+Inf  }
0x24e: {  	[tilespmem:$0x1FE50] =	vst v12;
	v12 =	vimm.s32 $0x3;
	v47 =	vld [tilespmem:s26+$0x2980];
	v2 =	vsel vm2, $0x0, v2;
	v1 =	vmul.f32 v1, v0  }
0x24f: {  	v10 =	vld [tilespmem:$0x1FE80];
	v3 =	vperm.xlane v2, v12  }
0x250: {  	v9 =	vld [tilespmem:$0x1FEA0];
	v1 =	vsub.f32 $1.500000000e+00, v1  }
0x251: {  	v11 =	vimm.s32 $0x0;
	v48 =	vld [tilespmem:s26+$0x2960];
	v4 =	vmul.f32 v4, v3  }
0x252: {  	v43 =	vld [tilespmem:s26+$0x2990];
	v0 =	vmul.f32 v1, v0;
	v1 =	vperm.xlane v2, v11  }
0x253: {  	v40 =	vld [tilespmem:s26+$0x29B0];
	[tilespmem:s25+$0xA1F0] =	vst v4  }
0x254: {  	v8 =	vld [tilespmem:s26+$0x29D0];
	v4 =	vmul.f32 v1, v10  }
0x255: {  	[tilespmem:$0x1FE60] =	vst v13;
	v13 =	vmul.f32 v0, v44;
	v10 =	vld [tilespmem:$0x1FEB0]  }
0x256: {  	v16 =	vmul.f32 v16, v1;
	[tilespmem:s25+$0xA000] =	vst v4;
	v4 =	vmul.f32 v14, v1;
	v14 =	vld [tilespmem:$0x1FEC0]  }
0x257: {  	v5 =	vadd.f32 v13, v13;
	v13 =	vld [tilespmem:s26+$0x29E0]  }
0x258: {  	[tilespmem:s25+$0xA020] =	vst v16;
	v16 =	vld [tilespmem:$0x1FED0];
	_ =	sdelay $0x1  }
0x259: {  	[tilespmem:s25+$0xA010] =	vst v4;
	v4 =	vmul.f32 v9, v1;
	v5 =	vmul.f32 $1.442695020e+00, v5  }
0x25a: {  	v6 =	vmul.f32 v10, v1  }
0x25b: {  	v10 =	vimm.s32 $0x1;
	[tilespmem:s25+$0xA030] =	vst v4;
	(erf) = vpow2.f32 v5;
	v4 =	vmul.f32 v14, v1  }
0x25c: {  	v5 =	vperm.xlane v2, v10;
	[tilespmem:s25+$0xA040] =	vst v6;
	v6 =	vmul.f32 v16, v1  }
0x25d: {  	v1 =	vmul.f32 v21, v1;
	[tilespmem:s25+$0xA050] =	vst v4  }
0x25e: {  	v22 =	vmul.f32 v22, v5;
	[tilespmem:s25+$0xA060] =	vst v6  }
0x25f: {  	v31 =	vmul.f32 v31, v5;
	[tilespmem:s25+$0xA070] =	vst v1  }
0x260: {  	v32 =	vmul.f32 v32, v5;
	[tilespmem:s25+$0xA080] =	vst v22  }
0x261: {  	v33 =	vmul.f32 v33, v5;
	[tilespmem:s25+$0xA090] =	vst v31  }
0x262: {  	v34 =	vmul.f32 v34, v5;
	[tilespmem:s25+$0xA0A0] =	vst v32  }
0x263: {  	v9 =	vimm.s32 $0x2;
	v35 =	vmul.f32 v35, v5;
	[tilespmem:s25+$0xA0B0] =	vst v33  }
0x264: {  	v2 =	vperm.xlane v2, v9;
	v14 =	vmul.f32 v37, v5;
	[tilespmem:s25+$0xA0C0] =	vst v34  }
0x265: {  	v5 =	vmul.f32 v29, v5;
	[tilespmem:s25+$0xA0D0] =	vst v35;
	v16 =	vpop (erf)  }
0x266: {  	v21 =	vmul.f32 v38, v2;
	[tilespmem:s25+$0xA0E0] =	vst v14;
	v1 =	vadd.f32 $1.000000000e+00, v16  }
0x267: {  	v29 =	vmul.f32 v18, v2;
	[tilespmem:s25+$0xA0F0] =	vst v5  }
0x268: {  	v37 =	vmul.f32 v26, v3;
	[tilespmem:s25+$0xA100] =	vst v21;
	(erf) = vrcp.f32 v1  }
0x269: {  	v38 =	vmul.f32 v20, v3;
	[tilespmem:s25+$0xA120] =	vst v29  }
0x26a: {  	v22 =	vmul.f32 v17, v2;
	[tilespmem:s25+$0xA1A0] =	vst v37  }
0x26b: {  	v31 =	vmul.f32 v19, v2;
	[tilespmem:s25+$0xA1B0] =	vst v38  }
0x26c: {  	v32 =	vmul.f32 v23, v2;
	[tilespmem:s25+$0xA110] =	vst v22  }
0x26d: {  	v33 =	vmul.f32 v36, v2;
	[tilespmem:s25+$0xA130] =	vst v31  }
0x26e: {  	v34 =	vmul.f32 v30, v2;
	v19 =	vld [tilespmem:$0x1FEE0];
	[tilespmem:s25+$0xA140] =	vst v32  }
0x26f: {  	v20 =	vld [tilespmem:$0x1FEF0];
	v2 =	vmul.f32 v39, v2;
	[tilespmem:s25+$0xA150] =	vst v33  }
0x270: {  	v35 =	vmul.f32 v24, v3;
	[tilespmem:s25+$0xA160] =	vst v34  }
0x271: {  	v18 =	vmul.f32 v44, v44;
	v36 =	vmul.f32 v25, v3;
	[tilespmem:s25+$0xA170] =	vst v2;
	v16 =	vpop (erf)  }
0x272: {  	v39 =	vmul.f32 v27, v3;
	v17 =	vmul.f32 $-3.333333430e-01, v44;
	[tilespmem:s25+$0xA180] =	vst v35;
	v2 =	vadd.f32 v16, v16  }
0x273: {  	v23 =	vmul.f32 $1.333333400e-01, v18;
	[tilespmem:s25+$0xA190] =	vst v36;
	v7 =	vmul.f32 v19, v3  }
0x274: {  	[tilespmem:s25+$0xA1C0] =	vst v39;
	v22 =	vadd.f32 $1.000000000e+00, v17;
	v3 =	vmul.f32 v20, v3;
	v21 =	vsub.f32 $1.000000000e+00, v2  }
0x275: {  	[tilespmem:s25+$0xA1D0] =	vst v7  }
0x276: {  	v24 =	vadd.f32 v23, v22;
	[tilespmem:s25+$0xA1E0] =	vst v3;
	v0 =	vmul.f32 v21, v0  }
0x277: {  	vm2 =	vlt.f32 v44, $9.999999740e-05;
	v25 =	vld [tilespmem:s26+$0x29F0]  }
0x278: {  	v0 =	vsel vm2, v24, v0;
	vm2 =	veq.f32 v44, $+Inf  }
0x279: {  	v0 =	vsel vm2, $0x0, v0  }
0x27a: {  	v26 =	vperm.xlane v0, v12  }
0x27b: {  	v27 =	vperm.xlane v0, v11  }
0x27c: {  	v2 =	vmul.f32 v25, v26  }
0x27d: {  	v28 =	vmul.f32 v27, v28  }
0x27e: {  	v29 =	vmul.f32 v41, v27;
	[tilespmem:s26+$0xA1F0] =	vst v2  }
0x27f: {  	v30 =	vmul.f32 v42, v27;
	[tilespmem:s26+$0xA000] =	vst v28  }
0x280: {  	v31 =	vmul.f32 v54, v27;
	[tilespmem:s26+$0xA010] =	vst v29  }
0x281: {  	v32 =	vmul.f32 v55, v27;
	[tilespmem:s26+$0xA020] =	vst v30  }
0x282: {  	v33 =	vmul.f32 v56, v27;
	[tilespmem:s26+$0xA030] =	vst v31  }
0x283: {  	v34 =	vperm.xlane v0, v10;
	v35 =	vmul.f32 v57, v27;
	[tilespmem:s26+$0xA040] =	vst v32  }
0x284: {  	v3 =	vmul.f32 v58, v27;
	[tilespmem:s26+$0xA050] =	vst v33  }
0x285: {  	v36 =	vmul.f32 v59, v34;
	[tilespmem:s26+$0xA060] =	vst v35  }
0x286: {  	v37 =	vmul.f32 v49, v34;
	[tilespmem:s26+$0xA070] =	vst v3  }
0x287: {  	v38 =	vmul.f32 v50, v34;
	[tilespmem:s26+$0xA080] =	vst v36  }
0x288: {  	v0 =	vperm.xlane v0, v9;
	v41 =	vmul.f32 v51, v34;
	[tilespmem:s26+$0xA090] =	vst v37  }
0x289: {  	v42 =	vmul.f32 v52, v34;
	[tilespmem:s26+$0xA0A0] =	vst v38  }
0x28a: {  	v50 =	vmul.f32 v15, v0;
	[tilespmem:s26+$0xA0C0] =	vst v41  }
0x28b: {  	v52 =	vmul.f32 v60, v0;
	[tilespmem:s26+$0xA0D0] =	vst v42  }
0x28c: {  	v54 =	vmul.f32 v53, v0;
	[tilespmem:s26+$0xA100] =	vst v50  }
0x28d: {  	v55 =	vmul.f32 v62, v0;
	[tilespmem:s26+$0xA120] =	vst v52  }
0x28e: {  	v56 =	vmul.f32 v61, v0;
	[tilespmem:s26+$0xA130] =	vst v54  }
0x28f: {  	v57 =	vmul.f32 v48, v0;
	[tilespmem:s26+$0xA140] =	vst v55  }
0x290: {  	v58 =	vmul.f32 v47, v26;
	[tilespmem:s26+$0xA150] =	vst v56  }
0x291: {  	v59 =	vmul.f32 v43, v26;
	[tilespmem:s26+$0xA160] =	vst v57  }
0x292: {  	v39 =	vld [tilespmem:$0x1FE40];
	v60 =	vmul.f32 v63, v26;
	[tilespmem:s26+$0xA180] =	vst v58  }
0x293: {  	v44 =	vld [tilespmem:$0x1FE50];
	v61 =	vmul.f32 v40, v26;
	[tilespmem:s26+$0xA190] =	vst v59  }
0x294: {  	v49 =	vld [tilespmem:$0x1FE60];
	v62 =	vmul.f32 v46, v26;
	[tilespmem:s26+$0xA1A0] =	vst v60  }
0x295: {  	v51 =	vld [tilespmem:$0x1FE70];
	v63 =	vmul.f32 v8, v26;
	[tilespmem:s26+$0xA1B0] =	vst v61  }
0x296: {  	v1 =	vmul.f32 v13, v26;
	[tilespmem:s26+$0xA1C0] =	vst v62  }
0x297: {  	v3 =	vmul.f32 v39, v34;
	[tilespmem:s26+$0xA1D0] =	vst v63  }
0x298: {  	v2 =	vmul.f32 v44, v34;
	[tilespmem:s26+$0xA1E0] =	vst v1  }
0x299: {  	[tilespmem:s26+$0xA0B0] =	vst v3;
	v4 =	vmul.f32 v49, v34  }
0x29a: {  	[tilespmem:s26+$0xA0E0] =	vst v2;
	v3 =	vmul.f32 v51, v0  }
0x29b: {  	s24 =	smul.u32 $0x500, s24;
	v0 =	vmul.f32 v45, v0;
	[tilespmem:s26+$0xA0F0] =	vst v4  }
0x29c: {  	[tilespmem:s26+$0xA110] =	vst v3  }
0x29d: {  	s24 =	sadd.s32 s2, s24;
	[tilespmem:s26+$0xA170] =	vst v0  }
0x29e: {  	[hbm4b:s24+s3] =	stream.linear.scatter [tilespmem:s15], [sflag:$0x5], $0x2800, $0x38;
	[tilespmem:$0xF000] =	vst v63  }
.LBB2_10:
0x29f: {  	s23 =	sadd.s32 s9, s23  }
0x2a0: {  	p0 =	sgt.u32 s23, $0x4E1  }
.Ltmp8:
0x2a1: {  	_ = 	snop;
	(pc) =	sbr.rel @p0 .LBB2_14-.Ltmp8, $1  }
0x2a2: {  	_ =	sdelay $0x3  }
0x2a3: {  	p0 =	sgt.u32 s23, $0x4A1  }
0x2a4: {  	s24 =	smul.u32 @!p0 $0x2800, s23;
	_ =	sdelay $0x1  }
0x2a5: {  	s24 =	sshrl.u32 @!p0 s24, $0x3  }
0x2a6: {  	s24 =	sadd.s32 @!p0 s1, s24  }
0x2a7: {  	s25 =	simm.s32 @!p0 $0x0;
	s26 =	simm.s32 @!p0 $0x2800;
	s24 =	sadd.s32 @!p0 $0x14000, s24  }
0x2a8: {  	[tilespmem:s26], [sflag:$0x2] =	stream.linear.gather @!p0 [hbm4b:s24+s25], $0x2800, $0x38;
	[tilespmem:$0xF000] =	vst v63  }
0x2a9: {  	_ =	swait.ge [sflag:s16], $0x2800  }
0x2aa: {  	p0 =	seq.s32 s22, $0x0;
	[sflag:s16] =	ssyncset.done $0x0  }
0x2ab: {  	s24 =	simm.s32 @!p0 $0x6;
	[sflag:s16] =	ssyncadd.s32 $0xFFFFD800  }
0x2ac: {  	_ =	swait.ge @!p0 [sflag:s24], $0x2800  }
0x2ad: {  	[sflag:s24] =	ssyncset.done @!p0 $0x0  }
0x2ae: {  	[sflag:s24] =	ssyncadd.s32 @!p0 $0xFFFFD800;
	s24 =	simm.s32 $0x0  }
0x2af: {  	v8 =	vld [tilespmem:s24+$0x5000]  }
0x2b0: {  	v0 =	vld [tilespmem:s24+$0x5010]  }
0x2b1: {  	v1 =	vld [tilespmem:s24+$0x5020]  }
0x2b2: {  	v2 =	vld [tilespmem:s24+$0x5030]  }
0x2b3: {  	v3 =	vld [tilespmem:s24+$0x5040]  }
0x2b4: {  	v4 =	vld [tilespmem:s24+$0x5050]  }
0x2b5: {  	v5 =	vld [tilespmem:s24+$0x5060]  }
0x2b6: {  	v6 =	vld [tilespmem:s24+$0x5070]  }
0x2b7: {  	v7 =	vld [tilespmem:s24+$0x5080]  }
0x2b8: {  	v9 =	vld [tilespmem:s24+$0x5090]  }
0x2b9: {  	v10 =	vld [tilespmem:s24+$0x50A0]  }
0x2ba: {  	v11 =	vld [tilespmem:s24+$0x50B0]  }
0x2bb: {  	v12 =	vld [tilespmem:s24+$0x50C0]  }
0x2bc: {  	v13 =	vld [tilespmem:s24+$0x50D0]  }
0x2bd: {  	v14 =	vld [tilespmem:s24+$0x50E0]  }
0x2be: {  	v15 =	vld [tilespmem:s24+$0x50F0]  }
0x2bf: {  	v16 =	vld [tilespmem:s24+$0x5100]  }
0x2c0: {  	v17 =	vld [tilespmem:s24+$0x5110]  }
0x2c1: {  	v19 =	vld [tilespmem:s24+$0x5120]  }
0x2c2: {  	v20 =	vld [tilespmem:s24+$0x5130]  }
0x2c3: {  	v21 =	vld [tilespmem:s24+$0x5140]  }
0x2c4: {  	v22 =	vld [tilespmem:s24+$0x5150]  }
0x2c5: {  	v23 =	vld [tilespmem:s24+$0x5160]  }
0x2c6: {  	v24 =	vld [tilespmem:s24+$0x5170]  }
0x2c7: {  	v25 =	vld [tilespmem:s24+$0x5180]  }
0x2c8: {  	v28 =	vld [tilespmem:s24+$0x51B0];
	v18 =	vmul.f32 v8, v8  }
0x2c9: {  	v29 =	vld [tilespmem:s24+$0x51C0];
	v0 =	vmul.f32 v0, v0;
	v1 =	vmul.f32 v1, v1  }
0x2ca: {  	v30 =	vld [tilespmem:s24+$0x51D0];
	v2 =	vmul.f32 v2, v2;
	v3 =	vmul.f32 v3, v3  }
0x2cb: {  	v32 =	vld [tilespmem:s24+$0x50A0];
	v4 =	vmul.f32 v4, v4;
	v5 =	vmul.f32 v5, v5  }
0x2cc: {  	v33 =	vld [tilespmem:s24+$0x50B0];
	v6 =	vmul.f32 v6, v6;
	v7 =	vmul.f32 v7, v7  }
0x2cd: {  	v34 =	vld [tilespmem:s24+$0x50C0];
	v9 =	vmul.f32 v9, v9;
	v10 =	vmul.f32 v10, v10  }
0x2ce: {  	v35 =	vld [tilespmem:s24+$0x50D0];
	v11 =	vmul.f32 v11, v11;
	v12 =	vmul.f32 v12, v12  }
0x2cf: {  	v37 =	vld [tilespmem:s24+$0x50E0];
	v26 =	vmul.f32 v13, v13;
	v14 =	vmul.f32 v14, v14  }
0x2d0: {  	v15 =	vmul.f32 v15, v15;
	v27 =	vmul.f32 v16, v16;
	v16 =	vld [tilespmem:s24+$0x51A0]  }
0x2d1: {  	v17 =	vmul.f32 v17, v17;
	v5 =	vadd.f32 v6, v5;
	v6 =	vadd.f32 v9, v7;
	v7 =	vld [tilespmem:s24+$0x5010]  }
0x2d2: {  	v38 =	vld [tilespmem:s24+$0x5100];
	v19 =	vmul.f32 v19, v19;
	v20 =	vmul.f32 v20, v20  }
0x2d3: {  	v36 =	vld [tilespmem:s24+$0x5150];
	v21 =	vmul.f32 v21, v21;
	v22 =	vmul.f32 v22, v22;
	v0 =	vadd.f32 v0, v18  }
0x2d4: {  	v13 =	vld [tilespmem:s24+$0x5190];
	v23 =	vmul.f32 v23, v23;
	v1 =	vadd.f32 v2, v1;
	v2 =	vadd.f32 v4, v3  }
0x2d5: {  	v24 =	vmul.f32 v24, v24;
	v18 =	vld [tilespmem:s24+$0x51E0];
	v26 =	vadd.f32 v26, v12;
	v14 =	vadd.f32 v15, v14  }
0x2d6: {  	v3 =	vld [tilespmem:s24+$0x51F0];
	v15 =	vadd.f32 v17, v27;
	v4 =	vmul.f32 v16, v16;
	[tilespmem:$0x1FDD0] =	vst v7;
	v7 =	vmul.f32 v28, v28  }
0x2d7: {  	v39 =	vld [tilespmem:s24+$0x5170];
	v25 =	vmul.f32 v25, v25;
	v19 =	vadd.f32 v20, v19;
	v20 =	vadd.f32 v22, v21  }
0x2d8: {  	s25 =	simm.s32 $0x200;
	v29 =	vmul.f32 v29, v29;
	v23 =	vadd.f32 v24, v23;
	v4 =	vadd.f32 v7, v4;
	v7 =	vld [tilespmem:s24+$0x5060]  }
0x2d9: {  	v41 =	vld [tilespmem:s25+$0x5060];
	v17 =	vmul.f32 v30, v30;
	v0 =	vadd.f32 v1, v0;
	v1 =	vadd.f32 v5, v2  }
0x2da: {  	v42 =	vld [tilespmem:s25+$0x5070];
	v5 =	vadd.f32 v14, v26;
	v14 =	vadd.f32 v23, v20;
	v31 =	vmul.f32 v13, v13  }
0x2db: {  	v44 =	vld [tilespmem:s25+$0x5080];
	v0 =	vadd.f32 v1, v0;
	v18 =	vmul.f32 v18, v18;
	v3 =	vmul.f32 v3, v3  }
0x2dc: {  	v45 =	vld [tilespmem:s25+$0x5090];
	v28 =	vadd.f32 v11, v10;
	v24 =	vadd.f32 v31, v25  }
0x2dd: {  	v12 =	vld [tilespmem:$0x1FFC0];
	v3 =	vadd.f32 v3, v18;
	[tilespmem:$0x1FE10] =	vst v7;
	v7 =	vadd.f32 v17, v29  }
0x2de: {  	v46 =	vld [tilespmem:s25+$0x50A0];
	v2 =	vadd.f32 v28, v6;
	v6 =	vadd.f32 v19, v15  }
0x2df: {  	v47 =	vld [tilespmem:s25+$0x50C0];
	v4 =	vadd.f32 v4, v24;
	v3 =	vadd.f32 v3, v7  }
0x2e0: {  	v63 =	vld [tilespmem:s25+$0x50D0];
	v1 =	vadd.f32 v5, v2;
	v2 =	vadd.f32 v14, v6  }
0x2e1: {  	v49 =	vld [tilespmem:s25+$0x50E0];
	v3 =	vadd.f32 v3, v4  }
0x2e2: {  	v50 =	vld [tilespmem:s25+$0x50F0];
	v5 =	vperm.xlane v1, v12;
	v6 =	vperm.xlane v2, v12  }
0x2e3: {  	v13 =	vld [tilespmem:$0x1FFD0];
	v4 =	vperm.xlane v0, v12;
	v7 =	vperm.xlane v3, v12  }
0x2e4: {  	v51 =	vld [tilespmem:s25+$0x5100];
	v1 =	vadd.f32 v5, v1;
	v2 =	vadd.f32 v6, v2  }
0x2e5: {  	v54 =	vld [tilespmem:s25+$0x5120];
	v0 =	vadd.f32 v4, v0;
	v3 =	vadd.f32 v7, v3  }
0x2e6: {  	v56 =	vld [tilespmem:s25+$0x5150]  }
0x2e7: {  	v57 =	vld [tilespmem:s25+$0x5160];
	v0 =	vsel vm0, v0, v1;
	v1 =	vsel vm0, v2, v3  }
0x2e8: {  	v14 =	vld [tilespmem:$0x1FFE0];
	v2 =	vperm.xlane v0, v13;
	v3 =	vperm.xlane v1, v13  }
0x2e9: {  	v59 =	vld [tilespmem:s25+$0x5170]  }
0x2ea: {  	[tilespmem:$0x1FDC0] =	vst v8;
	v8 =	vld [tilespmem:s24+$0x5030];
	v0 =	vadd.f32 v2, v0;
	v1 =	vadd.f32 v3, v1  }
0x2eb: {  	v2 =	vld [tilespmem:s24+$0x51D0]  }
0x2ec: {  	v15 =	vld [tilespmem:$0x1FFF0];
	v0 =	vsel vm1, v0, v1  }
0x2ed: {  	v21 =	vld [tilespmem:s24+$0x5070];
	v1 =	vperm.xlane v0, v14  }
0x2ee: {  	v22 =	vld [tilespmem:s24+$0x5080]  }
0x2ef: {  	v30 =	vld [tilespmem:s24+$0x5160];
	v0 =	vadd.f32 v0, v1  }
0x2f0: {  	[tilespmem:$0x1FE20] =	vst v2;
	v2 =	vld [tilespmem:s24+$0x51E0]  }
0x2f1: {  	v27 =	vld [tilespmem:s24+$0x51C0];
	v1 =	vperm.xlane v0, v15  }
0x2f2: {  	v23 =	vld [tilespmem:s24+$0x5140]  }
0x2f3: {  	v26 =	vld [tilespmem:s24+$0x51A0];
	v40 =	vadd.f32 v0, v1  }
0x2f4: {  	v20 =	vld [tilespmem:s24+$0x51B0]  }
0x2f5: {  	v16 =	vld [tilespmem:s24+$0x5020];
	[tilespmem:$0x1FE30] =	vst v2;
	v2 =	vshrl.u32 v40, $0x1;
	v3 =	vmul.f32 $5.000000000e-01, v40  }
0x2f6: {  	[tilespmem:$0x1FDE0] =	vst v8;
	v8 =	vld [tilespmem:s24+$0x5040];
	v2 =	vsub.s32 $0x5F3759DF, v2  }
0x2f7: {  	v31 =	vld [tilespmem:s24+$0x5090];
	v6 =	vmul.f32 v2, v3  }
0x2f8: {  	v25 =	vld [tilespmem:s24+$0x5190]  }
0x2f9: {  	v11 =	vld [tilespmem:s25+$0x5190];
	v6 =	vmul.f32 v2, v6  }
0x2fa: {  	v18 =	vld [tilespmem:s24+$0x5120]  }
0x2fb: {  	v19 =	vld [tilespmem:s24+$0x5130];
	v6 =	vsub.f32 $1.500000000e+00, v6  }
0x2fc: {  	v28 =	vld [tilespmem:s25+$0x5000]  }
0x2fd: {  	[tilespmem:$0x1FDF0] =	vst v8;
	v8 =	vld [tilespmem:s24+$0x5050];
	v2 =	vmul.f32 v2, v6  }
0x2fe: {  	v24 =	vld [tilespmem:s24+$0x5180]  }
0x2ff: {  	v29 =	vld [tilespmem:s24+$0x50F0];
	v3 =	vmul.f32 v2, v3  }
0x300: {  	v17 =	vld [tilespmem:s24+$0x5110]  }
0x301: {  	v41 =	vmul.f32 v41, v41;
	v5 =	vld [tilespmem:s25+$0x5040];
	v3 =	vmul.f32 v3, v2  }
0x302: {  	v42 =	vmul.f32 v42, v42;
	v62 =	vmul.f32 v44, v44;
	[tilespmem:$0x1FE00] =	vst v8;
	v8 =	vld [tilespmem:s25+$0x5110]  }
0x303: {  	v61 =	vmul.f32 v45, v45;
	v45 =	vmul.f32 v49, v49;
	v0 =	vld [tilespmem:s25+$0x5010];
	v3 =	vsub.f32 $1.500000000e+00, v3  }
0x304: {  	v56 =	vmul.f32 v56, v56;
	v57 =	vmul.f32 v57, v57;
	v1 =	vld [tilespmem:s25+$0x5020]  }
0x305: {  	v9 =	vmul.f32 v46, v46;
	v6 =	vld [tilespmem:s25+$0x50B0];
	v43 =	vmul.f32 v3, v2  }
0x306: {  	v46 =	vmul.f32 v50, v50;
	v10 =	vmul.f32 v47, v47;
	v4 =	vld [tilespmem:s25+$0x5030]  }
0x307: {  	v47 =	vmul.f32 v51, v51;
	v7 =	vld [tilespmem:s25+$0x5050];
	v55 =	vmul.f32 v43, v40  }
0x308: {  	v51 =	vmul.f32 v54, v54;
	v53 =	vmul.f32 v5, v5;
	v5 =	vld [tilespmem:s25+$0x5140]  }
0x309: {  	v52 =	vmul.f32 v28, v28;
	v60 =	vmul.f32 v1, v1;
	v1 =	vld [tilespmem:s25+$0x51A0];
	v55 =	vadd.f32 v55, v55  }
0x30a: {  	v48 =	vmul.f32 v0, v0;
	v0 =	vld [tilespmem:s25+$0x51B0];
	v58 =	vmul.f32 v6, v6  }
0x30b: {  	v6 =	vld [tilespmem:s25+$0x5180];
	v2 =	vmul.f32 v4, v4;
	v44 =	vmul.f32 $1.442695020e+00, v55  }
0x30c: {  	v54 =	vadd.f32 v61, v62;
	v62 =	vmul.f32 v11, v11;
	v7 =	vmul.f32 v7, v7;
	v4 =	vld [tilespmem:s25+$0x5130]  }
0x30d: {  	(erf) = vpow2.f32 v44;
	v44 =	vadd.f32 v48, v52;
	v48 =	vadd.f32 v2, v60;
	v2 =	vld [tilespmem:s25+$0x51C0]  }
0x30e: {  	v50 =	vmul.f32 v8, v8;
	v49 =	vadd.f32 v7, v53;
	v53 =	vadd.f32 v42, v41;
	v41 =	vld [tilespmem:s25+$0x5010]  }
0x30f: {  	v42 =	vld [tilespmem:s25+$0x5020];
	v7 =	vmul.f32 v0, v0;
	v3 =	vmul.f32 v63, v63  }
0x310: {  	v63 =	vmul.f32 v1, v1;
	v55 =	vmul.f32 v5, v5;
	v5 =	vld [tilespmem:s25+$0x51D0]  }
0x311: {  	v58 =	vadd.f32 v58, v9;
	v52 =	vmul.f32 v4, v4;
	v4 =	vld [tilespmem:s25+$0x51E0];
	v60 =	vmul.f32 v59, v59  }
0x312: {  	s26 =	simm.s32 $0x1000;
	v61 =	vadd.f32 v3, v10;
	v59 =	vmul.f32 v6, v6;
	v6 =	vld [tilespmem:s25+$0x51F0];
	v2 =	vmul.f32 v2, v2  }
.LBB2_12:
0x313: {  	v0 =	vadd.f32 v46, v45;
	v1 =	vadd.f32 v50, v47  }
0x314: {  	v45 =	vadd.f32 v52, v51;
	v46 =	vadd.f32 v56, v55;
	v47 =	vld [tilespmem:s25+$0x5040]  }
0x315: {  	v10 =	vadd.f32 v60, v57;
	v52 =	vld [tilespmem:s25+$0x5050];
	v11 =	vadd.f32 v62, v59  }
0x316: {  	v7 =	vadd.f32 v7, v63;
	v56 =	vld [tilespmem:s25+$0x5060];
	v59 =	vadd.f32 v53, v49;
	v9 =	vpop (erf)  }
0x317: {  	v60 =	vadd.f32 v58, v54;
	v51 =	vld [tilespmem:s25+$0x50E0];
	v3 =	vmul.f32 v5, v5;
	v50 =	vadd.f32 $1.000000000e+00, v9  }
0x318: {  	v54 =	vld [tilespmem:s25+$0x50F0];
	v0 =	vadd.f32 v0, v61;
	v4 =	vmul.f32 v4, v4;
	v6 =	vmul.f32 v6, v6  }
0x319: {  	v57 =	vld [tilespmem:s25+$0x5110];
	v61 =	vadd.f32 v10, v46;
	v2 =	vadd.f32 v3, v2;
	(erf) = vrcp.f32 v50  }
0x31a: {  	v46 =	vld [tilespmem:s25+$0x50A0];
	v3 =	vadd.f32 v6, v4;
	v6 =	vadd.f32 v48, v44  }
0x31b: {  	v1 =	vadd.f32 v45, v1;
	v7 =	vadd.f32 v7, v11;
	v45 =	vld [tilespmem:s25+$0x50D0]  }
0x31c: {  	v5 =	vld [tilespmem:s25+$0x5030];
	v2 =	vadd.f32 v3, v2;
	v6 =	vadd.f32 v59, v6  }
0x31d: {  	v0 =	vadd.f32 v0, v60;
	v1 =	vadd.f32 v61, v1;
	v61 =	vld [tilespmem:s25+$0x5150]  }
0x31e: {  	v4 =	vld [tilespmem:s25+$0x5070];
	v2 =	vadd.f32 v2, v7;
	v7 =	vperm.xlane v6, v12  }
0x31f: {  	v48 =	vld [tilespmem:s25+$0x5080];
	v49 =	vperm.xlane v0, v12  }
0x320: {  	v44 =	vld [tilespmem:s25+$0x50C0];
	v62 =	vperm.xlane v1, v12;
	v6 =	vadd.f32 v7, v6;
	v7 =	vperm.xlane v2, v12  }
0x321: {  	v3 =	vld [tilespmem:s25+$0x50B0];
	v0 =	vadd.f32 v49, v0;
	v9 =	vmul.f32 $-3.333333430e-01, v40  }
0x322: {  	v10 =	vmul.f32 v40, v40;
	v49 =	vld [tilespmem:s25+$0x5100];
	v1 =	vadd.f32 v62, v1;
	v2 =	vadd.f32 v7, v2;
	v63 =	vpop (erf)  }
0x323: {  	v59 =	vld [tilespmem:s25+$0x5140];
	v11 =	vadd.f32 $1.000000000e+00, v9;
	v55 =	vadd.f32 v63, v63  }
0x324: {  	v62 =	vld [tilespmem:s25+$0x5190];
	v9 =	vmul.f32 $1.333333400e-01, v10;
	v0 =	vsel vm0, v6, v0;
	v1 =	vsel vm0, v1, v2  }
0x325: {  	v50 =	vld [tilespmem:s25+$0x5090];
	v2 =	vperm.xlane v0, v13;
	v10 =	vperm.xlane v1, v13;
	v53 =	vsub.f32 $1.000000000e+00, v55  }
0x326: {  	v11 =	vadd.f32 v9, v11;
	v6 =	vld [tilespmem:s25+$0x5120]  }
0x327: {  	v7 =	vld [tilespmem:s25+$0x5130];
	v0 =	vadd.f32 v2, v0;
	v1 =	vadd.f32 v10, v1;
	v43 =	vmul.f32 v53, v43  }
0x328: {  	vm2 =	vlt.f32 v40, $9.999999740e-05;
	v2 =	vld [tilespmem:s24+$0x51F0]  }
0x329: {  	v10 =	vld [tilespmem:$0x1FDC0];
	v0 =	vsel vm1, v0, v1;
	v43 =	vsel vm2, v11, v43;
	vm2 =	veq.f32 v40, $+Inf  }
0x32a: {  	v8 =	vimm.s32 $0x0;
	v1 =	vld [tilespmem:s25+$0x5180];
	v60 =	vperm.xlane v0, v14;
	v40 =	vsel vm2, $0x0, v43  }
0x32b: {  	v55 =	vld [tilespmem:s25+$0x5160];
	v58 =	vperm.xlane v40, v8;
	v8 =	vimm.s32 $0x3  }
0x32c: {  	v0 =	vadd.f32 v0, v60;
	v60 =	vld [tilespmem:s25+$0x51B0];
	v43 =	vperm.xlane v40, v8  }
0x32d: {  	v53 =	vld [tilespmem:s25+$0x5170];
	v11 =	vmov v28  }
0x32e: {  	[tilespmem:$0x1FDC0] =	vst v11;
	v11 =	vld [tilespmem:s25+$0x51C0];
	v8 =	vimm.s32 $0x1;
	v14 =	vmul.f32 v2, v43  }
0x32f: {  	v63 =	vperm.xlane v40, v8;
	v8 =	vld [tilespmem:s25+$0x51A0]  }
0x330: {  	v9 =	vimm.s32 $0x2;
	[tilespmem:s24+$0xC9F0] =	vst v14;
	v14 =	vld [tilespmem:$0x1FDF0]  }
0x331: {  	v9 =	vperm.xlane v40, v9;
	v40 =	vmul.f32 v58, v10;
	v10 =	vld [tilespmem:$0x1FDD0];
	_ =	sdelay $0x1  }
0x332: {  	v5 =	vmov v5;
	v13 =	vld [tilespmem:$0x1FDE0]  }
0x333: {  	[tilespmem:$0x1FDE0] =	vst v5;
	v2 =	vmov v41  }
0x334: {  	[tilespmem:$0x1FDD0] =	vst v2;
	v41 =	vmul.f32 v14, v58;
	v14 =	vmov v47;
	v47 =	vld [tilespmem:$0x1FE00]  }
0x335: {  	v10 =	vmul.f32 v10, v58;
	[tilespmem:$0x1FDF0] =	vst v14;
	v14 =	vld [tilespmem:$0x1FE10]  }
0x336: {  	v12 =	vmul.f32 v16, v58;
	v5 =	vld [tilespmem:s25+$0x51D0];
	[tilespmem:s24+$0xC800] =	vst v40  }
0x337: {  	s28 =	sshra.s32 s26, $0x2;
	v13 =	vmul.f32 v13, v58;
	v16 =	vmov v42;
	v2 =	vperm.xlane v0, v15;
	v42 =	vld [tilespmem:s25+$0x51E0];
	[tilespmem:s24+$0xC810] =	vst v10  }
0x338: {  	v28 =	vld [tilespmem:s28+$0x5000];
	[tilespmem:s24+$0xC820] =	vst v12  }
0x339: {  	v40 =	vadd.f32 v0, v2;
	v0 =	vmul.f32 v21, v58;
	v12 =	vld [tilespmem:s28+$0x5010];
	[tilespmem:s24+$0xC830] =	vst v13  }
0x33a: {  	v21 =	vmovc v4;
	v4 =	vld [tilespmem:s28+$0x5020];
	[tilespmem:s24+$0xC840] =	vst v41;
	v10 =	vmul.f32 v47, v58;
	v47 =	vmul.f32 v14, v58;
	v14 =	vmov v56  }
0x33b: {  	v15 =	vmov v52;
	v52 =	vmul.f32 v32, v63;
	v32 =	vmov v46;
	v46 =	vld [tilespmem:s28+$0x5030];
	[tilespmem:$0x1FE10] =	vst v14  }
0x33c: {  	v2 =	vmul.f32 v22, v63;
	v22 =	vmovc v48;
	v48 =	vshrl.u32 v40, $0x1;
	v13 =	vmul.f32 v31, v63;
	[tilespmem:s24+$0xC850] =	vst v10;
	v14 =	vld [tilespmem:$0x1FE20]  }
0x33d: {  	v48 =	vsub.s32 $0x5F3759DF, v48;
	v41 =	vmul.f32 v33, v63;
	v33 =	vmovc v3;
	v56 =	vmul.f32 $5.000000000e-01, v40;
	v3 =	vld [tilespmem:s28+$0x5040];
	[tilespmem:s24+$0xC860] =	vst v47  }
0x33e: {  	v31 =	vmovc v50;
	v50 =	vmul.f32 v35, v63;
	v10 =	vmul.f32 v34, v63;
	v34 =	vmov v44;
	v44 =	vld [tilespmem:s28+$0x5050];
	[tilespmem:s24+$0xC870] =	vst v0  }
0x33f: {  	v58 =	vmul.f32 v48, v56;
	v47 =	vmul.f32 v37, v63;
	v37 =	vmov v51;
	v51 =	vld [tilespmem:s28+$0x5060];
	[tilespmem:s24+$0xC880] =	vst v2  }
0x340: {  	v35 =	vmovc v45;
	v45 =	vmul.f32 v38, v9;
	v38 =	vmov v49;
	v0 =	vmul.f32 v29, v63;
	v49 =	vld [tilespmem:s28+$0x5070];
	[tilespmem:s24+$0xC890] =	vst v13  }
0x341: {  	[tilespmem:$0x1FE00] =	vst v15;
	v63 =	vmul.f32 v48, v58;
	v13 =	vmul.f32 v18, v9;
	v18 =	vmov v6;
	v6 =	vld [tilespmem:s28+$0x5080]  }
0x342: {  	[tilespmem:s24+$0xC8A0] =	vst v52;
	v52 =	vmul.f32 v23, v9;
	v23 =	vmov v59;
	v59 =	vmul.f32 v14, v43;
	v14 =	vld [tilespmem:$0x1FE30]  }
0x343: {  	v2 =	vmul.f32 v17, v9;
	v17 =	vmov v57;
	v57 =	vmul.f32 v19, v9;
	v58 =	vld [tilespmem:s28+$0x5090];
	[tilespmem:s24+$0xC8B0] =	vst v41  }
0x344: {  	v19 =	vmovc v7;
	v7 =	vsub.f32 $1.500000000e+00, v63;
	v41 =	vmul.f32 v30, v9;
	v30 =	vmov v55;
	v55 =	vld [tilespmem:s28+$0x50A0];
	[tilespmem:s24+$0xC8C0] =	vst v10  }
0x345: {  	v10 =	vmul.f32 v24, v43;
	v24 =	vmov v1;
	v63 =	vmov v5;
	v1 =	vld [tilespmem:s28+$0x50B0];
	[tilespmem:s24+$0xC8D0] =	vst v50  }
0x346: {  	v7 =	vmul.f32 v48, v7;
	[tilespmem:$0x1FE20] =	vst v63  }
0x347: {  	v29 =	vmovc v54;
	v54 =	vmul.f32 v36, v9;
	v50 =	vmul.f32 v26, v43;
	v26 =	vmov v8;
	v8 =	vld [tilespmem:s28+$0x50C0];
	[tilespmem:s24+$0xC8E0] =	vst v47  }
0x348: {  	v48 =	vmul.f32 v25, v43;
	v25 =	vmov v62;
	v62 =	vmul.f32 v7, v56;
	v47 =	vld [tilespmem:s28+$0x50D0];
	[tilespmem:s24+$0xC8F0] =	vst v0  }
0x349: {  	v9 =	vmul.f32 v39, v9;
	v39 =	vmov v53;
	v0 =	vmul.f32 v27, v43;
	v5 =	vld [tilespmem:s28+$0x50E0];
	[tilespmem:s24+$0xC900] =	vst v45  }
0x34a: {  	v27 =	vmovc v11;
	v53 =	vmul.f32 v14, v43;
	v14 =	vmov v42;
	v11 =	vmul.f32 v62, v7;
	v42 =	vld [tilespmem:s28+$0x50F0];
	[tilespmem:s24+$0xC910] =	vst v2  }
0x34b: {  	v56 =	vmul.f32 v20, v43;
	v20 =	vmov v60;
	v60 =	vld [tilespmem:s28+$0x5100];
	[tilespmem:s24+$0xC920] =	vst v13  }
0x34c: {  	v11 =	vsub.f32 $1.500000000e+00, v11;
	v13 =	vmul.f32 v4, v4;
	v4 =	vld [tilespmem:s28+$0x5110];
	[tilespmem:s24+$0xC930] =	vst v57  }
0x34d: {  	v57 =	vld [tilespmem:s28+$0x5120];
	[tilespmem:s24+$0xC940] =	vst v52  }
0x34e: {  	v43 =	vmul.f32 v11, v7;
	v7 =	vmul.f32 v44, v44;
	v44 =	vld [tilespmem:s28+$0x5130];
	[tilespmem:s24+$0xC950] =	vst v54  }
0x34f: {  	v54 =	vmul.f32 v49, v49;
	v49 =	vld [tilespmem:s28+$0x5140];
	[tilespmem:s24+$0xC960] =	vst v41  }
0x350: {  	v41 =	vmul.f32 v6, v6;
	v6 =	vld [tilespmem:s28+$0x5150];
	[tilespmem:s24+$0xC970] =	vst v9  }
0x351: {  	v12 =	vmul.f32 v12, v12;
	v62 =	vld [tilespmem:s28+$0x5160];
	[tilespmem:s24+$0xC980] =	vst v10  }
0x352: {  	v2 =	vmul.f32 v28, v28;
	v52 =	vmul.f32 v43, v40;
	v63 =	vld [tilespmem:s28+$0x5170];
	[tilespmem:s24+$0xC990] =	vst v48  }
0x353: {  	[tilespmem:$0x1FE30] =	vst v14;
	v9 =	vmul.f32 v55, v55;
	v48 =	vld [tilespmem:s28+$0x5180]  }
0x354: {  	v55 =	vadd.f32 v52, v52;
	[tilespmem:s24+$0xC9A0] =	vst v50;
	v52 =	vmul.f32 v44, v44;
	v44 =	vadd.f32 v12, v2;
	v12 =	vld [tilespmem:$0x1FFC0]  }
0x355: {  	v36 =	vmov v61;
	v61 =	vmul.f32 v46, v46;
	v46 =	vmul.f32 v42, v42;
	v42 =	vld [tilespmem:s28+$0x5190];
	[tilespmem:s24+$0xC9B0] =	vst v56  }
0x356: {  	v3 =	vmul.f32 v3, v3;
	v58 =	vmul.f32 v58, v58;
	v14 =	vld [tilespmem:s28+$0x51A0];
	[tilespmem:s24+$0xC9C0] =	vst v0  }
0x357: {  	v45 =	vmul.f32 v5, v5;
	v5 =	vmul.f32 $1.442695020e+00, v55;
	v0 =	vld [tilespmem:s28+$0x51B0];
	[tilespmem:s24+$0xC9D0] =	vst v59  }
0x358: {  	v1 =	vmul.f32 v1, v1;
	v8 =	vmul.f32 v8, v8;
	v15 =	vld [tilespmem:s28+$0x51C0];
	[tilespmem:s24+$0xC9E0] =	vst v53;
	s24 =	smov.u32 s25;
	s25 =	smov.u32 s28  }
0x359: {  	v11 =	vmul.f32 v51, v51;
	(erf) = vpow2.f32 v5;
	v5 =	vld [tilespmem:s25+$0x51D0]  }
0x35a: {  	v10 =	vmul.f32 v47, v47;
	v50 =	vmul.f32 v4, v4;
	v4 =	vld [tilespmem:s25+$0x51E0]  }
0x35b: {  	p0 =	sne.s32 s26, $0x9800;
	v47 =	vmul.f32 v60, v60;
	v56 =	vmul.f32 v6, v6;
	v6 =	vld [tilespmem:s25+$0x51F0]  }
.Ltmp9:
0x35c: {  	v51 =	vmul.f32 v57, v57;
	v59 =	vmul.f32 v48, v48;
	v48 =	vadd.f32 v61, v13;
	v13 =	vld [tilespmem:$0x1FFD0];
	(pc) =	sbr.rel @p0 .LBB2_12-.Ltmp9, $4  }
0x35d: {  	v55 =	vmul.f32 v49, v49;
	v53 =	vadd.f32 v54, v11;
	v54 =	vadd.f32 v58, v41;
	v41 =	vld [tilespmem:s25+$0x5010]  }
0x35e: {  	v49 =	vadd.f32 v7, v3;
	v57 =	vmul.f32 v62, v62;
	v62 =	vmul.f32 v42, v42;
	v42 =	vld [tilespmem:s25+$0x5020]  }
0x35f: {  	v60 =	vmul.f32 v63, v63;
	v58 =	vadd.f32 v1, v9;
	v63 =	vmul.f32 v14, v14;
	v14 =	vld [tilespmem:$0x1FFE0]  }
0x360: {  	s26 =	sadd.s32 $0x800, s26;
	v61 =	vadd.f32 v10, v8;
	v7 =	vmul.f32 v0, v0;
	v2 =	vmul.f32 v15, v15;
	v15 =	vld [tilespmem:$0x1FFF0]  }
0x361: {  	v0 =	vadd.f32 v46, v45  }
0x362: {  	v1 =	vadd.f32 v50, v47;
	v52 =	vadd.f32 v52, v51  }
0x363: {  	v3 =	vmul.f32 v5, v5;
	v8 =	vadd.f32 v56, v55;
	v9 =	vadd.f32 v60, v57  }
0x364: {  	v4 =	vmul.f32 v4, v4;
	v10 =	vadd.f32 v62, v59;
	v56 =	vadd.f32 v48, v44  }
0x365: {  	v6 =	vmul.f32 v6, v6;
	v57 =	vadd.f32 v53, v49;
	v11 =	vadd.f32 v58, v54  }
0x366: {  	v7 =	vadd.f32 v7, v63;
	v2 =	vadd.f32 v3, v2  }
0x367: {  	v55 =	vadd.f32 v6, v4;
	v0 =	vadd.f32 v0, v61  }
0x368: {  	v1 =	vadd.f32 v52, v1;
	v58 =	vadd.f32 v9, v8  }
0x369: {  	v7 =	vadd.f32 v7, v10;
	v2 =	vadd.f32 v55, v2  }
0x36a: {  	v59 =	vadd.f32 v57, v56;
	v0 =	vadd.f32 v0, v11  }
0x36b: {  	v1 =	vadd.f32 v58, v1;
	v2 =	vadd.f32 v2, v7  }
0x36c: {  	v4 =	vperm.xlane v59, v12;
	v60 =	vperm.xlane v0, v12  }
0x36d: {  	v61 =	vperm.xlane v1, v12;
	v7 =	vperm.xlane v2, v12  }
0x36e: {  	v3 =	vadd.f32 v4, v59;
	v0 =	vadd.f32 v60, v0  }
0x36f: {  	v1 =	vadd.f32 v61, v1;
	v2 =	vadd.f32 v7, v2;
	_ =	sdelay $0x1  }
0x370: {  	v0 =	vsel vm0, v3, v0;
	v1 =	vsel vm0, v1, v2  }
0x371: {  	v62 =	vperm.xlane v0, v13;
	v63 =	vperm.xlane v1, v13  }
0x372: {  	v54 =	vld [tilespmem:s25+$0x5030]  }
0x373: {  	v49 =	vld [tilespmem:s25+$0x5090];
	v0 =	vadd.f32 v62, v0;
	v1 =	vadd.f32 v63, v1  }
0x374: {  	v50 =	vld [tilespmem:s25+$0x50A0]  }
0x375: {  	v51 =	vld [tilespmem:s25+$0x50C0];
	v0 =	vsel vm1, v0, v1  }
0x376: {  	v45 =	vld [tilespmem:s25+$0x5110];
	v5 =	vpop (erf);
	v1 =	vperm.xlane v0, v14  }
0x377: {  	v53 =	vld [tilespmem:s25+$0x5130];
	v6 =	vadd.f32 $1.000000000e+00, v5  }
0x378: {  	v56 =	vld [tilespmem:s25+$0x5050];
	v0 =	vadd.f32 v0, v1  }
0x379: {  	v57 =	vld [tilespmem:s25+$0x5060];
	(erf) = vrcp.f32 v6  }
0x37a: {  	v8 =	vld [tilespmem:s25+$0x50B0];
	v7 =	vperm.xlane v0, v15  }
0x37b: {  	v52 =	vld [tilespmem:s25+$0x50D0]  }
0x37c: {  	v55 =	vld [tilespmem:s25+$0x5040];
	v44 =	vadd.f32 v0, v7  }
0x37d: {  	v58 =	vld [tilespmem:s25+$0x5070]  }
0x37e: {  	[tilespmem:$0x1FDB0] =	vst v45;
	v45 =	vld [tilespmem:s25+$0x5170];
	v9 =	vshrl.u32 v44, $0x1;
	v10 =	vmul.f32 $5.000000000e-01, v44  }
0x37f: {  	v46 =	vmul.f32 $-3.333333430e-01, v40;
	v59 =	vld [tilespmem:s25+$0x5080];
	v0 =	vsub.s32 $0x5F3759DF, v9  }
0x380: {  	v4 =	vld [tilespmem:s24+$0x51F0];
	v11 =	vmul.f32 v0, v10  }
0x381: {  	[tilespmem:$0x1FD80] =	vst v8;
	v8 =	vadd.f32 $1.000000000e+00, v46;
	v46 =	vld [tilespmem:s25+$0x51C0]  }
0x382: {  	v12 =	vld [tilespmem:s25+$0x50E0];
	v14 =	vpop (erf);
	v2 =	vmul.f32 v0, v11  }
0x383: {  	v47 =	vmul.f32 v40, v40;
	v60 =	vld [tilespmem:s25+$0x5120];
	v3 =	vadd.f32 v14, v14  }
0x384: {  	v61 =	vld [tilespmem:s25+$0x5150];
	v2 =	vsub.f32 $1.500000000e+00, v2  }
0x385: {  	v13 =	vld [tilespmem:s25+$0x50F0];
	v48 =	vsub.f32 $1.000000000e+00, v3;
	v9 =	vmul.f32 $1.333333400e-01, v47  }
0x386: {  	v62 =	vld [tilespmem:s25+$0x5140];
	v0 =	vmul.f32 v0, v2  }
0x387: {  	v63 =	vld [tilespmem:s25+$0x51A0];
	v3 =	vadd.f32 v9, v8;
	v2 =	vmul.f32 v48, v43  }
0x388: {  	vm2 =	vlt.f32 v40, $9.999999740e-05;
	v14 =	vld [tilespmem:$0x1FDD0];
	v1 =	vmul.f32 v0, v10  }
0x389: {  	v15 =	vld [tilespmem:s25+$0x5100];
	v2 =	vsel vm2, v3, v2;
	vm2 =	veq.f32 v40, $+Inf  }
0x38a: {  	[tilespmem:$0x1FD90] =	vst v12;
	v12 =	vimm.s32 $0x3;
	v47 =	vld [tilespmem:s25+$0x5180];
	v2 =	vsel vm2, $0x0, v2;
	v1 =	vmul.f32 v1, v0  }
0x38b: {  	v10 =	vld [tilespmem:$0x1FDC0];
	v3 =	vperm.xlane v2, v12  }
0x38c: {  	v9 =	vld [tilespmem:$0x1FDE0];
	v1 =	vsub.f32 $1.500000000e+00, v1  }
0x38d: {  	v11 =	vimm.s32 $0x0;
	v48 =	vld [tilespmem:s25+$0x5160];
	v4 =	vmul.f32 v4, v3  }
0x38e: {  	v43 =	vld [tilespmem:s25+$0x5190];
	v0 =	vmul.f32 v1, v0;
	v1 =	vperm.xlane v2, v11  }
0x38f: {  	v40 =	vld [tilespmem:s25+$0x51B0];
	[tilespmem:s24+$0xC9F0] =	vst v4  }
0x390: {  	v8 =	vld [tilespmem:s25+$0x51D0];
	v4 =	vmul.f32 v1, v10  }
0x391: {  	[tilespmem:$0x1FDA0] =	vst v13;
	v13 =	vmul.f32 v0, v44;
	v10 =	vld [tilespmem:$0x1FDF0]  }
0x392: {  	v16 =	vmul.f32 v16, v1;
	[tilespmem:s24+$0xC800] =	vst v4;
	v4 =	vmul.f32 v14, v1;
	v14 =	vld [tilespmem:$0x1FE00]  }
0x393: {  	v5 =	vadd.f32 v13, v13;
	v13 =	vld [tilespmem:s25+$0x51E0]  }
0x394: {  	[tilespmem:s24+$0xC820] =	vst v16;
	v16 =	vld [tilespmem:$0x1FE10];
	_ =	sdelay $0x1  }
0x395: {  	[tilespmem:s24+$0xC810] =	vst v4;
	v4 =	vmul.f32 v9, v1;
	v5 =	vmul.f32 $1.442695020e+00, v5  }
0x396: {  	v6 =	vmul.f32 v10, v1  }
0x397: {  	v10 =	vimm.s32 $0x1;
	[tilespmem:s24+$0xC830] =	vst v4;
	(erf) = vpow2.f32 v5;
	v4 =	vmul.f32 v14, v1  }
0x398: {  	v5 =	vperm.xlane v2, v10;
	[tilespmem:s24+$0xC840] =	vst v6;
	v6 =	vmul.f32 v16, v1  }
0x399: {  	v1 =	vmul.f32 v21, v1;
	[tilespmem:s24+$0xC850] =	vst v4  }
0x39a: {  	v22 =	vmul.f32 v22, v5;
	[tilespmem:s24+$0xC860] =	vst v6  }
0x39b: {  	v31 =	vmul.f32 v31, v5;
	[tilespmem:s24+$0xC870] =	vst v1  }
0x39c: {  	v32 =	vmul.f32 v32, v5;
	[tilespmem:s24+$0xC880] =	vst v22  }
0x39d: {  	v33 =	vmul.f32 v33, v5;
	[tilespmem:s24+$0xC890] =	vst v31  }
0x39e: {  	v34 =	vmul.f32 v34, v5;
	[tilespmem:s24+$0xC8A0] =	vst v32  }
0x39f: {  	v9 =	vimm.s32 $0x2;
	v35 =	vmul.f32 v35, v5;
	[tilespmem:s24+$0xC8B0] =	vst v33  }
0x3a0: {  	v2 =	vperm.xlane v2, v9;
	v14 =	vmul.f32 v37, v5;
	[tilespmem:s24+$0xC8C0] =	vst v34  }
0x3a1: {  	v5 =	vmul.f32 v29, v5;
	[tilespmem:s24+$0xC8D0] =	vst v35;
	v16 =	vpop (erf)  }
0x3a2: {  	v21 =	vmul.f32 v38, v2;
	[tilespmem:s24+$0xC8E0] =	vst v14;
	v1 =	vadd.f32 $1.000000000e+00, v16  }
0x3a3: {  	v29 =	vmul.f32 v18, v2;
	[tilespmem:s24+$0xC8F0] =	vst v5  }
0x3a4: {  	v37 =	vmul.f32 v26, v3;
	[tilespmem:s24+$0xC900] =	vst v21;
	(erf) = vrcp.f32 v1  }
0x3a5: {  	v38 =	vmul.f32 v20, v3;
	[tilespmem:s24+$0xC920] =	vst v29  }
0x3a6: {  	v22 =	vmul.f32 v17, v2;
	[tilespmem:s24+$0xC9A0] =	vst v37  }
0x3a7: {  	v31 =	vmul.f32 v19, v2;
	[tilespmem:s24+$0xC9B0] =	vst v38  }
0x3a8: {  	v32 =	vmul.f32 v23, v2;
	[tilespmem:s24+$0xC910] =	vst v22  }
0x3a9: {  	v33 =	vmul.f32 v36, v2;
	[tilespmem:s24+$0xC930] =	vst v31  }
0x3aa: {  	v34 =	vmul.f32 v30, v2;
	v19 =	vld [tilespmem:$0x1FE20];
	[tilespmem:s24+$0xC940] =	vst v32  }
0x3ab: {  	v20 =	vld [tilespmem:$0x1FE30];
	v2 =	vmul.f32 v39, v2;
	[tilespmem:s24+$0xC950] =	vst v33  }
0x3ac: {  	v35 =	vmul.f32 v24, v3;
	[tilespmem:s24+$0xC960] =	vst v34  }
0x3ad: {  	v18 =	vmul.f32 v44, v44;
	v36 =	vmul.f32 v25, v3;
	[tilespmem:s24+$0xC970] =	vst v2;
	v16 =	vpop (erf)  }
0x3ae: {  	v39 =	vmul.f32 v27, v3;
	v17 =	vmul.f32 $-3.333333430e-01, v44;
	[tilespmem:s24+$0xC980] =	vst v35;
	v2 =	vadd.f32 v16, v16  }
0x3af: {  	v23 =	vmul.f32 $1.333333400e-01, v18;
	[tilespmem:s24+$0xC990] =	vst v36;
	v7 =	vmul.f32 v19, v3  }
0x3b0: {  	[tilespmem:s24+$0xC9C0] =	vst v39;
	v22 =	vadd.f32 $1.000000000e+00, v17;
	v3 =	vmul.f32 v20, v3;
	v21 =	vsub.f32 $1.000000000e+00, v2  }
0x3b1: {  	[tilespmem:s24+$0xC9D0] =	vst v7  }
0x3b2: {  	v24 =	vadd.f32 v23, v22;
	[tilespmem:s24+$0xC9E0] =	vst v3;
	v0 =	vmul.f32 v21, v0  }
0x3b3: {  	vm2 =	vlt.f32 v44, $9.999999740e-05;
	v25 =	vld [tilespmem:s25+$0x51F0]  }
0x3b4: {  	v0 =	vsel vm2, v24, v0;
	vm2 =	veq.f32 v44, $+Inf  }
0x3b5: {  	v0 =	vsel vm2, $0x0, v0  }
0x3b6: {  	v26 =	vperm.xlane v0, v12  }
0x3b7: {  	v27 =	vperm.xlane v0, v11  }
0x3b8: {  	v2 =	vmul.f32 v25, v26  }
0x3b9: {  	v28 =	vmul.f32 v27, v28  }
0x3ba: {  	v29 =	vmul.f32 v41, v27;
	[tilespmem:s25+$0xC9F0] =	vst v2  }
0x3bb: {  	v30 =	vmul.f32 v42, v27;
	[tilespmem:s25+$0xC800] =	vst v28  }
0x3bc: {  	v31 =	vmul.f32 v54, v27;
	[tilespmem:s25+$0xC810] =	vst v29  }
0x3bd: {  	v32 =	vmul.f32 v55, v27;
	[tilespmem:s25+$0xC820] =	vst v30  }
0x3be: {  	v33 =	vmul.f32 v56, v27;
	[tilespmem:s25+$0xC830] =	vst v31  }
0x3bf: {  	v34 =	vperm.xlane v0, v10;
	v35 =	vmul.f32 v57, v27;
	[tilespmem:s25+$0xC840] =	vst v32  }
0x3c0: {  	v3 =	vmul.f32 v58, v27;
	[tilespmem:s25+$0xC850] =	vst v33  }
0x3c1: {  	v36 =	vmul.f32 v59, v34;
	[tilespmem:s25+$0xC860] =	vst v35  }
0x3c2: {  	v37 =	vmul.f32 v49, v34;
	[tilespmem:s25+$0xC870] =	vst v3  }
0x3c3: {  	v38 =	vmul.f32 v50, v34;
	[tilespmem:s25+$0xC880] =	vst v36  }
0x3c4: {  	v0 =	vperm.xlane v0, v9;
	v41 =	vmul.f32 v51, v34;
	[tilespmem:s25+$0xC890] =	vst v37  }
0x3c5: {  	v42 =	vmul.f32 v52, v34;
	[tilespmem:s25+$0xC8A0] =	vst v38  }
0x3c6: {  	v50 =	vmul.f32 v15, v0;
	[tilespmem:s25+$0xC8C0] =	vst v41  }
0x3c7: {  	v52 =	vmul.f32 v60, v0;
	[tilespmem:s25+$0xC8D0] =	vst v42  }
0x3c8: {  	v54 =	vmul.f32 v53, v0;
	[tilespmem:s25+$0xC900] =	vst v50  }
0x3c9: {  	v55 =	vmul.f32 v62, v0;
	[tilespmem:s25+$0xC920] =	vst v52  }
0x3ca: {  	v56 =	vmul.f32 v61, v0;
	[tilespmem:s25+$0xC930] =	vst v54  }
0x3cb: {  	v57 =	vmul.f32 v48, v0;
	[tilespmem:s25+$0xC940] =	vst v55  }
0x3cc: {  	v58 =	vmul.f32 v47, v26;
	[tilespmem:s25+$0xC950] =	vst v56  }
0x3cd: {  	v59 =	vmul.f32 v43, v26;
	[tilespmem:s25+$0xC960] =	vst v57  }
0x3ce: {  	v39 =	vld [tilespmem:$0x1FD80];
	v60 =	vmul.f32 v63, v26;
	[tilespmem:s25+$0xC980] =	vst v58  }
0x3cf: {  	v44 =	vld [tilespmem:$0x1FD90];
	v61 =	vmul.f32 v40, v26;
	[tilespmem:s25+$0xC990] =	vst v59  }
0x3d0: {  	v49 =	vld [tilespmem:$0x1FDA0];
	v62 =	vmul.f32 v46, v26;
	[tilespmem:s25+$0xC9A0] =	vst v60  }
0x3d1: {  	v51 =	vld [tilespmem:$0x1FDB0];
	v63 =	vmul.f32 v8, v26;
	[tilespmem:s25+$0xC9B0] =	vst v61  }
0x3d2: {  	v1 =	vmul.f32 v13, v26;
	[tilespmem:s25+$0xC9C0] =	vst v62  }
0x3d3: {  	v3 =	vmul.f32 v39, v34;
	[tilespmem:s25+$0xC9D0] =	vst v63  }
0x3d4: {  	v2 =	vmul.f32 v44, v34;
	[tilespmem:s25+$0xC9E0] =	vst v1  }
0x3d5: {  	[tilespmem:s25+$0xC8B0] =	vst v3;
	v4 =	vmul.f32 v49, v34  }
.Ltmp10:
0x3d6: {  	[tilespmem:s25+$0xC8E0] =	vst v2;
	v3 =	vmul.f32 v51, v0;
	(pc) =	sbr.rel .LBB2_14-.Ltmp10, $4  }
0x3d7: {  	s23 =	smul.u32 $0x500, s23;
	v0 =	vmul.f32 v45, v0;
	[tilespmem:s25+$0xC8F0] =	vst v4  }
0x3d8: {  	[tilespmem:s25+$0xC910] =	vst v3  }
0x3d9: {  	s23 =	sadd.s32 s2, s23;
	[tilespmem:s25+$0xC970] =	vst v0  }
0x3da: {  	[hbm4b:s23+s3] =	stream.linear.scatter [tilespmem:s17], [sflag:$0x6], $0x2800, $0x38;
	[tilespmem:$0xF000] =	vst v63  }
.LBB2_16:
0x3db: {  	_ =	sfence.sel $0x180000  }
0x3dc: {  	[bflag:$0x0] =	sbarrier.arrive $0xFFFF  }
0x3dd: {  	p0 =	sne.s32 s0, $0x0;
	_ =	strace $0x90000047  }
0x3de: {  	s0 =	sadd.s32 @!p0 $0x100000, s5;
	[bflag:$0x2] =	sbarrier.arrive $0xFFFF  }
0x3df: {  	[sflag:s0] =	ssyncadd.tile.s32 @!p0 $0x1;
	_ =	shalt  }
.Lfunc_end2:
_tile_overlayer_lowered:
.L_overlay_start_2:
0x3e0: {  	(tag) =	ssettag $0x2  }
0x3e1: {  	s0 =	rddreg [dreg:$0x0];
	s2 =	stileid.u32  }
0x3e2: {  	s1 =	rddreg [dreg:$0x1];
	p0 =	sne.s32 s2, $0x0  }
0x3e3: {  	s3 =	rddreg [dreg:$0x2];
	[bflag:$0x3] =	sbarrier.arrive $0xFFFF;
	s2 =	simm.s32 @!p0 $0x1C07  }
0x3e4: {  	[timem:s3], [sflag:s2] =	dma.local @!p0 [hbm:s0], s1  }
0x3e5: {  	s0 =	simm.s32 @!p0 $0x7  }
0x3e6: {  	_ =	swait.ge @!p0 [sflag:s0], s1  }
0x3e7: {  	s1 =	ssub.s32 @!p0 $0x0, s1;
	[sflag:s0] =	ssyncset.done @!p0 $0x0  }
0x3e8: {  	[sflag:s0] =	ssyncadd.s32 @!p0 s1  }
0x3e9: {  	[bflag:$0x3] =	sbarrier.arrive $0xFFFF  }
0x3ea: {  	_ =	shalt  }

</sc_bundles>
